<compile_context>
chip_gen: v7x
topology: tpu7x:2x2x1
jax: 0.10.2.dev20260603
libtpu: 0.0.44.dev20260713+nightly
codegen_flags: <defaults>
</compile_context>

<pallas_src>
import functools

import jax
import jax.numpy as jnp
from jax import lax
from jax.experimental import pallas as pl
from jax.experimental.pallas import tpu as pltpu
from jax.experimental.pallas import tpu_sc as plsc

N_USERS = 50000
N_ITEMS = 50000
N = N_USERS + N_ITEMS
E = 1600000
D = 32
B = 4096

NC = 2
NS = 16
N2 = N // NC
ACC_ROWS = 50048
ZROWS = ACC_ROWS // NS
WROWS8 = 3128
WROWS_LAST = N2 - (NS - 1) * WROWS8
K = 512
GD = K // 128
CHUNKS = 196
EP = K * CHUNKS
E_PAD = EP * NS

@functools.cache
def _mesh():
    return plsc.VectorSubcoreMesh(core_axis_name="c", subcore_axis_name="s",
                                  num_cores=NC, num_subcores=NS)


def _seg_body(ego_hbm, cols_hbm, rows_hbm, vals_hbm, msg_hbm,
              acc, cols_v, rows_v, vals_v, lidx, gath, sem):
    cid = lax.axis_index("c")
    sid = lax.axis_index("s")
    base = cid * N2

    @pl.loop(0, K)
    def _zero(e):
        z = jnp.zeros((16,), jnp.float32)
        gath[e, pl.ds(0, 16)] = z
        gath[e, pl.ds(16, 16)] = z

    z0 = sid * ZROWS
    for off in range(0, ZROWS, K):
        size = min(K, ZROWS - off)
        pltpu.sync_copy(gath.at[pl.ds(0, size), :],
                        acc.at[pl.ds(z0 + off, size), :])
    plsc.subcore_barrier()

    @pl.loop(0, CHUNKS)
    def _chunk(ci):
        e0 = sid * EP + ci * K
        pltpu.sync_copy(cols_hbm.at[pl.ds(e0, K)], cols_v)
        pltpu.sync_copy(rows_hbm.at[pl.ds(e0, K)], rows_v)
        pltpu.sync_copy(vals_hbm.at[pl.ds(e0, K)], vals_v)

        @pl.loop(0, GD)
        def _fire_g(d):
            pltpu.async_copy(ego_hbm.at[cols_v.at[pl.ds(d * 128, 128)]],
                             gath.at[pl.ds(d * 128, 128), :], sem)

        @pl.loop(0, K // 16)
        def _lidx(i):
            r = rows_v[pl.ds(i * 16, 16)]
            loc = r - base
            ok = (loc >= 0) & (loc < N2)
            idx = jnp.where(ok, loc, N2)
            lidx[i // 8, pl.ds((i % 8) * 16, 16)] = idx

        @pl.loop(0, GD)
        def _drain_g(d):
            pltpu.make_async_copy(
                ego_hbm.at[cols_v.at[pl.ds(d * 128, 128)]],
                gath.at[pl.ds(d * 128, 128), :], sem).wait()

        @pl.loop(0, K // 16)
        def _scale(i):
            vv = vals_v[pl.ds(i * 16, 16)]
            for r in range(16):
                e = i * 16 + r
                v = vv[r]
                gath[e, pl.ds(0, 16)] = gath[e, pl.ds(0, 16)] * v
                gath[e, pl.ds(16, 16)] = gath[e, pl.ds(16, 16)] * v

        @pl.loop(0, GD)
        def _fire_s(d):
            pltpu.async_copy(gath.at[pl.ds(d * 128, 128), :],
                             acc.at[lidx.at[d]], sem, add=True)

        @pl.loop(0, GD)
        def _drain_s(d):
            pltpu.make_async_copy(gath.at[pl.ds(d * 128, 128), :],
                                  acc.at[lidx.at[d]], sem).wait()

    plsc.subcore_barrier()

    w0 = sid * WROWS8

    @pl.when(sid < NS - 1)
    def _wb_full():
        pltpu.sync_copy(acc.at[pl.ds(w0, WROWS8), :],
                        msg_hbm.at[pl.ds(base + w0, WROWS8), :])

    @pl.when(sid == NS - 1)
    def _wb_last():
        pltpu.sync_copy(acc.at[pl.ds(w0, WROWS_LAST), :],
                        msg_hbm.at[pl.ds(base + w0, WROWS_LAST), :])


@functools.cache
def _seg():
    return pl.kernel(
        _seg_body,
        out_type=jax.ShapeDtypeStruct((N, D), jnp.float32),
        mesh=_mesh(),
        scratch_types=[
            pltpu.VMEM_SHARED((ACC_ROWS, D), jnp.float32),
            pltpu.VMEM((K,), jnp.int32),
            pltpu.VMEM((K,), jnp.int32),
            pltpu.VMEM((K,), jnp.float32),
            pltpu.VMEM((GD, 128), jnp.int32),
            pltpu.VMEM((K, D), jnp.float32),
            pltpu.SemaphoreType.DMA,
        ],
        compiler_params=pltpu.CompilerParams(use_tc_tiling_on_sc=False),
    )


RB = 2000


def _dense_body(ego_ref, msg_ref, w1_ref, b1_ref, w2_ref, b2_ref,
                out_ref, nrm_ref):
    e = ego_ref[...]
    m = msg_ref[...]
    t = jnp.dot(m, w1_ref[...], preferred_element_type=jnp.float32)
    t = t + jnp.dot(e * m, w2_ref[...], preferred_element_type=jnp.float32)
    t = t + b1_ref[...] + b2_ref[...]
    act = jnp.where(t >= 0, t, 0.01 * t)
    out_ref[...] = act
    nn = jnp.sqrt(jnp.sum(act * act, axis=1, keepdims=True))
    nrm_ref[...] = act / jnp.maximum(nn, 1e-12)


def _dense(ego, msg, W1, b1, W2, b2):
    bs_rows = pl.BlockSpec((RB, D), lambda i: (i, 0))
    bs_w = pl.BlockSpec((D, D), lambda i: (0, 0))
    bs_b = pl.BlockSpec((1, D), lambda i: (0, 0))
    return pl.pallas_call(
        _dense_body,
        grid=(N // RB,),
        in_specs=[bs_rows, bs_rows, bs_w, bs_b, bs_w, bs_b],
        out_specs=[bs_rows, bs_rows],
        out_shape=[jax.ShapeDtypeStruct((N, D), jnp.float32)] * 2,
    )(ego, msg, W1, b1.reshape(1, D), W2, b2.reshape(1, D))


BW = B // (NC * NS)


def _gat_body(e0_hbm, n1_hbm, n2_hbm, u_hbm, i_hbm, j_hbm,
              uo_hbm, po_hbm, no_hbm, idx_v, gbuf, obuf, sem):
    cid = lax.axis_index("c")
    sid = lax.axis_index("s")
    wid = sid * NC + cid
    r0 = wid * BW

    for idx_hbm, out_hbm, ibase in ((u_hbm, uo_hbm, 0),
                                    (i_hbm, po_hbm, N_USERS),
                                    (j_hbm, no_hbm, N_USERS)):
        pltpu.sync_copy(idx_hbm.at[pl.ds(r0, BW)], idx_v)
        if ibase:
            @pl.loop(0, BW // 16)
            def _shift(k):
                idx_v[pl.ds(k * 16, 16)] = idx_v[pl.ds(k * 16, 16)] + ibase

        for ti, tab in enumerate((e0_hbm, n1_hbm, n2_hbm)):
            pltpu.async_copy(tab.at[idx_v], gbuf, sem).wait()

            @pl.loop(0, BW)
            def _pack(k):
                obuf[k, pl.ds(ti * 32, 16)] = gbuf[k, pl.ds(0, 16)]
                obuf[k, pl.ds(ti * 32 + 16, 16)] = gbuf[k, pl.ds(16, 16)]

        pltpu.sync_copy(obuf, out_hbm.at[pl.ds(r0, BW), :])


@functools.cache
def _gather3():
    return pl.kernel(
        _gat_body,
        out_type=(jax.ShapeDtypeStruct((B, 3 * D), jnp.float32),) * 3,
        mesh=_mesh(),
        scratch_types=[
            pltpu.VMEM((BW,), jnp.int32),
            pltpu.VMEM((BW, D), jnp.float32),
            pltpu.VMEM((BW, 3 * D), jnp.float32),
            pltpu.SemaphoreType.DMA,
        ],
        compiler_params=pltpu.CompilerParams(use_tc_tiling_on_sc=False),
    )


def kernel(u, i, j, adj_rows, adj_cols, adj_vals, user_emb, item_emb,
           W1_0, b1_0, W2_0, b2_0, W1_1, b1_1, W2_1, b2_1):
    ego0 = jnp.concatenate([user_emb, item_emb], axis=0)
    pad = E_PAD - E
    cols_p = jnp.concatenate([adj_cols, jnp.zeros((pad,), jnp.int32)])
    rows_p = jnp.concatenate([adj_rows, jnp.full((pad,), N, jnp.int32)])
    vals_p = jnp.concatenate([adj_vals, jnp.zeros((pad,), jnp.float32)])

    ego = ego0
    normed = []
    for (W1, b1, W2, b2) in ((W1_0, b1_0, W2_0, b2_0),
                             (W1_1, b1_1, W2_1, b2_1)):
        msg = _seg()(ego, cols_p, rows_p, vals_p)
        ego, nrm = _dense(ego, msg, W1, b1, W2, b2)
        normed.append(nrm)

    return _gather3()(ego0, normed[0], normed[1], u, i, j)

# --- scband reference (transcript-rebuilt; emitter-appended) ---
"""Pipeline reference for scband-ngcf-bpr-55070070670115 (READ-ONLY COPY).

The authoritative reference and input builder live on the scoring server;
editing this copy changes nothing except your own understanding.
"""

import jax, jax.numpy as jnp
import numpy as np

N_USERS = 50000
N_ITEMS = 50000
N = N_USERS + N_ITEMS
E = 1600000
D = 32
LAYERS = [32, 32]
B = 4096


def _xavier(key, fan_in, fan_out):
    a = float(np.sqrt(6.0 / (fan_in + fan_out)))
    return jax.random.uniform(key, (fan_in, fan_out), minval=-a, maxval=a, dtype=jnp.float32)


def setup_inputs(seed: int = 0) -> dict:
    key = jax.random.key(seed)
    ks = jax.random.split(key, 20)
    inp = {}
    # forward index args
    inp['u'] = jax.random.randint(ks[0], (B,), 0, N_USERS, dtype=jnp.int32)
    inp['i'] = jax.random.randint(ks[1], (B,), 0, N_ITEMS, dtype=jnp.int32)
    inp['j'] = jax.random.randint(ks[2], (B,), 0, N_ITEMS, dtype=jnp.int32)
    # normalized adjacency in COO form (stand-in for the scipy sparse A_hat)
    inp['adj_rows'] = jax.random.randint(ks[3], (E,), 0, N, dtype=jnp.int32)
    inp['adj_cols'] = jax.random.randint(ks[4], (E,), 0, N, dtype=jnp.int32)
    inp['adj_vals'] = jax.random.uniform(ks[5], (E,), dtype=jnp.float32) * (1.0 / 16.0)
    # learned parameters
    inp['user_emb'] = _xavier(ks[6], N_USERS, D) if False else jax.random.uniform(ks[6], (N_USERS, D), minval=-float(np.sqrt(6.0/(N_USERS+D))), maxval=float(np.sqrt(6.0/(N_USERS+D))), dtype=jnp.float32)
    inp['item_emb'] = jax.random.uniform(ks[7], (N_ITEMS, D), minval=-float(np.sqrt(6.0/(N_ITEMS+D))), maxval=float(np.sqrt(6.0/(N_ITEMS+D))), dtype=jnp.float32)
    feats = [D] + LAYERS
    kidx = 8
    for l in range(len(LAYERS)):
        inp['W1_%d' % l] = _xavier(ks[kidx], feats[l], feats[l + 1]); kidx += 1
        inp['b1_%d' % l] = jnp.zeros((feats[l + 1],), dtype=jnp.float32)
        inp['W2_%d' % l] = _xavier(ks[kidx], feats[l], feats[l + 1]); kidx += 1
        inp['b2_%d' % l] = jnp.zeros((feats[l + 1],), dtype=jnp.float32)
    return inp


def reference(u, i, j, adj_rows, adj_cols, adj_vals, user_emb, item_emb,
              W1_0, b1_0, W2_0, b2_0, W1_1, b1_1, W2_1, b2_1):
    ego = jnp.concatenate([user_emb, item_emb], axis=0)  # [N, D]
    preds = [ego]
    layer_params = [(W1_0, b1_0, W2_0, b2_0), (W1_1, b1_1, W2_1, b2_1)]
    for (W1, b1, W2, b2) in layer_params:
        # sparse A_hat @ ego  (n_fold row-splits concatenated == full product)
        gathered = adj_vals[:, None] * jnp.take(ego, adj_cols, axis=0)
        msg = jax.ops.segment_sum(gathered, adj_rows, num_segments=N)
        aff = ego * msg
        t1 = msg @ W1 + b1
        t2 = aff @ W2 + b2
        ego = jax.nn.leaky_relu(t1 + t2, negative_slope=0.01)
        # mess_dropout p=0.0 -> identity
        nrm = jnp.linalg.norm(ego, ord=2, axis=1, keepdims=True)
        preds.append(ego / jnp.maximum(nrm, 1e-12))
    pred = jnp.concatenate(preds, axis=1)  # [N, D + sum(LAYERS)] = [N, 96]
    u_g = pred[:N_USERS]
    i_g = pred[N_USERS:]
    u_emb = jnp.take(u_g, u, axis=0)
    p_emb = jnp.take(i_g, i, axis=0)
    n_emb = jnp.take(i_g, j, axis=0)
    return (u_emb, p_emb, n_emb)

if __name__ == "__main__":
    import jax
    _d = setup_inputs()
    print(jax.jit(kernel)(*tuple(_d.values())))

</pallas_src>

<mosaic_0001>
#map = affine_map<(d0, d1) -> (0, 0)>
#map1 = affine_map<(d0, d1) -> (0)>
module attributes {stable_mosaic.version = 14 : i64} {
  func.func @_seg_body(%arg0: i32, %arg1: i32, %arg2: memref<100000x32xf32, #tpu.memory_space<hbm>>, %arg3: memref<1605632xi32, #tpu.memory_space<hbm>>, %arg4: memref<1605632xi32, #tpu.memory_space<hbm>>, %arg5: memref<1605632xf32, #tpu.memory_space<hbm>>, %arg6: memref<100000x32xf32, #tpu.memory_space<hbm>>, %arg7: memref<50048x32xf32, #tpu.memory_space<vmem_shared>>, %arg8: memref<512xi32, #tpu.memory_space<vmem>>, %arg9: memref<512xi32, #tpu.memory_space<vmem>>, %arg10: memref<512xf32, #tpu.memory_space<vmem>>, %arg11: memref<4x128xi32, #tpu.memory_space<vmem>>, %arg12: memref<512x32xf32, #tpu.memory_space<vmem>>, %arg13: memref<!tpu.dma_semaphore, #tpu.memory_space<semaphore_mem>>) attributes {dimension_semantics = [#tpu.dimension_semantics<core_parallel>, #tpu.dimension_semantics<subcore_parallel>], iteration_bounds = array<i64: 2, 16>, scalar_prefetch = 0 : i64, scratch_operands = 7 : i64, tpu.core_type = #tpu.core_type<sc_vector_subcore>, window_params = [{transform_indices = #map}, {transform_indices = #map1}, {transform_indices = #map1}, {transform_indices = #map1}, {transform_indices = #map}]} {
    %mul3A = arith.constant 50000 : i32
    %mul3A_0 = arith.muli %arg0, %mul3A : i32
    %scan3A = arith.constant 0 : i32
    %scan3A_1 = arith.constant 512 : i32
    %scan3A_2 = arith.addi %scan3A, %scan3A_1 : i32
    %scan3A_3 = arith.constant 1 : i32
    scf.for %scan3A_34 = %scan3A to %scan3A_2 step %scan3A_3  : i32 {
      %mul3A_35 = arith.constant 1 : i32
      %mul3A_36 = arith.muli %scan3A_34, %mul3A_35 : i32
      %add3A_37 = arith.constant 0 : i32
      %add3A_38 = arith.addi %add3A_37, %mul3A_36 : i32
      %broadcast_in_dim3A = arith.constant 0.000000e+00 : f32
      %broadcast_in_dim3A_39 = vector.broadcast %broadcast_in_dim3A : f32 to vector<16xf32>
      %swap3A = arith.index_cast %add3A_38 : i32 to index
      %swap3A_40 = arith.constant 0 : index
      %swap3A_41 = tpu.vector_load %arg12[%swap3A, %swap3A_40] {strides = array<i32>} : memref<512x32xf32, #tpu.memory_space<vmem>>, vector<1x16xf32>,
      %swap3A_42 = vector.shape_cast %swap3A_41 : vector<1x16xf32> to vector<16xf32>
      %swap3A_43 = vector.shape_cast %broadcast_in_dim3A_39 : vector<16xf32> to vector<1x16xf32>
      tpu.vector_store %arg12[%swap3A, %swap3A_40], %swap3A_43 {strides = array<i32>} : memref<512x32xf32, #tpu.memory_space<vmem>>, vector<1x16xf32>,
      %swap3A_44 = arith.index_cast %add3A_38 : i32 to index
      %swap3A_45 = arith.constant 16 : index
      %swap3A_46 = tpu.vector_load %arg12[%swap3A_44, %swap3A_45] {strides = array<i32>} : memref<512x32xf32, #tpu.memory_space<vmem>>, vector<1x16xf32>,
      %swap3A_47 = vector.shape_cast %swap3A_46 : vector<1x16xf32> to vector<16xf32>
      %swap3A_48 = vector.shape_cast %broadcast_in_dim3A_39 : vector<16xf32> to vector<1x16xf32>
      tpu.vector_store %arg12[%swap3A_44, %swap3A_45], %swap3A_48 {strides = array<i32>} : memref<512x32xf32, #tpu.memory_space<vmem>>, vector<1x16xf32>,
    }
    %scan3A_4 = arith.constant 512 : i32
    %mul3A_5 = arith.constant 3128 : i32
    %mul3A_6 = arith.muli %arg1, %mul3A_5 : i32
    %add3A = arith.constant 0 : i32
    %add3A_7 = arith.addi %mul3A_6, %add3A : i32
    "tpu.region"() ({
      %run_scoped3A = tpu.sem_alloc : memref<!tpu.dma_semaphore, #tpu.memory_space<semaphore_mem>>
      %dma_start3A = arith.constant 0 : i32
      %dma_start3A_34 = arith.constant 0 : i32
      %dma_start3A_35 = tpu.memref_slice %arg12[%dma_start3A, %dma_start3A_34] : memref<512x32xf32, #tpu.memory_space<vmem>> -> memref<512x32xf32, #tpu.memory_space<vmem>>
      %dma_start3A_36 = arith.constant 0 : i32
      %dma_start3A_37 = tpu.memref_slice %arg7[%add3A_7, %dma_start3A_36] : memref<50048x32xf32, #tpu.memory_space<vmem_shared>> -> memref<512x32xf32, #tpu.memory_space<vmem_shared>>
      %dma_start3A_38 = arith.constant 0 : i32
      %dma_start3A_39 = tpu.memref_slice %arg7[%add3A_7, %dma_start3A_38] : memref<50048x32xf32, #tpu.memory_space<vmem_shared>> -> memref<512x32xf32, #tpu.memory_space<vmem_shared>>
      %dma_start3A_40 = arith.constant 0 : i32
      %dma_start3A_41 = arith.constant 0 : i32
      %dma_start3A_42 = tpu.memref_slice %arg12[%dma_start3A_40, %dma_start3A_41] : memref<512x32xf32, #tpu.memory_space<vmem>> -> memref<512x32xf32, #tpu.memory_space<vmem>>
      tpu.enqueue_dma source(%dma_start3A_42 : memref<512x32xf32, #tpu.memory_space<vmem>>) target(%dma_start3A_39 : memref<512x32xf32, #tpu.memory_space<vmem_shared>>) target_semaphore(%run_scoped3A : memref<!tpu.dma_semaphore, #tpu.memory_space<semaphore_mem>>)
      %dma_wait3A = arith.constant 0 : i32
      %dma_wait3A_43 = arith.constant 0 : i32
      %dma_wait3A_44 = tpu.memref_slice %arg12[%dma_wait3A, %dma_wait3A_43] : memref<512x32xf32, #tpu.memory_space<vmem>> -> memref<512x32xf32, #tpu.memory_space<vmem>>
      %dma_wait3A_45 = arith.constant 0 : i32
      %dma_wait3A_46 = tpu.memref_slice %arg7[%add3A_7, %dma_wait3A_45] : memref<50048x32xf32, #tpu.memory_space<vmem_shared>> -> memref<512x32xf32, #tpu.memory_space<vmem_shared>>
      %dma_wait3A_47 = arith.constant 0 : i32
      %dma_wait3A_48 = tpu.memref_slice %arg7[%add3A_7, %dma_wait3A_47] : memref<50048x32xf32, #tpu.memory_space<vmem_shared>> -> memref<512x32xf32, #tpu.memory_space<vmem_shared>>
      %dma_wait3A_49 = arith.constant 0 : i32
      %dma_wait3A_50 = arith.constant 0 : i32
      %dma_wait3A_51 = tpu.memref_slice %arg12[%dma_wait3A_49, %dma_wait3A_50] : memref<512x32xf32, #tpu.memory_space<vmem>> -> memref<512x32xf32, #tpu.memory_space<vmem>>
      tpu.wait_dma2 semaphore(%run_scoped3A : memref<!tpu.dma_semaphore, #tpu.memory_space<semaphore_mem>>) src(%dma_wait3A_51 : memref<512x32xf32, #tpu.memory_space<vmem>>) dst(%dma_wait3A_48 : memref<512x32xf32, #tpu.memory_space<vmem_shared>>)
      tpu.yield
    }) : () -> ()
    %add3A_8 = arith.constant 512 : i32
    %add3A_9 = arith.addi %mul3A_6, %add3A_8 : i32
    "tpu.region"() ({
      %run_scoped3A = tpu.sem_alloc : memref<!tpu.dma_semaphore, #tpu.memory_space<semaphore_mem>>
      %dma_start3A = arith.constant 0 : i32
      %dma_start3A_34 = arith.constant 0 : i32
      %dma_start3A_35 = tpu.memref_slice %arg12[%dma_start3A, %dma_start3A_34] : memref<512x32xf32, #tpu.memory_space<vmem>> -> memref<512x32xf32, #tpu.memory_space<vmem>>
      %dma_start3A_36 = arith.constant 0 : i32
      %dma_start3A_37 = tpu.memref_slice %arg7[%add3A_9, %dma_start3A_36] : memref<50048x32xf32, #tpu.memory_space<vmem_shared>> -> memref<512x32xf32, #tpu.memory_space<vmem_shared>>
      %dma_start3A_38 = arith.constant 0 : i32
      %dma_start3A_39 = tpu.memref_slice %arg7[%add3A_9, %dma_start3A_38] : memref<50048x32xf32, #tpu.memory_space<vmem_shared>> -> memref<512x32xf32, #tpu.memory_space<vmem_shared>>
      %dma_start3A_40 = arith.constant 0 : i32
      %dma_start3A_41 = arith.constant 0 : i32
      %dma_start3A_42 = tpu.memref_slice %arg12[%dma_start3A_40, %dma_start3A_41] : memref<512x32xf32, #tpu.memory_space<vmem>> -> memref<512x32xf32, #tpu.memory_space<vmem>>
      tpu.enqueue_dma source(%dma_start3A_42 : memref<512x32xf32, #tpu.memory_space<vmem>>) target(%dma_start3A_39 : memref<512x32xf32, #tpu.memory_space<vmem_shared>>) target_semaphore(%run_scoped3A : memref<!tpu.dma_semaphore, #tpu.memory_space<semaphore_mem>>)
      %dma_wait3A = arith.constant 0 : i32
      %dma_wait3A_43 = arith.constant 0 : i32
      %dma_wait3A_44 = tpu.memref_slice %arg12[%dma_wait3A, %dma_wait3A_43] : memref<512x32xf32, #tpu.memory_space<vmem>> -> memref<512x32xf32, #tpu.memory_space<vmem>>
      %dma_wait3A_45 = arith.constant 0 : i32
      %dma_wait3A_46 = tpu.memref_slice %arg7[%add3A_9, %dma_wait3A_45] : memref<50048x32xf32, #tpu.memory_space<vmem_shared>> -> memref<512x32xf32, #tpu.memory_space<vmem_shared>>
      %dma_wait3A_47 = arith.constant 0 : i32
      %dma_wait3A_48 = tpu.memref_slice %arg7[%add3A_9, %dma_wait3A_47] : memref<50048x32xf32, #tpu.memory_space<vmem_shared>> -> memref<512x32xf32, #tpu.memory_space<vmem_shared>>
      %dma_wait3A_49 = arith.constant 0 : i32
      %dma_wait3A_50 = arith.constant 0 : i32
      %dma_wait3A_51 = tpu.memref_slice %arg12[%dma_wait3A_49, %dma_wait3A_50] : memref<512x32xf32, #tpu.memory_space<vmem>> -> memref<512x32xf32, #tpu.memory_space<vmem>>
      tpu.wait_dma2 semaphore(%run_scoped3A : memref<!tpu.dma_semaphore, #tpu.memory_space<semaphore_mem>>) src(%dma_wait3A_51 : memref<512x32xf32, #tpu.memory_space<vmem>>) dst(%dma_wait3A_48 : memref<512x32xf32, #tpu.memory_space<vmem_shared>>)
      tpu.yield
    }) : () -> ()
    %add3A_10 = arith.constant 1024 : i32
    %add3A_11 = arith.addi %mul3A_6, %add3A_10 : i32
    "tpu.region"() ({
      %run_scoped3A = tpu.sem_alloc : memref<!tpu.dma_semaphore, #tpu.memory_space<semaphore_mem>>
      %dma_start3A = arith.constant 0 : i32
      %dma_start3A_34 = arith.constant 0 : i32
      %dma_start3A_35 = tpu.memref_slice %arg12[%dma_start3A, %dma_start3A_34] : memref<512x32xf32, #tpu.memory_space<vmem>> -> memref<512x32xf32, #tpu.memory_space<vmem>>
      %dma_start3A_36 = arith.constant 0 : i32
      %dma_start3A_37 = tpu.memref_slice %arg7[%add3A_11, %dma_start3A_36] : memref<50048x32xf32, #tpu.memory_space<vmem_shared>> -> memref<512x32xf32, #tpu.memory_space<vmem_shared>>
      %dma_start3A_38 = arith.constant 0 : i32
      %dma_start3A_39 = tpu.memref_slice %arg7[%add3A_11, %dma_start3A_38] : memref<50048x32xf32, #tpu.memory_space<vmem_shared>> -> memref<512x32xf32, #tpu.memory_space<vmem_shared>>
      %dma_start3A_40 = arith.constant 0 : i32
      %dma_start3A_41 = arith.constant 0 : i32
      %dma_start3A_42 = tpu.memref_slice %arg12[%dma_start3A_40, %dma_start3A_41] : memref<512x32xf32, #tpu.memory_space<vmem>> -> memref<512x32xf32, #tpu.memory_space<vmem>>
      tpu.enqueue_dma source(%dma_start3A_42 : memref<512x32xf32, #tpu.memory_space<vmem>>) target(%dma_start3A_39 : memref<512x32xf32, #tpu.memory_space<vmem_shared>>) target_semaphore(%run_scoped3A : memref<!tpu.dma_semaphore, #tpu.memory_space<semaphore_mem>>)
      %dma_wait3A = arith.constant 0 : i32
      %dma_wait3A_43 = arith.constant 0 : i32
      %dma_wait3A_44 = tpu.memref_slice %arg12[%dma_wait3A, %dma_wait3A_43] : memref<512x32xf32, #tpu.memory_space<vmem>> -> memref<512x32xf32, #tpu.memory_space<vmem>>
      %dma_wait3A_45 = arith.constant 0 : i32
      %dma_wait3A_46 = tpu.memref_slice %arg7[%add3A_11, %dma_wait3A_45] : memref<50048x32xf32, #tpu.memory_space<vmem_shared>> -> memref<512x32xf32, #tpu.memory_space<vmem_shared>>
      %dma_wait3A_47 = arith.constant 0 : i32
      %dma_wait3A_48 = tpu.memref_slice %arg7[%add3A_11, %dma_wait3A_47] : memref<50048x32xf32, #tpu.memory_space<vmem_shared>> -> memref<512x32xf32, #tpu.memory_space<vmem_shared>>
      %dma_wait3A_49 = arith.constant 0 : i32
      %dma_wait3A_50 = arith.constant 0 : i32
      %dma_wait3A_51 = tpu.memref_slice %arg12[%dma_wait3A_49, %dma_wait3A_50] : memref<512x32xf32, #tpu.memory_space<vmem>> -> memref<512x32xf32, #tpu.memory_space<vmem>>
      tpu.wait_dma2 semaphore(%run_scoped3A : memref<!tpu.dma_semaphore, #tpu.memory_space<semaphore_mem>>) src(%dma_wait3A_51 : memref<512x32xf32, #tpu.memory_space<vmem>>) dst(%dma_wait3A_48 : memref<512x32xf32, #tpu.memory_space<vmem_shared>>)
      tpu.yield
    }) : () -> ()
    %add3A_12 = arith.constant 1536 : i32
    %add3A_13 = arith.addi %mul3A_6, %add3A_12 : i32
    "tpu.region"() ({
      %run_scoped3A = tpu.sem_alloc : memref<!tpu.dma_semaphore, #tpu.memory_space<semaphore_mem>>
      %dma_start3A = arith.constant 0 : i32
      %dma_start3A_34 = arith.constant 0 : i32
      %dma_start3A_35 = tpu.memref_slice %arg12[%dma_start3A, %dma_start3A_34] : memref<512x32xf32, #tpu.memory_space<vmem>> -> memref<512x32xf32, #tpu.memory_space<vmem>>
      %dma_start3A_36 = arith.constant 0 : i32
      %dma_start3A_37 = tpu.memref_slice %arg7[%add3A_13, %dma_start3A_36] : memref<50048x32xf32, #tpu.memory_space<vmem_shared>> -> memref<512x32xf32, #tpu.memory_space<vmem_shared>>
      %dma_start3A_38 = arith.constant 0 : i32
      %dma_start3A_39 = tpu.memref_slice %arg7[%add3A_13, %dma_start3A_38] : memref<50048x32xf32, #tpu.memory_space<vmem_shared>> -> memref<512x32xf32, #tpu.memory_space<vmem_shared>>
      %dma_start3A_40 = arith.constant 0 : i32
      %dma_start3A_41 = arith.constant 0 : i32
      %dma_start3A_42 = tpu.memref_slice %arg12[%dma_start3A_40, %dma_start3A_41] : memref<512x32xf32, #tpu.memory_space<vmem>> -> memref<512x32xf32, #tpu.memory_space<vmem>>
      tpu.enqueue_dma source(%dma_start3A_42 : memref<512x32xf32, #tpu.memory_space<vmem>>) target(%dma_start3A_39 : memref<512x32xf32, #tpu.memory_space<vmem_shared>>) target_semaphore(%run_scoped3A : memref<!tpu.dma_semaphore, #tpu.memory_space<semaphore_mem>>)
      %dma_wait3A = arith.constant 0 : i32
      %dma_wait3A_43 = arith.constant 0 : i32
      %dma_wait3A_44 = tpu.memref_slice %arg12[%dma_wait3A, %dma_wait3A_43] : memref<512x32xf32, #tpu.memory_space<vmem>> -> memref<512x32xf32, #tpu.memory_space<vmem>>
      %dma_wait3A_45 = arith.constant 0 : i32
      %dma_wait3A_46 = tpu.memref_slice %arg7[%add3A_13, %dma_wait3A_45] : memref<50048x32xf32, #tpu.memory_space<vmem_shared>> -> memref<512x32xf32, #tpu.memory_space<vmem_shared>>
      %dma_wait3A_47 = arith.constant 0 : i32
      %dma_wait3A_48 = tpu.memref_slice %arg7[%add3A_13, %dma_wait3A_47] : memref<50048x32xf32, #tpu.memory_space<vmem_shared>> -> memref<512x32xf32, #tpu.memory_space<vmem_shared>>
      %dma_wait3A_49 = arith.constant 0 : i32
      %dma_wait3A_50 = arith.constant 0 : i32
      %dma_wait3A_51 = tpu.memref_slice %arg12[%dma_wait3A_49, %dma_wait3A_50] : memref<512x32xf32, #tpu.memory_space<vmem>> -> memref<512x32xf32, #tpu.memory_space<vmem>>
      tpu.wait_dma2 semaphore(%run_scoped3A : memref<!tpu.dma_semaphore, #tpu.memory_space<semaphore_mem>>) src(%dma_wait3A_51 : memref<512x32xf32, #tpu.memory_space<vmem>>) dst(%dma_wait3A_48 : memref<512x32xf32, #tpu.memory_space<vmem_shared>>)
      tpu.yield
    }) : () -> ()
    %add3A_14 = arith.constant 2048 : i32
    %add3A_15 = arith.addi %mul3A_6, %add3A_14 : i32
    "tpu.region"() ({
      %run_scoped3A = tpu.sem_alloc : memref<!tpu.dma_semaphore, #tpu.memory_space<semaphore_mem>>
      %dma_start3A = arith.constant 0 : i32
      %dma_start3A_34 = arith.constant 0 : i32
      %dma_start3A_35 = tpu.memref_slice %arg12[%dma_start3A, %dma_start3A_34] : memref<512x32xf32, #tpu.memory_space<vmem>> -> memref<512x32xf32, #tpu.memory_space<vmem>>
      %dma_start3A_36 = arith.constant 0 : i32
      %dma_start3A_37 = tpu.memref_slice %arg7[%add3A_15, %dma_start3A_36] : memref<50048x32xf32, #tpu.memory_space<vmem_shared>> -> memref<512x32xf32, #tpu.memory_space<vmem_shared>>
      %dma_start3A_38 = arith.constant 0 : i32
      %dma_start3A_39 = tpu.memref_slice %arg7[%add3A_15, %dma_start3A_38] : memref<50048x32xf32, #tpu.memory_space<vmem_shared>> -> memref<512x32xf32, #tpu.memory_space<vmem_shared>>
      %dma_start3A_40 = arith.constant 0 : i32
      %dma_start3A_41 = arith.constant 0 : i32
      %dma_start3A_42 = tpu.memref_slice %arg12[%dma_start3A_40, %dma_start3A_41] : memref<512x32xf32, #tpu.memory_space<vmem>> -> memref<512x32xf32, #tpu.memory_space<vmem>>
      tpu.enqueue_dma source(%dma_start3A_42 : memref<512x32xf32, #tpu.memory_space<vmem>>) target(%dma_start3A_39 : memref<512x32xf32, #tpu.memory_space<vmem_shared>>) target_semaphore(%run_scoped3A : memref<!tpu.dma_semaphore, #tpu.memory_space<semaphore_mem>>)
      %dma_wait3A = arith.constant 0 : i32
      %dma_wait3A_43 = arith.constant 0 : i32
      %dma_wait3A_44 = tpu.memref_slice %arg12[%dma_wait3A, %dma_wait3A_43] : memref<512x32xf32, #tpu.memory_space<vmem>> -> memref<512x32xf32, #tpu.memory_space<vmem>>
      %dma_wait3A_45 = arith.constant 0 : i32
      %dma_wait3A_46 = tpu.memref_slice %arg7[%add3A_15, %dma_wait3A_45] : memref<50048x32xf32, #tpu.memory_space<vmem_shared>> -> memref<512x32xf32, #tpu.memory_space<vmem_shared>>
      %dma_wait3A_47 = arith.constant 0 : i32
      %dma_wait3A_48 = tpu.memref_slice %arg7[%add3A_15, %dma_wait3A_47] : memref<50048x32xf32, #tpu.memory_space<vmem_shared>> -> memref<512x32xf32, #tpu.memory_space<vmem_shared>>
      %dma_wait3A_49 = arith.constant 0 : i32
      %dma_wait3A_50 = arith.constant 0 : i32
      %dma_wait3A_51 = tpu.memref_slice %arg12[%dma_wait3A_49, %dma_wait3A_50] : memref<512x32xf32, #tpu.memory_space<vmem>> -> memref<512x32xf32, #tpu.memory_space<vmem>>
      tpu.wait_dma2 semaphore(%run_scoped3A : memref<!tpu.dma_semaphore, #tpu.memory_space<semaphore_mem>>) src(%dma_wait3A_51 : memref<512x32xf32, #tpu.memory_space<vmem>>) dst(%dma_wait3A_48 : memref<512x32xf32, #tpu.memory_space<vmem_shared>>)
      tpu.yield
    }) : () -> ()
    %add3A_16 = arith.constant 2560 : i32
    %add3A_17 = arith.addi %mul3A_6, %add3A_16 : i32
    "tpu.region"() ({
      %run_scoped3A = tpu.sem_alloc : memref<!tpu.dma_semaphore, #tpu.memory_space<semaphore_mem>>
      %dma_start3A = arith.constant 0 : i32
      %dma_start3A_34 = arith.constant 0 : i32
      %dma_start3A_35 = tpu.memref_slice %arg12[%dma_start3A, %dma_start3A_34] : memref<512x32xf32, #tpu.memory_space<vmem>> -> memref<512x32xf32, #tpu.memory_space<vmem>>
      %dma_start3A_36 = arith.constant 0 : i32
      %dma_start3A_37 = tpu.memref_slice %arg7[%add3A_17, %dma_start3A_36] : memref<50048x32xf32, #tpu.memory_space<vmem_shared>> -> memref<512x32xf32, #tpu.memory_space<vmem_shared>>
      %dma_start3A_38 = arith.constant 0 : i32
      %dma_start3A_39 = tpu.memref_slice %arg7[%add3A_17, %dma_start3A_38] : memref<50048x32xf32, #tpu.memory_space<vmem_shared>> -> memref<512x32xf32, #tpu.memory_space<vmem_shared>>
      %dma_start3A_40 = arith.constant 0 : i32
      %dma_start3A_41 = arith.constant 0 : i32
      %dma_start3A_42 = tpu.memref_slice %arg12[%dma_start3A_40, %dma_start3A_41] : memref<512x32xf32, #tpu.memory_space<vmem>> -> memref<512x32xf32, #tpu.memory_space<vmem>>
      tpu.enqueue_dma source(%dma_start3A_42 : memref<512x32xf32, #tpu.memory_space<vmem>>) target(%dma_start3A_39 : memref<512x32xf32, #tpu.memory_space<vmem_shared>>) target_semaphore(%run_scoped3A : memref<!tpu.dma_semaphore, #tpu.memory_space<semaphore_mem>>)
      %dma_wait3A = arith.constant 0 : i32
      %dma_wait3A_43 = arith.constant 0 : i32
      %dma_wait3A_44 = tpu.memref_slice %arg12[%dma_wait3A, %dma_wait3A_43] : memref<512x32xf32, #tpu.memory_space<vmem>> -> memref<512x32xf32, #tpu.memory_space<vmem>>
      %dma_wait3A_45 = arith.constant 0 : i32
      %dma_wait3A_46 = tpu.memref_slice %arg7[%add3A_17, %dma_wait3A_45] : memref<50048x32xf32, #tpu.memory_space<vmem_shared>> -> memref<512x32xf32, #tpu.memory_space<vmem_shared>>
      %dma_wait3A_47 = arith.constant 0 : i32
      %dma_wait3A_48 = tpu.memref_slice %arg7[%add3A_17, %dma_wait3A_47] : memref<50048x32xf32, #tpu.memory_space<vmem_shared>> -> memref<512x32xf32, #tpu.memory_space<vmem_shared>>
      %dma_wait3A_49 = arith.constant 0 : i32
      %dma_wait3A_50 = arith.constant 0 : i32
      %dma_wait3A_51 = tpu.memref_slice %arg12[%dma_wait3A_49, %dma_wait3A_50] : memref<512x32xf32, #tpu.memory_space<vmem>> -> memref<512x32xf32, #tpu.memory_space<vmem>>
      tpu.wait_dma2 semaphore(%run_scoped3A : memref<!tpu.dma_semaphore, #tpu.memory_space<semaphore_mem>>) src(%dma_wait3A_51 : memref<512x32xf32, #tpu.memory_space<vmem>>) dst(%dma_wait3A_48 : memref<512x32xf32, #tpu.memory_space<vmem_shared>>)
      tpu.yield
    }) : () -> ()
    %add3A_18 = arith.constant 3072 : i32
    %add3A_19 = arith.addi %mul3A_6, %add3A_18 : i32
    "tpu.region"() ({
      %run_scoped3A = tpu.sem_alloc : memref<!tpu.dma_semaphore, #tpu.memory_space<semaphore_mem>>
      %dma_start3A = arith.constant 0 : i32
      %dma_start3A_34 = arith.constant 0 : i32
      %dma_start3A_35 = tpu.memref_slice %arg12[%dma_start3A, %dma_start3A_34] : memref<512x32xf32, #tpu.memory_space<vmem>> -> memref<56x32xf32, #tpu.memory_space<vmem>>
      %dma_start3A_36 = arith.constant 0 : i32
      %dma_start3A_37 = tpu.memref_slice %arg7[%add3A_19, %dma_start3A_36] : memref<50048x32xf32, #tpu.memory_space<vmem_shared>> -> memref<56x32xf32, #tpu.memory_space<vmem_shared>>
      %dma_start3A_38 = arith.constant 0 : i32
      %dma_start3A_39 = tpu.memref_slice %arg7[%add3A_19, %dma_start3A_38] : memref<50048x32xf32, #tpu.memory_space<vmem_shared>> -> memref<56x32xf32, #tpu.memory_space<vmem_shared>>
      %dma_start3A_40 = arith.constant 0 : i32
      %dma_start3A_41 = arith.constant 0 : i32
      %dma_start3A_42 = tpu.memref_slice %arg12[%dma_start3A_40, %dma_start3A_41] : memref<512x32xf32, #tpu.memory_space<vmem>> -> memref<56x32xf32, #tpu.memory_space<vmem>>
      tpu.enqueue_dma source(%dma_start3A_42 : memref<56x32xf32, #tpu.memory_space<vmem>>) target(%dma_start3A_39 : memref<56x32xf32, #tpu.memory_space<vmem_shared>>) target_semaphore(%run_scoped3A : memref<!tpu.dma_semaphore, #tpu.memory_space<semaphore_mem>>)
      %dma_wait3A = arith.constant 0 : i32
      %dma_wait3A_43 = arith.constant 0 : i32
      %dma_wait3A_44 = tpu.memref_slice %arg12[%dma_wait3A, %dma_wait3A_43] : memref<512x32xf32, #tpu.memory_space<vmem>> -> memref<56x32xf32, #tpu.memory_space<vmem>>
      %dma_wait3A_45 = arith.constant 0 : i32
      %dma_wait3A_46 = tpu.memref_slice %arg7[%add3A_19, %dma_wait3A_45] : memref<50048x32xf32, #tpu.memory_space<vmem_shared>> -> memref<56x32xf32, #tpu.memory_space<vmem_shared>>
      %dma_wait3A_47 = arith.constant 0 : i32
      %dma_wait3A_48 = tpu.memref_slice %arg7[%add3A_19, %dma_wait3A_47] : memref<50048x32xf32, #tpu.memory_space<vmem_shared>> -> memref<56x32xf32, #tpu.memory_space<vmem_shared>>
      %dma_wait3A_49 = arith.constant 0 : i32
      %dma_wait3A_50 = arith.constant 0 : i32
      %dma_wait3A_51 = tpu.memref_slice %arg12[%dma_wait3A_49, %dma_wait3A_50] : memref<512x32xf32, #tpu.memory_space<vmem>> -> memref<56x32xf32, #tpu.memory_space<vmem>>
      tpu.wait_dma2 semaphore(%run_scoped3A : memref<!tpu.dma_semaphore, #tpu.memory_space<semaphore_mem>>) src(%dma_wait3A_51 : memref<56x32xf32, #tpu.memory_space<vmem>>) dst(%dma_wait3A_48 : memref<56x32xf32, #tpu.memory_space<vmem_shared>>)
      tpu.yield
    }) : () -> ()
    %barrier3A = arith.constant 0 : index
    tpu.barrier barrier_id(%barrier3A)
    %scan3A_20 = arith.constant 0 : i32
    %scan3A_21 = arith.constant 196 : i32
    %scan3A_22 = arith.addi %scan3A_20, %scan3A_21 : i32
    %scan3A_23 = arith.constant 1 : i32
    scf.for %scan3A_34 = %scan3A_20 to %scan3A_22 step %scan3A_23  : i32 {
      %mul3A_35 = arith.constant 1 : i32
      %mul3A_36 = arith.muli %scan3A_34, %mul3A_35 : i32
      %add3A_37 = arith.constant 0 : i32
      %add3A_38 = arith.addi %add3A_37, %mul3A_36 : i32
      %mul3A_39 = arith.constant 100352 : i32
      %mul3A_40 = arith.muli %arg1, %mul3A_39 : i32
      %mul3A_41 = arith.constant 512 : i32
      %mul3A_42 = arith.muli %add3A_38, %mul3A_41 : i32
      %add3A_43 = arith.addi %mul3A_40, %mul3A_42 : i32
      "tpu.region"() ({
        %run_scoped3A = tpu.sem_alloc : memref<!tpu.dma_semaphore, #tpu.memory_space<semaphore_mem>>
        %dma_start3A = tpu.memref_slice %arg3[%add3A_43] : memref<1605632xi32, #tpu.memory_space<hbm>> -> memref<512xi32, #tpu.memory_space<hbm>>
        %dma_start3A_74 = tpu.memref_slice %arg3[%add3A_43] : memref<1605632xi32, #tpu.memory_space<hbm>> -> memref<512xi32, #tpu.memory_space<hbm>>
        tpu.enqueue_dma source(%dma_start3A_74 : memref<512xi32, #tpu.memory_space<hbm>>) target(%arg8 : memref<512xi32, #tpu.memory_space<vmem>>) target_semaphore(%run_scoped3A : memref<!tpu.dma_semaphore, #tpu.memory_space<semaphore_mem>>)
        %dma_wait3A = tpu.memref_slice %arg3[%add3A_43] : memref<1605632xi32, #tpu.memory_space<hbm>> -> memref<512xi32, #tpu.memory_space<hbm>>
        %dma_wait3A_75 = tpu.memref_slice %arg3[%add3A_43] : memref<1605632xi32, #tpu.memory_space<hbm>> -> memref<512xi32, #tpu.memory_space<hbm>>
        tpu.wait_dma2 semaphore(%run_scoped3A : memref<!tpu.dma_semaphore, #tpu.memory_space<semaphore_mem>>) src(%dma_wait3A_75 : memref<512xi32, #tpu.memory_space<hbm>>) dst(%arg8 : memref<512xi32, #tpu.memory_space<vmem>>)
        tpu.yield
      }) : () -> ()
      "tpu.region"() ({
        %run_scoped3A = tpu.sem_alloc : memref<!tpu.dma_semaphore, #tpu.memory_space<semaphore_mem>>
        %dma_start3A = tpu.memref_slice %arg4[%add3A_43] : memref<1605632xi32, #tpu.memory_space<hbm>> -> memref<512xi32, #tpu.memory_space<hbm>>
        %dma_start3A_74 = tpu.memref_slice %arg4[%add3A_43] : memref<1605632xi32, #tpu.memory_space<hbm>> -> memref<512xi32, #tpu.memory_space<hbm>>
        tpu.enqueue_dma source(%dma_start3A_74 : memref<512xi32, #tpu.memory_space<hbm>>) target(%arg9 : memref<512xi32, #tpu.memory_space<vmem>>) target_semaphore(%run_scoped3A : memref<!tpu.dma_semaphore, #tpu.memory_space<semaphore_mem>>)
        %dma_wait3A = tpu.memref_slice %arg4[%add3A_43] : memref<1605632xi32, #tpu.memory_space<hbm>> -> memref<512xi32, #tpu.memory_space<hbm>>
        %dma_wait3A_75 = tpu.memref_slice %arg4[%add3A_43] : memref<1605632xi32, #tpu.memory_space<hbm>> -> memref<512xi32, #tpu.memory_space<hbm>>
        tpu.wait_dma2 semaphore(%run_scoped3A : memref<!tpu.dma_semaphore, #tpu.memory_space<semaphore_mem>>) src(%dma_wait3A_75 : memref<512xi32, #tpu.memory_space<hbm>>) dst(%arg9 : memref<512xi32, #tpu.memory_space<vmem>>)
        tpu.yield
      }) : () -> ()
      "tpu.region"() ({
        %run_scoped3A = tpu.sem_alloc : memref<!tpu.dma_semaphore, #tpu.memory_space<semaphore_mem>>
        %dma_start3A = tpu.memref_slice %arg5[%add3A_43] : memref<1605632xf32, #tpu.memory_space<hbm>> -> memref<512xf32, #tpu.memory_space<hbm>>
        %dma_start3A_74 = tpu.memref_slice %arg5[%add3A_43] : memref<1605632xf32, #tpu.memory_space<hbm>> -> memref<512xf32, #tpu.memory_space<hbm>>
        tpu.enqueue_dma source(%dma_start3A_74 : memref<512xf32, #tpu.memory_space<hbm>>) target(%arg10 : memref<512xf32, #tpu.memory_space<vmem>>) target_semaphore(%run_scoped3A : memref<!tpu.dma_semaphore, #tpu.memory_space<semaphore_mem>>)
        %dma_wait3A = tpu.memref_slice %arg5[%add3A_43] : memref<1605632xf32, #tpu.memory_space<hbm>> -> memref<512xf32, #tpu.memory_space<hbm>>
        %dma_wait3A_75 = tpu.memref_slice %arg5[%add3A_43] : memref<1605632xf32, #tpu.memory_space<hbm>> -> memref<512xf32, #tpu.memory_space<hbm>>
        tpu.wait_dma2 semaphore(%run_scoped3A : memref<!tpu.dma_semaphore, #tpu.memory_space<semaphore_mem>>) src(%dma_wait3A_75 : memref<512xf32, #tpu.memory_space<hbm>>) dst(%arg10 : memref<512xf32, #tpu.memory_space<vmem>>)
        tpu.yield
      }) : () -> ()
      %scan3A_44 = arith.constant 0 : i32
      %scan3A_45 = arith.constant 4 : i32
      %scan3A_46 = arith.addi %scan3A_44, %scan3A_45 : i32
      %scan3A_47 = arith.constant 1 : i32
      scf.for %scan3A_74 = %scan3A_44 to %scan3A_46 step %scan3A_47  : i32 {
        %mul3A_75 = arith.constant 1 : i32
        %mul3A_76 = arith.muli %scan3A_74, %mul3A_75 : i32
        %add3A_77 = arith.constant 0 : i32
        %add3A_78 = arith.addi %add3A_77, %mul3A_76 : i32
        %mul3A_79 = arith.constant 128 : i32
        %mul3A_80 = arith.muli %add3A_78, %mul3A_79 : i32
        %mul3A_81 = arith.constant 128 : i32
        %mul3A_82 = arith.muli %add3A_78, %mul3A_81 : i32
        %dma_start3A = arith.constant 0 : i32
        %dma_start3A_83 = tpu.memref_slice %arg12[%mul3A_82, %dma_start3A] : memref<512x32xf32, #tpu.memory_space<vmem>> -> memref<128x32xf32, #tpu.memory_space<vmem>>
        %dma_start3A_84 = tpu.memref_slice %arg8[%mul3A_80] : memref<512xi32, #tpu.memory_space<vmem>> -> memref<128xi32, #tpu.memory_space<vmem>>
        %dma_start3A_85 = arith.constant 0 : i32
        %dma_start3A_86 = arith.constant 0 : i32
        %dma_start3A_87 = tpu.memref_slice %arg2[%dma_start3A_85, %dma_start3A_86] : memref<100000x32xf32, #tpu.memory_space<hbm>> -> memref<100000x32xf32, #tpu.memory_space<hbm>>
        tpu.enqueue_indirect_dma source(%dma_start3A_87 : memref<100000x32xf32, #tpu.memory_space<hbm>>) target(%dma_start3A_83 : memref<128x32xf32, #tpu.memory_space<vmem>>) offsets(%dma_start3A_84 : memref<128xi32, #tpu.memory_space<vmem>>) semaphore(%arg13 : memref<!tpu.dma_semaphore, #tpu.memory_space<semaphore_mem>>)
      }
      %scan3A_48 = arith.constant 4 : i32
      %scan3A_49 = arith.constant 0 : i32
      %scan3A_50 = arith.constant 32 : i32
      %scan3A_51 = arith.addi %scan3A_49, %scan3A_50 : i32
      %scan3A_52 = arith.constant 1 : i32
      scf.for %scan3A_74 = %scan3A_49 to %scan3A_51 step %scan3A_52  : i32 {
        %mul3A_75 = arith.constant 1 : i32
        %mul3A_76 = arith.muli %scan3A_74, %mul3A_75 : i32
        %add3A_77 = arith.constant 0 : i32
        %add3A_78 = arith.addi %add3A_77, %mul3A_76 : i32
        %mul3A_79 = arith.constant 16 : i32
        %mul3A_80 = arith.muli %add3A_78, %mul3A_79 : i32
        %get3A = arith.index_cast %mul3A_80 : i32 to index
        %get3A_81 = tpu.vector_load %arg9[%get3A] {strides = array<i32>} : memref<512xi32, #tpu.memory_space<vmem>>, vector<16xi32>,
        %get3A_82 = vector.shape_cast %get3A_81 : vector<16xi32> to vector<16xi32>
        %sub3A = vector.broadcast %mul3A_0 : i32 to vector<16xi32>
        %sub3A_83 = arith.subi %get3A_82, %sub3A : vector<16xi32>
        %ge3A = arith.constant 0 : i32
        %ge3A_84 = vector.broadcast %ge3A : i32 to vector<16xi32>
        %ge3A_85 = arith.cmpi sge, %sub3A_83, %ge3A_84 : vector<16xi32>
        %lt3A_86 = arith.constant 50000 : i32
        %lt3A_87 = vector.broadcast %lt3A_86 : i32 to vector<16xi32>
        %lt3A_88 = arith.cmpi slt, %sub3A_83, %lt3A_87 : vector<16xi32>
        %and3A = arith.andi %ge3A_85, %lt3A_88 : vector<16xi1>
        %jit3A = arith.constant 50000 : i32
        %broadcast_in_dim3A = vector.broadcast %jit3A : i32 to vector<16xi32>
        %select_n3A = arith.select %and3A, %sub3A_83, %broadcast_in_dim3A : vector<16xi1>, vector<16xi32>
        %jit3A_89 = arith.constant 8 : i32
        %div3A = arith.divsi %add3A_78, %jit3A_89 : i32
        %sign3A = arith.constant 0 : i32
        %sign3A_90 = arith.cmpi sgt, %add3A_78, %sign3A : i32
        %sign3A_91 = arith.extui %sign3A_90 : i1 to i32
        %sign3A_92 = arith.constant 0 : i32
        %sign3A_93 = arith.cmpi slt, %add3A_78, %sign3A_92 : i32
        %sign3A_94 = arith.extui %sign3A_93 : i1 to i32
        %sign3A_95 = arith.subi %sign3A_91, %sign3A_94 : i32
        %sign3A_96 = arith.constant 0 : i32
        %sign3A_97 = arith.cmpi sgt, %jit3A_89, %sign3A_96 : i32
        %sign3A_98 = arith.extui %sign3A_97 : i1 to i32
        %sign3A_99 = arith.constant 0 : i32
        %sign3A_100 = arith.cmpi slt, %jit3A_89, %sign3A_99 : i32
        %sign3A_101 = arith.extui %sign3A_100 : i1 to i32
        %sign3A_102 = arith.subi %sign3A_98, %sign3A_101 : i32
        %ne3A = arith.cmpi ne, %sign3A_95, %sign3A_102 : i32
        %rem3A = arith.remsi %add3A_78, %jit3A_89 : i32
        %ne3A_103 = arith.constant 0 : i32
        %ne3A_104 = arith.cmpi ne, %rem3A, %ne3A_103 : i32
        %and3A_105 = arith.andi %ne3A, %ne3A_104 : i1
        %sub3A_106 = arith.constant 1 : i32
        %sub3A_107 = arith.subi %div3A, %sub3A_106 : i32
        %select_n3A_108 = arith.select %and3A_105, %sub3A_107, %div3A : i32
        %jit3A_109 = arith.constant 8 : i32
        %eq3A_110 = arith.constant 0 : i32
        %eq3A_111 = arith.cmpi eq, %jit3A_109, %eq3A_110 : i32
        %jit3A_112 = arith.constant 1 : i32
        %select_n3A_113 = arith.select %eq3A_111, %jit3A_112, %jit3A_109 : i32
        %rem3A_114 = arith.remsi %add3A_78, %select_n3A_113 : i32
        %ne3A_115 = arith.constant 0 : i32
        %ne3A_116 = arith.cmpi ne, %rem3A_114, %ne3A_115 : i32
        %lt3A_117 = arith.constant 0 : i32
        %lt3A_118 = arith.cmpi slt, %rem3A_114, %lt3A_117 : i32
        %lt3A_119 = arith.constant 0 : i32
        %lt3A_120 = arith.cmpi slt, %select_n3A_113, %lt3A_119 : i32
        %ne3A_121 = arith.xori %lt3A_118, %lt3A_120 : i1
        %and3A_122 = arith.andi %ne3A_121, %ne3A_116 : i1
        %add3A_123 = arith.addi %rem3A_114, %select_n3A_113 : i32
        %select_n3A_124 = arith.select %and3A_122, %add3A_123, %rem3A_114 : i32
        %mul3A_125 = arith.constant 16 : i32
        %mul3A_126 = arith.muli %select_n3A_124, %mul3A_125 : i32
        %swap3A = arith.index_cast %select_n3A_108 : i32 to index
        %swap3A_127 = arith.index_cast %mul3A_126 : i32 to index
        %swap3A_128 = tpu.vector_load %arg11[%swap3A, %swap3A_127] {strides = array<i32>} : memref<4x128xi32, #tpu.memory_space<vmem>>, vector<1x16xi32>,
        %swap3A_129 = vector.shape_cast %swap3A_128 : vector<1x16xi32> to vector<16xi32>
        %swap3A_130 = vector.shape_cast %select_n3A : vector<16xi32> to vector<1x16xi32>
        tpu.vector_store %arg11[%swap3A, %swap3A_127], %swap3A_130 {strides = array<i32>} : memref<4x128xi32, #tpu.memory_space<vmem>>, vector<1x16xi32>,
      }
      %scan3A_53 = arith.constant 32 : i32
      %scan3A_54 = arith.constant 0 : i32
      %scan3A_55 = arith.constant 4 : i32
      %scan3A_56 = arith.addi %scan3A_54, %scan3A_55 : i32
      %scan3A_57 = arith.constant 1 : i32
      scf.for %scan3A_74 = %scan3A_54 to %scan3A_56 step %scan3A_57  : i32 {
        %mul3A_75 = arith.constant 1 : i32
        %mul3A_76 = arith.muli %scan3A_74, %mul3A_75 : i32
        %add3A_77 = arith.constant 0 : i32
        %add3A_78 = arith.addi %add3A_77, %mul3A_76 : i32
        %mul3A_79 = arith.constant 128 : i32
        %mul3A_80 = arith.muli %add3A_78, %mul3A_79 : i32
        %mul3A_81 = arith.constant 128 : i32
        %mul3A_82 = arith.muli %add3A_78, %mul3A_81 : i32
        %dma_wait3A = arith.constant 0 : i32
        %dma_wait3A_83 = tpu.memref_slice %arg12[%mul3A_82, %dma_wait3A] : memref<512x32xf32, #tpu.memory_space<vmem>> -> memref<128x32xf32, #tpu.memory_space<vmem>>
        %dma_wait3A_84 = tpu.memref_slice %arg8[%mul3A_80] : memref<512xi32, #tpu.memory_space<vmem>> -> memref<128xi32, #tpu.memory_space<vmem>>
        %dma_wait3A_85 = arith.constant 0 : i32
        %dma_wait3A_86 = arith.constant 0 : i32
        %dma_wait3A_87 = tpu.memref_slice %arg2[%dma_wait3A_85, %dma_wait3A_86] : memref<100000x32xf32, #tpu.memory_space<hbm>> -> memref<100000x32xf32, #tpu.memory_space<hbm>>
        tpu.wait_indirect_dma semaphore(%arg13 : memref<!tpu.dma_semaphore, #tpu.memory_space<semaphore_mem>>) src(%dma_wait3A_87 : memref<100000x32xf32, #tpu.memory_space<hbm>>) dst(%dma_wait3A_83 : memref<128x32xf32, #tpu.memory_space<vmem>>)
      }
      %scan3A_58 = arith.constant 4 : i32
      %scan3A_59 = arith.constant 0 : i32
      %scan3A_60 = arith.constant 32 : i32
      %scan3A_61 = arith.addi %scan3A_59, %scan3A_60 : i32
      %scan3A_62 = arith.constant 1 : i32
      scf.for %scan3A_74 = %scan3A_59 to %scan3A_61 step %scan3A_62  : i32 {
        %mul3A_75 = arith.constant 1 : i32
        %mul3A_76 = arith.muli %scan3A_74, %mul3A_75 : i32
        %add3A_77 = arith.constant 0 : i32
        %add3A_78 = arith.addi %add3A_77, %mul3A_76 : i32
        %mul3A_79 = arith.constant 16 : i32
        %mul3A_80 = arith.muli %add3A_78, %mul3A_79 : i32
        %get3A = arith.index_cast %mul3A_80 : i32 to index
        %get3A_81 = tpu.vector_load %arg10[%get3A] {strides = array<i32>} : memref<512xf32, #tpu.memory_space<vmem>>, vector<16xf32>,
        %get3A_82 = vector.shape_cast %get3A_81 : vector<16xf32> to vector<16xf32>
        %mul3A_83 = arith.constant 16 : i32
        %mul3A_84 = arith.muli %add3A_78, %mul3A_83 : i32
        %add3A_85 = arith.constant 0 : i32
        %add3A_86 = arith.addi %mul3A_84, %add3A_85 : i32
        %slice3A = vector.extract_strided_slice %get3A_82 {offsets = [0], sizes = [1], strides = [1]} : vector<16xf32> to vector<1xf32>
        %squeeze3A = vector.extract %slice3A[0] : f32 from vector<1xf32>
        %get3A_87 = arith.index_cast %add3A_86 : i32 to index
        %get3A_88 = arith.constant 0 : index
        %get3A_89 = tpu.vector_load %arg12[%get3A_87, %get3A_88] {strides = array<i32>} : memref<512x32xf32, #tpu.memory_space<vmem>>, vector<1x16xf32>,
        %get3A_90 = vector.shape_cast %get3A_89 : vector<1x16xf32> to vector<16xf32>
        %mul3A_91 = vector.broadcast %squeeze3A : f32 to vector<16xf32>
        %mul3A_92 = arith.mulf %get3A_90, %mul3A_91 : vector<16xf32>
        %swap3A = arith.index_cast %add3A_86 : i32 to index
        %swap3A_93 = arith.constant 0 : index
        %swap3A_94 = tpu.vector_load %arg12[%swap3A, %swap3A_93] {strides = array<i32>} : memref<512x32xf32, #tpu.memory_space<vmem>>, vector<1x16xf32>,
        %swap3A_95 = vector.shape_cast %swap3A_94 : vector<1x16xf32> to vector<16xf32>
        %swap3A_96 = vector.shape_cast %mul3A_92 : vector<16xf32> to vector<1x16xf32>
        tpu.vector_store %arg12[%swap3A, %swap3A_93], %swap3A_96 {strides = array<i32>} : memref<512x32xf32, #tpu.memory_space<vmem>>, vector<1x16xf32>,
        %get3A_97 = arith.index_cast %add3A_86 : i32 to index
        %get3A_98 = arith.constant 16 : index
        %get3A_99 = tpu.vector_load %arg12[%get3A_97, %get3A_98] {strides = array<i32>} : memref<512x32xf32, #tpu.memory_space<vmem>>, vector<1x16xf32>,
        %get3A_100 = vector.shape_cast %get3A_99 : vector<1x16xf32> to vector<16xf32>
        %mul3A_101 = vector.broadcast %squeeze3A : f32 to vector<16xf32>
        %mul3A_102 = arith.mulf %get3A_100, %mul3A_101 : vector<16xf32>
        %swap3A_103 = arith.index_cast %add3A_86 : i32 to index
        %swap3A_104 = arith.constant 16 : index
        %swap3A_105 = tpu.vector_load %arg12[%swap3A_103, %swap3A_104] {strides = array<i32>} : memref<512x32xf32, #tpu.memory_space<vmem>>, vector<1x16xf32>,
        %swap3A_106 = vector.shape_cast %swap3A_105 : vector<1x16xf32> to vector<16xf32>
        %swap3A_107 = vector.shape_cast %mul3A_102 : vector<16xf32> to vector<1x16xf32>
        tpu.vector_store %arg12[%swap3A_103, %swap3A_104], %swap3A_107 {strides = array<i32>} : memref<512x32xf32, #tpu.memory_space<vmem>>, vector<1x16xf32>,
        %mul3A_108 = arith.constant 16 : i32
        %mul3A_109 = arith.muli %add3A_78, %mul3A_108 : i32
        %add3A_110 = arith.constant 1 : i32
        %add3A_111 = arith.addi %mul3A_109, %add3A_110 : i32
        %slice3A_112 = vector.extract_strided_slice %get3A_82 {offsets = [1], sizes = [1], strides = [1]} : vector<16xf32> to vector<1xf32>
        %squeeze3A_113 = vector.extract %slice3A_112[0] : f32 from vector<1xf32>
        %get3A_114 = arith.index_cast %add3A_111 : i32 to index
        %get3A_115 = arith.constant 0 : index
        %get3A_116 = tpu.vector_load %arg12[%get3A_114, %get3A_115] {strides = array<i32>} : memref<512x32xf32, #tpu.memory_space<vmem>>, vector<1x16xf32>,
        %get3A_117 = vector.shape_cast %get3A_116 : vector<1x16xf32> to vector<16xf32>
        %mul3A_118 = vector.broadcast %squeeze3A_113 : f32 to vector<16xf32>
        %mul3A_119 = arith.mulf %get3A_117, %mul3A_118 : vector<16xf32>
        %swap3A_120 = arith.index_cast %add3A_111 : i32 to index
        %swap3A_121 = arith.constant 0 : index
        %swap3A_122 = tpu.vector_load %arg12[%swap3A_120, %swap3A_121] {strides = array<i32>} : memref<512x32xf32, #tpu.memory_space<vmem>>, vector<1x16xf32>,
        %swap3A_123 = vector.shape_cast %swap3A_122 : vector<1x16xf32> to vector<16xf32>
        %swap3A_124 = vector.shape_cast %mul3A_119 : vector<16xf32> to vector<1x16xf32>
        tpu.vector_store %arg12[%swap3A_120, %swap3A_121], %swap3A_124 {strides = array<i32>} : memref<512x32xf32, #tpu.memory_space<vmem>>, vector<1x16xf32>,
        %get3A_125 = arith.index_cast %add3A_111 : i32 to index
        %get3A_126 = arith.constant 16 : index
        %get3A_127 = tpu.vector_load %arg12[%get3A_125, %get3A_126] {strides = array<i32>} : memref<512x32xf32, #tpu.memory_space<vmem>>, vector<1x16xf32>,
        %get3A_128 = vector.shape_cast %get3A_127 : vector<1x16xf32> to vector<16xf32>
        %mul3A_129 = vector.broadcast %squeeze3A_113 : f32 to vector<16xf32>
        %mul3A_130 = arith.mulf %get3A_128, %mul3A_129 : vector<16xf32>
        %swap3A_131 = arith.index_cast %add3A_111 : i32 to index
        %swap3A_132 = arith.constant 16 : index
        %swap3A_133 = tpu.vector_load %arg12[%swap3A_131, %swap3A_132] {strides = array<i32>} : memref<512x32xf32, #tpu.memory_space<vmem>>, vector<1x16xf32>,
        %swap3A_134 = vector.shape_cast %swap3A_133 : vector<1x16xf32> to vector<16xf32>
        %swap3A_135 = vector.shape_cast %mul3A_130 : vector<16xf32> to vector<1x16xf32>
        tpu.vector_store %arg12[%swap3A_131, %swap3A_132], %swap3A_135 {strides = array<i32>} : memref<512x32xf32, #tpu.memory_space<vmem>>, vector<1x16xf32>,
        %mul3A_136 = arith.constant 16 : i32
        %mul3A_137 = arith.muli %add3A_78, %mul3A_136 : i32
        %add3A_138 = arith.constant 2 : i32
        %add3A_139 = arith.addi %mul3A_137, %add3A_138 : i32
        %slice3A_140 = vector.extract_strided_slice %get3A_82 {offsets = [2], sizes = [1], strides = [1]} : vector<16xf32> to vector<1xf32>
        %squeeze3A_141 = vector.extract %slice3A_140[0] : f32 from vector<1xf32>
        %get3A_142 = arith.index_cast %add3A_139 : i32 to index
        %get3A_143 = arith.constant 0 : index
        %get3A_144 = tpu.vector_load %arg12[%get3A_142, %get3A_143] {strides = array<i32>} : memref<512x32xf32, #tpu.memory_space<vmem>>, vector<1x16xf32>,
        %get3A_145 = vector.shape_cast %get3A_144 : vector<1x16xf32> to vector<16xf32>
        %mul3A_146 = vector.broadcast %squeeze3A_141 : f32 to vector<16xf32>
        %mul3A_147 = arith.mulf %get3A_145, %mul3A_146 : vector<16xf32>
        %swap3A_148 = arith.index_cast %add3A_139 : i32 to index
        %swap3A_149 = arith.constant 0 : index
        %swap3A_150 = tpu.vector_load %arg12[%swap3A_148, %swap3A_149] {strides = array<i32>} : memref<512x32xf32, #tpu.memory_space<vmem>>, vector<1x16xf32>,
        %swap3A_151 = vector.shape_cast %swap3A_150 : vector<1x16xf32> to vector<16xf32>
        %swap3A_152 = vector.shape_cast %mul3A_147 : vector<16xf32> to vector<1x16xf32>
        tpu.vector_store %arg12[%swap3A_148, %swap3A_149], %swap3A_152 {strides = array<i32>} : memref<512x32xf32, #tpu.memory_space<vmem>>, vector<1x16xf32>,
        %get3A_153 = arith.index_cast %add3A_139 : i32 to index
        %get3A_154 = arith.constant 16 : index
        %get3A_155 = tpu.vector_load %arg12[%get3A_153, %get3A_154] {strides = array<i32>} : memref<512x32xf32, #tpu.memory_space<vmem>>, vector<1x16xf32>,
        %get3A_156 = vector.shape_cast %get3A_155 : vector<1x16xf32> to vector<16xf32>
        %mul3A_157 = vector.broadcast %squeeze3A_141 : f32 to vector<16xf32>
        %mul3A_158 = arith.mulf %get3A_156, %mul3A_157 : vector<16xf32>
        %swap3A_159 = arith.index_cast %add3A_139 : i32 to index
        %swap3A_160 = arith.constant 16 : index
        %swap3A_161 = tpu.vector_load %arg12[%swap3A_159, %swap3A_160] {strides = array<i32>} : memref<512x32xf32, #tpu.memory_space<vmem>>, vector<1x16xf32>,
        %swap3A_162 = vector.shape_cast %swap3A_161 : vector<1x16xf32> to vector<16xf32>
        %swap3A_163 = vector.shape_cast %mul3A_158 : vector<16xf32> to vector<1x16xf32>
        tpu.vector_store %arg12[%swap3A_159, %swap3A_160], %swap3A_163 {strides = array<i32>} : memref<512x32xf32, #tpu.memory_space<vmem>>, vector<1x16xf32>,
        %mul3A_164 = arith.constant 16 : i32
        %mul3A_165 = arith.muli %add3A_78, %mul3A_164 : i32
        %add3A_166 = arith.constant 3 : i32
        %add3A_167 = arith.addi %mul3A_165, %add3A_166 : i32
        %slice3A_168 = vector.extract_strided_slice %get3A_82 {offsets = [3], sizes = [1], strides = [1]} : vector<16xf32> to vector<1xf32>
        %squeeze3A_169 = vector.extract %slice3A_168[0] : f32 from vector<1xf32>
        %get3A_170 = arith.index_cast %add3A_167 : i32 to index
        %get3A_171 = arith.constant 0 : index
        %get3A_172 = tpu.vector_load %arg12[%get3A_170, %get3A_171] {strides = array<i32>} : memref<512x32xf32, #tpu.memory_space<vmem>>, vector<1x16xf32>,
        %get3A_173 = vector.shape_cast %get3A_172 : vector<1x16xf32> to vector<16xf32>
        %mul3A_174 = vector.broadcast %squeeze3A_169 : f32 to vector<16xf32>
        %mul3A_175 = arith.mulf %get3A_173, %mul3A_174 : vector<16xf32>
        %swap3A_176 = arith.index_cast %add3A_167 : i32 to index
        %swap3A_177 = arith.constant 0 : index
        %swap3A_178 = tpu.vector_load %arg12[%swap3A_176, %swap3A_177] {strides = array<i32>} : memref<512x32xf32, #tpu.memory_space<vmem>>, vector<1x16xf32>,
        %swap3A_179 = vector.shape_cast %swap3A_178 : vector<1x16xf32> to vector<16xf32>
        %swap3A_180 = vector.shape_cast %mul3A_175 : vector<16xf32> to vector<1x16xf32>
        tpu.vector_store %arg12[%swap3A_176, %swap3A_177], %swap3A_180 {strides = array<i32>} : memref<512x32xf32, #tpu.memory_space<vmem>>, vector<1x16xf32>,
        %get3A_181 = arith.index_cast %add3A_167 : i32 to index
        %get3A_182 = arith.constant 16 : index
        %get3A_183 = tpu.vector_load %arg12[%get3A_181, %get3A_182] {strides = array<i32>} : memref<512x32xf32, #tpu.memory_space<vmem>>, vector<1x16xf32>,
        %get3A_184 = vector.shape_cast %get3A_183 : vector<1x16xf32> to vector<16xf32>
        %mul3A_185 = vector.broadcast %squeeze3A_169 : f32 to vector<16xf32>
        %mul3A_186 = arith.mulf %get3A_184, %mul3A_185 : vector<16xf32>
        %swap3A_187 = arith.index_cast %add3A_167 : i32 to index
        %swap3A_188 = arith.constant 16 : index
        %swap3A_189 = tpu.vector_load %arg12[%swap3A_187, %swap3A_188] {strides = array<i32>} : memref<512x32xf32, #tpu.memory_space<vmem>>, vector<1x16xf32>,
        %swap3A_190 = vector.shape_cast %swap3A_189 : vector<1x16xf32> to vector<16xf32>
        %swap3A_191 = vector.shape_cast %mul3A_186 : vector<16xf32> to vector<1x16xf32>
        tpu.vector_store %arg12[%swap3A_187, %swap3A_188], %swap3A_191 {strides = array<i32>} : memref<512x32xf32, #tpu.memory_space<vmem>>, vector<1x16xf32>,
        %mul3A_192 = arith.constant 16 : i32
        %mul3A_193 = arith.muli %add3A_78, %mul3A_192 : i32
        %add3A_194 = arith.constant 4 : i32
        %add3A_195 = arith.addi %mul3A_193, %add3A_194 : i32
        %slice3A_196 = vector.extract_strided_slice %get3A_82 {offsets = [4], sizes = [1], strides = [1]} : vector<16xf32> to vector<1xf32>
        %squeeze3A_197 = vector.extract %slice3A_196[0] : f32 from vector<1xf32>
        %get3A_198 = arith.index_cast %add3A_195 : i32 to index
        %get3A_199 = arith.constant 0 : index
        %get3A_200 = tpu.vector_load %arg12[%get3A_198, %get3A_199] {strides = array<i32>} : memref<512x32xf32, #tpu.memory_space<vmem>>, vector<1x16xf32>,
        %get3A_201 = vector.shape_cast %get3A_200 : vector<1x16xf32> to vector<16xf32>
        %mul3A_202 = vector.broadcast %squeeze3A_197 : f32 to vector<16xf32>
        %mul3A_203 = arith.mulf %get3A_201, %mul3A_202 : vector<16xf32>
        %swap3A_204 = arith.index_cast %add3A_195 : i32 to index
        %swap3A_205 = arith.constant 0 : index
        %swap3A_206 = tpu.vector_load %arg12[%swap3A_204, %swap3A_205] {strides = array<i32>} : memref<512x32xf32, #tpu.memory_space<vmem>>, vector<1x16xf32>,
        %swap3A_207 = vector.shape_cast %swap3A_206 : vector<1x16xf32> to vector<16xf32>
        %swap3A_208 = vector.shape_cast %mul3A_203 : vector<16xf32> to vector<1x16xf32>
        tpu.vector_store %arg12[%swap3A_204, %swap3A_205], %swap3A_208 {strides = array<i32>} : memref<512x32xf32, #tpu.memory_space<vmem>>, vector<1x16xf32>,
        %get3A_209 = arith.index_cast %add3A_195 : i32 to index
        %get3A_210 = arith.constant 16 : index
        %get3A_211 = tpu.vector_load %arg12[%get3A_209, %get3A_210] {strides = array<i32>} : memref<512x32xf32, #tpu.memory_space<vmem>>, vector<1x16xf32>,
        %get3A_212 = vector.shape_cast %get3A_211 : vector<1x16xf32> to vector<16xf32>
        %mul3A_213 = vector.broadcast %squeeze3A_197 : f32 to vector<16xf32>
        %mul3A_214 = arith.mulf %get3A_212, %mul3A_213 : vector<16xf32>
        %swap3A_215 = arith.index_cast %add3A_195 : i32 to index
        %swap3A_216 = arith.constant 16 : index
        %swap3A_217 = tpu.vector_load %arg12[%swap3A_215, %swap3A_216] {strides = array<i32>} : memref<512x32xf32, #tpu.memory_space<vmem>>, vector<1x16xf32>,
        %swap3A_218 = vector.shape_cast %swap3A_217 : vector<1x16xf32> to vector<16xf32>
        %swap3A_219 = vector.shape_cast %mul3A_214 : vector<16xf32> to vector<1x16xf32>
        tpu.vector_store %arg12[%swap3A_215, %swap3A_216], %swap3A_219 {strides = array<i32>} : memref<512x32xf32, #tpu.memory_space<vmem>>, vector<1x16xf32>,
        %mul3A_220 = arith.constant 16 : i32
        %mul3A_221 = arith.muli %add3A_78, %mul3A_220 : i32
        %add3A_222 = arith.constant 5 : i32
        %add3A_223 = arith.addi %mul3A_221, %add3A_222 : i32
        %slice3A_224 = vector.extract_strided_slice %get3A_82 {offsets = [5], sizes = [1], strides = [1]} : vector<16xf32> to vector<1xf32>
        %squeeze3A_225 = vector.extract %slice3A_224[0] : f32 from vector<1xf32>
        %get3A_226 = arith.index_cast %add3A_223 : i32 to index
        %get3A_227 = arith.constant 0 : index
        %get3A_228 = tpu.vector_load %arg12[%get3A_226, %get3A_227] {strides = array<i32>} : memref<512x32xf32, #tpu.memory_space<vmem>>, vector<1x16xf32>,
        %get3A_229 = vector.shape_cast %get3A_228 : vector<1x16xf32> to vector<16xf32>
        %mul3A_230 = vector.broadcast %squeeze3A_225 : f32 to vector<16xf32>
        %mul3A_231 = arith.mulf %get3A_229, %mul3A_230 : vector<16xf32>
        %swap3A_232 = arith.index_cast %add3A_223 : i32 to index
        %swap3A_233 = arith.constant 0 : index
        %swap3A_234 = tpu.vector_load %arg12[%swap3A_232, %swap3A_233] {strides = array<i32>} : memref<512x32xf32, #tpu.memory_space<vmem>>, vector<1x16xf32>,
        %swap3A_235 = vector.shape_cast %swap3A_234 : vector<1x16xf32> to vector<16xf32>
        %swap3A_236 = vector.shape_cast %mul3A_231 : vector<16xf32> to vector<1x16xf32>
        tpu.vector_store %arg12[%swap3A_232, %swap3A_233], %swap3A_236 {strides = array<i32>} : memref<512x32xf32, #tpu.memory_space<vmem>>, vector<1x16xf32>,
        %get3A_237 = arith.index_cast %add3A_223 : i32 to index
        %get3A_238 = arith.constant 16 : index
        %get3A_239 = tpu.vector_load %arg12[%get3A_237, %get3A_238] {strides = array<i32>} : memref<512x32xf32, #tpu.memory_space<vmem>>, vector<1x16xf32>,
        %get3A_240 = vector.shape_cast %get3A_239 : vector<1x16xf32> to vector<16xf32>
        %mul3A_241 = vector.broadcast %squeeze3A_225 : f32 to vector<16xf32>
        %mul3A_242 = arith.mulf %get3A_240, %mul3A_241 : vector<16xf32>
        %swap3A_243 = arith.index_cast %add3A_223 : i32 to index
        %swap3A_244 = arith.constant 16 : index
        %swap3A_245 = tpu.vector_load %arg12[%swap3A_243, %swap3A_244] {strides = array<i32>} : memref<512x32xf32, #tpu.memory_space<vmem>>, vector<1x16xf32>,
        %swap3A_246 = vector.shape_cast %swap3A_245 : vector<1x16xf32> to vector<16xf32>
        %swap3A_247 = vector.shape_cast %mul3A_242 : vector<16xf32> to vector<1x16xf32>
        tpu.vector_store %arg12[%swap3A_243, %swap3A_244], %swap3A_247 {strides = array<i32>} : memref<512x32xf32, #tpu.memory_space<vmem>>, vector<1x16xf32>,
        %mul3A_248 = arith.constant 16 : i32
        %mul3A_249 = arith.muli %add3A_78, %mul3A_248 : i32
        %add3A_250 = arith.constant 6 : i32
        %add3A_251 = arith.addi %mul3A_249, %add3A_250 : i32
        %slice3A_252 = vector.extract_strided_slice %get3A_82 {offsets = [6], sizes = [1], strides = [1]} : vector<16xf32> to vector<1xf32>
        %squeeze3A_253 = vector.extract %slice3A_252[0] : f32 from vector<1xf32>
        %get3A_254 = arith.index_cast %add3A_251 : i32 to index
        %get3A_255 = arith.constant 0 : index
        %get3A_256 = tpu.vector_load %arg12[%get3A_254, %get3A_255] {strides = array<i32>} : memref<512x32xf32, #tpu.memory_space<vmem>>, vector<1x16xf32>,
        %get3A_257 = vector.shape_cast %get3A_256 : vector<1x16xf32> to vector<16xf32>
        %mul3A_258 = vector.broadcast %squeeze3A_253 : f32 to vector<16xf32>
        %mul3A_259 = arith.mulf %get3A_257, %mul3A_258 : vector<16xf32>
        %swap3A_260 = arith.index_cast %add3A_251 : i32 to index
        %swap3A_261 = arith.constant 0 : index
        %swap3A_262 = tpu.vector_load %arg12[%swap3A_260, %swap3A_261] {strides = array<i32>} : memref<512x32xf32, #tpu.memory_space<vmem>>, vector<1x16xf32>,
        %swap3A_263 = vector.shape_cast %swap3A_262 : vector<1x16xf32> to vector<16xf32>
        %swap3A_264 = vector.shape_cast %mul3A_259 : vector<16xf32> to vector<1x16xf32>
        tpu.vector_store %arg12[%swap3A_260, %swap3A_261], %swap3A_264 {strides = array<i32>} : memref<512x32xf32, #tpu.memory_space<vmem>>, vector<1x16xf32>,
        %get3A_265 = arith.index_cast %add3A_251 : i32 to index
        %get3A_266 = arith.constant 16 : index
        %get3A_267 = tpu.vector_load %arg12[%get3A_265, %get3A_266] {strides = array<i32>} : memref<512x32xf32, #tpu.memory_space<vmem>>, vector<1x16xf32>,
        %get3A_268 = vector.shape_cast %get3A_267 : vector<1x16xf32> to vector<16xf32>
        %mul3A_269 = vector.broadcast %squeeze3A_253 : f32 to vector<16xf32>
        %mul3A_270 = arith.mulf %get3A_268, %mul3A_269 : vector<16xf32>
        %swap3A_271 = arith.index_cast %add3A_251 : i32 to index
        %swap3A_272 = arith.constant 16 : index
        %swap3A_273 = tpu.vector_load %arg12[%swap3A_271, %swap3A_272] {strides = array<i32>} : memref<512x32xf32, #tpu.memory_space<vmem>>, vector<1x16xf32>,
        %swap3A_274 = vector.shape_cast %swap3A_273 : vector<1x16xf32> to vector<16xf32>
        %swap3A_275 = vector.shape_cast %mul3A_270 : vector<16xf32> to vector<1x16xf32>
        tpu.vector_store %arg12[%swap3A_271, %swap3A_272], %swap3A_275 {strides = array<i32>} : memref<512x32xf32, #tpu.memory_space<vmem>>, vector<1x16xf32>,
        %mul3A_276 = arith.constant 16 : i32
        %mul3A_277 = arith.muli %add3A_78, %mul3A_276 : i32
        %add3A_278 = arith.constant 7 : i32
        %add3A_279 = arith.addi %mul3A_277, %add3A_278 : i32
        %slice3A_280 = vector.extract_strided_slice %get3A_82 {offsets = [7], sizes = [1], strides = [1]} : vector<16xf32> to vector<1xf32>
        %squeeze3A_281 = vector.extract %slice3A_280[0] : f32 from vector<1xf32>
        %get3A_282 = arith.index_cast %add3A_279 : i32 to index
        %get3A_283 = arith.constant 0 : index
        %get3A_284 = tpu.vector_load %arg12[%get3A_282, %get3A_283] {strides = array<i32>} : memref<512x32xf32, #tpu.memory_space<vmem>>, vector<1x16xf32>,
        %get3A_285 = vector.shape_cast %get3A_284 : vector<1x16xf32> to vector<16xf32>
        %mul3A_286 = vector.broadcast %squeeze3A_281 : f32 to vector<16xf32>
        %mul3A_287 = arith.mulf %get3A_285, %mul3A_286 : vector<16xf32>
        %swap3A_288 = arith.index_cast %add3A_279 : i32 to index
        %swap3A_289 = arith.constant 0 : index
        %swap3A_290 = tpu.vector_load %arg12[%swap3A_288, %swap3A_289] {strides = array<i32>} : memref<512x32xf32, #tpu.memory_space<vmem>>, vector<1x16xf32>,
        %swap3A_291 = vector.shape_cast %swap3A_290 : vector<1x16xf32> to vector<16xf32>
        %swap3A_292 = vector.shape_cast %mul3A_287 : vector<16xf32> to vector<1x16xf32>
        tpu.vector_store %arg12[%swap3A_288, %swap3A_289], %swap3A_292 {strides = array<i32>} : memref<512x32xf32, #tpu.memory_space<vmem>>, vector<1x16xf32>,
        %get3A_293 = arith.index_cast %add3A_279 : i32 to index
        %get3A_294 = arith.constant 16 : index
        %get3A_295 = tpu.vector_load %arg12[%get3A_293, %get3A_294] {strides = array<i32>} : memref<512x32xf32, #tpu.memory_space<vmem>>, vector<1x16xf32>,
        %get3A_296 = vector.shape_cast %get3A_295 : vector<1x16xf32> to vector<16xf32>
        %mul3A_297 = vector.broadcast %squeeze3A_281 : f32 to vector<16xf32>
        %mul3A_298 = arith.mulf %get3A_296, %mul3A_297 : vector<16xf32>
        %swap3A_299 = arith.index_cast %add3A_279 : i32 to index
        %swap3A_300 = arith.constant 16 : index
        %swap3A_301 = tpu.vector_load %arg12[%swap3A_299, %swap3A_300] {strides = array<i32>} : memref<512x32xf32, #tpu.memory_space<vmem>>, vector<1x16xf32>,
        %swap3A_302 = vector.shape_cast %swap3A_301 : vector<1x16xf32> to vector<16xf32>
        %swap3A_303 = vector.shape_cast %mul3A_298 : vector<16xf32> to vector<1x16xf32>
        tpu.vector_store %arg12[%swap3A_299, %swap3A_300], %swap3A_303 {strides = array<i32>} : memref<512x32xf32, #tpu.memory_space<vmem>>, vector<1x16xf32>,
        %mul3A_304 = arith.constant 16 : i32
        %mul3A_305 = arith.muli %add3A_78, %mul3A_304 : i32
        %add3A_306 = arith.constant 8 : i32
        %add3A_307 = arith.addi %mul3A_305, %add3A_306 : i32
        %slice3A_308 = vector.extract_strided_slice %get3A_82 {offsets = [8], sizes = [1], strides = [1]} : vector<16xf32> to vector<1xf32>
        %squeeze3A_309 = vector.extract %slice3A_308[0] : f32 from vector<1xf32>
        %get3A_310 = arith.index_cast %add3A_307 : i32 to index
        %get3A_311 = arith.constant 0 : index
        %get3A_312 = tpu.vector_load %arg12[%get3A_310, %get3A_311] {strides = array<i32>} : memref<512x32xf32, #tpu.memory_space<vmem>>, vector<1x16xf32>,
        %get3A_313 = vector.shape_cast %get3A_312 : vector<1x16xf32> to vector<16xf32>
        %mul3A_314 = vector.broadcast %squeeze3A_309 : f32 to vector<16xf32>
        %mul3A_315 = arith.mulf %get3A_313, %mul3A_314 : vector<16xf32>
        %swap3A_316 = arith.index_cast %add3A_307 : i32 to index
        %swap3A_317 = arith.constant 0 : index
        %swap3A_318 = tpu.vector_load %arg12[%swap3A_316, %swap3A_317] {strides = array<i32>} : memref<512x32xf32, #tpu.memory_space<vmem>>, vector<1x16xf32>,
        %swap3A_319 = vector.shape_cast %swap3A_318 : vector<1x16xf32> to vector<16xf32>
        %swap3A_320 = vector.shape_cast %mul3A_315 : vector<16xf32> to vector<1x16xf32>
        tpu.vector_store %arg12[%swap3A_316, %swap3A_317], %swap3A_320 {strides = array<i32>} : memref<512x32xf32, #tpu.memory_space<vmem>>, vector<1x16xf32>,
        %get3A_321 = arith.index_cast %add3A_307 : i32 to index
        %get3A_322 = arith.constant 16 : index
        %get3A_323 = tpu.vector_load %arg12[%get3A_321, %get3A_322] {strides = array<i32>} : memref<512x32xf32, #tpu.memory_space<vmem>>, vector<1x16xf32>,
        %get3A_324 = vector.shape_cast %get3A_323 : vector<1x16xf32> to vector<16xf32>
        %mul3A_325 = vector.broadcast %squeeze3A_309 : f32 to vector<16xf32>
        %mul3A_326 = arith.mulf %get3A_324, %mul3A_325 : vector<16xf32>
        %swap3A_327 = arith.index_cast %add3A_307 : i32 to index
        %swap3A_328 = arith.constant 16 : index
        %swap3A_329 = tpu.vector_load %arg12[%swap3A_327, %swap3A_328] {strides = array<i32>} : memref<512x32xf32, #tpu.memory_space<vmem>>, vector<1x16xf32>,
        %swap3A_330 = vector.shape_cast %swap3A_329 : vector<1x16xf32> to vector<16xf32>
        %swap3A_331 = vector.shape_cast %mul3A_326 : vector<16xf32> to vector<1x16xf32>
        tpu.vector_store %arg12[%swap3A_327, %swap3A_328], %swap3A_331 {strides = array<i32>} : memref<512x32xf32, #tpu.memory_space<vmem>>, vector<1x16xf32>,
        %mul3A_332 = arith.constant 16 : i32
        %mul3A_333 = arith.muli %add3A_78, %mul3A_332 : i32
        %add3A_334 = arith.constant 9 : i32
        %add3A_335 = arith.addi %mul3A_333, %add3A_334 : i32
        %slice3A_336 = vector.extract_strided_slice %get3A_82 {offsets = [9], sizes = [1], strides = [1]} : vector<16xf32> to vector<1xf32>
        %squeeze3A_337 = vector.extract %slice3A_336[0] : f32 from vector<1xf32>
        %get3A_338 = arith.index_cast %add3A_335 : i32 to index
        %get3A_339 = arith.constant 0 : index
        %get3A_340 = tpu.vector_load %arg12[%get3A_338, %get3A_339] {strides = array<i32>} : memref<512x32xf32, #tpu.memory_space<vmem>>, vector<1x16xf32>,
        %get3A_341 = vector.shape_cast %get3A_340 : vector<1x16xf32> to vector<16xf32>
        %mul3A_342 = vector.broadcast %squeeze3A_337 : f32 to vector<16xf32>
        %mul3A_343 = arith.mulf %get3A_341, %mul3A_342 : vector<16xf32>
        %swap3A_344 = arith.index_cast %add3A_335 : i32 to index
        %swap3A_345 = arith.constant 0 : index
        %swap3A_346 = tpu.vector_load %arg12[%swap3A_344, %swap3A_345] {strides = array<i32>} : memref<512x32xf32, #tpu.memory_space<vmem>>, vector<1x16xf32>,
        %swap3A_347 = vector.shape_cast %swap3A_346 : vector<1x16xf32> to vector<16xf32>
        %swap3A_348 = vector.shape_cast %mul3A_343 : vector<16xf32> to vector<1x16xf32>
        tpu.vector_store %arg12[%swap3A_344, %swap3A_345], %swap3A_348 {strides = array<i32>} : memref<512x32xf32, #tpu.memory_space<vmem>>, vector<1x16xf32>,
        %get3A_349 = arith.index_cast %add3A_335 : i32 to index
        %get3A_350 = arith.constant 16 : index
        %get3A_351 = tpu.vector_load %arg12[%get3A_349, %get3A_350] {strides = array<i32>} : memref<512x32xf32, #tpu.memory_space<vmem>>, vector<1x16xf32>,
        %get3A_352 = vector.shape_cast %get3A_351 : vector<1x16xf32> to vector<16xf32>
        %mul3A_353 = vector.broadcast %squeeze3A_337 : f32 to vector<16xf32>
        %mul3A_354 = arith.mulf %get3A_352, %mul3A_353 : vector<16xf32>
        %swap3A_355 = arith.index_cast %add3A_335 : i32 to index
        %swap3A_356 = arith.constant 16 : index
        %swap3A_357 = tpu.vector_load %arg12[%swap3A_355, %swap3A_356] {strides = array<i32>} : memref<512x32xf32, #tpu.memory_space<vmem>>, vector<1x16xf32>,
        %swap3A_358 = vector.shape_cast %swap3A_357 : vector<1x16xf32> to vector<16xf32>
        %swap3A_359 = vector.shape_cast %mul3A_354 : vector<16xf32> to vector<1x16xf32>
        tpu.vector_store %arg12[%swap3A_355, %swap3A_356], %swap3A_359 {strides = array<i32>} : memref<512x32xf32, #tpu.memory_space<vmem>>, vector<1x16xf32>,
        %mul3A_360 = arith.constant 16 : i32
        %mul3A_361 = arith.muli %add3A_78, %mul3A_360 : i32
        %add3A_362 = arith.constant 10 : i32
        %add3A_363 = arith.addi %mul3A_361, %add3A_362 : i32
        %slice3A_364 = vector.extract_strided_slice %get3A_82 {offsets = [10], sizes = [1], strides = [1]} : vector<16xf32> to vector<1xf32>
        %squeeze3A_365 = vector.extract %slice3A_364[0] : f32 from vector<1xf32>
        %get3A_366 = arith.index_cast %add3A_363 : i32 to index
        %get3A_367 = arith.constant 0 : index
        %get3A_368 = tpu.vector_load %arg12[%get3A_366, %get3A_367] {strides = array<i32>} : memref<512x32xf32, #tpu.memory_space<vmem>>, vector<1x16xf32>,
        %get3A_369 = vector.shape_cast %get3A_368 : vector<1x16xf32> to vector<16xf32>
        %mul3A_370 = vector.broadcast %squeeze3A_365 : f32 to vector<16xf32>
        %mul3A_371 = arith.mulf %get3A_369, %mul3A_370 : vector<16xf32>
        %swap3A_372 = arith.index_cast %add3A_363 : i32 to index
        %swap3A_373 = arith.constant 0 : index
        %swap3A_374 = tpu.vector_load %arg12[%swap3A_372, %swap3A_373] {strides = array<i32>} : memref<512x32xf32, #tpu.memory_space<vmem>>, vector<1x16xf32>,
        %swap3A_375 = vector.shape_cast %swap3A_374 : vector<1x16xf32> to vector<16xf32>
        %swap3A_376 = vector.shape_cast %mul3A_371 : vector<16xf32> to vector<1x16xf32>
        tpu.vector_store %arg12[%swap3A_372, %swap3A_373], %swap3A_376 {strides = array<i32>} : memref<512x32xf32, #tpu.memory_space<vmem>>, vector<1x16xf32>,
        %get3A_377 = arith.index_cast %add3A_363 : i32 to index
        %get3A_378 = arith.constant 16 : index
        %get3A_379 = tpu.vector_load %arg12[%get3A_377, %get3A_378] {strides = array<i32>} : memref<512x32xf32, #tpu.memory_space<vmem>>, vector<1x16xf32>,
        %get3A_380 = vector.shape_cast %get3A_379 : vector<1x16xf32> to vector<16xf32>
        %mul3A_381 = vector.broadcast %squeeze3A_365 : f32 to vector<16xf32>
        %mul3A_382 = arith.mulf %get3A_380, %mul3A_381 : vector<16xf32>
        %swap3A_383 = arith.index_cast %add3A_363 : i32 to index
        %swap3A_384 = arith.constant 16 : index
        %swap3A_385 = tpu.vector_load %arg12[%swap3A_383, %swap3A_384] {strides = array<i32>} : memref<512x32xf32, #tpu.memory_space<vmem>>, vector<1x16xf32>,
        %swap3A_386 = vector.shape_cast %swap3A_385 : vector<1x16xf32> to vector<16xf32>
        %swap3A_387 = vector.shape_cast %mul3A_382 : vector<16xf32> to vector<1x16xf32>
        tpu.vector_store %arg12[%swap3A_383, %swap3A_384], %swap3A_387 {strides = array<i32>} : memref<512x32xf32, #tpu.memory_space<vmem>>, vector<1x16xf32>,
        %mul3A_388 = arith.constant 16 : i32
        %mul3A_389 = arith.muli %add3A_78, %mul3A_388 : i32
        %add3A_390 = arith.constant 11 : i32
        %add3A_391 = arith.addi %mul3A_389, %add3A_390 : i32
        %slice3A_392 = vector.extract_strided_slice %get3A_82 {offsets = [11], sizes = [1], strides = [1]} : vector<16xf32> to vector<1xf32>
        %squeeze3A_393 = vector.extract %slice3A_392[0] : f32 from vector<1xf32>
        %get3A_394 = arith.index_cast %add3A_391 : i32 to index
        %get3A_395 = arith.constant 0 : index
        %get3A_396 = tpu.vector_load %arg12[%get3A_394, %get3A_395] {strides = array<i32>} : memref<512x32xf32, #tpu.memory_space<vmem>>, vector<1x16xf32>,
        %get3A_397 = vector.shape_cast %get3A_396 : vector<1x16xf32> to vector<16xf32>
        %mul3A_398 = vector.broadcast %squeeze3A_393 : f32 to vector<16xf32>
        %mul3A_399 = arith.mulf %get3A_397, %mul3A_398 : vector<16xf32>
        %swap3A_400 = arith.index_cast %add3A_391 : i32 to index
        %swap3A_401 = arith.constant 0 : index
        %swap3A_402 = tpu.vector_load %arg12[%swap3A_400, %swap3A_401] {strides = array<i32>} : memref<512x32xf32, #tpu.memory_space<vmem>>, vector<1x16xf32>,
        %swap3A_403 = vector.shape_cast %swap3A_402 : vector<1x16xf32> to vector<16xf32>
        %swap3A_404 = vector.shape_cast %mul3A_399 : vector<16xf32> to vector<1x16xf32>
        tpu.vector_store %arg12[%swap3A_400, %swap3A_401], %swap3A_404 {strides = array<i32>} : memref<512x32xf32, #tpu.memory_space<vmem>>, vector<1x16xf32>,
        %get3A_405 = arith.index_cast %add3A_391 : i32 to index
        %get3A_406 = arith.constant 16 : index
        %get3A_407 = tpu.vector_load %arg12[%get3A_405, %get3A_406] {strides = array<i32>} : memref<512x32xf32, #tpu.memory_space<vmem>>, vector<1x16xf32>,
        %get3A_408 = vector.shape_cast %get3A_407 : vector<1x16xf32> to vector<16xf32>
        %mul3A_409 = vector.broadcast %squeeze3A_393 : f32 to vector<16xf32>
        %mul3A_410 = arith.mulf %get3A_408, %mul3A_409 : vector<16xf32>
        %swap3A_411 = arith.index_cast %add3A_391 : i32 to index
        %swap3A_412 = arith.constant 16 : index
        %swap3A_413 = tpu.vector_load %arg12[%swap3A_411, %swap3A_412] {strides = array<i32>} : memref<512x32xf32, #tpu.memory_space<vmem>>, vector<1x16xf32>,
        %swap3A_414 = vector.shape_cast %swap3A_413 : vector<1x16xf32> to vector<16xf32>
        %swap3A_415 = vector.shape_cast %mul3A_410 : vector<16xf32> to vector<1x16xf32>
        tpu.vector_store %arg12[%swap3A_411, %swap3A_412], %swap3A_415 {strides = array<i32>} : memref<512x32xf32, #tpu.memory_space<vmem>>, vector<1x16xf32>,
        %mul3A_416 = arith.constant 16 : i32
        %mul3A_417 = arith.muli %add3A_78, %mul3A_416 : i32
        %add3A_418 = arith.constant 12 : i32
        %add3A_419 = arith.addi %mul3A_417, %add3A_418 : i32
        %slice3A_420 = vector.extract_strided_slice %get3A_82 {offsets = [12], sizes = [1], strides = [1]} : vector<16xf32> to vector<1xf32>
        %squeeze3A_421 = vector.extract %slice3A_420[0] : f32 from vector<1xf32>
        %get3A_422 = arith.index_cast %add3A_419 : i32 to index
        %get3A_423 = arith.constant 0 : index
        %get3A_424 = tpu.vector_load %arg12[%get3A_422, %get3A_423] {strides = array<i32>} : memref<512x32xf32, #tpu.memory_space<vmem>>, vector<1x16xf32>,
        %get3A_425 = vector.shape_cast %get3A_424 : vector<1x16xf32> to vector<16xf32>
        %mul3A_426 = vector.broadcast %squeeze3A_421 : f32 to vector<16xf32>
        %mul3A_427 = arith.mulf %get3A_425, %mul3A_426 : vector<16xf32>
        %swap3A_428 = arith.index_cast %add3A_419 : i32 to index
        %swap3A_429 = arith.constant 0 : index
        %swap3A_430 = tpu.vector_load %arg12[%swap3A_428, %swap3A_429] {strides = array<i32>} : memref<512x32xf32, #tpu.memory_space<vmem>>, vector<1x16xf32>,
        %swap3A_431 = vector.shape_cast %swap3A_430 : vector<1x16xf32> to vector<16xf32>
        %swap3A_432 = vector.shape_cast %mul3A_427 : vector<16xf32> to vector<1x16xf32>
        tpu.vector_store %arg12[%swap3A_428, %swap3A_429], %swap3A_432 {strides = array<i32>} : memref<512x32xf32, #tpu.memory_space<vmem>>, vector<1x16xf32>,
        %get3A_433 = arith.index_cast %add3A_419 : i32 to index
        %get3A_434 = arith.constant 16 : index
        %get3A_435 = tpu.vector_load %arg12[%get3A_433, %get3A_434] {strides = array<i32>} : memref<512x32xf32, #tpu.memory_space<vmem>>, vector<1x16xf32>,
        %get3A_436 = vector.shape_cast %get3A_435 : vector<1x16xf32> to vector<16xf32>
        %mul3A_437 = vector.broadcast %squeeze3A_421 : f32 to vector<16xf32>
        %mul3A_438 = arith.mulf %get3A_436, %mul3A_437 : vector<16xf32>
        %swap3A_439 = arith.index_cast %add3A_419 : i32 to index
        %swap3A_440 = arith.constant 16 : index
        %swap3A_441 = tpu.vector_load %arg12[%swap3A_439, %swap3A_440] {strides = array<i32>} : memref<512x32xf32, #tpu.memory_space<vmem>>, vector<1x16xf32>,
        %swap3A_442 = vector.shape_cast %swap3A_441 : vector<1x16xf32> to vector<16xf32>
        %swap3A_443 = vector.shape_cast %mul3A_438 : vector<16xf32> to vector<1x16xf32>
        tpu.vector_store %arg12[%swap3A_439, %swap3A_440], %swap3A_443 {strides = array<i32>} : memref<512x32xf32, #tpu.memory_space<vmem>>, vector<1x16xf32>,
        %mul3A_444 = arith.constant 16 : i32
        %mul3A_445 = arith.muli %add3A_78, %mul3A_444 : i32
        %add3A_446 = arith.constant 13 : i32
        %add3A_447 = arith.addi %mul3A_445, %add3A_446 : i32
        %slice3A_448 = vector.extract_strided_slice %get3A_82 {offsets = [13], sizes = [1], strides = [1]} : vector<16xf32> to vector<1xf32>
        %squeeze3A_449 = vector.extract %slice3A_448[0] : f32 from vector<1xf32>
        %get3A_450 = arith.index_cast %add3A_447 : i32 to index
        %get3A_451 = arith.constant 0 : index
        %get3A_452 = tpu.vector_load %arg12[%get3A_450, %get3A_451] {strides = array<i32>} : memref<512x32xf32, #tpu.memory_space<vmem>>, vector<1x16xf32>,
        %get3A_453 = vector.shape_cast %get3A_452 : vector<1x16xf32> to vector<16xf32>
        %mul3A_454 = vector.broadcast %squeeze3A_449 : f32 to vector<16xf32>
        %mul3A_455 = arith.mulf %get3A_453, %mul3A_454 : vector<16xf32>
        %swap3A_456 = arith.index_cast %add3A_447 : i32 to index
        %swap3A_457 = arith.constant 0 : index
        %swap3A_458 = tpu.vector_load %arg12[%swap3A_456, %swap3A_457] {strides = array<i32>} : memref<512x32xf32, #tpu.memory_space<vmem>>, vector<1x16xf32>,
        %swap3A_459 = vector.shape_cast %swap3A_458 : vector<1x16xf32> to vector<16xf32>
        %swap3A_460 = vector.shape_cast %mul3A_455 : vector<16xf32> to vector<1x16xf32>
        tpu.vector_store %arg12[%swap3A_456, %swap3A_457], %swap3A_460 {strides = array<i32>} : memref<512x32xf32, #tpu.memory_space<vmem>>, vector<1x16xf32>,
        %get3A_461 = arith.index_cast %add3A_447 : i32 to index
        %get3A_462 = arith.constant 16 : index
        %get3A_463 = tpu.vector_load %arg12[%get3A_461, %get3A_462] {strides = array<i32>} : memref<512x32xf32, #tpu.memory_space<vmem>>, vector<1x16xf32>,
        %get3A_464 = vector.shape_cast %get3A_463 : vector<1x16xf32> to vector<16xf32>
        %mul3A_465 = vector.broadcast %squeeze3A_449 : f32 to vector<16xf32>
        %mul3A_466 = arith.mulf %get3A_464, %mul3A_465 : vector<16xf32>
        %swap3A_467 = arith.index_cast %add3A_447 : i32 to index
        %swap3A_468 = arith.constant 16 : index
        %swap3A_469 = tpu.vector_load %arg12[%swap3A_467, %swap3A_468] {strides = array<i32>} : memref<512x32xf32, #tpu.memory_space<vmem>>, vector<1x16xf32>,
        %swap3A_470 = vector.shape_cast %swap3A_469 : vector<1x16xf32> to vector<16xf32>
        %swap3A_471 = vector.shape_cast %mul3A_466 : vector<16xf32> to vector<1x16xf32>
        tpu.vector_store %arg12[%swap3A_467, %swap3A_468], %swap3A_471 {strides = array<i32>} : memref<512x32xf32, #tpu.memory_space<vmem>>, vector<1x16xf32>,
        %mul3A_472 = arith.constant 16 : i32
        %mul3A_473 = arith.muli %add3A_78, %mul3A_472 : i32
        %add3A_474 = arith.constant 14 : i32
        %add3A_475 = arith.addi %mul3A_473, %add3A_474 : i32
        %slice3A_476 = vector.extract_strided_slice %get3A_82 {offsets = [14], sizes = [1], strides = [1]} : vector<16xf32> to vector<1xf32>
        %squeeze3A_477 = vector.extract %slice3A_476[0] : f32 from vector<1xf32>
        %get3A_478 = arith.index_cast %add3A_475 : i32 to index
        %get3A_479 = arith.constant 0 : index
        %get3A_480 = tpu.vector_load %arg12[%get3A_478, %get3A_479] {strides = array<i32>} : memref<512x32xf32, #tpu.memory_space<vmem>>, vector<1x16xf32>,
        %get3A_481 = vector.shape_cast %get3A_480 : vector<1x16xf32> to vector<16xf32>
        %mul3A_482 = vector.broadcast %squeeze3A_477 : f32 to vector<16xf32>
        %mul3A_483 = arith.mulf %get3A_481, %mul3A_482 : vector<16xf32>
        %swap3A_484 = arith.index_cast %add3A_475 : i32 to index
        %swap3A_485 = arith.constant 0 : index
        %swap3A_486 = tpu.vector_load %arg12[%swap3A_484, %swap3A_485] {strides = array<i32>} : memref<512x32xf32, #tpu.memory_space<vmem>>, vector<1x16xf32>,
        %swap3A_487 = vector.shape_cast %swap3A_486 : vector<1x16xf32> to vector<16xf32>
        %swap3A_488 = vector.shape_cast %mul3A_483 : vector<16xf32> to vector<1x16xf32>
        tpu.vector_store %arg12[%swap3A_484, %swap3A_485], %swap3A_488 {strides = array<i32>} : memref<512x32xf32, #tpu.memory_space<vmem>>, vector<1x16xf32>,
        %get3A_489 = arith.index_cast %add3A_475 : i32 to index
        %get3A_490 = arith.constant 16 : index
        %get3A_491 = tpu.vector_load %arg12[%get3A_489, %get3A_490] {strides = array<i32>} : memref<512x32xf32, #tpu.memory_space<vmem>>, vector<1x16xf32>,
        %get3A_492 = vector.shape_cast %get3A_491 : vector<1x16xf32> to vector<16xf32>
        %mul3A_493 = vector.broadcast %squeeze3A_477 : f32 to vector<16xf32>
        %mul3A_494 = arith.mulf %get3A_492, %mul3A_493 : vector<16xf32>
        %swap3A_495 = arith.index_cast %add3A_475 : i32 to index
        %swap3A_496 = arith.constant 16 : index
        %swap3A_497 = tpu.vector_load %arg12[%swap3A_495, %swap3A_496] {strides = array<i32>} : memref<512x32xf32, #tpu.memory_space<vmem>>, vector<1x16xf32>,
        %swap3A_498 = vector.shape_cast %swap3A_497 : vector<1x16xf32> to vector<16xf32>
        %swap3A_499 = vector.shape_cast %mul3A_494 : vector<16xf32> to vector<1x16xf32>
        tpu.vector_store %arg12[%swap3A_495, %swap3A_496], %swap3A_499 {strides = array<i32>} : memref<512x32xf32, #tpu.memory_space<vmem>>, vector<1x16xf32>,
        %mul3A_500 = arith.constant 16 : i32
        %mul3A_501 = arith.muli %add3A_78, %mul3A_500 : i32
        %add3A_502 = arith.constant 15 : i32
        %add3A_503 = arith.addi %mul3A_501, %add3A_502 : i32
        %slice3A_504 = vector.extract_strided_slice %get3A_82 {offsets = [15], sizes = [1], strides = [1]} : vector<16xf32> to vector<1xf32>
        %squeeze3A_505 = vector.extract %slice3A_504[0] : f32 from vector<1xf32>
        %get3A_506 = arith.index_cast %add3A_503 : i32 to index
        %get3A_507 = arith.constant 0 : index
        %get3A_508 = tpu.vector_load %arg12[%get3A_506, %get3A_507] {strides = array<i32>} : memref<512x32xf32, #tpu.memory_space<vmem>>, vector<1x16xf32>,
        %get3A_509 = vector.shape_cast %get3A_508 : vector<1x16xf32> to vector<16xf32>
        %mul3A_510 = vector.broadcast %squeeze3A_505 : f32 to vector<16xf32>
        %mul3A_511 = arith.mulf %get3A_509, %mul3A_510 : vector<16xf32>
        %swap3A_512 = arith.index_cast %add3A_503 : i32 to index
        %swap3A_513 = arith.constant 0 : index
        %swap3A_514 = tpu.vector_load %arg12[%swap3A_512, %swap3A_513] {strides = array<i32>} : memref<512x32xf32, #tpu.memory_space<vmem>>, vector<1x16xf32>,
        %swap3A_515 = vector.shape_cast %swap3A_514 : vector<1x16xf32> to vector<16xf32>
        %swap3A_516 = vector.shape_cast %mul3A_511 : vector<16xf32> to vector<1x16xf32>
        tpu.vector_store %arg12[%swap3A_512, %swap3A_513], %swap3A_516 {strides = array<i32>} : memref<512x32xf32, #tpu.memory_space<vmem>>, vector<1x16xf32>,
        %get3A_517 = arith.index_cast %add3A_503 : i32 to index
        %get3A_518 = arith.constant 16 : index
        %get3A_519 = tpu.vector_load %arg12[%get3A_517, %get3A_518] {strides = array<i32>} : memref<512x32xf32, #tpu.memory_space<vmem>>, vector<1x16xf32>,
        %get3A_520 = vector.shape_cast %get3A_519 : vector<1x16xf32> to vector<16xf32>
        %mul3A_521 = vector.broadcast %squeeze3A_505 : f32 to vector<16xf32>
        %mul3A_522 = arith.mulf %get3A_520, %mul3A_521 : vector<16xf32>
        %swap3A_523 = arith.index_cast %add3A_503 : i32 to index
        %swap3A_524 = arith.constant 16 : index
        %swap3A_525 = tpu.vector_load %arg12[%swap3A_523, %swap3A_524] {strides = array<i32>} : memref<512x32xf32, #tpu.memory_space<vmem>>, vector<1x16xf32>,
        %swap3A_526 = vector.shape_cast %swap3A_525 : vector<1x16xf32> to vector<16xf32>
        %swap3A_527 = vector.shape_cast %mul3A_522 : vector<16xf32> to vector<1x16xf32>
        tpu.vector_store %arg12[%swap3A_523, %swap3A_524], %swap3A_527 {strides = array<i32>} : memref<512x32xf32, #tpu.memory_space<vmem>>, vector<1x16xf32>,
      }
      %scan3A_63 = arith.constant 32 : i32
      %scan3A_64 = arith.constant 0 : i32
      %scan3A_65 = arith.constant 4 : i32
      %scan3A_66 = arith.addi %scan3A_64, %scan3A_65 : i32
      %scan3A_67 = arith.constant 1 : i32
      scf.for %scan3A_74 = %scan3A_64 to %scan3A_66 step %scan3A_67  : i32 {
        %mul3A_75 = arith.constant 1 : i32
        %mul3A_76 = arith.muli %scan3A_74, %mul3A_75 : i32
        %add3A_77 = arith.constant 0 : i32
        %add3A_78 = arith.addi %add3A_77, %mul3A_76 : i32
        %mul3A_79 = arith.constant 128 : i32
        %mul3A_80 = arith.muli %add3A_78, %mul3A_79 : i32
        %dma_start3A = arith.constant 0 : i32
        %dma_start3A_81 = tpu.memref_slice %arg12[%mul3A_80, %dma_start3A] : memref<512x32xf32, #tpu.memory_space<vmem>> -> memref<128x32xf32, #tpu.memory_space<vmem>>
        %dma_start3A_82 = arith.constant 0 : i32
        %dma_start3A_83 = tpu.memref_slice %arg11[%add3A_78, %dma_start3A_82] : memref<4x128xi32, #tpu.memory_space<vmem>> -> memref<1x128xi32, #tpu.memory_space<vmem>>
        %dma_start3A_84 = tpu.memref_squeeze %dma_start3A_83 : memref<1x128xi32, #tpu.memory_space<vmem>> -> memref<128xi32, #tpu.memory_space<vmem>>
        %dma_start3A_85 = arith.constant 0 : i32
        %dma_start3A_86 = arith.constant 0 : i32
        %dma_start3A_87 = tpu.memref_slice %arg7[%dma_start3A_85, %dma_start3A_86] : memref<50048x32xf32, #tpu.memory_space<vmem_shared>> -> memref<50048x32xf32, #tpu.memory_space<vmem_shared>>
        tpu.enqueue_indirect_dma source(%dma_start3A_81 : memref<128x32xf32, #tpu.memory_space<vmem>>) target(%dma_start3A_87 : memref<50048x32xf32, #tpu.memory_space<vmem_shared>>) offsets(%dma_start3A_84 : memref<128xi32, #tpu.memory_space<vmem>>) semaphore(%arg13 : memref<!tpu.dma_semaphore, #tpu.memory_space<semaphore_mem>>) {add = true}
      }
      %scan3A_68 = arith.constant 4 : i32
      %scan3A_69 = arith.constant 0 : i32
      %scan3A_70 = arith.constant 4 : i32
      %scan3A_71 = arith.addi %scan3A_69, %scan3A_70 : i32
      %scan3A_72 = arith.constant 1 : i32
      scf.for %scan3A_74 = %scan3A_69 to %scan3A_71 step %scan3A_72  : i32 {
        %mul3A_75 = arith.constant 1 : i32
        %mul3A_76 = arith.muli %scan3A_74, %mul3A_75 : i32
        %add3A_77 = arith.constant 0 : i32
        %add3A_78 = arith.addi %add3A_77, %mul3A_76 : i32
        %mul3A_79 = arith.constant 128 : i32
        %mul3A_80 = arith.muli %add3A_78, %mul3A_79 : i32
        %dma_wait3A = arith.constant 0 : i32
        %dma_wait3A_81 = tpu.memref_slice %arg12[%mul3A_80, %dma_wait3A] : memref<512x32xf32, #tpu.memory_space<vmem>> -> memref<128x32xf32, #tpu.memory_space<vmem>>
        %dma_wait3A_82 = arith.constant 0 : i32
        %dma_wait3A_83 = tpu.memref_slice %arg11[%add3A_78, %dma_wait3A_82] : memref<4x128xi32, #tpu.memory_space<vmem>> -> memref<1x128xi32, #tpu.memory_space<vmem>>
        %dma_wait3A_84 = tpu.memref_squeeze %dma_wait3A_83 : memref<1x128xi32, #tpu.memory_space<vmem>> -> memref<128xi32, #tpu.memory_space<vmem>>
        %dma_wait3A_85 = arith.constant 0 : i32
        %dma_wait3A_86 = arith.constant 0 : i32
        %dma_wait3A_87 = tpu.memref_slice %arg7[%dma_wait3A_85, %dma_wait3A_86] : memref<50048x32xf32, #tpu.memory_space<vmem_shared>> -> memref<50048x32xf32, #tpu.memory_space<vmem_shared>>
        tpu.wait_indirect_dma semaphore(%arg13 : memref<!tpu.dma_semaphore, #tpu.memory_space<semaphore_mem>>) src(%dma_wait3A_81 : memref<128x32xf32, #tpu.memory_space<vmem>>) dst(%dma_wait3A_87 : memref<50048x32xf32, #tpu.memory_space<vmem_shared>>)
      }
      %scan3A_73 = arith.constant 4 : i32
    }
    %scan3A_24 = arith.constant 196 : i32
    %barrier3A_25 = arith.constant 0 : index
    tpu.barrier barrier_id(%barrier3A_25)
    %mul3A_26 = arith.constant 3128 : i32
    %mul3A_27 = arith.muli %arg1, %mul3A_26 : i32
    %lt3A = arith.constant 15 : i32
    %lt3A_28 = arith.cmpi slt, %arg1, %lt3A : i32
    %convert_element_type3A = arith.extui %lt3A_28 : i1 to i32
    %cond3A = arith.constant 0 : i32
    %cond3A_29 = arith.cmpi ne, %convert_element_type3A, %cond3A : i32
    scf.if %cond3A_29 {
      %add3A_34 = arith.addi %mul3A_0, %mul3A_27 : i32
      "tpu.region"() ({
        %run_scoped3A = tpu.sem_alloc : memref<!tpu.dma_semaphore, #tpu.memory_space<semaphore_mem>>
        %dma_start3A = arith.constant 0 : i32
        %dma_start3A_35 = tpu.memref_slice %arg6[%add3A_34, %dma_start3A] : memref<100000x32xf32, #tpu.memory_space<hbm>> -> memref<3128x32xf32, #tpu.memory_space<hbm>>
        %dma_start3A_36 = arith.constant 0 : i32
        %dma_start3A_37 = tpu.memref_slice %arg7[%mul3A_27, %dma_start3A_36] : memref<50048x32xf32, #tpu.memory_space<vmem_shared>> -> memref<3128x32xf32, #tpu.memory_space<vmem_shared>>
        tpu.enqueue_dma source(%dma_start3A_37 : memref<3128x32xf32, #tpu.memory_space<vmem_shared>>) target(%dma_start3A_35 : memref<3128x32xf32, #tpu.memory_space<hbm>>) target_semaphore(%run_scoped3A : memref<!tpu.dma_semaphore, #tpu.memory_space<semaphore_mem>>)
        %dma_wait3A = arith.constant 0 : i32
        %dma_wait3A_38 = tpu.memref_slice %arg6[%add3A_34, %dma_wait3A] : memref<100000x32xf32, #tpu.memory_space<hbm>> -> memref<3128x32xf32, #tpu.memory_space<hbm>>
        %dma_wait3A_39 = arith.constant 0 : i32
        %dma_wait3A_40 = tpu.memref_slice %arg7[%mul3A_27, %dma_wait3A_39] : memref<50048x32xf32, #tpu.memory_space<vmem_shared>> -> memref<3128x32xf32, #tpu.memory_space<vmem_shared>>
        tpu.wait_dma2 semaphore(%run_scoped3A : memref<!tpu.dma_semaphore, #tpu.memory_space<semaphore_mem>>) src(%dma_wait3A_40 : memref<3128x32xf32, #tpu.memory_space<vmem_shared>>) dst(%dma_wait3A_38 : memref<3128x32xf32, #tpu.memory_space<hbm>>)
        tpu.yield
      }) : () -> ()
    } else {
    }
    %eq3A = arith.constant 15 : i32
    %eq3A_30 = arith.cmpi eq, %arg1, %eq3A : i32
    %convert_element_type3A_31 = arith.extui %eq3A_30 : i1 to i32
    %cond3A_32 = arith.constant 0 : i32
    %cond3A_33 = arith.cmpi ne, %convert_element_type3A_31, %cond3A_32 : i32
    scf.if %cond3A_33 {
      %add3A_34 = arith.addi %mul3A_0, %mul3A_27 : i32
      "tpu.region"() ({
        %run_scoped3A = tpu.sem_alloc : memref<!tpu.dma_semaphore, #tpu.memory_space<semaphore_mem>>
        %dma_start3A = arith.constant 0 : i32
        %dma_start3A_35 = tpu.memref_slice %arg6[%add3A_34, %dma_start3A] : memref<100000x32xf32, #tpu.memory_space<hbm>> -> memref<3080x32xf32, #tpu.memory_space<hbm>>
        %dma_start3A_36 = arith.constant 0 : i32
        %dma_start3A_37 = tpu.memref_slice %arg7[%mul3A_27, %dma_start3A_36] : memref<50048x32xf32, #tpu.memory_space<vmem_shared>> -> memref<3080x32xf32, #tpu.memory_space<vmem_shared>>
        tpu.enqueue_dma source(%dma_start3A_37 : memref<3080x32xf32, #tpu.memory_space<vmem_shared>>) target(%dma_start3A_35 : memref<3080x32xf32, #tpu.memory_space<hbm>>) target_semaphore(%run_scoped3A : memref<!tpu.dma_semaphore, #tpu.memory_space<semaphore_mem>>)
        %dma_wait3A = arith.constant 0 : i32
        %dma_wait3A_38 = tpu.memref_slice %arg6[%add3A_34, %dma_wait3A] : memref<100000x32xf32, #tpu.memory_space<hbm>> -> memref<3080x32xf32, #tpu.memory_space<hbm>>
        %dma_wait3A_39 = arith.constant 0 : i32
        %dma_wait3A_40 = tpu.memref_slice %arg7[%mul3A_27, %dma_wait3A_39] : memref<50048x32xf32, #tpu.memory_space<vmem_shared>> -> memref<3080x32xf32, #tpu.memory_space<vmem_shared>>
        tpu.wait_dma2 semaphore(%run_scoped3A : memref<!tpu.dma_semaphore, #tpu.memory_space<semaphore_mem>>) src(%dma_wait3A_40 : memref<3080x32xf32, #tpu.memory_space<vmem_shared>>) dst(%dma_wait3A_38 : memref<3080x32xf32, #tpu.memory_space<hbm>>)
        tpu.yield
      }) : () -> ()
    } else {
    }
    return
  }
}

#map = affine_map<(d0, d1) -> (0, 0)>
#map1 = affine_map<(d0, d1) -> (0)>
module attributes {stable_mosaic.version = 14 : i64} {
  func.func @_seg_body(%arg0: i32, %arg1: i32, %arg2: memref<100000x32xf32, #tpu.memory_space<hbm>>, %arg3: memref<1605632xi32, #tpu.memory_space<hbm>>, %arg4: memref<1605632xi32, #tpu.memory_space<hbm>>, %arg5: memref<1605632xf32, #tpu.memory_space<hbm>>, %arg6: memref<100000x32xf32, #tpu.memory_space<hbm>>, %arg7: memref<50048x32xf32, #tpu.memory_space<vmem_shared>>, %arg8: memref<512xi32, #tpu.memory_space<vmem>>, %arg9: memref<512xi32, #tpu.memory_space<vmem>>, %arg10: memref<512xf32, #tpu.memory_space<vmem>>, %arg11: memref<4x128xi32, #tpu.memory_space<vmem>>, %arg12: memref<512x32xf32, #tpu.memory_space<vmem>>, %arg13: memref<!tpu.dma_semaphore, #tpu.memory_space<semaphore_mem>>) attributes {dimension_semantics = [#tpu.dimension_semantics<core_parallel>, #tpu.dimension_semantics<subcore_parallel>], iteration_bounds = array<i64: 2, 16>, scalar_prefetch = 0 : i64, scratch_operands = 7 : i64, tpu.core_type = #tpu.core_type<sc_vector_subcore>, window_params = [{transform_indices = #map}, {transform_indices = #map1}, {transform_indices = #map1}, {transform_indices = #map1}, {transform_indices = #map}]} {
    %mul3A = arith.constant 50000 : i32
    %mul3A_0 = arith.muli %arg0, %mul3A : i32
    %scan3A = arith.constant 0 : i32
    %scan3A_1 = arith.constant 512 : i32
    %scan3A_2 = arith.addi %scan3A, %scan3A_1 : i32
    %scan3A_3 = arith.constant 1 : i32
    scf.for %scan3A_34 = %scan3A to %scan3A_2 step %scan3A_3  : i32 {
      %mul3A_35 = arith.constant 1 : i32
      %mul3A_36 = arith.muli %scan3A_34, %mul3A_35 : i32
      %add3A_37 = arith.constant 0 : i32
      %add3A_38 = arith.addi %add3A_37, %mul3A_36 : i32
      %broadcast_in_dim3A = arith.constant 0.000000e+00 : f32
      %broadcast_in_dim3A_39 = vector.broadcast %broadcast_in_dim3A : f32 to vector<16xf32>
      %swap3A = arith.index_cast %add3A_38 : i32 to index
      %swap3A_40 = arith.constant 0 : index
      %swap3A_41 = tpu.vector_load %arg12[%swap3A, %swap3A_40] {strides = array<i32>} : memref<512x32xf32, #tpu.memory_space<vmem>>, vector<1x16xf32>,
      %swap3A_42 = vector.shape_cast %swap3A_41 : vector<1x16xf32> to vector<16xf32>
      %swap3A_43 = vector.shape_cast %broadcast_in_dim3A_39 : vector<16xf32> to vector<1x16xf32>
      tpu.vector_store %arg12[%swap3A, %swap3A_40], %swap3A_43 {strides = array<i32>} : memref<512x32xf32, #tpu.memory_space<vmem>>, vector<1x16xf32>,
      %swap3A_44 = arith.index_cast %add3A_38 : i32 to index
      %swap3A_45 = arith.constant 16 : index
      %swap3A_46 = tpu.vector_load %arg12[%swap3A_44, %swap3A_45] {strides = array<i32>} : memref<512x32xf32, #tpu.memory_space<vmem>>, vector<1x16xf32>,
      %swap3A_47 = vector.shape_cast %swap3A_46 : vector<1x16xf32> to vector<16xf32>
      %swap3A_48 = vector.shape_cast %broadcast_in_dim3A_39 : vector<16xf32> to vector<1x16xf32>
      tpu.vector_store %arg12[%swap3A_44, %swap3A_45], %swap3A_48 {strides = array<i32>} : memref<512x32xf32, #tpu.memory_space<vmem>>, vector<1x16xf32>,
    }
    %scan3A_4 = arith.constant 512 : i32
    %mul3A_5 = arith.constant 3128 : i32
    %mul3A_6 = arith.muli %arg1, %mul3A_5 : i32
    %add3A = arith.constant 0 : i32
    %add3A_7 = arith.addi %mul3A_6, %add3A : i32
    "tpu.region"() ({
      %run_scoped3A = tpu.sem_alloc : memref<!tpu.dma_semaphore, #tpu.memory_space<semaphore_mem>>
      %dma_start3A = arith.constant 0 : i32
      %dma_start3A_34 = arith.constant 0 : i32
      %dma_start3A_35 = tpu.memref_slice %arg12[%dma_start3A, %dma_start3A_34] : memref<512x32xf32, #tpu.memory_space<vmem>> -> memref<512x32xf32, #tpu.memory_space<vmem>>
      %dma_start3A_36 = arith.constant 0 : i32
      %dma_start3A_37 = tpu.memref_slice %arg7[%add3A_7, %dma_start3A_36] : memref<50048x32xf32, #tpu.memory_space<vmem_shared>> -> memref<512x32xf32, #tpu.memory_space<vmem_shared>>
      %dma_start3A_38 = arith.constant 0 : i32
      %dma_start3A_39 = tpu.memref_slice %arg7[%add3A_7, %dma_start3A_38] : memref<50048x32xf32, #tpu.memory_space<vmem_shared>> -> memref<512x32xf32, #tpu.memory_space<vmem_shared>>
      %dma_start3A_40 = arith.constant 0 : i32
      %dma_start3A_41 = arith.constant 0 : i32
      %dma_start3A_42 = tpu.memref_slice %arg12[%dma_start3A_40, %dma_start3A_41] : memref<512x32xf32, #tpu.memory_space<vmem>> -> memref<512x32xf32, #tpu.memory_space<vmem>>
      tpu.enqueue_dma source(%dma_start3A_42 : memref<512x32xf32, #tpu.memory_space<vmem>>) target(%dma_start3A_39 : memref<512x32xf32, #tpu.memory_space<vmem_shared>>) target_semaphore(%run_scoped3A : memref<!tpu.dma_semaphore, #tpu.memory_space<semaphore_mem>>)
      %dma_wait3A = arith.constant 0 : i32
      %dma_wait3A_43 = arith.constant 0 : i32
      %dma_wait3A_44 = tpu.memref_slice %arg12[%dma_wait3A, %dma_wait3A_43] : memref<512x32xf32, #tpu.memory_space<vmem>> -> memref<512x32xf32, #tpu.memory_space<vmem>>
      %dma_wait3A_45 = arith.constant 0 : i32
      %dma_wait3A_46 = tpu.memref_slice %arg7[%add3A_7, %dma_wait3A_45] : memref<50048x32xf32, #tpu.memory_space<vmem_shared>> -> memref<512x32xf32, #tpu.memory_space<vmem_shared>>
      %dma_wait3A_47 = arith.constant 0 : i32
      %dma_wait3A_48 = tpu.memref_slice %arg7[%add3A_7, %dma_wait3A_47] : memref<50048x32xf32, #tpu.memory_space<vmem_shared>> -> memref<512x32xf32, #tpu.memory_space<vmem_shared>>
      %dma_wait3A_49 = arith.constant 0 : i32
      %dma_wait3A_50 = arith.constant 0 : i32
      %dma_wait3A_51 = tpu.memref_slice %arg12[%dma_wait3A_49, %dma_wait3A_50] : memref<512x32xf32, #tpu.memory_space<vmem>> -> memref<512x32xf32, #tpu.memory_space<vmem>>
      tpu.wait_dma2 semaphore(%run_scoped3A : memref<!tpu.dma_semaphore, #tpu.memory_space<semaphore_mem>>) src(%dma_wait3A_51 : memref<512x32xf32, #tpu.memory_space<vmem>>) dst(%dma_wait3A_48 : memref<512x32xf32, #tpu.memory_space<vmem_shared>>)
      tpu.yield
    }) : () -> ()
    %add3A_8 = arith.constant 512 : i32
    %add3A_9 = arith.addi %mul3A_6, %add3A_8 : i32
    "tpu.region"() ({
      %run_scoped3A = tpu.sem_alloc : memref<!tpu.dma_semaphore, #tpu.memory_space<semaphore_mem>>
      %dma_start3A = arith.constant 0 : i32
      %dma_start3A_34 = arith.constant 0 : i32
      %dma_start3A_35 = tpu.memref_slice %arg12[%dma_start3A, %dma_start3A_34] : memref<512x32xf32, #tpu.memory_space<vmem>> -> memref<512x32xf32, #tpu.memory_space<vmem>>
      %dma_start3A_36 = arith.constant 0 : i32
      %dma_start3A_37 = tpu.memref_slice %arg7[%add3A_9, %dma_start3A_36] : memref<50048x32xf32, #tpu.memory_space<vmem_shared>> -> memref<512x32xf32, #tpu.memory_space<vmem_shared>>
      %dma_start3A_38 = arith.constant 0 : i32
      %dma_start3A_39 = tpu.memref_slice %arg7[%add3A_9, %dma_start3A_38] : memref<50048x32xf32, #tpu.memory_space<vmem_shared>> -> memref<512x32xf32, #tpu.memory_space<vmem_shared>>
      %dma_start3A_40 = arith.constant 0 : i32
      %dma_start3A_41 = arith.constant 0 : i32
      %dma_start3A_42 = tpu.memref_slice %arg12[%dma_start3A_40, %dma_start3A_41] : memref<512x32xf32, #tpu.memory_space<vmem>> -> memref<512x32xf32, #tpu.memory_space<vmem>>
      tpu.enqueue_dma source(%dma_start3A_42 : memref<512x32xf32, #tpu.memory_space<vmem>>) target(%dma_start3A_39 : memref<512x32xf32, #tpu.memory_space<vmem_shared>>) target_semaphore(%run_scoped3A : memref<!tpu.dma_semaphore, #tpu.memory_space<semaphore_mem>>)
      %dma_wait3A = arith.constant 0 : i32
      %dma_wait3A_43 = arith.constant 0 : i32
      %dma_wait3A_44 = tpu.memref_slice %arg12[%dma_wait3A, %dma_wait3A_43] : memref<512x32xf32, #tpu.memory_space<vmem>> -> memref<512x32xf32, #tpu.memory_space<vmem>>
      %dma_wait3A_45 = arith.constant 0 : i32
      %dma_wait3A_46 = tpu.memref_slice %arg7[%add3A_9, %dma_wait3A_45] : memref<50048x32xf32, #tpu.memory_space<vmem_shared>> -> memref<512x32xf32, #tpu.memory_space<vmem_shared>>
      %dma_wait3A_47 = arith.constant 0 : i32
      %dma_wait3A_48 = tpu.memref_slice %arg7[%add3A_9, %dma_wait3A_47] : memref<50048x32xf32, #tpu.memory_space<vmem_shared>> -> memref<512x32xf32, #tpu.memory_space<vmem_shared>>
      %dma_wait3A_49 = arith.constant 0 : i32
      %dma_wait3A_50 = arith.constant 0 : i32
      %dma_wait3A_51 = tpu.memref_slice %arg12[%dma_wait3A_49, %dma_wait3A_50] : memref<512x32xf32, #tpu.memory_space<vmem>> -> memref<512x32xf32, #tpu.memory_space<vmem>>
      tpu.wait_dma2 semaphore(%run_scoped3A : memref<!tpu.dma_semaphore, #tpu.memory_space<semaphore_mem>>) src(%dma_wait3A_51 : memref<512x32xf32, #tpu.memory_space<vmem>>) dst(%dma_wait3A_48 : memref<512x32xf32, #tpu.memory_space<vmem_shared>>)
      tpu.yield
    }) : () -> ()
    %add3A_10 = arith.constant 1024 : i32
    %add3A_11 = arith.addi %mul3A_6, %add3A_10 : i32
    "tpu.region"() ({
      %run_scoped3A = tpu.sem_alloc : memref<!tpu.dma_semaphore, #tpu.memory_space<semaphore_mem>>
      %dma_start3A = arith.constant 0 : i32
      %dma_start3A_34 = arith.constant 0 : i32
      %dma_start3A_35 = tpu.memref_slice %arg12[%dma_start3A, %dma_start3A_34] : memref<512x32xf32, #tpu.memory_space<vmem>> -> memref<512x32xf32, #tpu.memory_space<vmem>>
      %dma_start3A_36 = arith.constant 0 : i32
      %dma_start3A_37 = tpu.memref_slice %arg7[%add3A_11, %dma_start3A_36] : memref<50048x32xf32, #tpu.memory_space<vmem_shared>> -> memref<512x32xf32, #tpu.memory_space<vmem_shared>>
      %dma_start3A_38 = arith.constant 0 : i32
      %dma_start3A_39 = tpu.memref_slice %arg7[%add3A_11, %dma_start3A_38] : memref<50048x32xf32, #tpu.memory_space<vmem_shared>> -> memref<512x32xf32, #tpu.memory_space<vmem_shared>>
      %dma_start3A_40 = arith.constant 0 : i32
      %dma_start3A_41 = arith.constant 0 : i32
      %dma_start3A_42 = tpu.memref_slice %arg12[%dma_start3A_40, %dma_start3A_41] : memref<512x32xf32, #tpu.memory_space<vmem>> -> memref<512x32xf32, #tpu.memory_space<vmem>>
      tpu.enqueue_dma source(%dma_start3A_42 : memref<512x32xf32, #tpu.memory_space<vmem>>) target(%dma_start3A_39 : memref<512x32xf32, #tpu.memory_space<vmem_shared>>) target_semaphore(%run_scoped3A : memref<!tpu.dma_semaphore, #tpu.memory_space<semaphore_mem>>)
      %dma_wait3A = arith.constant 0 : i32
      %dma_wait3A_43 = arith.constant 0 : i32
      %dma_wait3A_44 = tpu.memref_slice %arg12[%dma_wait3A, %dma_wait3A_43] : memref<512x32xf32, #tpu.memory_space<vmem>> -> memref<512x32xf32, #tpu.memory_space<vmem>>
      %dma_wait3A_45 = arith.constant 0 : i32
      %dma_wait3A_46 = tpu.memref_slice %arg7[%add3A_11, %dma_wait3A_45] : memref<50048x32xf32, #tpu.memory_space<vmem_shared>> -> memref<512x32xf32, #tpu.memory_space<vmem_shared>>
      %dma_wait3A_47 = arith.constant 0 : i32
      %dma_wait3A_48 = tpu.memref_slice %arg7[%add3A_11, %dma_wait3A_47] : memref<50048x32xf32, #tpu.memory_space<vmem_shared>> -> memref<512x32xf32, #tpu.memory_space<vmem_shared>>
      %dma_wait3A_49 = arith.constant 0 : i32
      %dma_wait3A_50 = arith.constant 0 : i32
      %dma_wait3A_51 = tpu.memref_slice %arg12[%dma_wait3A_49, %dma_wait3A_50] : memref<512x32xf32, #tpu.memory_space<vmem>> -> memref<512x32xf32, #tpu.memory_space<vmem>>
      tpu.wait_dma2 semaphore(%run_scoped3A : memref<!tpu.dma_semaphore, #tpu.memory_space<semaphore_mem>>) src(%dma_wait3A_51 : memref<512x32xf32, #tpu.memory_space<vmem>>) dst(%dma_wait3A_48 : memref<512x32xf32, #tpu.memory_space<vmem_shared>>)
      tpu.yield
    }) : () -> ()
    %add3A_12 = arith.constant 1536 : i32
    %add3A_13 = arith.addi %mul3A_6, %add3A_12 : i32
    "tpu.region"() ({
      %run_scoped3A = tpu.sem_alloc : memref<!tpu.dma_semaphore, #tpu.memory_space<semaphore_mem>>
      %dma_start3A = arith.constant 0 : i32
      %dma_start3A_34 = arith.constant 0 : i32
      %dma_start3A_35 = tpu.memref_slice %arg12[%dma_start3A, %dma_start3A_34] : memref<512x32xf32, #tpu.memory_space<vmem>> -> memref<512x32xf32, #tpu.memory_space<vmem>>
      %dma_start3A_36 = arith.constant 0 : i32
      %dma_start3A_37 = tpu.memref_slice %arg7[%add3A_13, %dma_start3A_36] : memref<50048x32xf32, #tpu.memory_space<vmem_shared>> -> memref<512x32xf32, #tpu.memory_space<vmem_shared>>
      %dma_start3A_38 = arith.constant 0 : i32
      %dma_start3A_39 = tpu.memref_slice %arg7[%add3A_13, %dma_start3A_38] : memref<50048x32xf32, #tpu.memory_space<vmem_shared>> -> memref<512x32xf32, #tpu.memory_space<vmem_shared>>
      %dma_start3A_40 = arith.constant 0 : i32
      %dma_start3A_41 = arith.constant 0 : i32
      %dma_start3A_42 = tpu.memref_slice %arg12[%dma_start3A_40, %dma_start3A_41] : memref<512x32xf32, #tpu.memory_space<vmem>> -> memref<512x32xf32, #tpu.memory_space<vmem>>
      tpu.enqueue_dma source(%dma_start3A_42 : memref<512x32xf32, #tpu.memory_space<vmem>>) target(%dma_start3A_39 : memref<512x32xf32, #tpu.memory_space<vmem_shared>>) target_semaphore(%run_scoped3A : memref<!tpu.dma_semaphore, #tpu.memory_space<semaphore_mem>>)
      %dma_wait3A = arith.constant 0 : i32
      %dma_wait3A_43 = arith.constant 0 : i32
      %dma_wait3A_44 = tpu.memref_slice %arg12[%dma_wait3A, %dma_wait3A_43] : memref<512x32xf32, #tpu.memory_space<vmem>> -> memref<512x32xf32, #tpu.memory_space<vmem>>
      %dma_wait3A_45 = arith.constant 0 : i32
      %dma_wait3A_46 = tpu.memref_slice %arg7[%add3A_13, %dma_wait3A_45] : memref<50048x32xf32, #tpu.memory_space<vmem_shared>> -> memref<512x32xf32, #tpu.memory_space<vmem_shared>>
      %dma_wait3A_47 = arith.constant 0 : i32
      %dma_wait3A_48 = tpu.memref_slice %arg7[%add3A_13, %dma_wait3A_47] : memref<50048x32xf32, #tpu.memory_space<vmem_shared>> -> memref<512x32xf32, #tpu.memory_space<vmem_shared>>
      %dma_wait3A_49 = arith.constant 0 : i32
      %dma_wait3A_50 = arith.constant 0 : i32
      %dma_wait3A_51 = tpu.memref_slice %arg12[%dma_wait3A_49, %dma_wait3A_50] : memref<512x32xf32, #tpu.memory_space<vmem>> -> memref<512x32xf32, #tpu.memory_space<vmem>>
      tpu.wait_dma2 semaphore(%run_scoped3A : memref<!tpu.dma_semaphore, #tpu.memory_space<semaphore_mem>>) src(%dma_wait3A_51 : memref<512x32xf32, #tpu.memory_space<vmem>>) dst(%dma_wait3A_48 : memref<512x32xf32, #tpu.memory_space<vmem_shared>>)
      tpu.yield
    }) : () -> ()
    %add3A_14 = arith.constant 2048 : i32
    %add3A_15 = arith.addi %mul3A_6, %add3A_14 : i32
    "tpu.region"() ({
      %run_scoped3A = tpu.sem_alloc : memref<!tpu.dma_semaphore, #tpu.memory_space<semaphore_mem>>
      %dma_start3A = arith.constant 0 : i32
      %dma_start3A_34 = arith.constant 0 : i32
      %dma_start3A_35 = tpu.memref_slice %arg12[%dma_start3A, %dma_start3A_34] : memref<512x32xf32, #tpu.memory_space<vmem>> -> memref<512x32xf32, #tpu.memory_space<vmem>>
      %dma_start3A_36 = arith.constant 0 : i32
      %dma_start3A_37 = tpu.memref_slice %arg7[%add3A_15, %dma_start3A_36] : memref<50048x32xf32, #tpu.memory_space<vmem_shared>> -> memref<512x32xf32, #tpu.memory_space<vmem_shared>>
      %dma_start3A_38 = arith.constant 0 : i32
      %dma_start3A_39 = tpu.memref_slice %arg7[%add3A_15, %dma_start3A_38] : memref<50048x32xf32, #tpu.memory_space<vmem_shared>> -> memref<512x32xf32, #tpu.memory_space<vmem_shared>>
      %dma_start3A_40 = arith.constant 0 : i32
      %dma_start3A_41 = arith.constant 0 : i32
      %dma_start3A_42 = tpu.memref_slice %arg12[%dma_start3A_40, %dma_start3A_41] : memref<512x32xf32, #tpu.memory_space<vmem>> -> memref<512x32xf32, #tpu.memory_space<vmem>>
      tpu.enqueue_dma source(%dma_start3A_42 : memref<512x32xf32, #tpu.memory_space<vmem>>) target(%dma_start3A_39 : memref<512x32xf32, #tpu.memory_space<vmem_shared>>) target_semaphore(%run_scoped3A : memref<!tpu.dma_semaphore, #tpu.memory_space<semaphore_mem>>)
      %dma_wait3A = arith.constant 0 : i32
      %dma_wait3A_43 = arith.constant 0 : i32
      %dma_wait3A_44 = tpu.memref_slice %arg12[%dma_wait3A, %dma_wait3A_43] : memref<512x32xf32, #tpu.memory_space<vmem>> -> memref<512x32xf32, #tpu.memory_space<vmem>>
      %dma_wait3A_45 = arith.constant 0 : i32
      %dma_wait3A_46 = tpu.memref_slice %arg7[%add3A_15, %dma_wait3A_45] : memref<50048x32xf32, #tpu.memory_space<vmem_shared>> -> memref<512x32xf32, #tpu.memory_space<vmem_shared>>
      %dma_wait3A_47 = arith.constant 0 : i32
      %dma_wait3A_48 = tpu.memref_slice %arg7[%add3A_15, %dma_wait3A_47] : memref<50048x32xf32, #tpu.memory_space<vmem_shared>> -> memref<512x32xf32, #tpu.memory_space<vmem_shared>>
      %dma_wait3A_49 = arith.constant 0 : i32
      %dma_wait3A_50 = arith.constant 0 : i32
      %dma_wait3A_51 = tpu.memref_slice %arg12[%dma_wait3A_49, %dma_wait3A_50] : memref<512x32xf32, #tpu.memory_space<vmem>> -> memref<512x32xf32, #tpu.memory_space<vmem>>
      tpu.wait_dma2 semaphore(%run_scoped3A : memref<!tpu.dma_semaphore, #tpu.memory_space<semaphore_mem>>) src(%dma_wait3A_51 : memref<512x32xf32, #tpu.memory_space<vmem>>) dst(%dma_wait3A_48 : memref<512x32xf32, #tpu.memory_space<vmem_shared>>)
      tpu.yield
    }) : () -> ()
    %add3A_16 = arith.constant 2560 : i32
    %add3A_17 = arith.addi %mul3A_6, %add3A_16 : i32
    "tpu.region"() ({
      %run_scoped3A = tpu.sem_alloc : memref<!tpu.dma_semaphore, #tpu.memory_space<semaphore_mem>>
      %dma_start3A = arith.constant 0 : i32
      %dma_start3A_34 = arith.constant 0 : i32
      %dma_start3A_35 = tpu.memref_slice %arg12[%dma_start3A, %dma_start3A_34] : memref<512x32xf32, #tpu.memory_space<vmem>> -> memref<512x32xf32, #tpu.memory_space<vmem>>
      %dma_start3A_36 = arith.constant 0 : i32
      %dma_start3A_37 = tpu.memref_slice %arg7[%add3A_17, %dma_start3A_36] : memref<50048x32xf32, #tpu.memory_space<vmem_shared>> -> memref<512x32xf32, #tpu.memory_space<vmem_shared>>
      %dma_start3A_38 = arith.constant 0 : i32
      %dma_start3A_39 = tpu.memref_slice %arg7[%add3A_17, %dma_start3A_38] : memref<50048x32xf32, #tpu.memory_space<vmem_shared>> -> memref<512x32xf32, #tpu.memory_space<vmem_shared>>
      %dma_start3A_40 = arith.constant 0 : i32
      %dma_start3A_41 = arith.constant 0 : i32
      %dma_start3A_42 = tpu.memref_slice %arg12[%dma_start3A_40, %dma_start3A_41] : memref<512x32xf32, #tpu.memory_space<vmem>> -> memref<512x32xf32, #tpu.memory_space<vmem>>
      tpu.enqueue_dma source(%dma_start3A_42 : memref<512x32xf32, #tpu.memory_space<vmem>>) target(%dma_start3A_39 : memref<512x32xf32, #tpu.memory_space<vmem_shared>>) target_semaphore(%run_scoped3A : memref<!tpu.dma_semaphore, #tpu.memory_space<semaphore_mem>>)
      %dma_wait3A = arith.constant 0 : i32
      %dma_wait3A_43 = arith.constant 0 : i32
      %dma_wait3A_44 = tpu.memref_slice %arg12[%dma_wait3A, %dma_wait3A_43] : memref<512x32xf32, #tpu.memory_space<vmem>> -> memref<512x32xf32, #tpu.memory_space<vmem>>
      %dma_wait3A_45 = arith.constant 0 : i32
      %dma_wait3A_46 = tpu.memref_slice %arg7[%add3A_17, %dma_wait3A_45] : memref<50048x32xf32, #tpu.memory_space<vmem_shared>> -> memref<512x32xf32, #tpu.memory_space<vmem_shared>>
      %dma_wait3A_47 = arith.constant 0 : i32
      %dma_wait3A_48 = tpu.memref_slice %arg7[%add3A_17, %dma_wait3A_47] : memref<50048x32xf32, #tpu.memory_space<vmem_shared>> -> memref<512x32xf32, #tpu.memory_space<vmem_shared>>
      %dma_wait3A_49 = arith.constant 0 : i32
      %dma_wait3A_50 = arith.constant 0 : i32
      %dma_wait3A_51 = tpu.memref_slice %arg12[%dma_wait3A_49, %dma_wait3A_50] : memref<512x32xf32, #tpu.memory_space<vmem>> -> memref<512x32xf32, #tpu.memory_space<vmem>>
      tpu.wait_dma2 semaphore(%run_scoped3A : memref<!tpu.dma_semaphore, #tpu.memory_space<semaphore_mem>>) src(%dma_wait3A_51 : memref<512x32xf32, #tpu.memory_space<vmem>>) dst(%dma_wait3A_48 : memref<512x32xf32, #tpu.memory_space<vmem_shared>>)
      tpu.yield
    }) : () -> ()
    %add3A_18 = arith.constant 3072 : i32
    %add3A_19 = arith.addi %mul3A_6, %add3A_18 : i32
    "tpu.region"() ({
      %run_scoped3A = tpu.sem_alloc : memref<!tpu.dma_semaphore, #tpu.memory_space<semaphore_mem>>
      %dma_start3A = arith.constant 0 : i32
      %dma_start3A_34 = arith.constant 0 : i32
      %dma_start3A_35 = tpu.memref_slice %arg12[%dma_start3A, %dma_start3A_34] : memref<512x32xf32, #tpu.memory_space<vmem>> -> memref<56x32xf32, #tpu.memory_space<vmem>>
      %dma_start3A_36 = arith.constant 0 : i32
      %dma_start3A_37 = tpu.memref_slice %arg7[%add3A_19, %dma_start3A_36] : memref<50048x32xf32, #tpu.memory_space<vmem_shared>> -> memref<56x32xf32, #tpu.memory_space<vmem_shared>>
      %dma_start3A_38 = arith.constant 0 : i32
      %dma_start3A_39 = tpu.memref_slice %arg7[%add3A_19, %dma_start3A_38] : memref<50048x32xf32, #tpu.memory_space<vmem_shared>> -> memref<56x32xf32, #tpu.memory_space<vmem_shared>>
      %dma_start3A_40 = arith.constant 0 : i32
      %dma_start3A_41 = arith.constant 0 : i32
      %dma_start3A_42 = tpu.memref_slice %arg12[%dma_start3A_40, %dma_start3A_41] : memref<512x32xf32, #tpu.memory_space<vmem>> -> memref<56x32xf32, #tpu.memory_space<vmem>>
      tpu.enqueue_dma source(%dma_start3A_42 : memref<56x32xf32, #tpu.memory_space<vmem>>) target(%dma_start3A_39 : memref<56x32xf32, #tpu.memory_space<vmem_shared>>) target_semaphore(%run_scoped3A : memref<!tpu.dma_semaphore, #tpu.memory_space<semaphore_mem>>)
      %dma_wait3A = arith.constant 0 : i32
      %dma_wait3A_43 = arith.constant 0 : i32
      %dma_wait3A_44 = tpu.memref_slice %arg12[%dma_wait3A, %dma_wait3A_43] : memref<512x32xf32, #tpu.memory_space<vmem>> -> memref<56x32xf32, #tpu.memory_space<vmem>>
      %dma_wait3A_45 = arith.constant 0 : i32
      %dma_wait3A_46 = tpu.memref_slice %arg7[%add3A_19, %dma_wait3A_45] : memref<50048x32xf32, #tpu.memory_space<vmem_shared>> -> memref<56x32xf32, #tpu.memory_space<vmem_shared>>
      %dma_wait3A_47 = arith.constant 0 : i32
      %dma_wait3A_48 = tpu.memref_slice %arg7[%add3A_19, %dma_wait3A_47] : memref<50048x32xf32, #tpu.memory_space<vmem_shared>> -> memref<56x32xf32, #tpu.memory_space<vmem_shared>>
      %dma_wait3A_49 = arith.constant 0 : i32
      %dma_wait3A_50 = arith.constant 0 : i32
      %dma_wait3A_51 = tpu.memref_slice %arg12[%dma_wait3A_49, %dma_wait3A_50] : memref<512x32xf32, #tpu.memory_space<vmem>> -> memref<56x32xf32, #tpu.memory_space<vmem>>
      tpu.wait_dma2 semaphore(%run_scoped3A : memref<!tpu.dma_semaphore, #tpu.memory_space<semaphore_mem>>) src(%dma_wait3A_51 : memref<56x32xf32, #tpu.memory_space<vmem>>) dst(%dma_wait3A_48 : memref<56x32xf32, #tpu.memory_space<vmem_shared>>)
      tpu.yield
    }) : () -> ()
    %barrier3A = arith.constant 0 : index
    tpu.barrier barrier_id(%barrier3A)
    %scan3A_20 = arith.constant 0 : i32
    %scan3A_21 = arith.constant 196 : i32
    %scan3A_22 = arith.addi %scan3A_20, %scan3A_21 : i32
    %scan3A_23 = arith.constant 1 : i32
    scf.for %scan3A_34 = %scan3A_20 to %scan3A_22 step %scan3A_23  : i32 {
      %mul3A_35 = arith.constant 1 : i32
      %mul3A_36 = arith.muli %scan3A_34, %mul3A_35 : i32
      %add3A_37 = arith.constant 0 : i32
      %add3A_38 = arith.addi %add3A_37, %mul3A_36 : i32
      %mul3A_39 = arith.constant 100352 : i32
      %mul3A_40 = arith.muli %arg1, %mul3A_39 : i32
      %mul3A_41 = arith.constant 512 : i32
      %mul3A_42 = arith.muli %add3A_38, %mul3A_41 : i32
      %add3A_43 = arith.addi %mul3A_40, %mul3A_42 : i32
      "tpu.region"() ({
        %run_scoped3A = tpu.sem_alloc : memref<!tpu.dma_semaphore, #tpu.memory_space<semaphore_mem>>
        %dma_start3A = tpu.memref_slice %arg3[%add3A_43] : memref<1605632xi32, #tpu.memory_space<hbm>> -> memref<512xi32, #tpu.memory_space<hbm>>
        %dma_start3A_74 = tpu.memref_slice %arg3[%add3A_43] : memref<1605632xi32, #tpu.memory_space<hbm>> -> memref<512xi32, #tpu.memory_space<hbm>>
        tpu.enqueue_dma source(%dma_start3A_74 : memref<512xi32, #tpu.memory_space<hbm>>) target(%arg8 : memref<512xi32, #tpu.memory_space<vmem>>) target_semaphore(%run_scoped3A : memref<!tpu.dma_semaphore, #tpu.memory_space<semaphore_mem>>)
        %dma_wait3A = tpu.memref_slice %arg3[%add3A_43] : memref<1605632xi32, #tpu.memory_space<hbm>> -> memref<512xi32, #tpu.memory_space<hbm>>
        %dma_wait3A_75 = tpu.memref_slice %arg3[%add3A_43] : memref<1605632xi32, #tpu.memory_space<hbm>> -> memref<512xi32, #tpu.memory_space<hbm>>
        tpu.wait_dma2 semaphore(%run_scoped3A : memref<!tpu.dma_semaphore, #tpu.memory_space<semaphore_mem>>) src(%dma_wait3A_75 : memref<512xi32, #tpu.memory_space<hbm>>) dst(%arg8 : memref<512xi32, #tpu.memory_space<vmem>>)
        tpu.yield
      }) : () -> ()
      "tpu.region"() ({
        %run_scoped3A = tpu.sem_alloc : memref<!tpu.dma_semaphore, #tpu.memory_space<semaphore_mem>>
        %dma_start3A = tpu.memref_slice %arg4[%add3A_43] : memref<1605632xi32, #tpu.memory_space<hbm>> -> memref<512xi32, #tpu.memory_space<hbm>>
        %dma_start3A_74 = tpu.memref_slice %arg4[%add3A_43] : memref<1605632xi32, #tpu.memory_space<hbm>> -> memref<512xi32, #tpu.memory_space<hbm>>
        tpu.enqueue_dma source(%dma_start3A_74 : memref<512xi32, #tpu.memory_space<hbm>>) target(%arg9 : memref<512xi32, #tpu.memory_space<vmem>>) target_semaphore(%run_scoped3A : memref<!tpu.dma_semaphore, #tpu.memory_space<semaphore_mem>>)
        %dma_wait3A = tpu.memref_slice %arg4[%add3A_43] : memref<1605632xi32, #tpu.memory_space<hbm>> -> memref<512xi32, #tpu.memory_space<hbm>>
        %dma_wait3A_75 = tpu.memref_slice %arg4[%add3A_43] : memref<1605632xi32, #tpu.memory_space<hbm>> -> memref<512xi32, #tpu.memory_space<hbm>>
        tpu.wait_dma2 semaphore(%run_scoped3A : memref<!tpu.dma_semaphore, #tpu.memory_space<semaphore_mem>>) src(%dma_wait3A_75 : memref<512xi32, #tpu.memory_space<hbm>>) dst(%arg9 : memref<512xi32, #tpu.memory_space<vmem>>)
        tpu.yield
      }) : () -> ()
      "tpu.region"() ({
        %run_scoped3A = tpu.sem_alloc : memref<!tpu.dma_semaphore, #tpu.memory_space<semaphore_mem>>
        %dma_start3A = tpu.memref_slice %arg5[%add3A_43] : memref<1605632xf32, #tpu.memory_space<hbm>> -> memref<512xf32, #tpu.memory_space<hbm>>
        %dma_start3A_74 = tpu.memref_slice %arg5[%add3A_43] : memref<1605632xf32, #tpu.memory_space<hbm>> -> memref<512xf32, #tpu.memory_space<hbm>>
        tpu.enqueue_dma source(%dma_start3A_74 : memref<512xf32, #tpu.memory_space<hbm>>) target(%arg10 : memref<512xf32, #tpu.memory_space<vmem>>) target_semaphore(%run_scoped3A : memref<!tpu.dma_semaphore, #tpu.memory_space<semaphore_mem>>)
        %dma_wait3A = tpu.memref_slice %arg5[%add3A_43] : memref<1605632xf32, #tpu.memory_space<hbm>> -> memref<512xf32, #tpu.memory_space<hbm>>
        %dma_wait3A_75 = tpu.memref_slice %arg5[%add3A_43] : memref<1605632xf32, #tpu.memory_space<hbm>> -> memref<512xf32, #tpu.memory_space<hbm>>
        tpu.wait_dma2 semaphore(%run_scoped3A : memref<!tpu.dma_semaphore, #tpu.memory_space<semaphore_mem>>) src(%dma_wait3A_75 : memref<512xf32, #tpu.memory_space<hbm>>) dst(%arg10 : memref<512xf32, #tpu.memory_space<vmem>>)
        tpu.yield
      }) : () -> ()
      %scan3A_44 = arith.constant 0 : i32
      %scan3A_45 = arith.constant 4 : i32
      %scan3A_46 = arith.addi %scan3A_44, %scan3A_45 : i32
      %scan3A_47 = arith.constant 1 : i32
      scf.for %scan3A_74 = %scan3A_44 to %scan3A_46 step %scan3A_47  : i32 {
        %mul3A_75 = arith.constant 1 : i32
        %mul3A_76 = arith.muli %scan3A_74, %mul3A_75 : i32
        %add3A_77 = arith.constant 0 : i32
        %add3A_78 = arith.addi %add3A_77, %mul3A_76 : i32
        %mul3A_79 = arith.constant 128 : i32
        %mul3A_80 = arith.muli %add3A_78, %mul3A_79 : i32
        %mul3A_81 = arith.constant 128 : i32
        %mul3A_82 = arith.muli %add3A_78, %mul3A_81 : i32
        %dma_start3A = arith.constant 0 : i32
        %dma_start3A_83 = tpu.memref_slice %arg12[%mul3A_82, %dma_start3A] : memref<512x32xf32, #tpu.memory_space<vmem>> -> memref<128x32xf32, #tpu.memory_space<vmem>>
        %dma_start3A_84 = tpu.memref_slice %arg8[%mul3A_80] : memref<512xi32, #tpu.memory_space<vmem>> -> memref<128xi32, #tpu.memory_space<vmem>>
        %dma_start3A_85 = arith.constant 0 : i32
        %dma_start3A_86 = arith.constant 0 : i32
        %dma_start3A_87 = tpu.memref_slice %arg2[%dma_start3A_85, %dma_start3A_86] : memref<100000x32xf32, #tpu.memory_space<hbm>> -> memref<100000x32xf32, #tpu.memory_space<hbm>>
        tpu.enqueue_indirect_dma source(%dma_start3A_87 : memref<100000x32xf32, #tpu.memory_space<hbm>>) target(%dma_start3A_83 : memref<128x32xf32, #tpu.memory_space<vmem>>) offsets(%dma_start3A_84 : memref<128xi32, #tpu.memory_space<vmem>>) semaphore(%arg13 : memref<!tpu.dma_semaphore, #tpu.memory_space<semaphore_mem>>)
      }
      %scan3A_48 = arith.constant 4 : i32
      %scan3A_49 = arith.constant 0 : i32
      %scan3A_50 = arith.constant 32 : i32
      %scan3A_51 = arith.addi %scan3A_49, %scan3A_50 : i32
      %scan3A_52 = arith.constant 1 : i32
      scf.for %scan3A_74 = %scan3A_49 to %scan3A_51 step %scan3A_52  : i32 {
        %mul3A_75 = arith.constant 1 : i32
        %mul3A_76 = arith.muli %scan3A_74, %mul3A_75 : i32
        %add3A_77 = arith.constant 0 : i32
        %add3A_78 = arith.addi %add3A_77, %mul3A_76 : i32
        %mul3A_79 = arith.constant 16 : i32
        %mul3A_80 = arith.muli %add3A_78, %mul3A_79 : i32
        %get3A = arith.index_cast %mul3A_80 : i32 to index
        %get3A_81 = tpu.vector_load %arg9[%get3A] {strides = array<i32>} : memref<512xi32, #tpu.memory_space<vmem>>, vector<16xi32>,
        %get3A_82 = vector.shape_cast %get3A_81 : vector<16xi32> to vector<16xi32>
        %sub3A = vector.broadcast %mul3A_0 : i32 to vector<16xi32>
        %sub3A_83 = arith.subi %get3A_82, %sub3A : vector<16xi32>
        %ge3A = arith.constant 0 : i32
        %ge3A_84 = vector.broadcast %ge3A : i32 to vector<16xi32>
        %ge3A_85 = arith.cmpi sge, %sub3A_83, %ge3A_84 : vector<16xi32>
        %lt3A_86 = arith.constant 50000 : i32
        %lt3A_87 = vector.broadcast %lt3A_86 : i32 to vector<16xi32>
        %lt3A_88 = arith.cmpi slt, %sub3A_83, %lt3A_87 : vector<16xi32>
        %and3A = arith.andi %ge3A_85, %lt3A_88 : vector<16xi1>
        %jit3A = arith.constant 50000 : i32
        %broadcast_in_dim3A = vector.broadcast %jit3A : i32 to vector<16xi32>
        %select_n3A = arith.select %and3A, %sub3A_83, %broadcast_in_dim3A : vector<16xi1>, vector<16xi32>
        %jit3A_89 = arith.constant 8 : i32
        %div3A = arith.divsi %add3A_78, %jit3A_89 : i32
        %sign3A = arith.constant 0 : i32
        %sign3A_90 = arith.cmpi sgt, %add3A_78, %sign3A : i32
        %sign3A_91 = arith.extui %sign3A_90 : i1 to i32
        %sign3A_92 = arith.constant 0 : i32
        %sign3A_93 = arith.cmpi slt, %add3A_78, %sign3A_92 : i32
        %sign3A_94 = arith.extui %sign3A_93 : i1 to i32
        %sign3A_95 = arith.subi %sign3A_91, %sign3A_94 : i32
        %sign3A_96 = arith.constant 0 : i32
        %sign3A_97 = arith.cmpi sgt, %jit3A_89, %sign3A_96 : i32
        %sign3A_98 = arith.extui %sign3A_97 : i1 to i32
        %sign3A_99 = arith.constant 0 : i32
        %sign3A_100 = arith.cmpi slt, %jit3A_89, %sign3A_99 : i32
        %sign3A_101 = arith.extui %sign3A_100 : i1 to i32
        %sign3A_102 = arith.subi %sign3A_98, %sign3A_101 : i32
        %ne3A = arith.cmpi ne, %sign3A_95, %sign3A_102 : i32
        %rem3A = arith.remsi %add3A_78, %jit3A_89 : i32
        %ne3A_103 = arith.constant 0 : i32
        %ne3A_104 = arith.cmpi ne, %rem3A, %ne3A_103 : i32
        %and3A_105 = arith.andi %ne3A, %ne3A_104 : i1
        %sub3A_106 = arith.constant 1 : i32
        %sub3A_107 = arith.subi %div3A, %sub3A_106 : i32
        %select_n3A_108 = arith.select %and3A_105, %sub3A_107, %div3A : i32
        %jit3A_109 = arith.constant 8 : i32
        %eq3A_110 = arith.constant 0 : i32
        %eq3A_111 = arith.cmpi eq, %jit3A_109, %eq3A_110 : i32
        %jit3A_112 = arith.constant 1 : i32
        %select_n3A_113 = arith.select %eq3A_111, %jit3A_112, %jit3A_109 : i32
        %rem3A_114 = arith.remsi %add3A_78, %select_n3A_113 : i32
        %ne3A_115 = arith.constant 0 : i32
        %ne3A_116 = arith.cmpi ne, %rem3A_114, %ne3A_115 : i32
        %lt3A_117 = arith.constant 0 : i32
        %lt3A_118 = arith.cmpi slt, %rem3A_114, %lt3A_117 : i32
        %lt3A_119 = arith.constant 0 : i32
        %lt3A_120 = arith.cmpi slt, %select_n3A_113, %lt3A_119 : i32
        %ne3A_121 = arith.xori %lt3A_118, %lt3A_120 : i1
        %and3A_122 = arith.andi %ne3A_121, %ne3A_116 : i1
        %add3A_123 = arith.addi %rem3A_114, %select_n3A_113 : i32
        %select_n3A_124 = arith.select %and3A_122, %add3A_123, %rem3A_114 : i32
        %mul3A_125 = arith.constant 16 : i32
        %mul3A_126 = arith.muli %select_n3A_124, %mul3A_125 : i32
        %swap3A = arith.index_cast %select_n3A_108 : i32 to index
        %swap3A_127 = arith.index_cast %mul3A_126 : i32 to index
        %swap3A_128 = tpu.vector_load %arg11[%swap3A, %swap3A_127] {strides = array<i32>} : memref<4x128xi32, #tpu.memory_space<vmem>>, vector<1x16xi32>,
        %swap3A_129 = vector.shape_cast %swap3A_128 : vector<1x16xi32> to vector<16xi32>
        %swap3A_130 = vector.shape_cast %select_n3A : vector<16xi32> to vector<1x16xi32>
        tpu.vector_store %arg11[%swap3A, %swap3A_127], %swap3A_130 {strides = array<i32>} : memref<4x128xi32, #tpu.memory_space<vmem>>, vector<1x16xi32>,
      }
      %scan3A_53 = arith.constant 32 : i32
      %scan3A_54 = arith.constant 0 : i32
      %scan3A_55 = arith.constant 4 : i32
      %scan3A_56 = arith.addi %scan3A_54, %scan3A_55 : i32
      %scan3A_57 = arith.constant 1 : i32
      scf.for %scan3A_74 = %scan3A_54 to %scan3A_56 step %scan3A_57  : i32 {
        %mul3A_75 = arith.constant 1 : i32
        %mul3A_76 = arith.muli %scan3A_74, %mul3A_75 : i32
        %add3A_77 = arith.constant 0 : i32
        %add3A_78 = arith.addi %add3A_77, %mul3A_76 : i32
        %mul3A_79 = arith.constant 128 : i32
        %mul3A_80 = arith.muli %add3A_78, %mul3A_79 : i32
        %mul3A_81 = arith.constant 128 : i32
        %mul3A_82 = arith.muli %add3A_78, %mul3A_81 : i32
        %dma_wait3A = arith.constant 0 : i32
        %dma_wait3A_83 = tpu.memref_slice %arg12[%mul3A_82, %dma_wait3A] : memref<512x32xf32, #tpu.memory_space<vmem>> -> memref<128x32xf32, #tpu.memory_space<vmem>>
        %dma_wait3A_84 = tpu.memref_slice %arg8[%mul3A_80] : memref<512xi32, #tpu.memory_space<vmem>> -> memref<128xi32, #tpu.memory_space<vmem>>
        %dma_wait3A_85 = arith.constant 0 : i32
        %dma_wait3A_86 = arith.constant 0 : i32
        %dma_wait3A_87 = tpu.memref_slice %arg2[%dma_wait3A_85, %dma_wait3A_86] : memref<100000x32xf32, #tpu.memory_space<hbm>> -> memref<100000x32xf32, #tpu.memory_space<hbm>>
        tpu.wait_indirect_dma semaphore(%arg13 : memref<!tpu.dma_semaphore, #tpu.memory_space<semaphore_mem>>) src(%dma_wait3A_87 : memref<100000x32xf32, #tpu.memory_space<hbm>>) dst(%dma_wait3A_83 : memref<128x32xf32, #tpu.memory_space<vmem>>)
      }
      %scan3A_58 = arith.constant 4 : i32
      %scan3A_59 = arith.constant 0 : i32
      %scan3A_60 = arith.constant 32 : i32
      %scan3A_61 = arith.addi %scan3A_59, %scan3A_60 : i32
      %scan3A_62 = arith.constant 1 : i32
      scf.for %scan3A_74 = %scan3A_59 to %scan3A_61 step %scan3A_62  : i32 {
        %mul3A_75 = arith.constant 1 : i32
        %mul3A_76 = arith.muli %scan3A_74, %mul3A_75 : i32
        %add3A_77 = arith.constant 0 : i32
        %add3A_78 = arith.addi %add3A_77, %mul3A_76 : i32
        %mul3A_79 = arith.constant 16 : i32
        %mul3A_80 = arith.muli %add3A_78, %mul3A_79 : i32
        %get3A = arith.index_cast %mul3A_80 : i32 to index
        %get3A_81 = tpu.vector_load %arg10[%get3A] {strides = array<i32>} : memref<512xf32, #tpu.memory_space<vmem>>, vector<16xf32>,
        %get3A_82 = vector.shape_cast %get3A_81 : vector<16xf32> to vector<16xf32>
        %mul3A_83 = arith.constant 16 : i32
        %mul3A_84 = arith.muli %add3A_78, %mul3A_83 : i32
        %add3A_85 = arith.constant 0 : i32
        %add3A_86 = arith.addi %mul3A_84, %add3A_85 : i32
        %slice3A = vector.extract_strided_slice %get3A_82 {offsets = [0], sizes = [1], strides = [1]} : vector<16xf32> to vector<1xf32>
        %squeeze3A = vector.extract %slice3A[0] : f32 from vector<1xf32>
        %get3A_87 = arith.index_cast %add3A_86 : i32 to index
        %get3A_88 = arith.constant 0 : index
        %get3A_89 = tpu.vector_load %arg12[%get3A_87, %get3A_88] {strides = array<i32>} : memref<512x32xf32, #tpu.memory_space<vmem>>, vector<1x16xf32>,
        %get3A_90 = vector.shape_cast %get3A_89 : vector<1x16xf32> to vector<16xf32>
        %mul3A_91 = vector.broadcast %squeeze3A : f32 to vector<16xf32>
        %mul3A_92 = arith.mulf %get3A_90, %mul3A_91 : vector<16xf32>
        %swap3A = arith.index_cast %add3A_86 : i32 to index
        %swap3A_93 = arith.constant 0 : index
        %swap3A_94 = tpu.vector_load %arg12[%swap3A, %swap3A_93] {strides = array<i32>} : memref<512x32xf32, #tpu.memory_space<vmem>>, vector<1x16xf32>,
        %swap3A_95 = vector.shape_cast %swap3A_94 : vector<1x16xf32> to vector<16xf32>
        %swap3A_96 = vector.shape_cast %mul3A_92 : vector<16xf32> to vector<1x16xf32>
        tpu.vector_store %arg12[%swap3A, %swap3A_93], %swap3A_96 {strides = array<i32>} : memref<512x32xf32, #tpu.memory_space<vmem>>, vector<1x16xf32>,
        %get3A_97 = arith.index_cast %add3A_86 : i32 to index
        %get3A_98 = arith.constant 16 : index
        %get3A_99 = tpu.vector_load %arg12[%get3A_97, %get3A_98] {strides = array<i32>} : memref<512x32xf32, #tpu.memory_space<vmem>>, vector<1x16xf32>,
        %get3A_100 = vector.shape_cast %get3A_99 : vector<1x16xf32> to vector<16xf32>
        %mul3A_101 = vector.broadcast %squeeze3A : f32 to vector<16xf32>
        %mul3A_102 = arith.mulf %get3A_100, %mul3A_101 : vector<16xf32>
        %swap3A_103 = arith.index_cast %add3A_86 : i32 to index
        %swap3A_104 = arith.constant 16 : index
        %swap3A_105 = tpu.vector_load %arg12[%swap3A_103, %swap3A_104] {strides = array<i32>} : memref<512x32xf32, #tpu.memory_space<vmem>>, vector<1x16xf32>,
        %swap3A_106 = vector.shape_cast %swap3A_105 : vector<1x16xf32> to vector<16xf32>
        %swap3A_107 = vector.shape_cast %mul3A_102 : vector<16xf32> to vector<1x16xf32>
        tpu.vector_store %arg12[%swap3A_103, %swap3A_104], %swap3A_107 {strides = array<i32>} : memref<512x32xf32, #tpu.memory_space<vmem>>, vector<1x16xf32>,
        %mul3A_108 = arith.constant 16 : i32
        %mul3A_109 = arith.muli %add3A_78, %mul3A_108 : i32
        %add3A_110 = arith.constant 1 : i32
        %add3A_111 = arith.addi %mul3A_109, %add3A_110 : i32
        %slice3A_112 = vector.extract_strided_slice %get3A_82 {offsets = [1], sizes = [1], strides = [1]} : vector<16xf32> to vector<1xf32>
        %squeeze3A_113 = vector.extract %slice3A_112[0] : f32 from vector<1xf32>
        %get3A_114 = arith.index_cast %add3A_111 : i32 to index
        %get3A_115 = arith.constant 0 : index
        %get3A_116 = tpu.vector_load %arg12[%get3A_114, %get3A_115] {strides = array<i32>} : memref<512x32xf32, #tpu.memory_space<vmem>>, vector<1x16xf32>,
        %get3A_117 = vector.shape_cast %get3A_116 : vector<1x16xf32> to vector<16xf32>
        %mul3A_118 = vector.broadcast %squeeze3A_113 : f32 to vector<16xf32>
        %mul3A_119 = arith.mulf %get3A_117, %mul3A_118 : vector<16xf32>
        %swap3A_120 = arith.index_cast %add3A_111 : i32 to index
        %swap3A_121 = arith.constant 0 : index
        %swap3A_122 = tpu.vector_load %arg12[%swap3A_120, %swap3A_121] {strides = array<i32>} : memref<512x32xf32, #tpu.memory_space<vmem>>, vector<1x16xf32>,
        %swap3A_123 = vector.shape_cast %swap3A_122 : vector<1x16xf32> to vector<16xf32>
        %swap3A_124 = vector.shape_cast %mul3A_119 : vector<16xf32> to vector<1x16xf32>
        tpu.vector_store %arg12[%swap3A_120, %swap3A_121], %swap3A_124 {strides = array<i32>} : memref<512x32xf32, #tpu.memory_space<vmem>>, vector<1x16xf32>,
        %get3A_125 = arith.index_cast %add3A_111 : i32 to index
        %get3A_126 = arith.constant 16 : index
        %get3A_127 = tpu.vector_load %arg12[%get3A_125, %get3A_126] {strides = array<i32>} : memref<512x32xf32, #tpu.memory_space<vmem>>, vector<1x16xf32>,
        %get3A_128 = vector.shape_cast %get3A_127 : vector<1x16xf32> to vector<16xf32>
        %mul3A_129 = vector.broadcast %squeeze3A_113 : f32 to vector<16xf32>
        %mul3A_130 = arith.mulf %get3A_128, %mul3A_129 : vector<16xf32>
        %swap3A_131 = arith.index_cast %add3A_111 : i32 to index
        %swap3A_132 = arith.constant 16 : index
        %swap3A_133 = tpu.vector_load %arg12[%swap3A_131, %swap3A_132] {strides = array<i32>} : memref<512x32xf32, #tpu.memory_space<vmem>>, vector<1x16xf32>,
        %swap3A_134 = vector.shape_cast %swap3A_133 : vector<1x16xf32> to vector<16xf32>
        %swap3A_135 = vector.shape_cast %mul3A_130 : vector<16xf32> to vector<1x16xf32>
        tpu.vector_store %arg12[%swap3A_131, %swap3A_132], %swap3A_135 {strides = array<i32>} : memref<512x32xf32, #tpu.memory_space<vmem>>, vector<1x16xf32>,
        %mul3A_136 = arith.constant 16 : i32
        %mul3A_137 = arith.muli %add3A_78, %mul3A_136 : i32
        %add3A_138 = arith.constant 2 : i32
        %add3A_139 = arith.addi %mul3A_137, %add3A_138 : i32
        %slice3A_140 = vector.extract_strided_slice %get3A_82 {offsets = [2], sizes = [1], strides = [1]} : vector<16xf32> to vector<1xf32>
        %squeeze3A_141 = vector.extract %slice3A_140[0] : f32 from vector<1xf32>
        %get3A_142 = arith.index_cast %add3A_139 : i32 to index
        %get3A_143 = arith.constant 0 : index
        %get3A_144 = tpu.vector_load %arg12[%get3A_142, %get3A_143] {strides = array<i32>} : memref<512x32xf32, #tpu.memory_space<vmem>>, vector<1x16xf32>,
        %get3A_145 = vector.shape_cast %get3A_144 : vector<1x16xf32> to vector<16xf32>
        %mul3A_146 = vector.broadcast %squeeze3A_141 : f32 to vector<16xf32>
        %mul3A_147 = arith.mulf %get3A_145, %mul3A_146 : vector<16xf32>
        %swap3A_148 = arith.index_cast %add3A_139 : i32 to index
        %swap3A_149 = arith.constant 0 : index
        %swap3A_150 = tpu.vector_load %arg12[%swap3A_148, %swap3A_149] {strides = array<i32>} : memref<512x32xf32, #tpu.memory_space<vmem>>, vector<1x16xf32>,
        %swap3A_151 = vector.shape_cast %swap3A_150 : vector<1x16xf32> to vector<16xf32>
        %swap3A_152 = vector.shape_cast %mul3A_147 : vector<16xf32> to vector<1x16xf32>
        tpu.vector_store %arg12[%swap3A_148, %swap3A_149], %swap3A_152 {strides = array<i32>} : memref<512x32xf32, #tpu.memory_space<vmem>>, vector<1x16xf32>,
        %get3A_153 = arith.index_cast %add3A_139 : i32 to index
        %get3A_154 = arith.constant 16 : index
        %get3A_155 = tpu.vector_load %arg12[%get3A_153, %get3A_154] {strides = array<i32>} : memref<512x32xf32, #tpu.memory_space<vmem>>, vector<1x16xf32>,
        %get3A_156 = vector.shape_cast %get3A_155 : vector<1x16xf32> to vector<16xf32>
        %mul3A_157 = vector.broadcast %squeeze3A_141 : f32 to vector<16xf32>
        %mul3A_158 = arith.mulf %get3A_156, %mul3A_157 : vector<16xf32>
        %swap3A_159 = arith.index_cast %add3A_139 : i32 to index
        %swap3A_160 = arith.constant 16 : index
        %swap3A_161 = tpu.vector_load %arg12[%swap3A_159, %swap3A_160] {strides = array<i32>} : memref<512x32xf32, #tpu.memory_space<vmem>>, vector<1x16xf32>,
        %swap3A_162 = vector.shape_cast %swap3A_161 : vector<1x16xf32> to vector<16xf32>
        %swap3A_163 = vector.shape_cast %mul3A_158 : vector<16xf32> to vector<1x16xf32>
        tpu.vector_store %arg12[%swap3A_159, %swap3A_160], %swap3A_163 {strides = array<i32>} : memref<512x32xf32, #tpu.memory_space<vmem>>, vector<1x16xf32>,
        %mul3A_164 = arith.constant 16 : i32
        %mul3A_165 = arith.muli %add3A_78, %mul3A_164 : i32
        %add3A_166 = arith.constant 3 : i32
        %add3A_167 = arith.addi %mul3A_165, %add3A_166 : i32
        %slice3A_168 = vector.extract_strided_slice %get3A_82 {offsets = [3], sizes = [1], strides = [1]} : vector<16xf32> to vector<1xf32>
        %squeeze3A_169 = vector.extract %slice3A_168[0] : f32 from vector<1xf32>
        %get3A_170 = arith.index_cast %add3A_167 : i32 to index
        %get3A_171 = arith.constant 0 : index
        %get3A_172 = tpu.vector_load %arg12[%get3A_170, %get3A_171] {strides = array<i32>} : memref<512x32xf32, #tpu.memory_space<vmem>>, vector<1x16xf32>,
        %get3A_173 = vector.shape_cast %get3A_172 : vector<1x16xf32> to vector<16xf32>
        %mul3A_174 = vector.broadcast %squeeze3A_169 : f32 to vector<16xf32>
        %mul3A_175 = arith.mulf %get3A_173, %mul3A_174 : vector<16xf32>
        %swap3A_176 = arith.index_cast %add3A_167 : i32 to index
        %swap3A_177 = arith.constant 0 : index
        %swap3A_178 = tpu.vector_load %arg12[%swap3A_176, %swap3A_177] {strides = array<i32>} : memref<512x32xf32, #tpu.memory_space<vmem>>, vector<1x16xf32>,
        %swap3A_179 = vector.shape_cast %swap3A_178 : vector<1x16xf32> to vector<16xf32>
        %swap3A_180 = vector.shape_cast %mul3A_175 : vector<16xf32> to vector<1x16xf32>
        tpu.vector_store %arg12[%swap3A_176, %swap3A_177], %swap3A_180 {strides = array<i32>} : memref<512x32xf32, #tpu.memory_space<vmem>>, vector<1x16xf32>,
        %get3A_181 = arith.index_cast %add3A_167 : i32 to index
        %get3A_182 = arith.constant 16 : index
        %get3A_183 = tpu.vector_load %arg12[%get3A_181, %get3A_182] {strides = array<i32>} : memref<512x32xf32, #tpu.memory_space<vmem>>, vector<1x16xf32>,
        %get3A_184 = vector.shape_cast %get3A_183 : vector<1x16xf32> to vector<16xf32>
        %mul3A_185 = vector.broadcast %squeeze3A_169 : f32 to vector<16xf32>
        %mul3A_186 = arith.mulf %get3A_184, %mul3A_185 : vector<16xf32>
        %swap3A_187 = arith.index_cast %add3A_167 : i32 to index
        %swap3A_188 = arith.constant 16 : index
        %swap3A_189 = tpu.vector_load %arg12[%swap3A_187, %swap3A_188] {strides = array<i32>} : memref<512x32xf32, #tpu.memory_space<vmem>>, vector<1x16xf32>,
        %swap3A_190 = vector.shape_cast %swap3A_189 : vector<1x16xf32> to vector<16xf32>
        %swap3A_191 = vector.shape_cast %mul3A_186 : vector<16xf32> to vector<1x16xf32>
        tpu.vector_store %arg12[%swap3A_187, %swap3A_188], %swap3A_191 {strides = array<i32>} : memref<512x32xf32, #tpu.memory_space<vmem>>, vector<1x16xf32>,
        %mul3A_192 = arith.constant 16 : i32
        %mul3A_193 = arith.muli %add3A_78, %mul3A_192 : i32
        %add3A_194 = arith.constant 4 : i32
        %add3A_195 = arith.addi %mul3A_193, %add3A_194 : i32
        %slice3A_196 = vector.extract_strided_slice %get3A_82 {offsets = [4], sizes = [1], strides = [1]} : vector<16xf32> to vector<1xf32>
        %squeeze3A_197 = vector.extract %slice3A_196[0] : f32 from vector<1xf32>
        %get3A_198 = arith.index_cast %add3A_195 : i32 to index
        %get3A_199 = arith.constant 0 : index
        %get3A_200 = tpu.vector_load %arg12[%get3A_198, %get3A_199] {strides = array<i32>} : memref<512x32xf32, #tpu.memory_space<vmem>>, vector<1x16xf32>,
        %get3A_201 = vector.shape_cast %get3A_200 : vector<1x16xf32> to vector<16xf32>
        %mul3A_202 = vector.broadcast %squeeze3A_197 : f32 to vector<16xf32>
        %mul3A_203 = arith.mulf %get3A_201, %mul3A_202 : vector<16xf32>
        %swap3A_204 = arith.index_cast %add3A_195 : i32 to index
        %swap3A_205 = arith.constant 0 : index
        %swap3A_206 = tpu.vector_load %arg12[%swap3A_204, %swap3A_205] {strides = array<i32>} : memref<512x32xf32, #tpu.memory_space<vmem>>, vector<1x16xf32>,
        %swap3A_207 = vector.shape_cast %swap3A_206 : vector<1x16xf32> to vector<16xf32>
        %swap3A_208 = vector.shape_cast %mul3A_203 : vector<16xf32> to vector<1x16xf32>
        tpu.vector_store %arg12[%swap3A_204, %swap3A_205], %swap3A_208 {strides = array<i32>} : memref<512x32xf32, #tpu.memory_space<vmem>>, vector<1x16xf32>,
        %get3A_209 = arith.index_cast %add3A_195 : i32 to index
        %get3A_210 = arith.constant 16 : index
        %get3A_211 = tpu.vector_load %arg12[%get3A_209, %get3A_210] {strides = array<i32>} : memref<512x32xf32, #tpu.memory_space<vmem>>, vector<1x16xf32>,
        %get3A_212 = vector.shape_cast %get3A_211 : vector<1x16xf32> to vector<16xf32>
        %mul3A_213 = vector.broadcast %squeeze3A_197 : f32 to vector<16xf32>
        %mul3A_214 = arith.mulf %get3A_212, %mul3A_213 : vector<16xf32>
        %swap3A_215 = arith.index_cast %add3A_195 : i32 to index
        %swap3A_216 = arith.constant 16 : index
        %swap3A_217 = tpu.vector_load %arg12[%swap3A_215, %swap3A_216] {strides = array<i32>} : memref<512x32xf32, #tpu.memory_space<vmem>>, vector<1x16xf32>,
        %swap3A_218 = vector.shape_cast %swap3A_217 : vector<1x16xf32> to vector<16xf32>
        %swap3A_219 = vector.shape_cast %mul3A_214 : vector<16xf32> to vector<1x16xf32>
        tpu.vector_store %arg12[%swap3A_215, %swap3A_216], %swap3A_219 {strides = array<i32>} : memref<512x32xf32, #tpu.memory_space<vmem>>, vector<1x16xf32>,
        %mul3A_220 = arith.constant 16 : i32
        %mul3A_221 = arith.muli %add3A_78, %mul3A_220 : i32
        %add3A_222 = arith.constant 5 : i32
        %add3A_223 = arith.addi %mul3A_221, %add3A_222 : i32
        %slice3A_224 = vector.extract_strided_slice %get3A_82 {offsets = [5], sizes = [1], strides = [1]} : vector<16xf32> to vector<1xf32>
        %squeeze3A_225 = vector.extract %slice3A_224[0] : f32 from vector<1xf32>
        %get3A_226 = arith.index_cast %add3A_223 : i32 to index
        %get3A_227 = arith.constant 0 : index
        %get3A_228 = tpu.vector_load %arg12[%get3A_226, %get3A_227] {strides = array<i32>} : memref<512x32xf32, #tpu.memory_space<vmem>>, vector<1x16xf32>,
        %get3A_229 = vector.shape_cast %get3A_228 : vector<1x16xf32> to vector<16xf32>
        %mul3A_230 = vector.broadcast %squeeze3A_225 : f32 to vector<16xf32>
        %mul3A_231 = arith.mulf %get3A_229, %mul3A_230 : vector<16xf32>
        %swap3A_232 = arith.index_cast %add3A_223 : i32 to index
        %swap3A_233 = arith.constant 0 : index
        %swap3A_234 = tpu.vector_load %arg12[%swap3A_232, %swap3A_233] {strides = array<i32>} : memref<512x32xf32, #tpu.memory_space<vmem>>, vector<1x16xf32>,
        %swap3A_235 = vector.shape_cast %swap3A_234 : vector<1x16xf32> to vector<16xf32>
        %swap3A_236 = vector.shape_cast %mul3A_231 : vector<16xf32> to vector<1x16xf32>
        tpu.vector_store %arg12[%swap3A_232, %swap3A_233], %swap3A_236 {strides = array<i32>} : memref<512x32xf32, #tpu.memory_space<vmem>>, vector<1x16xf32>,
        %get3A_237 = arith.index_cast %add3A_223 : i32 to index
        %get3A_238 = arith.constant 16 : index
        %get3A_239 = tpu.vector_load %arg12[%get3A_237, %get3A_238] {strides = array<i32>} : memref<512x32xf32, #tpu.memory_space<vmem>>, vector<1x16xf32>,
        %get3A_240 = vector.shape_cast %get3A_239 : vector<1x16xf32> to vector<16xf32>
        %mul3A_241 = vector.broadcast %squeeze3A_225 : f32 to vector<16xf32>
        %mul3A_242 = arith.mulf %get3A_240, %mul3A_241 : vector<16xf32>
        %swap3A_243 = arith.index_cast %add3A_223 : i32 to index
        %swap3A_244 = arith.constant 16 : index
        %swap3A_245 = tpu.vector_load %arg12[%swap3A_243, %swap3A_244] {strides = array<i32>} : memref<512x32xf32, #tpu.memory_space<vmem>>, vector<1x16xf32>,
        %swap3A_246 = vector.shape_cast %swap3A_245 : vector<1x16xf32> to vector<16xf32>
        %swap3A_247 = vector.shape_cast %mul3A_242 : vector<16xf32> to vector<1x16xf32>
        tpu.vector_store %arg12[%swap3A_243, %swap3A_244], %swap3A_247 {strides = array<i32>} : memref<512x32xf32, #tpu.memory_space<vmem>>, vector<1x16xf32>,
        %mul3A_248 = arith.constant 16 : i32
        %mul3A_249 = arith.muli %add3A_78, %mul3A_248 : i32
        %add3A_250 = arith.constant 6 : i32
        %add3A_251 = arith.addi %mul3A_249, %add3A_250 : i32
        %slice3A_252 = vector.extract_strided_slice %get3A_82 {offsets = [6], sizes = [1], strides = [1]} : vector<16xf32> to vector<1xf32>
        %squeeze3A_253 = vector.extract %slice3A_252[0] : f32 from vector<1xf32>
        %get3A_254 = arith.index_cast %add3A_251 : i32 to index
        %get3A_255 = arith.constant 0 : index
        %get3A_256 = tpu.vector_load %arg12[%get3A_254, %get3A_255] {strides = array<i32>} : memref<512x32xf32, #tpu.memory_space<vmem>>, vector<1x16xf32>,
        %get3A_257 = vector.shape_cast %get3A_256 : vector<1x16xf32> to vector<16xf32>
        %mul3A_258 = vector.broadcast %squeeze3A_253 : f32 to vector<16xf32>
        %mul3A_259 = arith.mulf %get3A_257, %mul3A_258 : vector<16xf32>
        %swap3A_260 = arith.index_cast %add3A_251 : i32 to index
        %swap3A_261 = arith.constant 0 : index
        %swap3A_262 = tpu.vector_load %arg12[%swap3A_260, %swap3A_261] {strides = array<i32>} : memref<512x32xf32, #tpu.memory_space<vmem>>, vector<1x16xf32>,
        %swap3A_263 = vector.shape_cast %swap3A_262 : vector<1x16xf32> to vector<16xf32>
        %swap3A_264 = vector.shape_cast %mul3A_259 : vector<16xf32> to vector<1x16xf32>
        tpu.vector_store %arg12[%swap3A_260, %swap3A_261], %swap3A_264 {strides = array<i32>} : memref<512x32xf32, #tpu.memory_space<vmem>>, vector<1x16xf32>,
        %get3A_265 = arith.index_cast %add3A_251 : i32 to index
        %get3A_266 = arith.constant 16 : index
        %get3A_267 = tpu.vector_load %arg12[%get3A_265, %get3A_266] {strides = array<i32>} : memref<512x32xf32, #tpu.memory_space<vmem>>, vector<1x16xf32>,
        %get3A_268 = vector.shape_cast %get3A_267 : vector<1x16xf32> to vector<16xf32>
        %mul3A_269 = vector.broadcast %squeeze3A_253 : f32 to vector<16xf32>
        %mul3A_270 = arith.mulf %get3A_268, %mul3A_269 : vector<16xf32>
        %swap3A_271 = arith.index_cast %add3A_251 : i32 to index
        %swap3A_272 = arith.constant 16 : index
        %swap3A_273 = tpu.vector_load %arg12[%swap3A_271, %swap3A_272] {strides = array<i32>} : memref<512x32xf32, #tpu.memory_space<vmem>>, vector<1x16xf32>,
        %swap3A_274 = vector.shape_cast %swap3A_273 : vector<1x16xf32> to vector<16xf32>
        %swap3A_275 = vector.shape_cast %mul3A_270 : vector<16xf32> to vector<1x16xf32>
        tpu.vector_store %arg12[%swap3A_271, %swap3A_272], %swap3A_275 {strides = array<i32>} : memref<512x32xf32, #tpu.memory_space<vmem>>, vector<1x16xf32>,
        %mul3A_276 = arith.constant 16 : i32
        %mul3A_277 = arith.muli %add3A_78, %mul3A_276 : i32
        %add3A_278 = arith.constant 7 : i32
        %add3A_279 = arith.addi %mul3A_277, %add3A_278 : i32
        %slice3A_280 = vector.extract_strided_slice %get3A_82 {offsets = [7], sizes = [1], strides = [1]} : vector<16xf32> to vector<1xf32>
        %squeeze3A_281 = vector.extract %slice3A_280[0] : f32 from vector<1xf32>
        %get3A_282 = arith.index_cast %add3A_279 : i32 to index
        %get3A_283 = arith.constant 0 : index
        %get3A_284 = tpu.vector_load %arg12[%get3A_282, %get3A_283] {strides = array<i32>} : memref<512x32xf32, #tpu.memory_space<vmem>>, vector<1x16xf32>,
        %get3A_285 = vector.shape_cast %get3A_284 : vector<1x16xf32> to vector<16xf32>
        %mul3A_286 = vector.broadcast %squeeze3A_281 : f32 to vector<16xf32>
        %mul3A_287 = arith.mulf %get3A_285, %mul3A_286 : vector<16xf32>
        %swap3A_288 = arith.index_cast %add3A_279 : i32 to index
        %swap3A_289 = arith.constant 0 : index
        %swap3A_290 = tpu.vector_load %arg12[%swap3A_288, %swap3A_289] {strides = array<i32>} : memref<512x32xf32, #tpu.memory_space<vmem>>, vector<1x16xf32>,
        %swap3A_291 = vector.shape_cast %swap3A_290 : vector<1x16xf32> to vector<16xf32>
        %swap3A_292 = vector.shape_cast %mul3A_287 : vector<16xf32> to vector<1x16xf32>
        tpu.vector_store %arg12[%swap3A_288, %swap3A_289], %swap3A_292 {strides = array<i32>} : memref<512x32xf32, #tpu.memory_space<vmem>>, vector<1x16xf32>,
        %get3A_293 = arith.index_cast %add3A_279 : i32 to index
        %get3A_294 = arith.constant 16 : index
        %get3A_295 = tpu.vector_load %arg12[%get3A_293, %get3A_294] {strides = array<i32>} : memref<512x32xf32, #tpu.memory_space<vmem>>, vector<1x16xf32>,
        %get3A_296 = vector.shape_cast %get3A_295 : vector<1x16xf32> to vector<16xf32>
        %mul3A_297 = vector.broadcast %squeeze3A_281 : f32 to vector<16xf32>
        %mul3A_298 = arith.mulf %get3A_296, %mul3A_297 : vector<16xf32>
        %swap3A_299 = arith.index_cast %add3A_279 : i32 to index
        %swap3A_300 = arith.constant 16 : index
        %swap3A_301 = tpu.vector_load %arg12[%swap3A_299, %swap3A_300] {strides = array<i32>} : memref<512x32xf32, #tpu.memory_space<vmem>>, vector<1x16xf32>,
        %swap3A_302 = vector.shape_cast %swap3A_301 : vector<1x16xf32> to vector<16xf32>
        %swap3A_303 = vector.shape_cast %mul3A_298 : vector<16xf32> to vector<1x16xf32>
        tpu.vector_store %arg12[%swap3A_299, %swap3A_300], %swap3A_303 {strides = array<i32>} : memref<512x32xf32, #tpu.memory_space<vmem>>, vector<1x16xf32>,
        %mul3A_304 = arith.constant 16 : i32
        %mul3A_305 = arith.muli %add3A_78, %mul3A_304 : i32
        %add3A_306 = arith.constant 8 : i32
        %add3A_307 = arith.addi %mul3A_305, %add3A_306 : i32
        %slice3A_308 = vector.extract_strided_slice %get3A_82 {offsets = [8], sizes = [1], strides = [1]} : vector<16xf32> to vector<1xf32>
        %squeeze3A_309 = vector.extract %slice3A_308[0] : f32 from vector<1xf32>
        %get3A_310 = arith.index_cast %add3A_307 : i32 to index
        %get3A_311 = arith.constant 0 : index
        %get3A_312 = tpu.vector_load %arg12[%get3A_310, %get3A_311] {strides = array<i32>} : memref<512x32xf32, #tpu.memory_space<vmem>>, vector<1x16xf32>,
        %get3A_313 = vector.shape_cast %get3A_312 : vector<1x16xf32> to vector<16xf32>
        %mul3A_314 = vector.broadcast %squeeze3A_309 : f32 to vector<16xf32>
        %mul3A_315 = arith.mulf %get3A_313, %mul3A_314 : vector<16xf32>
        %swap3A_316 = arith.index_cast %add3A_307 : i32 to index
        %swap3A_317 = arith.constant 0 : index
        %swap3A_318 = tpu.vector_load %arg12[%swap3A_316, %swap3A_317] {strides = array<i32>} : memref<512x32xf32, #tpu.memory_space<vmem>>, vector<1x16xf32>,
        %swap3A_319 = vector.shape_cast %swap3A_318 : vector<1x16xf32> to vector<16xf32>
        %swap3A_320 = vector.shape_cast %mul3A_315 : vector<16xf32> to vector<1x16xf32>
        tpu.vector_store %arg12[%swap3A_316, %swap3A_317], %swap3A_320 {strides = array<i32>} : memref<512x32xf32, #tpu.memory_space<vmem>>, vector<1x16xf32>,
        %get3A_321 = arith.index_cast %add3A_307 : i32 to index
        %get3A_322 = arith.constant 16 : index
        %get3A_323 = tpu.vector_load %arg12[%get3A_321, %get3A_322] {strides = array<i32>} : memref<512x32xf32, #tpu.memory_space<vmem>>, vector<1x16xf32>,
        %get3A_324 = vector.shape_cast %get3A_323 : vector<1x16xf32> to vector<16xf32>
        %mul3A_325 = vector.broadcast %squeeze3A_309 : f32 to vector<16xf32>
        %mul3A_326 = arith.mulf %get3A_324, %mul3A_325 : vector<16xf32>
        %swap3A_327 = arith.index_cast %add3A_307 : i32 to index
        %swap3A_328 = arith.constant 16 : index
        %swap3A_329 = tpu.vector_load %arg12[%swap3A_327, %swap3A_328] {strides = array<i32>} : memref<512x32xf32, #tpu.memory_space<vmem>>, vector<1x16xf32>,
        %swap3A_330 = vector.shape_cast %swap3A_329 : vector<1x16xf32> to vector<16xf32>
        %swap3A_331 = vector.shape_cast %mul3A_326 : vector<16xf32> to vector<1x16xf32>
        tpu.vector_store %arg12[%swap3A_327, %swap3A_328], %swap3A_331 {strides = array<i32>} : memref<512x32xf32, #tpu.memory_space<vmem>>, vector<1x16xf32>,
        %mul3A_332 = arith.constant 16 : i32
        %mul3A_333 = arith.muli %add3A_78, %mul3A_332 : i32
        %add3A_334 = arith.constant 9 : i32
        %add3A_335 = arith.addi %mul3A_333, %add3A_334 : i32
        %slice3A_336 = vector.extract_strided_slice %get3A_82 {offsets = [9], sizes = [1], strides = [1]} : vector<16xf32> to vector<1xf32>
        %squeeze3A_337 = vector.extract %slice3A_336[0] : f32 from vector<1xf32>
        %get3A_338 = arith.index_cast %add3A_335 : i32 to index
        %get3A_339 = arith.constant 0 : index
        %get3A_340 = tpu.vector_load %arg12[%get3A_338, %get3A_339] {strides = array<i32>} : memref<512x32xf32, #tpu.memory_space<vmem>>, vector<1x16xf32>,
        %get3A_341 = vector.shape_cast %get3A_340 : vector<1x16xf32> to vector<16xf32>
        %mul3A_342 = vector.broadcast %squeeze3A_337 : f32 to vector<16xf32>
        %mul3A_343 = arith.mulf %get3A_341, %mul3A_342 : vector<16xf32>
        %swap3A_344 = arith.index_cast %add3A_335 : i32 to index
        %swap3A_345 = arith.constant 0 : index
        %swap3A_346 = tpu.vector_load %arg12[%swap3A_344, %swap3A_345] {strides = array<i32>} : memref<512x32xf32, #tpu.memory_space<vmem>>, vector<1x16xf32>,
        %swap3A_347 = vector.shape_cast %swap3A_346 : vector<1x16xf32> to vector<16xf32>
        %swap3A_348 = vector.shape_cast %mul3A_343 : vector<16xf32> to vector<1x16xf32>
        tpu.vector_store %arg12[%swap3A_344, %swap3A_345], %swap3A_348 {strides = array<i32>} : memref<512x32xf32, #tpu.memory_space<vmem>>, vector<1x16xf32>,
        %get3A_349 = arith.index_cast %add3A_335 : i32 to index
        %get3A_350 = arith.constant 16 : index
        %get3A_351 = tpu.vector_load %arg12[%get3A_349, %get3A_350] {strides = array<i32>} : memref<512x32xf32, #tpu.memory_space<vmem>>, vector<1x16xf32>,
        %get3A_352 = vector.shape_cast %get3A_351 : vector<1x16xf32> to vector<16xf32>
        %mul3A_353 = vector.broadcast %squeeze3A_337 : f32 to vector<16xf32>
        %mul3A_354 = arith.mulf %get3A_352, %mul3A_353 : vector<16xf32>
        %swap3A_355 = arith.index_cast %add3A_335 : i32 to index
        %swap3A_356 = arith.constant 16 : index
        %swap3A_357 = tpu.vector_load %arg12[%swap3A_355, %swap3A_356] {strides = array<i32>} : memref<512x32xf32, #tpu.memory_space<vmem>>, vector<1x16xf32>,
        %swap3A_358 = vector.shape_cast %swap3A_357 : vector<1x16xf32> to vector<16xf32>
        %swap3A_359 = vector.shape_cast %mul3A_354 : vector<16xf32> to vector<1x16xf32>
        tpu.vector_store %arg12[%swap3A_355, %swap3A_356], %swap3A_359 {strides = array<i32>} : memref<512x32xf32, #tpu.memory_space<vmem>>, vector<1x16xf32>,
        %mul3A_360 = arith.constant 16 : i32
        %mul3A_361 = arith.muli %add3A_78, %mul3A_360 : i32
        %add3A_362 = arith.constant 10 : i32
        %add3A_363 = arith.addi %mul3A_361, %add3A_362 : i32
        %slice3A_364 = vector.extract_strided_slice %get3A_82 {offsets = [10], sizes = [1], strides = [1]} : vector<16xf32> to vector<1xf32>
        %squeeze3A_365 = vector.extract %slice3A_364[0] : f32 from vector<1xf32>
        %get3A_366 = arith.index_cast %add3A_363 : i32 to index
        %get3A_367 = arith.constant 0 : index
        %get3A_368 = tpu.vector_load %arg12[%get3A_366, %get3A_367] {strides = array<i32>} : memref<512x32xf32, #tpu.memory_space<vmem>>, vector<1x16xf32>,
        %get3A_369 = vector.shape_cast %get3A_368 : vector<1x16xf32> to vector<16xf32>
        %mul3A_370 = vector.broadcast %squeeze3A_365 : f32 to vector<16xf32>
        %mul3A_371 = arith.mulf %get3A_369, %mul3A_370 : vector<16xf32>
        %swap3A_372 = arith.index_cast %add3A_363 : i32 to index
        %swap3A_373 = arith.constant 0 : index
        %swap3A_374 = tpu.vector_load %arg12[%swap3A_372, %swap3A_373] {strides = array<i32>} : memref<512x32xf32, #tpu.memory_space<vmem>>, vector<1x16xf32>,
        %swap3A_375 = vector.shape_cast %swap3A_374 : vector<1x16xf32> to vector<16xf32>
        %swap3A_376 = vector.shape_cast %mul3A_371 : vector<16xf32> to vector<1x16xf32>
        tpu.vector_store %arg12[%swap3A_372, %swap3A_373], %swap3A_376 {strides = array<i32>} : memref<512x32xf32, #tpu.memory_space<vmem>>, vector<1x16xf32>,
        %get3A_377 = arith.index_cast %add3A_363 : i32 to index
        %get3A_378 = arith.constant 16 : index
        %get3A_379 = tpu.vector_load %arg12[%get3A_377, %get3A_378] {strides = array<i32>} : memref<512x32xf32, #tpu.memory_space<vmem>>, vector<1x16xf32>,
        %get3A_380 = vector.shape_cast %get3A_379 : vector<1x16xf32> to vector<16xf32>
        %mul3A_381 = vector.broadcast %squeeze3A_365 : f32 to vector<16xf32>
        %mul3A_382 = arith.mulf %get3A_380, %mul3A_381 : vector<16xf32>
        %swap3A_383 = arith.index_cast %add3A_363 : i32 to index
        %swap3A_384 = arith.constant 16 : index
        %swap3A_385 = tpu.vector_load %arg12[%swap3A_383, %swap3A_384] {strides = array<i32>} : memref<512x32xf32, #tpu.memory_space<vmem>>, vector<1x16xf32>,
        %swap3A_386 = vector.shape_cast %swap3A_385 : vector<1x16xf32> to vector<16xf32>
        %swap3A_387 = vector.shape_cast %mul3A_382 : vector<16xf32> to vector<1x16xf32>
        tpu.vector_store %arg12[%swap3A_383, %swap3A_384], %swap3A_387 {strides = array<i32>} : memref<512x32xf32, #tpu.memory_space<vmem>>, vector<1x16xf32>,
        %mul3A_388 = arith.constant 16 : i32
        %mul3A_389 = arith.muli %add3A_78, %mul3A_388 : i32
        %add3A_390 = arith.constant 11 : i32
        %add3A_391 = arith.addi %mul3A_389, %add3A_390 : i32
        %slice3A_392 = vector.extract_strided_slice %get3A_82 {offsets = [11], sizes = [1], strides = [1]} : vector<16xf32> to vector<1xf32>
        %squeeze3A_393 = vector.extract %slice3A_392[0] : f32 from vector<1xf32>
        %get3A_394 = arith.index_cast %add3A_391 : i32 to index
        %get3A_395 = arith.constant 0 : index
        %get3A_396 = tpu.vector_load %arg12[%get3A_394, %get3A_395] {strides = array<i32>} : memref<512x32xf32, #tpu.memory_space<vmem>>, vector<1x16xf32>,
        %get3A_397 = vector.shape_cast %get3A_396 : vector<1x16xf32> to vector<16xf32>
        %mul3A_398 = vector.broadcast %squeeze3A_393 : f32 to vector<16xf32>
        %mul3A_399 = arith.mulf %get3A_397, %mul3A_398 : vector<16xf32>
        %swap3A_400 = arith.index_cast %add3A_391 : i32 to index
        %swap3A_401 = arith.constant 0 : index
        %swap3A_402 = tpu.vector_load %arg12[%swap3A_400, %swap3A_401] {strides = array<i32>} : memref<512x32xf32, #tpu.memory_space<vmem>>, vector<1x16xf32>,
        %swap3A_403 = vector.shape_cast %swap3A_402 : vector<1x16xf32> to vector<16xf32>
        %swap3A_404 = vector.shape_cast %mul3A_399 : vector<16xf32> to vector<1x16xf32>
        tpu.vector_store %arg12[%swap3A_400, %swap3A_401], %swap3A_404 {strides = array<i32>} : memref<512x32xf32, #tpu.memory_space<vmem>>, vector<1x16xf32>,
        %get3A_405 = arith.index_cast %add3A_391 : i32 to index
        %get3A_406 = arith.constant 16 : index
        %get3A_407 = tpu.vector_load %arg12[%get3A_405, %get3A_406] {strides = array<i32>} : memref<512x32xf32, #tpu.memory_space<vmem>>, vector<1x16xf32>,
        %get3A_408 = vector.shape_cast %get3A_407 : vector<1x16xf32> to vector<16xf32>
        %mul3A_409 = vector.broadcast %squeeze3A_393 : f32 to vector<16xf32>
        %mul3A_410 = arith.mulf %get3A_408, %mul3A_409 : vector<16xf32>
        %swap3A_411 = arith.index_cast %add3A_391 : i32 to index
        %swap3A_412 = arith.constant 16 : index
        %swap3A_413 = tpu.vector_load %arg12[%swap3A_411, %swap3A_412] {strides = array<i32>} : memref<512x32xf32, #tpu.memory_space<vmem>>, vector<1x16xf32>,
        %swap3A_414 = vector.shape_cast %swap3A_413 : vector<1x16xf32> to vector<16xf32>
        %swap3A_415 = vector.shape_cast %mul3A_410 : vector<16xf32> to vector<1x16xf32>
        tpu.vector_store %arg12[%swap3A_411, %swap3A_412], %swap3A_415 {strides = array<i32>} : memref<512x32xf32, #tpu.memory_space<vmem>>, vector<1x16xf32>,
        %mul3A_416 = arith.constant 16 : i32
        %mul3A_417 = arith.muli %add3A_78, %mul3A_416 : i32
        %add3A_418 = arith.constant 12 : i32
        %add3A_419 = arith.addi %mul3A_417, %add3A_418 : i32
        %slice3A_420 = vector.extract_strided_slice %get3A_82 {offsets = [12], sizes = [1], strides = [1]} : vector<16xf32> to vector<1xf32>
        %squeeze3A_421 = vector.extract %slice3A_420[0] : f32 from vector<1xf32>
        %get3A_422 = arith.index_cast %add3A_419 : i32 to index
        %get3A_423 = arith.constant 0 : index
        %get3A_424 = tpu.vector_load %arg12[%get3A_422, %get3A_423] {strides = array<i32>} : memref<512x32xf32, #tpu.memory_space<vmem>>, vector<1x16xf32>,
        %get3A_425 = vector.shape_cast %get3A_424 : vector<1x16xf32> to vector<16xf32>
        %mul3A_426 = vector.broadcast %squeeze3A_421 : f32 to vector<16xf32>
        %mul3A_427 = arith.mulf %get3A_425, %mul3A_426 : vector<16xf32>
        %swap3A_428 = arith.index_cast %add3A_419 : i32 to index
        %swap3A_429 = arith.constant 0 : index
        %swap3A_430 = tpu.vector_load %arg12[%swap3A_428, %swap3A_429] {strides = array<i32>} : memref<512x32xf32, #tpu.memory_space<vmem>>, vector<1x16xf32>,
        %swap3A_431 = vector.shape_cast %swap3A_430 : vector<1x16xf32> to vector<16xf32>
        %swap3A_432 = vector.shape_cast %mul3A_427 : vector<16xf32> to vector<1x16xf32>
        tpu.vector_store %arg12[%swap3A_428, %swap3A_429], %swap3A_432 {strides = array<i32>} : memref<512x32xf32, #tpu.memory_space<vmem>>, vector<1x16xf32>,
        %get3A_433 = arith.index_cast %add3A_419 : i32 to index
        %get3A_434 = arith.constant 16 : index
        %get3A_435 = tpu.vector_load %arg12[%get3A_433, %get3A_434] {strides = array<i32>} : memref<512x32xf32, #tpu.memory_space<vmem>>, vector<1x16xf32>,
        %get3A_436 = vector.shape_cast %get3A_435 : vector<1x16xf32> to vector<16xf32>
        %mul3A_437 = vector.broadcast %squeeze3A_421 : f32 to vector<16xf32>
        %mul3A_438 = arith.mulf %get3A_436, %mul3A_437 : vector<16xf32>
        %swap3A_439 = arith.index_cast %add3A_419 : i32 to index
        %swap3A_440 = arith.constant 16 : index
        %swap3A_441 = tpu.vector_load %arg12[%swap3A_439, %swap3A_440] {strides = array<i32>} : memref<512x32xf32, #tpu.memory_space<vmem>>, vector<1x16xf32>,
        %swap3A_442 = vector.shape_cast %swap3A_441 : vector<1x16xf32> to vector<16xf32>
        %swap3A_443 = vector.shape_cast %mul3A_438 : vector<16xf32> to vector<1x16xf32>
        tpu.vector_store %arg12[%swap3A_439, %swap3A_440], %swap3A_443 {strides = array<i32>} : memref<512x32xf32, #tpu.memory_space<vmem>>, vector<1x16xf32>,
        %mul3A_444 = arith.constant 16 : i32
        %mul3A_445 = arith.muli %add3A_78, %mul3A_444 : i32
        %add3A_446 = arith.constant 13 : i32
        %add3A_447 = arith.addi %mul3A_445, %add3A_446 : i32
        %slice3A_448 = vector.extract_strided_slice %get3A_82 {offsets = [13], sizes = [1], strides = [1]} : vector<16xf32> to vector<1xf32>
        %squeeze3A_449 = vector.extract %slice3A_448[0] : f32 from vector<1xf32>
        %get3A_450 = arith.index_cast %add3A_447 : i32 to index
        %get3A_451 = arith.constant 0 : index
        %get3A_452 = tpu.vector_load %arg12[%get3A_450, %get3A_451] {strides = array<i32>} : memref<512x32xf32, #tpu.memory_space<vmem>>, vector<1x16xf32>,
        %get3A_453 = vector.shape_cast %get3A_452 : vector<1x16xf32> to vector<16xf32>
        %mul3A_454 = vector.broadcast %squeeze3A_449 : f32 to vector<16xf32>
        %mul3A_455 = arith.mulf %get3A_453, %mul3A_454 : vector<16xf32>
        %swap3A_456 = arith.index_cast %add3A_447 : i32 to index
        %swap3A_457 = arith.constant 0 : index
        %swap3A_458 = tpu.vector_load %arg12[%swap3A_456, %swap3A_457] {strides = array<i32>} : memref<512x32xf32, #tpu.memory_space<vmem>>, vector<1x16xf32>,
        %swap3A_459 = vector.shape_cast %swap3A_458 : vector<1x16xf32> to vector<16xf32>
        %swap3A_460 = vector.shape_cast %mul3A_455 : vector<16xf32> to vector<1x16xf32>
        tpu.vector_store %arg12[%swap3A_456, %swap3A_457], %swap3A_460 {strides = array<i32>} : memref<512x32xf32, #tpu.memory_space<vmem>>, vector<1x16xf32>,
        %get3A_461 = arith.index_cast %add3A_447 : i32 to index
        %get3A_462 = arith.constant 16 : index
        %get3A_463 = tpu.vector_load %arg12[%get3A_461, %get3A_462] {strides = array<i32>} : memref<512x32xf32, #tpu.memory_space<vmem>>, vector<1x16xf32>,
        %get3A_464 = vector.shape_cast %get3A_463 : vector<1x16xf32> to vector<16xf32>
        %mul3A_465 = vector.broadcast %squeeze3A_449 : f32 to vector<16xf32>
        %mul3A_466 = arith.mulf %get3A_464, %mul3A_465 : vector<16xf32>
        %swap3A_467 = arith.index_cast %add3A_447 : i32 to index
        %swap3A_468 = arith.constant 16 : index
        %swap3A_469 = tpu.vector_load %arg12[%swap3A_467, %swap3A_468] {strides = array<i32>} : memref<512x32xf32, #tpu.memory_space<vmem>>, vector<1x16xf32>,
        %swap3A_470 = vector.shape_cast %swap3A_469 : vector<1x16xf32> to vector<16xf32>
        %swap3A_471 = vector.shape_cast %mul3A_466 : vector<16xf32> to vector<1x16xf32>
        tpu.vector_store %arg12[%swap3A_467, %swap3A_468], %swap3A_471 {strides = array<i32>} : memref<512x32xf32, #tpu.memory_space<vmem>>, vector<1x16xf32>,
        %mul3A_472 = arith.constant 16 : i32
        %mul3A_473 = arith.muli %add3A_78, %mul3A_472 : i32
        %add3A_474 = arith.constant 14 : i32
        %add3A_475 = arith.addi %mul3A_473, %add3A_474 : i32
        %slice3A_476 = vector.extract_strided_slice %get3A_82 {offsets = [14], sizes = [1], strides = [1]} : vector<16xf32> to vector<1xf32>
        %squeeze3A_477 = vector.extract %slice3A_476[0] : f32 from vector<1xf32>
        %get3A_478 = arith.index_cast %add3A_475 : i32 to index
        %get3A_479 = arith.constant 0 : index
        %get3A_480 = tpu.vector_load %arg12[%get3A_478, %get3A_479] {strides = array<i32>} : memref<512x32xf32, #tpu.memory_space<vmem>>, vector<1x16xf32>,
        %get3A_481 = vector.shape_cast %get3A_480 : vector<1x16xf32> to vector<16xf32>
        %mul3A_482 = vector.broadcast %squeeze3A_477 : f32 to vector<16xf32>
        %mul3A_483 = arith.mulf %get3A_481, %mul3A_482 : vector<16xf32>
        %swap3A_484 = arith.index_cast %add3A_475 : i32 to index
        %swap3A_485 = arith.constant 0 : index
        %swap3A_486 = tpu.vector_load %arg12[%swap3A_484, %swap3A_485] {strides = array<i32>} : memref<512x32xf32, #tpu.memory_space<vmem>>, vector<1x16xf32>,
        %swap3A_487 = vector.shape_cast %swap3A_486 : vector<1x16xf32> to vector<16xf32>
        %swap3A_488 = vector.shape_cast %mul3A_483 : vector<16xf32> to vector<1x16xf32>
        tpu.vector_store %arg12[%swap3A_484, %swap3A_485], %swap3A_488 {strides = array<i32>} : memref<512x32xf32, #tpu.memory_space<vmem>>, vector<1x16xf32>,
        %get3A_489 = arith.index_cast %add3A_475 : i32 to index
        %get3A_490 = arith.constant 16 : index
        %get3A_491 = tpu.vector_load %arg12[%get3A_489, %get3A_490] {strides = array<i32>} : memref<512x32xf32, #tpu.memory_space<vmem>>, vector<1x16xf32>,
        %get3A_492 = vector.shape_cast %get3A_491 : vector<1x16xf32> to vector<16xf32>
        %mul3A_493 = vector.broadcast %squeeze3A_477 : f32 to vector<16xf32>
        %mul3A_494 = arith.mulf %get3A_492, %mul3A_493 : vector<16xf32>
        %swap3A_495 = arith.index_cast %add3A_475 : i32 to index
        %swap3A_496 = arith.constant 16 : index
        %swap3A_497 = tpu.vector_load %arg12[%swap3A_495, %swap3A_496] {strides = array<i32>} : memref<512x32xf32, #tpu.memory_space<vmem>>, vector<1x16xf32>,
        %swap3A_498 = vector.shape_cast %swap3A_497 : vector<1x16xf32> to vector<16xf32>
        %swap3A_499 = vector.shape_cast %mul3A_494 : vector<16xf32> to vector<1x16xf32>
        tpu.vector_store %arg12[%swap3A_495, %swap3A_496], %swap3A_499 {strides = array<i32>} : memref<512x32xf32, #tpu.memory_space<vmem>>, vector<1x16xf32>,
        %mul3A_500 = arith.constant 16 : i32
        %mul3A_501 = arith.muli %add3A_78, %mul3A_500 : i32
        %add3A_502 = arith.constant 15 : i32
        %add3A_503 = arith.addi %mul3A_501, %add3A_502 : i32
        %slice3A_504 = vector.extract_strided_slice %get3A_82 {offsets = [15], sizes = [1], strides = [1]} : vector<16xf32> to vector<1xf32>
        %squeeze3A_505 = vector.extract %slice3A_504[0] : f32 from vector<1xf32>
        %get3A_506 = arith.index_cast %add3A_503 : i32 to index
        %get3A_507 = arith.constant 0 : index
        %get3A_508 = tpu.vector_load %arg12[%get3A_506, %get3A_507] {strides = array<i32>} : memref<512x32xf32, #tpu.memory_space<vmem>>, vector<1x16xf32>,
        %get3A_509 = vector.shape_cast %get3A_508 : vector<1x16xf32> to vector<16xf32>
        %mul3A_510 = vector.broadcast %squeeze3A_505 : f32 to vector<16xf32>
        %mul3A_511 = arith.mulf %get3A_509, %mul3A_510 : vector<16xf32>
        %swap3A_512 = arith.index_cast %add3A_503 : i32 to index
        %swap3A_513 = arith.constant 0 : index
        %swap3A_514 = tpu.vector_load %arg12[%swap3A_512, %swap3A_513] {strides = array<i32>} : memref<512x32xf32, #tpu.memory_space<vmem>>, vector<1x16xf32>,
        %swap3A_515 = vector.shape_cast %swap3A_514 : vector<1x16xf32> to vector<16xf32>
        %swap3A_516 = vector.shape_cast %mul3A_511 : vector<16xf32> to vector<1x16xf32>
        tpu.vector_store %arg12[%swap3A_512, %swap3A_513], %swap3A_516 {strides = array<i32>} : memref<512x32xf32, #tpu.memory_space<vmem>>, vector<1x16xf32>,
        %get3A_517 = arith.index_cast %add3A_503 : i32 to index
        %get3A_518 = arith.constant 16 : index
        %get3A_519 = tpu.vector_load %arg12[%get3A_517, %get3A_518] {strides = array<i32>} : memref<512x32xf32, #tpu.memory_space<vmem>>, vector<1x16xf32>,
        %get3A_520 = vector.shape_cast %get3A_519 : vector<1x16xf32> to vector<16xf32>
        %mul3A_521 = vector.broadcast %squeeze3A_505 : f32 to vector<16xf32>
        %mul3A_522 = arith.mulf %get3A_520, %mul3A_521 : vector<16xf32>
        %swap3A_523 = arith.index_cast %add3A_503 : i32 to index
        %swap3A_524 = arith.constant 16 : index
        %swap3A_525 = tpu.vector_load %arg12[%swap3A_523, %swap3A_524] {strides = array<i32>} : memref<512x32xf32, #tpu.memory_space<vmem>>, vector<1x16xf32>,
        %swap3A_526 = vector.shape_cast %swap3A_525 : vector<1x16xf32> to vector<16xf32>
        %swap3A_527 = vector.shape_cast %mul3A_522 : vector<16xf32> to vector<1x16xf32>
        tpu.vector_store %arg12[%swap3A_523, %swap3A_524], %swap3A_527 {strides = array<i32>} : memref<512x32xf32, #tpu.memory_space<vmem>>, vector<1x16xf32>,
      }
      %scan3A_63 = arith.constant 32 : i32
      %scan3A_64 = arith.constant 0 : i32
      %scan3A_65 = arith.constant 4 : i32
      %scan3A_66 = arith.addi %scan3A_64, %scan3A_65 : i32
      %scan3A_67 = arith.constant 1 : i32
      scf.for %scan3A_74 = %scan3A_64 to %scan3A_66 step %scan3A_67  : i32 {
        %mul3A_75 = arith.constant 1 : i32
        %mul3A_76 = arith.muli %scan3A_74, %mul3A_75 : i32
        %add3A_77 = arith.constant 0 : i32
        %add3A_78 = arith.addi %add3A_77, %mul3A_76 : i32
        %mul3A_79 = arith.constant 128 : i32
        %mul3A_80 = arith.muli %add3A_78, %mul3A_79 : i32
        %dma_start3A = arith.constant 0 : i32
        %dma_start3A_81 = tpu.memref_slice %arg12[%mul3A_80, %dma_start3A] : memref<512x32xf32, #tpu.memory_space<vmem>> -> memref<128x32xf32, #tpu.memory_space<vmem>>
        %dma_start3A_82 = arith.constant 0 : i32
        %dma_start3A_83 = tpu.memref_slice %arg11[%add3A_78, %dma_start3A_82] : memref<4x128xi32, #tpu.memory_space<vmem>> -> memref<1x128xi32, #tpu.memory_space<vmem>>
        %dma_start3A_84 = tpu.memref_squeeze %dma_start3A_83 : memref<1x128xi32, #tpu.memory_space<vmem>> -> memref<128xi32, #tpu.memory_space<vmem>>
        %dma_start3A_85 = arith.constant 0 : i32
        %dma_start3A_86 = arith.constant 0 : i32
        %dma_start3A_87 = tpu.memref_slice %arg7[%dma_start3A_85, %dma_start3A_86] : memref<50048x32xf32, #tpu.memory_space<vmem_shared>> -> memref<50048x32xf32, #tpu.memory_space<vmem_shared>>
        tpu.enqueue_indirect_dma source(%dma_start3A_81 : memref<128x32xf32, #tpu.memory_space<vmem>>) target(%dma_start3A_87 : memref<50048x32xf32, #tpu.memory_space<vmem_shared>>) offsets(%dma_start3A_84 : memref<128xi32, #tpu.memory_space<vmem>>) semaphore(%arg13 : memref<!tpu.dma_semaphore, #tpu.memory_space<semaphore_mem>>) {add = true}
      }
      %scan3A_68 = arith.constant 4 : i32
      %scan3A_69 = arith.constant 0 : i32
      %scan3A_70 = arith.constant 4 : i32
      %scan3A_71 = arith.addi %scan3A_69, %scan3A_70 : i32
      %scan3A_72 = arith.constant 1 : i32
      scf.for %scan3A_74 = %scan3A_69 to %scan3A_71 step %scan3A_72  : i32 {
        %mul3A_75 = arith.constant 1 : i32
        %mul3A_76 = arith.muli %scan3A_74, %mul3A_75 : i32
        %add3A_77 = arith.constant 0 : i32
        %add3A_78 = arith.addi %add3A_77, %mul3A_76 : i32
        %mul3A_79 = arith.constant 128 : i32
        %mul3A_80 = arith.muli %add3A_78, %mul3A_79 : i32
        %dma_wait3A = arith.constant 0 : i32
        %dma_wait3A_81 = tpu.memref_slice %arg12[%mul3A_80, %dma_wait3A] : memref<512x32xf32, #tpu.memory_space<vmem>> -> memref<128x32xf32, #tpu.memory_space<vmem>>
        %dma_wait3A_82 = arith.constant 0 : i32
        %dma_wait3A_83 = tpu.memref_slice %arg11[%add3A_78, %dma_wait3A_82] : memref<4x128xi32, #tpu.memory_space<vmem>> -> memref<1x128xi32, #tpu.memory_space<vmem>>
        %dma_wait3A_84 = tpu.memref_squeeze %dma_wait3A_83 : memref<1x128xi32, #tpu.memory_space<vmem>> -> memref<128xi32, #tpu.memory_space<vmem>>
        %dma_wait3A_85 = arith.constant 0 : i32
        %dma_wait3A_86 = arith.constant 0 : i32
        %dma_wait3A_87 = tpu.memref_slice %arg7[%dma_wait3A_85, %dma_wait3A_86] : memref<50048x32xf32, #tpu.memory_space<vmem_shared>> -> memref<50048x32xf32, #tpu.memory_space<vmem_shared>>
        tpu.wait_indirect_dma semaphore(%arg13 : memref<!tpu.dma_semaphore, #tpu.memory_space<semaphore_mem>>) src(%dma_wait3A_81 : memref<128x32xf32, #tpu.memory_space<vmem>>) dst(%dma_wait3A_87 : memref<50048x32xf32, #tpu.memory_space<vmem_shared>>)
      }
      %scan3A_73 = arith.constant 4 : i32
    }
    %scan3A_24 = arith.constant 196 : i32
    %barrier3A_25 = arith.constant 0 : index
    tpu.barrier barrier_id(%barrier3A_25)
    %mul3A_26 = arith.constant 3128 : i32
    %mul3A_27 = arith.muli %arg1, %mul3A_26 : i32
    %lt3A = arith.constant 15 : i32
    %lt3A_28 = arith.cmpi slt, %arg1, %lt3A : i32
    %convert_element_type3A = arith.extui %lt3A_28 : i1 to i32
    %cond3A = arith.constant 0 : i32
    %cond3A_29 = arith.cmpi ne, %convert_element_type3A, %cond3A : i32
    scf.if %cond3A_29 {
      %add3A_34 = arith.addi %mul3A_0, %mul3A_27 : i32
      "tpu.region"() ({
        %run_scoped3A = tpu.sem_alloc : memref<!tpu.dma_semaphore, #tpu.memory_space<semaphore_mem>>
        %dma_start3A = arith.constant 0 : i32
        %dma_start3A_35 = tpu.memref_slice %arg6[%add3A_34, %dma_start3A] : memref<100000x32xf32, #tpu.memory_space<hbm>> -> memref<3128x32xf32, #tpu.memory_space<hbm>>
        %dma_start3A_36 = arith.constant 0 : i32
        %dma_start3A_37 = tpu.memref_slice %arg7[%mul3A_27, %dma_start3A_36] : memref<50048x32xf32, #tpu.memory_space<vmem_shared>> -> memref<3128x32xf32, #tpu.memory_space<vmem_shared>>
        tpu.enqueue_dma source(%dma_start3A_37 : memref<3128x32xf32, #tpu.memory_space<vmem_shared>>) target(%dma_start3A_35 : memref<3128x32xf32, #tpu.memory_space<hbm>>) target_semaphore(%run_scoped3A : memref<!tpu.dma_semaphore, #tpu.memory_space<semaphore_mem>>)
        %dma_wait3A = arith.constant 0 : i32
        %dma_wait3A_38 = tpu.memref_slice %arg6[%add3A_34, %dma_wait3A] : memref<100000x32xf32, #tpu.memory_space<hbm>> -> memref<3128x32xf32, #tpu.memory_space<hbm>>
        %dma_wait3A_39 = arith.constant 0 : i32
        %dma_wait3A_40 = tpu.memref_slice %arg7[%mul3A_27, %dma_wait3A_39] : memref<50048x32xf32, #tpu.memory_space<vmem_shared>> -> memref<3128x32xf32, #tpu.memory_space<vmem_shared>>
        tpu.wait_dma2 semaphore(%run_scoped3A : memref<!tpu.dma_semaphore, #tpu.memory_space<semaphore_mem>>) src(%dma_wait3A_40 : memref<3128x32xf32, #tpu.memory_space<vmem_shared>>) dst(%dma_wait3A_38 : memref<3128x32xf32, #tpu.memory_space<hbm>>)
        tpu.yield
      }) : () -> ()
    } else {
    }
    %eq3A = arith.constant 15 : i32
    %eq3A_30 = arith.cmpi eq, %arg1, %eq3A : i32
    %convert_element_type3A_31 = arith.extui %eq3A_30 : i1 to i32
    %cond3A_32 = arith.constant 0 : i32
    %cond3A_33 = arith.cmpi ne, %convert_element_type3A_31, %cond3A_32 : i32
    scf.if %cond3A_33 {
      %add3A_34 = arith.addi %mul3A_0, %mul3A_27 : i32
      "tpu.region"() ({
        %run_scoped3A = tpu.sem_alloc : memref<!tpu.dma_semaphore, #tpu.memory_space<semaphore_mem>>
        %dma_start3A = arith.constant 0 : i32
        %dma_start3A_35 = tpu.memref_slice %arg6[%add3A_34, %dma_start3A] : memref<100000x32xf32, #tpu.memory_space<hbm>> -> memref<3080x32xf32, #tpu.memory_space<hbm>>
        %dma_start3A_36 = arith.constant 0 : i32
        %dma_start3A_37 = tpu.memref_slice %arg7[%mul3A_27, %dma_start3A_36] : memref<50048x32xf32, #tpu.memory_space<vmem_shared>> -> memref<3080x32xf32, #tpu.memory_space<vmem_shared>>
        tpu.enqueue_dma source(%dma_start3A_37 : memref<3080x32xf32, #tpu.memory_space<vmem_shared>>) target(%dma_start3A_35 : memref<3080x32xf32, #tpu.memory_space<hbm>>) target_semaphore(%run_scoped3A : memref<!tpu.dma_semaphore, #tpu.memory_space<semaphore_mem>>)
        %dma_wait3A = arith.constant 0 : i32
        %dma_wait3A_38 = tpu.memref_slice %arg6[%add3A_34, %dma_wait3A] : memref<100000x32xf32, #tpu.memory_space<hbm>> -> memref<3080x32xf32, #tpu.memory_space<hbm>>
        %dma_wait3A_39 = arith.constant 0 : i32
        %dma_wait3A_40 = tpu.memref_slice %arg7[%mul3A_27, %dma_wait3A_39] : memref<50048x32xf32, #tpu.memory_space<vmem_shared>> -> memref<3080x32xf32, #tpu.memory_space<vmem_shared>>
        tpu.wait_dma2 semaphore(%run_scoped3A : memref<!tpu.dma_semaphore, #tpu.memory_space<semaphore_mem>>) src(%dma_wait3A_40 : memref<3080x32xf32, #tpu.memory_space<vmem_shared>>) dst(%dma_wait3A_38 : memref<3080x32xf32, #tpu.memory_space<hbm>>)
        tpu.yield
      }) : () -> ()
    } else {
    }
    return
  }
}

#map = affine_map<(d0, d1) -> (0, 0)>
#map1 = affine_map<(d0, d1) -> (0)>
module attributes {stable_mosaic.version = 14 : i64} {
  func.func @_gat_body(%arg0: i32, %arg1: i32, %arg2: memref<100000x32xf32, #tpu.memory_space<hbm>>, %arg3: memref<100000x32xf32, #tpu.memory_space<hbm>>, %arg4: memref<100000x32xf32, #tpu.memory_space<hbm>>, %arg5: memref<4096xi32, #tpu.memory_space<hbm>>, %arg6: memref<4096xi32, #tpu.memory_space<hbm>>, %arg7: memref<4096xi32, #tpu.memory_space<hbm>>, %arg8: memref<4096x96xf32, #tpu.memory_space<hbm>>, %arg9: memref<4096x96xf32, #tpu.memory_space<hbm>>, %arg10: memref<4096x96xf32, #tpu.memory_space<hbm>>, %arg11: memref<128xi32, #tpu.memory_space<vmem>>, %arg12: memref<128x32xf32, #tpu.memory_space<vmem>>, %arg13: memref<128x96xf32, #tpu.memory_space<vmem>>, %arg14: memref<!tpu.dma_semaphore, #tpu.memory_space<semaphore_mem>>) attributes {dimension_semantics = [#tpu.dimension_semantics<core_parallel>, #tpu.dimension_semantics<subcore_parallel>], iteration_bounds = array<i64: 2, 16>, scalar_prefetch = 0 : i64, scratch_operands = 4 : i64, tpu.core_type = #tpu.core_type<sc_vector_subcore>, window_params = [{transform_indices = #map}, {transform_indices = #map}, {transform_indices = #map}, {transform_indices = #map1}, {transform_indices = #map1}, {transform_indices = #map1}, {transform_indices = #map}, {transform_indices = #map}, {transform_indices = #map}]} {
    %mul3A = arith.constant 2 : i32
    %mul3A_0 = arith.muli %arg1, %mul3A : i32
    %add3A = arith.addi %mul3A_0, %arg0 : i32
    %mul3A_1 = arith.constant 128 : i32
    %mul3A_2 = arith.muli %add3A, %mul3A_1 : i32
    "tpu.region"() ({
      %run_scoped3A = tpu.sem_alloc : memref<!tpu.dma_semaphore, #tpu.memory_space<semaphore_mem>>
      %dma_start3A_109 = tpu.memref_slice %arg5[%mul3A_2] : memref<4096xi32, #tpu.memory_space<hbm>> -> memref<128xi32, #tpu.memory_space<hbm>>
      %dma_start3A_110 = tpu.memref_slice %arg5[%mul3A_2] : memref<4096xi32, #tpu.memory_space<hbm>> -> memref<128xi32, #tpu.memory_space<hbm>>
      tpu.enqueue_dma source(%dma_start3A_110 : memref<128xi32, #tpu.memory_space<hbm>>) target(%arg11 : memref<128xi32, #tpu.memory_space<vmem>>) target_semaphore(%run_scoped3A : memref<!tpu.dma_semaphore, #tpu.memory_space<semaphore_mem>>)
      %dma_wait3A_111 = tpu.memref_slice %arg5[%mul3A_2] : memref<4096xi32, #tpu.memory_space<hbm>> -> memref<128xi32, #tpu.memory_space<hbm>>
      %dma_wait3A_112 = tpu.memref_slice %arg5[%mul3A_2] : memref<4096xi32, #tpu.memory_space<hbm>> -> memref<128xi32, #tpu.memory_space<hbm>>
      tpu.wait_dma2 semaphore(%run_scoped3A : memref<!tpu.dma_semaphore, #tpu.memory_space<semaphore_mem>>) src(%dma_wait3A_112 : memref<128xi32, #tpu.memory_space<hbm>>) dst(%arg11 : memref<128xi32, #tpu.memory_space<vmem>>)
      tpu.yield
    }) : () -> ()
    %dma_start3A = arith.constant 0 : i32
    %dma_start3A_3 = arith.constant 0 : i32
    %dma_start3A_4 = tpu.memref_slice %arg2[%dma_start3A, %dma_start3A_3] : memref<100000x32xf32, #tpu.memory_space<hbm>> -> memref<100000x32xf32, #tpu.memory_space<hbm>>
    tpu.enqueue_indirect_dma source(%dma_start3A_4 : memref<100000x32xf32, #tpu.memory_space<hbm>>) target(%arg12 : memref<128x32xf32, #tpu.memory_space<vmem>>) offsets(%arg11 : memref<128xi32, #tpu.memory_space<vmem>>) semaphore(%arg14 : memref<!tpu.dma_semaphore, #tpu.memory_space<semaphore_mem>>)
    %dma_wait3A = arith.constant 0 : i32
    %dma_wait3A_5 = arith.constant 0 : i32
    %dma_wait3A_6 = tpu.memref_slice %arg2[%dma_wait3A, %dma_wait3A_5] : memref<100000x32xf32, #tpu.memory_space<hbm>> -> memref<100000x32xf32, #tpu.memory_space<hbm>>
    tpu.wait_indirect_dma semaphore(%arg14 : memref<!tpu.dma_semaphore, #tpu.memory_space<semaphore_mem>>) src(%dma_wait3A_6 : memref<100000x32xf32, #tpu.memory_space<hbm>>) dst(%arg12 : memref<128x32xf32, #tpu.memory_space<vmem>>)
    %scan3A = arith.constant 0 : i32
    %scan3A_7 = arith.constant 128 : i32
    %scan3A_8 = arith.addi %scan3A, %scan3A_7 : i32
    %scan3A_9 = arith.constant 1 : i32
    scf.for %scan3A_109 = %scan3A to %scan3A_8 step %scan3A_9  : i32 {
      %mul3A_110 = arith.constant 1 : i32
      %mul3A_111 = arith.muli %scan3A_109, %mul3A_110 : i32
      %add3A_112 = arith.constant 0 : i32
      %add3A_113 = arith.addi %add3A_112, %mul3A_111 : i32
      %get3A = arith.index_cast %add3A_113 : i32 to index
      %get3A_114 = arith.constant 0 : index
      %get3A_115 = tpu.vector_load %arg12[%get3A, %get3A_114] {strides = array<i32>} : memref<128x32xf32, #tpu.memory_space<vmem>>, vector<1x16xf32>,
      %get3A_116 = vector.shape_cast %get3A_115 : vector<1x16xf32> to vector<16xf32>
      %swap3A = arith.index_cast %add3A_113 : i32 to index
      %swap3A_117 = arith.constant 0 : index
      %swap3A_118 = tpu.vector_load %arg13[%swap3A, %swap3A_117] {strides = array<i32>} : memref<128x96xf32, #tpu.memory_space<vmem>>, vector<1x16xf32>,
      %swap3A_119 = vector.shape_cast %swap3A_118 : vector<1x16xf32> to vector<16xf32>
      %swap3A_120 = vector.shape_cast %get3A_116 : vector<16xf32> to vector<1x16xf32>
      tpu.vector_store %arg13[%swap3A, %swap3A_117], %swap3A_120 {strides = array<i32>} : memref<128x96xf32, #tpu.memory_space<vmem>>, vector<1x16xf32>,
      %get3A_121 = arith.index_cast %add3A_113 : i32 to index
      %get3A_122 = arith.constant 16 : index
      %get3A_123 = tpu.vector_load %arg12[%get3A_121, %get3A_122] {strides = array<i32>} : memref<128x32xf32, #tpu.memory_space<vmem>>, vector<1x16xf32>,
      %get3A_124 = vector.shape_cast %get3A_123 : vector<1x16xf32> to vector<16xf32>
      %swap3A_125 = arith.index_cast %add3A_113 : i32 to index
      %swap3A_126 = arith.constant 16 : index
      %swap3A_127 = tpu.vector_load %arg13[%swap3A_125, %swap3A_126] {strides = array<i32>} : memref<128x96xf32, #tpu.memory_space<vmem>>, vector<1x16xf32>,
      %swap3A_128 = vector.shape_cast %swap3A_127 : vector<1x16xf32> to vector<16xf32>
      %swap3A_129 = vector.shape_cast %get3A_124 : vector<16xf32> to vector<1x16xf32>
      tpu.vector_store %arg13[%swap3A_125, %swap3A_126], %swap3A_129 {strides = array<i32>} : memref<128x96xf32, #tpu.memory_space<vmem>>, vector<1x16xf32>,
    }
    %scan3A_10 = arith.constant 128 : i32
    %dma_start3A_11 = arith.constant 0 : i32
    %dma_start3A_12 = arith.constant 0 : i32
    %dma_start3A_13 = tpu.memref_slice %arg3[%dma_start3A_11, %dma_start3A_12] : memref<100000x32xf32, #tpu.memory_space<hbm>> -> memref<100000x32xf32, #tpu.memory_space<hbm>>
    tpu.enqueue_indirect_dma source(%dma_start3A_13 : memref<100000x32xf32, #tpu.memory_space<hbm>>) target(%arg12 : memref<128x32xf32, #tpu.memory_space<vmem>>) offsets(%arg11 : memref<128xi32, #tpu.memory_space<vmem>>) semaphore(%arg14 : memref<!tpu.dma_semaphore, #tpu.memory_space<semaphore_mem>>)
    %dma_wait3A_14 = arith.constant 0 : i32
    %dma_wait3A_15 = arith.constant 0 : i32
    %dma_wait3A_16 = tpu.memref_slice %arg3[%dma_wait3A_14, %dma_wait3A_15] : memref<100000x32xf32, #tpu.memory_space<hbm>> -> memref<100000x32xf32, #tpu.memory_space<hbm>>
    tpu.wait_indirect_dma semaphore(%arg14 : memref<!tpu.dma_semaphore, #tpu.memory_space<semaphore_mem>>) src(%dma_wait3A_16 : memref<100000x32xf32, #tpu.memory_space<hbm>>) dst(%arg12 : memref<128x32xf32, #tpu.memory_space<vmem>>)
    %scan3A_17 = arith.constant 0 : i32
    %scan3A_18 = arith.constant 128 : i32
    %scan3A_19 = arith.addi %scan3A_17, %scan3A_18 : i32
    %scan3A_20 = arith.constant 1 : i32
    scf.for %scan3A_109 = %scan3A_17 to %scan3A_19 step %scan3A_20  : i32 {
      %mul3A_110 = arith.constant 1 : i32
      %mul3A_111 = arith.muli %scan3A_109, %mul3A_110 : i32
      %add3A_112 = arith.constant 0 : i32
      %add3A_113 = arith.addi %add3A_112, %mul3A_111 : i32
      %get3A = arith.index_cast %add3A_113 : i32 to index
      %get3A_114 = arith.constant 0 : index
      %get3A_115 = tpu.vector_load %arg12[%get3A, %get3A_114] {strides = array<i32>} : memref<128x32xf32, #tpu.memory_space<vmem>>, vector<1x16xf32>,
      %get3A_116 = vector.shape_cast %get3A_115 : vector<1x16xf32> to vector<16xf32>
      %swap3A = arith.index_cast %add3A_113 : i32 to index
      %swap3A_117 = arith.constant 32 : index
      %swap3A_118 = tpu.vector_load %arg13[%swap3A, %swap3A_117] {strides = array<i32>} : memref<128x96xf32, #tpu.memory_space<vmem>>, vector<1x16xf32>,
      %swap3A_119 = vector.shape_cast %swap3A_118 : vector<1x16xf32> to vector<16xf32>
      %swap3A_120 = vector.shape_cast %get3A_116 : vector<16xf32> to vector<1x16xf32>
      tpu.vector_store %arg13[%swap3A, %swap3A_117], %swap3A_120 {strides = array<i32>} : memref<128x96xf32, #tpu.memory_space<vmem>>, vector<1x16xf32>,
      %get3A_121 = arith.index_cast %add3A_113 : i32 to index
      %get3A_122 = arith.constant 16 : index
      %get3A_123 = tpu.vector_load %arg12[%get3A_121, %get3A_122] {strides = array<i32>} : memref<128x32xf32, #tpu.memory_space<vmem>>, vector<1x16xf32>,
      %get3A_124 = vector.shape_cast %get3A_123 : vector<1x16xf32> to vector<16xf32>
      %swap3A_125 = arith.index_cast %add3A_113 : i32 to index
      %swap3A_126 = arith.constant 48 : index
      %swap3A_127 = tpu.vector_load %arg13[%swap3A_125, %swap3A_126] {strides = array<i32>} : memref<128x96xf32, #tpu.memory_space<vmem>>, vector<1x16xf32>,
      %swap3A_128 = vector.shape_cast %swap3A_127 : vector<1x16xf32> to vector<16xf32>
      %swap3A_129 = vector.shape_cast %get3A_124 : vector<16xf32> to vector<1x16xf32>
      tpu.vector_store %arg13[%swap3A_125, %swap3A_126], %swap3A_129 {strides = array<i32>} : memref<128x96xf32, #tpu.memory_space<vmem>>, vector<1x16xf32>,
    }
    %scan3A_21 = arith.constant 128 : i32
    %dma_start3A_22 = arith.constant 0 : i32
    %dma_start3A_23 = arith.constant 0 : i32
    %dma_start3A_24 = tpu.memref_slice %arg4[%dma_start3A_22, %dma_start3A_23] : memref<100000x32xf32, #tpu.memory_space<hbm>> -> memref<100000x32xf32, #tpu.memory_space<hbm>>
    tpu.enqueue_indirect_dma source(%dma_start3A_24 : memref<100000x32xf32, #tpu.memory_space<hbm>>) target(%arg12 : memref<128x32xf32, #tpu.memory_space<vmem>>) offsets(%arg11 : memref<128xi32, #tpu.memory_space<vmem>>) semaphore(%arg14 : memref<!tpu.dma_semaphore, #tpu.memory_space<semaphore_mem>>)
    %dma_wait3A_25 = arith.constant 0 : i32
    %dma_wait3A_26 = arith.constant 0 : i32
    %dma_wait3A_27 = tpu.memref_slice %arg4[%dma_wait3A_25, %dma_wait3A_26] : memref<100000x32xf32, #tpu.memory_space<hbm>> -> memref<100000x32xf32, #tpu.memory_space<hbm>>
    tpu.wait_indirect_dma semaphore(%arg14 : memref<!tpu.dma_semaphore, #tpu.memory_space<semaphore_mem>>) src(%dma_wait3A_27 : memref<100000x32xf32, #tpu.memory_space<hbm>>) dst(%arg12 : memref<128x32xf32, #tpu.memory_space<vmem>>)
    %scan3A_28 = arith.constant 0 : i32
    %scan3A_29 = arith.constant 128 : i32
    %scan3A_30 = arith.addi %scan3A_28, %scan3A_29 : i32
    %scan3A_31 = arith.constant 1 : i32
    scf.for %scan3A_109 = %scan3A_28 to %scan3A_30 step %scan3A_31  : i32 {
      %mul3A_110 = arith.constant 1 : i32
      %mul3A_111 = arith.muli %scan3A_109, %mul3A_110 : i32
      %add3A_112 = arith.constant 0 : i32
      %add3A_113 = arith.addi %add3A_112, %mul3A_111 : i32
      %get3A = arith.index_cast %add3A_113 : i32 to index
      %get3A_114 = arith.constant 0 : index
      %get3A_115 = tpu.vector_load %arg12[%get3A, %get3A_114] {strides = array<i32>} : memref<128x32xf32, #tpu.memory_space<vmem>>, vector<1x16xf32>,
      %get3A_116 = vector.shape_cast %get3A_115 : vector<1x16xf32> to vector<16xf32>
      %swap3A = arith.index_cast %add3A_113 : i32 to index
      %swap3A_117 = arith.constant 64 : index
      %swap3A_118 = tpu.vector_load %arg13[%swap3A, %swap3A_117] {strides = array<i32>} : memref<128x96xf32, #tpu.memory_space<vmem>>, vector<1x16xf32>,
      %swap3A_119 = vector.shape_cast %swap3A_118 : vector<1x16xf32> to vector<16xf32>
      %swap3A_120 = vector.shape_cast %get3A_116 : vector<16xf32> to vector<1x16xf32>
      tpu.vector_store %arg13[%swap3A, %swap3A_117], %swap3A_120 {strides = array<i32>} : memref<128x96xf32, #tpu.memory_space<vmem>>, vector<1x16xf32>,
      %get3A_121 = arith.index_cast %add3A_113 : i32 to index
      %get3A_122 = arith.constant 16 : index
      %get3A_123 = tpu.vector_load %arg12[%get3A_121, %get3A_122] {strides = array<i32>} : memref<128x32xf32, #tpu.memory_space<vmem>>, vector<1x16xf32>,
      %get3A_124 = vector.shape_cast %get3A_123 : vector<1x16xf32> to vector<16xf32>
      %swap3A_125 = arith.index_cast %add3A_113 : i32 to index
      %swap3A_126 = arith.constant 80 : index
      %swap3A_127 = tpu.vector_load %arg13[%swap3A_125, %swap3A_126] {strides = array<i32>} : memref<128x96xf32, #tpu.memory_space<vmem>>, vector<1x16xf32>,
      %swap3A_128 = vector.shape_cast %swap3A_127 : vector<1x16xf32> to vector<16xf32>
      %swap3A_129 = vector.shape_cast %get3A_124 : vector<16xf32> to vector<1x16xf32>
      tpu.vector_store %arg13[%swap3A_125, %swap3A_126], %swap3A_129 {strides = array<i32>} : memref<128x96xf32, #tpu.memory_space<vmem>>, vector<1x16xf32>,
    }
    %scan3A_32 = arith.constant 128 : i32
    "tpu.region"() ({
      %run_scoped3A = tpu.sem_alloc : memref<!tpu.dma_semaphore, #tpu.memory_space<semaphore_mem>>
      %dma_start3A_109 = arith.constant 0 : i32
      %dma_start3A_110 = tpu.memref_slice %arg8[%mul3A_2, %dma_start3A_109] : memref<4096x96xf32, #tpu.memory_space<hbm>> -> memref<128x96xf32, #tpu.memory_space<hbm>>
      %dma_start3A_111 = arith.constant 0 : i32
      %dma_start3A_112 = tpu.memref_slice %arg8[%mul3A_2, %dma_start3A_111] : memref<4096x96xf32, #tpu.memory_space<hbm>> -> memref<128x96xf32, #tpu.memory_space<hbm>>
      tpu.enqueue_dma source(%arg13 : memref<128x96xf32, #tpu.memory_space<vmem>>) target(%dma_start3A_112 : memref<128x96xf32, #tpu.memory_space<hbm>>) target_semaphore(%run_scoped3A : memref<!tpu.dma_semaphore, #tpu.memory_space<semaphore_mem>>)
      %dma_wait3A_113 = arith.constant 0 : i32
      %dma_wait3A_114 = tpu.memref_slice %arg8[%mul3A_2, %dma_wait3A_113] : memref<4096x96xf32, #tpu.memory_space<hbm>> -> memref<128x96xf32, #tpu.memory_space<hbm>>
      %dma_wait3A_115 = arith.constant 0 : i32
      %dma_wait3A_116 = tpu.memref_slice %arg8[%mul3A_2, %dma_wait3A_115] : memref<4096x96xf32, #tpu.memory_space<hbm>> -> memref<128x96xf32, #tpu.memory_space<hbm>>
      tpu.wait_dma2 semaphore(%run_scoped3A : memref<!tpu.dma_semaphore, #tpu.memory_space<semaphore_mem>>) src(%arg13 : memref<128x96xf32, #tpu.memory_space<vmem>>) dst(%dma_wait3A_116 : memref<128x96xf32, #tpu.memory_space<hbm>>)
      tpu.yield
    }) : () -> ()
    "tpu.region"() ({
      %run_scoped3A = tpu.sem_alloc : memref<!tpu.dma_semaphore, #tpu.memory_space<semaphore_mem>>
      %dma_start3A_109 = tpu.memref_slice %arg6[%mul3A_2] : memref<4096xi32, #tpu.memory_space<hbm>> -> memref<128xi32, #tpu.memory_space<hbm>>
      %dma_start3A_110 = tpu.memref_slice %arg6[%mul3A_2] : memref<4096xi32, #tpu.memory_space<hbm>> -> memref<128xi32, #tpu.memory_space<hbm>>
      tpu.enqueue_dma source(%dma_start3A_110 : memref<128xi32, #tpu.memory_space<hbm>>) target(%arg11 : memref<128xi32, #tpu.memory_space<vmem>>) target_semaphore(%run_scoped3A : memref<!tpu.dma_semaphore, #tpu.memory_space<semaphore_mem>>)
      %dma_wait3A_111 = tpu.memref_slice %arg6[%mul3A_2] : memref<4096xi32, #tpu.memory_space<hbm>> -> memref<128xi32, #tpu.memory_space<hbm>>
      %dma_wait3A_112 = tpu.memref_slice %arg6[%mul3A_2] : memref<4096xi32, #tpu.memory_space<hbm>> -> memref<128xi32, #tpu.memory_space<hbm>>
      tpu.wait_dma2 semaphore(%run_scoped3A : memref<!tpu.dma_semaphore, #tpu.memory_space<semaphore_mem>>) src(%dma_wait3A_112 : memref<128xi32, #tpu.memory_space<hbm>>) dst(%arg11 : memref<128xi32, #tpu.memory_space<vmem>>)
      tpu.yield
    }) : () -> ()
    %scan3A_33 = arith.constant 0 : i32
    %scan3A_34 = arith.constant 8 : i32
    %scan3A_35 = arith.addi %scan3A_33, %scan3A_34 : i32
    %scan3A_36 = arith.constant 1 : i32
    scf.for %scan3A_109 = %scan3A_33 to %scan3A_35 step %scan3A_36  : i32 {
      %mul3A_110 = arith.constant 1 : i32
      %mul3A_111 = arith.muli %scan3A_109, %mul3A_110 : i32
      %add3A_112 = arith.constant 0 : i32
      %add3A_113 = arith.addi %add3A_112, %mul3A_111 : i32
      %mul3A_114 = arith.constant 16 : i32
      %mul3A_115 = arith.muli %add3A_113, %mul3A_114 : i32
      %get3A = arith.index_cast %mul3A_115 : i32 to index
      %get3A_116 = tpu.vector_load %arg11[%get3A] {strides = array<i32>} : memref<128xi32, #tpu.memory_space<vmem>>, vector<16xi32>,
      %get3A_117 = vector.shape_cast %get3A_116 : vector<16xi32> to vector<16xi32>
      %add3A_118 = arith.constant 50000 : i32
      %add3A_119 = vector.broadcast %add3A_118 : i32 to vector<16xi32>
      %add3A_120 = arith.addi %get3A_117, %add3A_119 : vector<16xi32>
      %mul3A_121 = arith.constant 16 : i32
      %mul3A_122 = arith.muli %add3A_113, %mul3A_121 : i32
      %swap3A = arith.index_cast %mul3A_122 : i32 to index
      %swap3A_123 = tpu.vector_load %arg11[%swap3A] {strides = array<i32>} : memref<128xi32, #tpu.memory_space<vmem>>, vector<16xi32>,
      %swap3A_124 = vector.shape_cast %swap3A_123 : vector<16xi32> to vector<16xi32>
      %swap3A_125 = vector.shape_cast %add3A_120 : vector<16xi32> to vector<16xi32>
      tpu.vector_store %arg11[%swap3A], %swap3A_125 {strides = array<i32>} : memref<128xi32, #tpu.memory_space<vmem>>, vector<16xi32>,
    }
    %scan3A_37 = arith.constant 8 : i32
    %dma_start3A_38 = arith.constant 0 : i32
    %dma_start3A_39 = arith.constant 0 : i32
    %dma_start3A_40 = tpu.memref_slice %arg2[%dma_start3A_38, %dma_start3A_39] : memref<100000x32xf32, #tpu.memory_space<hbm>> -> memref<100000x32xf32, #tpu.memory_space<hbm>>
    tpu.enqueue_indirect_dma source(%dma_start3A_40 : memref<100000x32xf32, #tpu.memory_space<hbm>>) target(%arg12 : memref<128x32xf32, #tpu.memory_space<vmem>>) offsets(%arg11 : memref<128xi32, #tpu.memory_space<vmem>>) semaphore(%arg14 : memref<!tpu.dma_semaphore, #tpu.memory_space<semaphore_mem>>)
    %dma_wait3A_41 = arith.constant 0 : i32
    %dma_wait3A_42 = arith.constant 0 : i32
    %dma_wait3A_43 = tpu.memref_slice %arg2[%dma_wait3A_41, %dma_wait3A_42] : memref<100000x32xf32, #tpu.memory_space<hbm>> -> memref<100000x32xf32, #tpu.memory_space<hbm>>
    tpu.wait_indirect_dma semaphore(%arg14 : memref<!tpu.dma_semaphore, #tpu.memory_space<semaphore_mem>>) src(%dma_wait3A_43 : memref<100000x32xf32, #tpu.memory_space<hbm>>) dst(%arg12 : memref<128x32xf32, #tpu.memory_space<vmem>>)
    %scan3A_44 = arith.constant 0 : i32
    %scan3A_45 = arith.constant 128 : i32
    %scan3A_46 = arith.addi %scan3A_44, %scan3A_45 : i32
    %scan3A_47 = arith.constant 1 : i32
    scf.for %scan3A_109 = %scan3A_44 to %scan3A_46 step %scan3A_47  : i32 {
      %mul3A_110 = arith.constant 1 : i32
      %mul3A_111 = arith.muli %scan3A_109, %mul3A_110 : i32
      %add3A_112 = arith.constant 0 : i32
      %add3A_113 = arith.addi %add3A_112, %mul3A_111 : i32
      %get3A = arith.index_cast %add3A_113 : i32 to index
      %get3A_114 = arith.constant 0 : index
      %get3A_115 = tpu.vector_load %arg12[%get3A, %get3A_114] {strides = array<i32>} : memref<128x32xf32, #tpu.memory_space<vmem>>, vector<1x16xf32>,
      %get3A_116 = vector.shape_cast %get3A_115 : vector<1x16xf32> to vector<16xf32>
      %swap3A = arith.index_cast %add3A_113 : i32 to index
      %swap3A_117 = arith.constant 0 : index
      %swap3A_118 = tpu.vector_load %arg13[%swap3A, %swap3A_117] {strides = array<i32>} : memref<128x96xf32, #tpu.memory_space<vmem>>, vector<1x16xf32>,
      %swap3A_119 = vector.shape_cast %swap3A_118 : vector<1x16xf32> to vector<16xf32>
      %swap3A_120 = vector.shape_cast %get3A_116 : vector<16xf32> to vector<1x16xf32>
      tpu.vector_store %arg13[%swap3A, %swap3A_117], %swap3A_120 {strides = array<i32>} : memref<128x96xf32, #tpu.memory_space<vmem>>, vector<1x16xf32>,
      %get3A_121 = arith.index_cast %add3A_113 : i32 to index
      %get3A_122 = arith.constant 16 : index
      %get3A_123 = tpu.vector_load %arg12[%get3A_121, %get3A_122] {strides = array<i32>} : memref<128x32xf32, #tpu.memory_space<vmem>>, vector<1x16xf32>,
      %get3A_124 = vector.shape_cast %get3A_123 : vector<1x16xf32> to vector<16xf32>
      %swap3A_125 = arith.index_cast %add3A_113 : i32 to index
      %swap3A_126 = arith.constant 16 : index
      %swap3A_127 = tpu.vector_load %arg13[%swap3A_125, %swap3A_126] {strides = array<i32>} : memref<128x96xf32, #tpu.memory_space<vmem>>, vector<1x16xf32>,
      %swap3A_128 = vector.shape_cast %swap3A_127 : vector<1x16xf32> to vector<16xf32>
      %swap3A_129 = vector.shape_cast %get3A_124 : vector<16xf32> to vector<1x16xf32>
      tpu.vector_store %arg13[%swap3A_125, %swap3A_126], %swap3A_129 {strides = array<i32>} : memref<128x96xf32, #tpu.memory_space<vmem>>, vector<1x16xf32>,
    }
    %scan3A_48 = arith.constant 128 : i32
    %dma_start3A_49 = arith.constant 0 : i32
    %dma_start3A_50 = arith.constant 0 : i32
    %dma_start3A_51 = tpu.memref_slice %arg3[%dma_start3A_49, %dma_start3A_50] : memref<100000x32xf32, #tpu.memory_space<hbm>> -> memref<100000x32xf32, #tpu.memory_space<hbm>>
    tpu.enqueue_indirect_dma source(%dma_start3A_51 : memref<100000x32xf32, #tpu.memory_space<hbm>>) target(%arg12 : memref<128x32xf32, #tpu.memory_space<vmem>>) offsets(%arg11 : memref<128xi32, #tpu.memory_space<vmem>>) semaphore(%arg14 : memref<!tpu.dma_semaphore, #tpu.memory_space<semaphore_mem>>)
    %dma_wait3A_52 = arith.constant 0 : i32
    %dma_wait3A_53 = arith.constant 0 : i32
    %dma_wait3A_54 = tpu.memref_slice %arg3[%dma_wait3A_52, %dma_wait3A_53] : memref<100000x32xf32, #tpu.memory_space<hbm>> -> memref<100000x32xf32, #tpu.memory_space<hbm>>
    tpu.wait_indirect_dma semaphore(%arg14 : memref<!tpu.dma_semaphore, #tpu.memory_space<semaphore_mem>>) src(%dma_wait3A_54 : memref<100000x32xf32, #tpu.memory_space<hbm>>) dst(%arg12 : memref<128x32xf32, #tpu.memory_space<vmem>>)
    %scan3A_55 = arith.constant 0 : i32
    %scan3A_56 = arith.constant 128 : i32
    %scan3A_57 = arith.addi %scan3A_55, %scan3A_56 : i32
    %scan3A_58 = arith.constant 1 : i32
    scf.for %scan3A_109 = %scan3A_55 to %scan3A_57 step %scan3A_58  : i32 {
      %mul3A_110 = arith.constant 1 : i32
      %mul3A_111 = arith.muli %scan3A_109, %mul3A_110 : i32
      %add3A_112 = arith.constant 0 : i32
      %add3A_113 = arith.addi %add3A_112, %mul3A_111 : i32
      %get3A = arith.index_cast %add3A_113 : i32 to index
      %get3A_114 = arith.constant 0 : index
      %get3A_115 = tpu.vector_load %arg12[%get3A, %get3A_114] {strides = array<i32>} : memref<128x32xf32, #tpu.memory_space<vmem>>, vector<1x16xf32>,
      %get3A_116 = vector.shape_cast %get3A_115 : vector<1x16xf32> to vector<16xf32>
      %swap3A = arith.index_cast %add3A_113 : i32 to index
      %swap3A_117 = arith.constant 32 : index
      %swap3A_118 = tpu.vector_load %arg13[%swap3A, %swap3A_117] {strides = array<i32>} : memref<128x96xf32, #tpu.memory_space<vmem>>, vector<1x16xf32>,
      %swap3A_119 = vector.shape_cast %swap3A_118 : vector<1x16xf32> to vector<16xf32>
      %swap3A_120 = vector.shape_cast %get3A_116 : vector<16xf32> to vector<1x16xf32>
      tpu.vector_store %arg13[%swap3A, %swap3A_117], %swap3A_120 {strides = array<i32>} : memref<128x96xf32, #tpu.memory_space<vmem>>, vector<1x16xf32>,
      %get3A_121 = arith.index_cast %add3A_113 : i32 to index
      %get3A_122 = arith.constant 16 : index
      %get3A_123 = tpu.vector_load %arg12[%get3A_121, %get3A_122] {strides = array<i32>} : memref<128x32xf32, #tpu.memory_space<vmem>>, vector<1x16xf32>,
      %get3A_124 = vector.shape_cast %get3A_123 : vector<1x16xf32> to vector<16xf32>
      %swap3A_125 = arith.index_cast %add3A_113 : i32 to index
      %swap3A_126 = arith.constant 48 : index
      %swap3A_127 = tpu.vector_load %arg13[%swap3A_125, %swap3A_126] {strides = array<i32>} : memref<128x96xf32, #tpu.memory_space<vmem>>, vector<1x16xf32>,
      %swap3A_128 = vector.shape_cast %swap3A_127 : vector<1x16xf32> to vector<16xf32>
      %swap3A_129 = vector.shape_cast %get3A_124 : vector<16xf32> to vector<1x16xf32>
      tpu.vector_store %arg13[%swap3A_125, %swap3A_126], %swap3A_129 {strides = array<i32>} : memref<128x96xf32, #tpu.memory_space<vmem>>, vector<1x16xf32>,
    }
    %scan3A_59 = arith.constant 128 : i32
    %dma_start3A_60 = arith.constant 0 : i32
    %dma_start3A_61 = arith.constant 0 : i32
    %dma_start3A_62 = tpu.memref_slice %arg4[%dma_start3A_60, %dma_start3A_61] : memref<100000x32xf32, #tpu.memory_space<hbm>> -> memref<100000x32xf32, #tpu.memory_space<hbm>>
    tpu.enqueue_indirect_dma source(%dma_start3A_62 : memref<100000x32xf32, #tpu.memory_space<hbm>>) target(%arg12 : memref<128x32xf32, #tpu.memory_space<vmem>>) offsets(%arg11 : memref<128xi32, #tpu.memory_space<vmem>>) semaphore(%arg14 : memref<!tpu.dma_semaphore, #tpu.memory_space<semaphore_mem>>)
    %dma_wait3A_63 = arith.constant 0 : i32
    %dma_wait3A_64 = arith.constant 0 : i32
    %dma_wait3A_65 = tpu.memref_slice %arg4[%dma_wait3A_63, %dma_wait3A_64] : memref<100000x32xf32, #tpu.memory_space<hbm>> -> memref<100000x32xf32, #tpu.memory_space<hbm>>
    tpu.wait_indirect_dma semaphore(%arg14 : memref<!tpu.dma_semaphore, #tpu.memory_space<semaphore_mem>>) src(%dma_wait3A_65 : memref<100000x32xf32, #tpu.memory_space<hbm>>) dst(%arg12 : memref<128x32xf32, #tpu.memory_space<vmem>>)
    %scan3A_66 = arith.constant 0 : i32
    %scan3A_67 = arith.constant 128 : i32
    %scan3A_68 = arith.addi %scan3A_66, %scan3A_67 : i32
    %scan3A_69 = arith.constant 1 : i32
    scf.for %scan3A_109 = %scan3A_66 to %scan3A_68 step %scan3A_69  : i32 {
      %mul3A_110 = arith.constant 1 : i32
      %mul3A_111 = arith.muli %scan3A_109, %mul3A_110 : i32
      %add3A_112 = arith.constant 0 : i32
      %add3A_113 = arith.addi %add3A_112, %mul3A_111 : i32
      %get3A = arith.index_cast %add3A_113 : i32 to index
      %get3A_114 = arith.constant 0 : index
      %get3A_115 = tpu.vector_load %arg12[%get3A, %get3A_114] {strides = array<i32>} : memref<128x32xf32, #tpu.memory_space<vmem>>, vector<1x16xf32>,
      %get3A_116 = vector.shape_cast %get3A_115 : vector<1x16xf32> to vector<16xf32>
      %swap3A = arith.index_cast %add3A_113 : i32 to index
      %swap3A_117 = arith.constant 64 : index
      %swap3A_118 = tpu.vector_load %arg13[%swap3A, %swap3A_117] {strides = array<i32>} : memref<128x96xf32, #tpu.memory_space<vmem>>, vector<1x16xf32>,
      %swap3A_119 = vector.shape_cast %swap3A_118 : vector<1x16xf32> to vector<16xf32>
      %swap3A_120 = vector.shape_cast %get3A_116 : vector<16xf32> to vector<1x16xf32>
      tpu.vector_store %arg13[%swap3A, %swap3A_117], %swap3A_120 {strides = array<i32>} : memref<128x96xf32, #tpu.memory_space<vmem>>, vector<1x16xf32>,
      %get3A_121 = arith.index_cast %add3A_113 : i32 to index
      %get3A_122 = arith.constant 16 : index
      %get3A_123 = tpu.vector_load %arg12[%get3A_121, %get3A_122] {strides = array<i32>} : memref<128x32xf32, #tpu.memory_space<vmem>>, vector<1x16xf32>,
      %get3A_124 = vector.shape_cast %get3A_123 : vector<1x16xf32> to vector<16xf32>
      %swap3A_125 = arith.index_cast %add3A_113 : i32 to index
      %swap3A_126 = arith.constant 80 : index
      %swap3A_127 = tpu.vector_load %arg13[%swap3A_125, %swap3A_126] {strides = array<i32>} : memref<128x96xf32, #tpu.memory_space<vmem>>, vector<1x16xf32>,
      %swap3A_128 = vector.shape_cast %swap3A_127 : vector<1x16xf32> to vector<16xf32>
      %swap3A_129 = vector.shape_cast %get3A_124 : vector<16xf32> to vector<1x16xf32>
      tpu.vector_store %arg13[%swap3A_125, %swap3A_126], %swap3A_129 {strides = array<i32>} : memref<128x96xf32, #tpu.memory_space<vmem>>, vector<1x16xf32>,
    }
    %scan3A_70 = arith.constant 128 : i32
    "tpu.region"() ({
      %run_scoped3A = tpu.sem_alloc : memref<!tpu.dma_semaphore, #tpu.memory_space<semaphore_mem>>
      %dma_start3A_109 = arith.constant 0 : i32
      %dma_start3A_110 = tpu.memref_slice %arg9[%mul3A_2, %dma_start3A_109] : memref<4096x96xf32, #tpu.memory_space<hbm>> -> memref<128x96xf32, #tpu.memory_space<hbm>>
      %dma_start3A_111 = arith.constant 0 : i32
      %dma_start3A_112 = tpu.memref_slice %arg9[%mul3A_2, %dma_start3A_111] : memref<4096x96xf32, #tpu.memory_space<hbm>> -> memref<128x96xf32, #tpu.memory_space<hbm>>
      tpu.enqueue_dma source(%arg13 : memref<128x96xf32, #tpu.memory_space<vmem>>) target(%dma_start3A_112 : memref<128x96xf32, #tpu.memory_space<hbm>>) target_semaphore(%run_scoped3A : memref<!tpu.dma_semaphore, #tpu.memory_space<semaphore_mem>>)
      %dma_wait3A_113 = arith.constant 0 : i32
      %dma_wait3A_114 = tpu.memref_slice %arg9[%mul3A_2, %dma_wait3A_113] : memref<4096x96xf32, #tpu.memory_space<hbm>> -> memref<128x96xf32, #tpu.memory_space<hbm>>
      %dma_wait3A_115 = arith.constant 0 : i32
      %dma_wait3A_116 = tpu.memref_slice %arg9[%mul3A_2, %dma_wait3A_115] : memref<4096x96xf32, #tpu.memory_space<hbm>> -> memref<128x96xf32, #tpu.memory_space<hbm>>
      tpu.wait_dma2 semaphore(%run_scoped3A : memref<!tpu.dma_semaphore, #tpu.memory_space<semaphore_mem>>) src(%arg13 : memref<128x96xf32, #tpu.memory_space<vmem>>) dst(%dma_wait3A_116 : memref<128x96xf32, #tpu.memory_space<hbm>>)
      tpu.yield
    }) : () -> ()
    "tpu.region"() ({
      %run_scoped3A = tpu.sem_alloc : memref<!tpu.dma_semaphore, #tpu.memory_space<semaphore_mem>>
      %dma_start3A_109 = tpu.memref_slice %arg7[%mul3A_2] : memref<4096xi32, #tpu.memory_space<hbm>> -> memref<128xi32, #tpu.memory_space<hbm>>
      %dma_start3A_110 = tpu.memref_slice %arg7[%mul3A_2] : memref<4096xi32, #tpu.memory_space<hbm>> -> memref<128xi32, #tpu.memory_space<hbm>>
      tpu.enqueue_dma source(%dma_start3A_110 : memref<128xi32, #tpu.memory_space<hbm>>) target(%arg11 : memref<128xi32, #tpu.memory_space<vmem>>) target_semaphore(%run_scoped3A : memref<!tpu.dma_semaphore, #tpu.memory_space<semaphore_mem>>)
      %dma_wait3A_111 = tpu.memref_slice %arg7[%mul3A_2] : memref<4096xi32, #tpu.memory_space<hbm>> -> memref<128xi32, #tpu.memory_space<hbm>>
      %dma_wait3A_112 = tpu.memref_slice %arg7[%mul3A_2] : memref<4096xi32, #tpu.memory_space<hbm>> -> memref<128xi32, #tpu.memory_space<hbm>>
      tpu.wait_dma2 semaphore(%run_scoped3A : memref<!tpu.dma_semaphore, #tpu.memory_space<semaphore_mem>>) src(%dma_wait3A_112 : memref<128xi32, #tpu.memory_space<hbm>>) dst(%arg11 : memref<128xi32, #tpu.memory_space<vmem>>)
      tpu.yield
    }) : () -> ()
    %scan3A_71 = arith.constant 0 : i32
    %scan3A_72 = arith.constant 8 : i32
    %scan3A_73 = arith.addi %scan3A_71, %scan3A_72 : i32
    %scan3A_74 = arith.constant 1 : i32
    scf.for %scan3A_109 = %scan3A_71 to %scan3A_73 step %scan3A_74  : i32 {
      %mul3A_110 = arith.constant 1 : i32
      %mul3A_111 = arith.muli %scan3A_109, %mul3A_110 : i32
      %add3A_112 = arith.constant 0 : i32
      %add3A_113 = arith.addi %add3A_112, %mul3A_111 : i32
      %mul3A_114 = arith.constant 16 : i32
      %mul3A_115 = arith.muli %add3A_113, %mul3A_114 : i32
      %get3A = arith.index_cast %mul3A_115 : i32 to index
      %get3A_116 = tpu.vector_load %arg11[%get3A] {strides = array<i32>} : memref<128xi32, #tpu.memory_space<vmem>>, vector<16xi32>,
      %get3A_117 = vector.shape_cast %get3A_116 : vector<16xi32> to vector<16xi32>
      %add3A_118 = arith.constant 50000 : i32
      %add3A_119 = vector.broadcast %add3A_118 : i32 to vector<16xi32>
      %add3A_120 = arith.addi %get3A_117, %add3A_119 : vector<16xi32>
      %mul3A_121 = arith.constant 16 : i32
      %mul3A_122 = arith.muli %add3A_113, %mul3A_121 : i32
      %swap3A = arith.index_cast %mul3A_122 : i32 to index
      %swap3A_123 = tpu.vector_load %arg11[%swap3A] {strides = array<i32>} : memref<128xi32, #tpu.memory_space<vmem>>, vector<16xi32>,
      %swap3A_124 = vector.shape_cast %swap3A_123 : vector<16xi32> to vector<16xi32>
      %swap3A_125 = vector.shape_cast %add3A_120 : vector<16xi32> to vector<16xi32>
      tpu.vector_store %arg11[%swap3A], %swap3A_125 {strides = array<i32>} : memref<128xi32, #tpu.memory_space<vmem>>, vector<16xi32>,
    }
    %scan3A_75 = arith.constant 8 : i32
    %dma_start3A_76 = arith.constant 0 : i32
    %dma_start3A_77 = arith.constant 0 : i32
    %dma_start3A_78 = tpu.memref_slice %arg2[%dma_start3A_76, %dma_start3A_77] : memref<100000x32xf32, #tpu.memory_space<hbm>> -> memref<100000x32xf32, #tpu.memory_space<hbm>>
    tpu.enqueue_indirect_dma source(%dma_start3A_78 : memref<100000x32xf32, #tpu.memory_space<hbm>>) target(%arg12 : memref<128x32xf32, #tpu.memory_space<vmem>>) offsets(%arg11 : memref<128xi32, #tpu.memory_space<vmem>>) semaphore(%arg14 : memref<!tpu.dma_semaphore, #tpu.memory_space<semaphore_mem>>)
    %dma_wait3A_79 = arith.constant 0 : i32
    %dma_wait3A_80 = arith.constant 0 : i32
    %dma_wait3A_81 = tpu.memref_slice %arg2[%dma_wait3A_79, %dma_wait3A_80] : memref<100000x32xf32, #tpu.memory_space<hbm>> -> memref<100000x32xf32, #tpu.memory_space<hbm>>
    tpu.wait_indirect_dma semaphore(%arg14 : memref<!tpu.dma_semaphore, #tpu.memory_space<semaphore_mem>>) src(%dma_wait3A_81 : memref<100000x32xf32, #tpu.memory_space<hbm>>) dst(%arg12 : memref<128x32xf32, #tpu.memory_space<vmem>>)
    %scan3A_82 = arith.constant 0 : i32
    %scan3A_83 = arith.constant 128 : i32
    %scan3A_84 = arith.addi %scan3A_82, %scan3A_83 : i32
    %scan3A_85 = arith.constant 1 : i32
    scf.for %scan3A_109 = %scan3A_82 to %scan3A_84 step %scan3A_85  : i32 {
      %mul3A_110 = arith.constant 1 : i32
      %mul3A_111 = arith.muli %scan3A_109, %mul3A_110 : i32
      %add3A_112 = arith.constant 0 : i32
      %add3A_113 = arith.addi %add3A_112, %mul3A_111 : i32
      %get3A = arith.index_cast %add3A_113 : i32 to index
      %get3A_114 = arith.constant 0 : index
      %get3A_115 = tpu.vector_load %arg12[%get3A, %get3A_114] {strides = array<i32>} : memref<128x32xf32, #tpu.memory_space<vmem>>, vector<1x16xf32>,
      %get3A_116 = vector.shape_cast %get3A_115 : vector<1x16xf32> to vector<16xf32>
      %swap3A = arith.index_cast %add3A_113 : i32 to index
      %swap3A_117 = arith.constant 0 : index
      %swap3A_118 = tpu.vector_load %arg13[%swap3A, %swap3A_117] {strides = array<i32>} : memref<128x96xf32, #tpu.memory_space<vmem>>, vector<1x16xf32>,
      %swap3A_119 = vector.shape_cast %swap3A_118 : vector<1x16xf32> to vector<16xf32>
      %swap3A_120 = vector.shape_cast %get3A_116 : vector<16xf32> to vector<1x16xf32>
      tpu.vector_store %arg13[%swap3A, %swap3A_117], %swap3A_120 {strides = array<i32>} : memref<128x96xf32, #tpu.memory_space<vmem>>, vector<1x16xf32>,
      %get3A_121 = arith.index_cast %add3A_113 : i32 to index
      %get3A_122 = arith.constant 16 : index
      %get3A_123 = tpu.vector_load %arg12[%get3A_121, %get3A_122] {strides = array<i32>} : memref<128x32xf32, #tpu.memory_space<vmem>>, vector<1x16xf32>,
      %get3A_124 = vector.shape_cast %get3A_123 : vector<1x16xf32> to vector<16xf32>
      %swap3A_125 = arith.index_cast %add3A_113 : i32 to index
      %swap3A_126 = arith.constant 16 : index
      %swap3A_127 = tpu.vector_load %arg13[%swap3A_125, %swap3A_126] {strides = array<i32>} : memref<128x96xf32, #tpu.memory_space<vmem>>, vector<1x16xf32>,
      %swap3A_128 = vector.shape_cast %swap3A_127 : vector<1x16xf32> to vector<16xf32>
      %swap3A_129 = vector.shape_cast %get3A_124 : vector<16xf32> to vector<1x16xf32>
      tpu.vector_store %arg13[%swap3A_125, %swap3A_126], %swap3A_129 {strides = array<i32>} : memref<128x96xf32, #tpu.memory_space<vmem>>, vector<1x16xf32>,
    }
    %scan3A_86 = arith.constant 128 : i32
    %dma_start3A_87 = arith.constant 0 : i32
    %dma_start3A_88 = arith.constant 0 : i32
    %dma_start3A_89 = tpu.memref_slice %arg3[%dma_start3A_87, %dma_start3A_88] : memref<100000x32xf32, #tpu.memory_space<hbm>> -> memref<100000x32xf32, #tpu.memory_space<hbm>>
    tpu.enqueue_indirect_dma source(%dma_start3A_89 : memref<100000x32xf32, #tpu.memory_space<hbm>>) target(%arg12 : memref<128x32xf32, #tpu.memory_space<vmem>>) offsets(%arg11 : memref<128xi32, #tpu.memory_space<vmem>>) semaphore(%arg14 : memref<!tpu.dma_semaphore, #tpu.memory_space<semaphore_mem>>)
    %dma_wait3A_90 = arith.constant 0 : i32
    %dma_wait3A_91 = arith.constant 0 : i32
    %dma_wait3A_92 = tpu.memref_slice %arg3[%dma_wait3A_90, %dma_wait3A_91] : memref<100000x32xf32, #tpu.memory_space<hbm>> -> memref<100000x32xf32, #tpu.memory_space<hbm>>
    tpu.wait_indirect_dma semaphore(%arg14 : memref<!tpu.dma_semaphore, #tpu.memory_space<semaphore_mem>>) src(%dma_wait3A_92 : memref<100000x32xf32, #tpu.memory_space<hbm>>) dst(%arg12 : memref<128x32xf32, #tpu.memory_space<vmem>>)
    %scan3A_93 = arith.constant 0 : i32
    %scan3A_94 = arith.constant 128 : i32
    %scan3A_95 = arith.addi %scan3A_93, %scan3A_94 : i32
    %scan3A_96 = arith.constant 1 : i32
    scf.for %scan3A_109 = %scan3A_93 to %scan3A_95 step %scan3A_96  : i32 {
      %mul3A_110 = arith.constant 1 : i32
      %mul3A_111 = arith.muli %scan3A_109, %mul3A_110 : i32
      %add3A_112 = arith.constant 0 : i32
      %add3A_113 = arith.addi %add3A_112, %mul3A_111 : i32
      %get3A = arith.index_cast %add3A_113 : i32 to index
      %get3A_114 = arith.constant 0 : index
      %get3A_115 = tpu.vector_load %arg12[%get3A, %get3A_114] {strides = array<i32>} : memref<128x32xf32, #tpu.memory_space<vmem>>, vector<1x16xf32>,
      %get3A_116 = vector.shape_cast %get3A_115 : vector<1x16xf32> to vector<16xf32>
      %swap3A = arith.index_cast %add3A_113 : i32 to index
      %swap3A_117 = arith.constant 32 : index
      %swap3A_118 = tpu.vector_load %arg13[%swap3A, %swap3A_117] {strides = array<i32>} : memref<128x96xf32, #tpu.memory_space<vmem>>, vector<1x16xf32>,
      %swap3A_119 = vector.shape_cast %swap3A_118 : vector<1x16xf32> to vector<16xf32>
      %swap3A_120 = vector.shape_cast %get3A_116 : vector<16xf32> to vector<1x16xf32>
      tpu.vector_store %arg13[%swap3A, %swap3A_117], %swap3A_120 {strides = array<i32>} : memref<128x96xf32, #tpu.memory_space<vmem>>, vector<1x16xf32>,
      %get3A_121 = arith.index_cast %add3A_113 : i32 to index
      %get3A_122 = arith.constant 16 : index
      %get3A_123 = tpu.vector_load %arg12[%get3A_121, %get3A_122] {strides = array<i32>} : memref<128x32xf32, #tpu.memory_space<vmem>>, vector<1x16xf32>,
      %get3A_124 = vector.shape_cast %get3A_123 : vector<1x16xf32> to vector<16xf32>
      %swap3A_125 = arith.index_cast %add3A_113 : i32 to index
      %swap3A_126 = arith.constant 48 : index
      %swap3A_127 = tpu.vector_load %arg13[%swap3A_125, %swap3A_126] {strides = array<i32>} : memref<128x96xf32, #tpu.memory_space<vmem>>, vector<1x16xf32>,
      %swap3A_128 = vector.shape_cast %swap3A_127 : vector<1x16xf32> to vector<16xf32>
      %swap3A_129 = vector.shape_cast %get3A_124 : vector<16xf32> to vector<1x16xf32>
      tpu.vector_store %arg13[%swap3A_125, %swap3A_126], %swap3A_129 {strides = array<i32>} : memref<128x96xf32, #tpu.memory_space<vmem>>, vector<1x16xf32>,
    }
    %scan3A_97 = arith.constant 128 : i32
    %dma_start3A_98 = arith.constant 0 : i32
    %dma_start3A_99 = arith.constant 0 : i32
    %dma_start3A_100 = tpu.memref_slice %arg4[%dma_start3A_98, %dma_start3A_99] : memref<100000x32xf32, #tpu.memory_space<hbm>> -> memref<100000x32xf32, #tpu.memory_space<hbm>>
    tpu.enqueue_indirect_dma source(%dma_start3A_100 : memref<100000x32xf32, #tpu.memory_space<hbm>>) target(%arg12 : memref<128x32xf32, #tpu.memory_space<vmem>>) offsets(%arg11 : memref<128xi32, #tpu.memory_space<vmem>>) semaphore(%arg14 : memref<!tpu.dma_semaphore, #tpu.memory_space<semaphore_mem>>)
    %dma_wait3A_101 = arith.constant 0 : i32
    %dma_wait3A_102 = arith.constant 0 : i32
    %dma_wait3A_103 = tpu.memref_slice %arg4[%dma_wait3A_101, %dma_wait3A_102] : memref<100000x32xf32, #tpu.memory_space<hbm>> -> memref<100000x32xf32, #tpu.memory_space<hbm>>
    tpu.wait_indirect_dma semaphore(%arg14 : memref<!tpu.dma_semaphore, #tpu.memory_space<semaphore_mem>>) src(%dma_wait3A_103 : memref<100000x32xf32, #tpu.memory_space<hbm>>) dst(%arg12 : memref<128x32xf32, #tpu.memory_space<vmem>>)
    %scan3A_104 = arith.constant 0 : i32
    %scan3A_105 = arith.constant 128 : i32
    %scan3A_106 = arith.addi %scan3A_104, %scan3A_105 : i32
    %scan3A_107 = arith.constant 1 : i32
    scf.for %scan3A_109 = %scan3A_104 to %scan3A_106 step %scan3A_107  : i32 {
      %mul3A_110 = arith.constant 1 : i32
      %mul3A_111 = arith.muli %scan3A_109, %mul3A_110 : i32
      %add3A_112 = arith.constant 0 : i32
      %add3A_113 = arith.addi %add3A_112, %mul3A_111 : i32
      %get3A = arith.index_cast %add3A_113 : i32 to index
      %get3A_114 = arith.constant 0 : index
      %get3A_115 = tpu.vector_load %arg12[%get3A, %get3A_114] {strides = array<i32>} : memref<128x32xf32, #tpu.memory_space<vmem>>, vector<1x16xf32>,
      %get3A_116 = vector.shape_cast %get3A_115 : vector<1x16xf32> to vector<16xf32>
      %swap3A = arith.index_cast %add3A_113 : i32 to index
      %swap3A_117 = arith.constant 64 : index
      %swap3A_118 = tpu.vector_load %arg13[%swap3A, %swap3A_117] {strides = array<i32>} : memref<128x96xf32, #tpu.memory_space<vmem>>, vector<1x16xf32>,
      %swap3A_119 = vector.shape_cast %swap3A_118 : vector<1x16xf32> to vector<16xf32>
      %swap3A_120 = vector.shape_cast %get3A_116 : vector<16xf32> to vector<1x16xf32>
      tpu.vector_store %arg13[%swap3A, %swap3A_117], %swap3A_120 {strides = array<i32>} : memref<128x96xf32, #tpu.memory_space<vmem>>, vector<1x16xf32>,
      %get3A_121 = arith.index_cast %add3A_113 : i32 to index
      %get3A_122 = arith.constant 16 : index
      %get3A_123 = tpu.vector_load %arg12[%get3A_121, %get3A_122] {strides = array<i32>} : memref<128x32xf32, #tpu.memory_space<vmem>>, vector<1x16xf32>,
      %get3A_124 = vector.shape_cast %get3A_123 : vector<1x16xf32> to vector<16xf32>
      %swap3A_125 = arith.index_cast %add3A_113 : i32 to index
      %swap3A_126 = arith.constant 80 : index
      %swap3A_127 = tpu.vector_load %arg13[%swap3A_125, %swap3A_126] {strides = array<i32>} : memref<128x96xf32, #tpu.memory_space<vmem>>, vector<1x16xf32>,
      %swap3A_128 = vector.shape_cast %swap3A_127 : vector<1x16xf32> to vector<16xf32>
      %swap3A_129 = vector.shape_cast %get3A_124 : vector<16xf32> to vector<1x16xf32>
      tpu.vector_store %arg13[%swap3A_125, %swap3A_126], %swap3A_129 {strides = array<i32>} : memref<128x96xf32, #tpu.memory_space<vmem>>, vector<1x16xf32>,
    }
    %scan3A_108 = arith.constant 128 : i32
    "tpu.region"() ({
      %run_scoped3A = tpu.sem_alloc : memref<!tpu.dma_semaphore, #tpu.memory_space<semaphore_mem>>
      %dma_start3A_109 = arith.constant 0 : i32
      %dma_start3A_110 = tpu.memref_slice %arg10[%mul3A_2, %dma_start3A_109] : memref<4096x96xf32, #tpu.memory_space<hbm>> -> memref<128x96xf32, #tpu.memory_space<hbm>>
      %dma_start3A_111 = arith.constant 0 : i32
      %dma_start3A_112 = tpu.memref_slice %arg10[%mul3A_2, %dma_start3A_111] : memref<4096x96xf32, #tpu.memory_space<hbm>> -> memref<128x96xf32, #tpu.memory_space<hbm>>
      tpu.enqueue_dma source(%arg13 : memref<128x96xf32, #tpu.memory_space<vmem>>) target(%dma_start3A_112 : memref<128x96xf32, #tpu.memory_space<hbm>>) target_semaphore(%run_scoped3A : memref<!tpu.dma_semaphore, #tpu.memory_space<semaphore_mem>>)
      %dma_wait3A_113 = arith.constant 0 : i32
      %dma_wait3A_114 = tpu.memref_slice %arg10[%mul3A_2, %dma_wait3A_113] : memref<4096x96xf32, #tpu.memory_space<hbm>> -> memref<128x96xf32, #tpu.memory_space<hbm>>
      %dma_wait3A_115 = arith.constant 0 : i32
      %dma_wait3A_116 = tpu.memref_slice %arg10[%mul3A_2, %dma_wait3A_115] : memref<4096x96xf32, #tpu.memory_space<hbm>> -> memref<128x96xf32, #tpu.memory_space<hbm>>
      tpu.wait_dma2 semaphore(%run_scoped3A : memref<!tpu.dma_semaphore, #tpu.memory_space<semaphore_mem>>) src(%arg13 : memref<128x96xf32, #tpu.memory_space<vmem>>) dst(%dma_wait3A_116 : memref<128x96xf32, #tpu.memory_space<hbm>>)
      tpu.yield
    }) : () -> ()
    return
  }
}

module attributes {stable_mosaic.version = 14 : i64} {
  func.func @_dense_body(%arg0: i32, %arg1: memref<2000x32xf32, #tpu.memory_space<vmem>>, %arg2: memref<2000x32xf32, #tpu.memory_space<vmem>>, %arg3: memref<32x32xf32, #tpu.memory_space<vmem>>, %arg4: memref<1x32xf32, #tpu.memory_space<vmem>>, %arg5: memref<32x32xf32, #tpu.memory_space<vmem>>, %arg6: memref<1x32xf32, #tpu.memory_space<vmem>>, %arg7: memref<2000x32xf32, #tpu.memory_space<vmem>>, %arg8: memref<2000x32xf32, #tpu.memory_space<vmem>>) attributes {dimension_semantics = [#tpu.dimension_semantics<arbitrary>], iteration_bounds = array<i64: 50>, scalar_prefetch = 0 : i64, scratch_operands = 0 : i64, tpu.core_type = #tpu.core_type<tc>, window_params = [{transform_indices = @transform_0, window_bounds = array<i64: 2000, 32>}, {transform_indices = @transform_1, window_bounds = array<i64: 2000, 32>}, {pipeline_mode = #tpu.pipeline_mode<synchronous>, transform_indices = @transform_2, window_bounds = array<i64: 32, 32>}, {pipeline_mode = #tpu.pipeline_mode<synchronous>, transform_indices = @transform_3, window_bounds = array<i64: 1, 32>}, {pipeline_mode = #tpu.pipeline_mode<synchronous>, transform_indices = @transform_4, window_bounds = array<i64: 32, 32>}, {pipeline_mode = #tpu.pipeline_mode<synchronous>, transform_indices = @transform_5, window_bounds = array<i64: 1, 32>}, {transform_indices = @transform_6, window_bounds = array<i64: 2000, 32>}, {transform_indices = @transform_7, window_bounds = array<i64: 2000, 32>}]} {
    %get3A = arith.constant 0 : index
    %get3A_0 = arith.constant 0 : index
    %get3A_1 = vector.load %arg1[%get3A, %get3A_0] : memref<2000x32xf32, #tpu.memory_space<vmem>>, vector<2000x32xf32>
    %get3A_2 = arith.constant 0 : index
    %get3A_3 = arith.constant 0 : index
    %get3A_4 = vector.load %arg2[%get3A_2, %get3A_3] : memref<2000x32xf32, #tpu.memory_space<vmem>>, vector<2000x32xf32>
    %get3A_5 = arith.constant 0 : index
    %get3A_6 = arith.constant 0 : index
    %get3A_7 = vector.load %arg3[%get3A_5, %get3A_6] : memref<32x32xf32, #tpu.memory_space<vmem>>, vector<32x32xf32>
    %dot_general3A = arith.constant dense<0.000000e+00> : vector<2000x32xf32>
    %dot_general3A_8 = tpu.matmul %get3A_4, %get3A_7, %dot_general3A {dimension_numbers = #tpu.dot_dimension_numbers<[1], [0], [0], [1], [0, 0, 1, 1], [], []>, transpose_lhs_hint = false} : vector<2000x32xf32>, vector<32x32xf32>, vector<2000x32xf32> -> vector<2000x32xf32>
    %mul3A = arith.mulf %get3A_1, %get3A_4 : vector<2000x32xf32>
    %get3A_9 = arith.constant 0 : index
    %get3A_10 = arith.constant 0 : index
    %get3A_11 = vector.load %arg5[%get3A_9, %get3A_10] : memref<32x32xf32, #tpu.memory_space<vmem>>, vector<32x32xf32>
    %dot_general3A_12 = arith.constant dense<0.000000e+00> : vector<2000x32xf32>
    %dot_general3A_13 = tpu.matmul %mul3A, %get3A_11, %dot_general3A_12 {dimension_numbers = #tpu.dot_dimension_numbers<[1], [0], [0], [1], [0, 0, 1, 1], [], []>, transpose_lhs_hint = false} : vector<2000x32xf32>, vector<32x32xf32>, vector<2000x32xf32> -> vector<2000x32xf32>
    %add3A = arith.addf %dot_general3A_8, %dot_general3A_13 : vector<2000x32xf32>
    %get3A_14 = arith.constant 0 : index
    %get3A_15 = arith.constant 0 : index
    %get3A_16 = vector.load %arg4[%get3A_14, %get3A_15] : memref<1x32xf32, #tpu.memory_space<vmem>>, vector<1x32xf32>
    %add3A_17 = vector.broadcast %get3A_16 : vector<1x32xf32> to vector<2000x32xf32>
    %add3A_18 = arith.addf %add3A, %add3A_17 : vector<2000x32xf32>
    %get3A_19 = arith.constant 0 : index
    %get3A_20 = arith.constant 0 : index
    %get3A_21 = vector.load %arg6[%get3A_19, %get3A_20] : memref<1x32xf32, #tpu.memory_space<vmem>>, vector<1x32xf32>
    %add3A_22 = vector.broadcast %get3A_21 : vector<1x32xf32> to vector<2000x32xf32>
    %add3A_23 = arith.addf %add3A_18, %add3A_22 : vector<2000x32xf32>
    %ge3A = arith.constant 0.000000e+00 : f32
    %ge3A_24 = vector.broadcast %ge3A : f32 to vector<2000x32xf32>
    %ge3A_25 = arith.cmpf oge, %add3A_23, %ge3A_24 : vector<2000x32xf32>
    %mul3A_26 = arith.constant 0.00999999977 : f32
    %mul3A_27 = vector.broadcast %mul3A_26 : f32 to vector<2000x32xf32>
    %mul3A_28 = arith.mulf %mul3A_27, %add3A_23 : vector<2000x32xf32>
    %select_n3A = arith.select %ge3A_25, %add3A_23, %mul3A_28 : vector<2000x32xi1>, vector<2000x32xf32>
    %swap3A = arith.constant 0 : index
    %swap3A_29 = arith.constant 0 : index
    %swap3A_30 = vector.load %arg7[%swap3A, %swap3A_29] : memref<2000x32xf32, #tpu.memory_space<vmem>>, vector<2000x32xf32>
    tpu.vector_store %arg7[%swap3A, %swap3A_29], %select_n3A {strides = array<i32>} : memref<2000x32xf32, #tpu.memory_space<vmem>>, vector<2000x32xf32>,
    %mul3A_31 = arith.mulf %select_n3A, %select_n3A : vector<2000x32xf32>
    %reduce_sum3A = arith.constant dense<0.000000e+00> : vector<2000xf32>
    %reduce_sum3A_32 = vector.multi_reduction <add>, %mul3A_31, %reduce_sum3A [1] : vector<2000x32xf32> to vector<2000xf32>
    %broadcast_in_dim3A = vector.shape_cast %reduce_sum3A_32 : vector<2000xf32> to vector<2000x1xf32>
    %sqrt3A = math.sqrt %broadcast_in_dim3A : vector<2000x1xf32>
    %max3A = arith.constant 9.99999996E-13 : f32
    %max3A_33 = vector.broadcast %max3A : f32 to vector<2000x1xf32>
    %max3A_34 = arith.maximumf %sqrt3A, %max3A_33 : vector<2000x1xf32>
    %div3A = vector.broadcast %max3A_34 : vector<2000x1xf32> to vector<2000x32xf32>
    %div3A_35 = arith.divf %select_n3A, %div3A : vector<2000x32xf32>
    %swap3A_36 = arith.constant 0 : index
    %swap3A_37 = arith.constant 0 : index
    %swap3A_38 = vector.load %arg8[%swap3A_36, %swap3A_37] : memref<2000x32xf32, #tpu.memory_space<vmem>>, vector<2000x32xf32>
    tpu.vector_store %arg8[%swap3A_36, %swap3A_37], %div3A_35 {strides = array<i32>} : memref<2000x32xf32, #tpu.memory_space<vmem>>, vector<2000x32xf32>,
    return
  }
  func.func @transform_0(%arg0: i32) -> (i32, i32) {
    %c0_i32 = arith.constant 0 : i32
    %c0_i32_0 = arith.constant 0 : i32
    return %arg0, %c0_i32 : i32, i32
  }
  func.func @transform_1(%arg0: i32) -> (i32, i32) {
    %c0_i32 = arith.constant 0 : i32
    %c0_i32_0 = arith.constant 0 : i32
    return %arg0, %c0_i32 : i32, i32
  }
  func.func @transform_2(%arg0: i32) -> (i32, i32) {
    %c0_i32 = arith.constant 0 : i32
    %c0_i32_0 = arith.constant 0 : i32
    %c0_i32_1 = arith.constant 0 : i32
    return %c0_i32, %c0_i32_0 : i32, i32
  }
  func.func @transform_3(%arg0: i32) -> (i32, i32) {
    %c0_i32 = arith.constant 0 : i32
    %c0_i32_0 = arith.constant 0 : i32
    %c0_i32_1 = arith.constant 0 : i32
    return %c0_i32, %c0_i32_0 : i32, i32
  }
  func.func @transform_4(%arg0: i32) -> (i32, i32) {
    %c0_i32 = arith.constant 0 : i32
    %c0_i32_0 = arith.constant 0 : i32
    %c0_i32_1 = arith.constant 0 : i32
    return %c0_i32, %c0_i32_0 : i32, i32
  }
  func.func @transform_5(%arg0: i32) -> (i32, i32) {
    %c0_i32 = arith.constant 0 : i32
    %c0_i32_0 = arith.constant 0 : i32
    %c0_i32_1 = arith.constant 0 : i32
    return %c0_i32, %c0_i32_0 : i32, i32
  }
  func.func @transform_6(%arg0: i32) -> (i32, i32) {
    %c0_i32 = arith.constant 0 : i32
    %c0_i32_0 = arith.constant 0 : i32
    return %arg0, %c0_i32 : i32, i32
  }
  func.func @transform_7(%arg0: i32) -> (i32, i32) {
    %c0_i32 = arith.constant 0 : i32
    %c0_i32_0 = arith.constant 0 : i32
    return %arg0, %c0_i32 : i32, i32
  }
}

</mosaic_0001>

<sc_bundles>
// kernel: kernel.10.cloned.1.call-start
scs
__scs_entry_jumppad:
0x0: {  	(pc) =	sbr.rel $0x88, $3  }
0x1: {  	(tag) =	ssettag $0x0;
	lr =	simm.s32 $0x1  }
0x2: {  	[smem:$0x3F91] =	sst lr;
	_ =	strace $0xD0000000  }
0x3: {  	_ = 	snop  }
0x4: {  	_ = 	snop  }
0x5: {  	_ = 	snop  }
0x6: {  	_ = 	snop  }
0x7: {  	_ = 	snop  }
__scs_overlays_trampoline_lowered:
0x8: {  	[smem:$0x3FA0] =	sst s0  }
0x9: {  	[smem:$0x3FA1] =	sst s1  }
0xa: {  	[smem:$0x3FA2] =	sst s2  }
0xb: {  	[smem:$0x3FA3] =	sst s3  }
0xc: {  	[smem:$0x3FA4] =	sst s4  }
0xd: {  	[smem:$0x3FA5] =	sst s5  }
0xe: {  	[smem:$0x3FA6] =	sst s6  }
0xf: {  	[smem:$0x3FA7] =	sst s7  }
0x10: {  	[smem:$0x3FA8] =	sst s8  }
0x11: {  	[smem:$0x3FA9] =	sst s9;
	s0 =	simm.s32 @!p0 $0x0  }
0x12: {  	s1 =	sld [smem:$0x3F8F];
	s0 =	simm.s32 @p0 $0x1  }
0x13: {  	[smem:$0x3FAA] =	sst s0;
	s0 =	simm.s32 @!p1 $0x0  }
0x14: {  	s2 =	sld [smem:$0x3F8E];
	s0 =	simm.s32 @p1 $0x1  }
0x15: {  	[smem:$0x3FAB] =	sst s0;
	s0 =	simm.s32 @!p2 $0x0  }
0x16: {  	s3 =	sld [smem:$0x3FDB];
	s0 =	simm.s32 @p2 $0x1  }
0x17: {  	s4 =	simm.s32 $0x1BF5;
	[smem:$0x3FAD] =	sst s0  }
0x18: {  	s0 =	sld [smem:$0x3F90];
	_ =	swait.ge [sflag:s4], $0x0  }
0x19: {  	s7 =	sld [smem:$0x3F91]  }
0x1a: {  	s8 =	sadd.s32 $0xFFFFE003, lr  }
0x1b: {  	s9 =	sadd.s32 $0xFFFFFEF7, lr;
	s5 =	simm.s32 $0xFFFFFFFF;
	p2 =	slt.u32 s8, $0xFFFFF086  }
0x1c: {  	p1 =	slt.u32 s9, $0xF7A;
	s5 =	simm.s32 @!p2 $0x0  }
0x1d: {  	s5 =	simm.s32 @p1 $0x1;
	p0 =	seq.s32 s7, s2  }
0x1e: {  	s7 =	smul.u32 @!p0 $0xF7A, s2;
	p2 =	seq.s32 @!p0 s5, $0x0  }
0x1f: {  	s9 =	smul.u32 $0xF7A, s1;
	s8 =	simm.s32 @!p0 $0x1BF5;
	p2 =	por !p2, p0  }
0x20: {  	[sflag:s8] =	ssyncset.s32 @!p0 $0xFFFFF086;
	s6 =	sadd.s32 @!p0 s3, s7;
	s7 =	simm.s32 @!p0 $0x108  }
0x21: {  	s3 =	sadd.s32 s3, s9;
	s6 =	sadd.s32 @!p0 $0x88, s6;
	s7 =	simm.s32 @p2 $0x1082  }
0x22: {  	[simem:s7], [sflag:s8] =	dma.local @!p0 [hbm:s6], $0xF7A  }
0x23: {  	s9 =	sor.u32 $0xD0000000, s2;
	s6 =	simm.s32 $0x108;
	_ =	swait.ge @!p0 [sflag:s8], $0x0  }
0x24: {  	s3 =	sadd.s32 $0x88, s3;
	s6 =	simm.s32 @!p1 $0x1082;
	[sflag:s4] =	ssyncset.s32 $0xFFFFF086  }
0x25: {  	[simem:s6], [sflag:s4] =	dma.local [hbm:s3], $0xF7A  }
0x26: {  	[smem:$0x3F91] =	sst s1;
	(tag) =	ssettag s2;
	_ =	strace s9  }
0x27: {  	s1 =	sld [smem:$0x3FA1]  }
0x28: {  	s2 =	sld [smem:$0x3FA2]  }
0x29: {  	s4 =	sld [smem:$0x3FA4]  }
0x2a: {  	p0 =	seq.s32 s5, $0x0;
	s5 =	sld [smem:$0x3FA5]  }
0x2b: {  	s6 =	sld [smem:$0x3FA6]  }
0x2c: {  	s7 =	sld [smem:$0x3FA7]  }
0x2d: {  	s3 =	simm.s32 $0x108;
	s8 =	sld [smem:$0x3FA8]  }
0x2e: {  	s3 =	simm.s32 @!p0 $0x1082;
	s9 =	sld [smem:$0x3FA9]  }
0x2f: {  	lr =	sadd.s32 s0, s3;
	s0 =	sld [smem:$0x3FA0]  }
0x30: {  	s3 =	sld [smem:$0x3FA3]  }
0x31: {  	[smem:$0x3FAC] =	sst s10  }
0x32: {  	s10 =	sld [smem:$0x3FAA];
	_ =	sdelay $0x3  }
0x33: {  	p0 =	seq.s32 s10, $0x1;
	s10 =	sld [smem:$0x3FAC];
	_ =	sdelay $0x3  }
0x34: {  	[smem:$0x3FAC] =	sst s10  }
0x35: {  	s10 =	sld [smem:$0x3FAB];
	_ =	sdelay $0x3  }
0x36: {  	p1 =	seq.s32 s10, $0x1;
	s10 =	sld [smem:$0x3FAC];
	_ =	sdelay $0x3  }
0x37: {  	[smem:$0x3FAC] =	sst s10  }
0x38: {  	s10 =	sld [smem:$0x3FAD]  }
0x39: {  	_ = 	snop;
	(pc) =	sbr.ind lr, $3  }
0x3a: {  	_ = 	snop  }
0x3b: {  	_ = 	snop  }
0x3c: {  	p2 =	seq.s32 s10, $0x1;
	s10 =	sld [smem:$0x3FAC]  }
0x3d: {  	_ =	shalt  }
0x3e: {  	_ =	shalt  }
0x3f: {  	_ =	shalt  }
0x40: {  	_ =	shalt  }
0x41: {  	_ =	shalt  }
0x42: {  	_ =	shalt  }
0x43: {  	_ =	shalt  }
0x44: {  	_ =	shalt  }
0x45: {  	_ =	shalt  }
0x46: {  	_ =	shalt  }
0x47: {  	_ =	shalt  }
0x48: {  	_ =	shalt  }
0x49: {  	_ =	shalt  }
0x4a: {  	_ =	shalt  }
0x4b: {  	_ =	shalt  }
0x4c: {  	_ =	shalt  }
0x4d: {  	_ =	shalt  }
0x4e: {  	_ =	shalt  }
0x4f: {  	_ =	shalt  }
0x50: {  	_ =	shalt  }
0x51: {  	_ =	shalt  }
0x52: {  	_ =	shalt  }
0x53: {  	_ =	shalt  }
0x54: {  	_ =	shalt  }
0x55: {  	_ =	shalt  }
0x56: {  	_ =	shalt  }
0x57: {  	_ =	shalt  }
0x58: {  	_ =	shalt  }
0x59: {  	_ =	shalt  }
0x5a: {  	_ =	shalt  }
0x5b: {  	_ =	shalt  }
0x5c: {  	_ =	shalt  }
0x5d: {  	_ =	shalt  }
0x5e: {  	_ =	shalt  }
0x5f: {  	_ =	shalt  }
0x60: {  	_ =	shalt  }
0x61: {  	_ =	shalt  }
0x62: {  	_ =	shalt  }
0x63: {  	_ =	shalt  }
0x64: {  	_ =	shalt  }
0x65: {  	_ =	shalt  }
0x66: {  	_ =	shalt  }
0x67: {  	_ =	shalt  }
0x68: {  	_ =	shalt  }
0x69: {  	_ =	shalt  }
0x6a: {  	_ =	shalt  }
0x6b: {  	_ =	shalt  }
0x6c: {  	_ =	shalt  }
0x6d: {  	_ =	shalt  }
0x6e: {  	_ =	shalt  }
0x6f: {  	_ =	shalt  }
0x70: {  	_ =	shalt  }
0x71: {  	_ =	shalt  }
0x72: {  	_ =	shalt  }
0x73: {  	_ =	shalt  }
0x74: {  	_ =	shalt  }
0x75: {  	_ =	shalt  }
0x76: {  	_ =	shalt  }
0x77: {  	_ =	shalt  }
0x78: {  	_ =	shalt  }
0x79: {  	_ =	shalt  }
0x7a: {  	_ =	shalt  }
0x7b: {  	_ =	shalt  }
0x7c: {  	_ =	shalt  }
0x7d: {  	_ =	shalt  }
0x7e: {  	_ =	shalt  }
0x7f: {  	_ =	shalt  }
0x80: {  	_ =	shalt  }
0x81: {  	_ =	shalt  }
0x82: {  	_ =	shalt  }
0x83: {  	_ =	shalt  }
0x84: {  	_ =	shalt  }
0x85: {  	_ =	shalt  }
0x86: {  	_ =	shalt  }
0x87: {  	_ =	shalt  }
.Lfunc_end0:
.L_simem_size_0:
called_computation.1_lowered:
.L_overlay_start_0:
0x88: {  	s2 =	sld [smem:$0x3FD9]  }
0x89: {  	s3 =	sld [smem:$0x3FFE];
	_ =	sdelay $0x1  }
0x8a: {  	s1 =	srdreg.scid  }
0x8b: {  	s0 =	sand.u32 $0x1, s1  }
0x8c: {  	s16 =	sshll.u32 s0, $0xA;
	s2 =	sadd.s32 s3, s2  }
0x8d: {  	s2 =	sadd.s32 s2, s16  }
0x8e: {  	[smem:$0x3FB8] =	sst s2  }
0x8f: {  	_ = 	snop  }
0x90: {  	(tm) =	ssettm $0x1  }
0x91: {  	s17 =	sld [smem:$0x3FFB];
	_ =	sdelay $0x3  }
0x92: {  	_ =	strace s17  }
0x93: {  	s2 =	sld [smem:$0x3FFC];
	_ =	sdelay $0x3  }
0x94: {  	_ =	strace s2  }
0x95: {  	s2 =	sld [smem:$0x3FFD];
	_ =	sdelay $0x3  }
0x96: {  	_ =	strace s2  }
0x97: {  	_ =	strace $0x8FFFFFFF  }
0x98: {  	s18 =	sld [smem:$0x3FDB];
	_ =	sdelay $0x1  }
0x99: {  	s19 =	simm.s32 $_scs_section_size  }
0x9a: {  	s4 =	simm.s32 $_size__tile_overlayer_lowered;
	s5 =	simm.s32 $_tile_overlayer_lowered  }
0x9b: {  	s22 =	simm.s32 $0x1BFF;
	s21 =	sshll.u32 s5, $0x1;
	s2 =	sadd.s32 s19, s18  }
0x9c: {  	s6 =	simm.s32 $0x0;
	s20 =	sshll.u32 s4, $0x1;
	s4 =	sadd.s32 s21, s2  }
0x9d: {  	[timem:s6], [sflag:s22] =	dma.local [hbm:s4], s20  }
0x9e: {  	_ =	swait.ge [sflag:s22], s20  }
0x9f: {  	s3 =	ssub.s32 $0x0, s20;
	[sflag:s22] =	ssyncset.done $0x0  }
0xa0: {  	[sflag:s22] =	ssyncadd.s32 s3;
	_ =	sdelay $0x1  }
0xa1: {  	s23 =	simm.s32 $0x1B8B  }
0xa2: {  	_ =	swait.ge [sflag:s23], $0x1  }
0xa3: {  	[sflag:s23] =	ssyncset.done $0x0  }
0xa4: {  	s25 =	simm.s32 $0x1B8E;
	s24 =	sld [smem:$0x3FFE];
	[sflag:s23] =	ssyncadd.s32 $0xFFFFFFFF  }
0xa5: {  	s26 =	simm.s32 $execute0_lowered;
	[smem:$0x3FD2] =	sst s25  }
0xa6: {  	s4 =	sshll.u32 s26, $0x1;
	_ =	strace $0x80000049;
	[dreg:$0x1] =	wrdreg $0xFFFFFFFF  }
0xa7: {  	s28 =	simm.s32 $_size_execute0_lowered;
	s2 =	sadd.s32 s2, s4;
	[dreg:$0x0] =	wrdreg $0x0  }
0xa8: {  	s4 =	sshll.u32 s28, $0x1;
	[dreg:$0x2] =	wrdreg s2  }
0xa9: {  	[dreg:$0x3] =	wrdreg s4  }
0xaa: {  	[dreg:$0x4] =	wrdreg $0xC0  }
0xab: {  	_ =	task [dreg:s6], $0x5FFFF  }
0xac: {  	[dreg:$0x1] =	wrdreg $0xFFFFFFFF  }
0xad: {  	[dreg:$0x0] =	wrdreg $0x60  }
0xae: {  	[dreg:$0x2] =	wrdreg s24  }
0xaf: {  	[dreg:$0x3] =	wrdreg $0x0  }
0xb0: {  	[dreg:$0x4] =	wrdreg $0x9  }
0xb1: {  	_ =	task.clear_ibuf [dreg:s6], $0x5FFFF;
	_ =	strace $0x90000049  }
0xb2: {  	s29 =	simm.s32 $0x9;
	_ =	strace $0x8000004B  }
0xb3: {  	_ =	swait.ge [sflag:s29], $0x1  }
0xb4: {  	[sflag:s29] =	ssyncadd.s32 $0xFFFFFFFF  }
0xb5: {  	_ =	strace $0x9000004B  }
0xb6: {  	_ =	sfence  }
0xb7: {  	s30 =	sld [smem:$0x0];
	_ =	sdelay $0x2  }
0xb8: {  	s31 =	sshll.u32 s1, $0xD;
	s1 =	sshrl.u32 s1, $0x2  }
0xb9: {  	s3 =	sand.u32 $0x4000, s31;
	s1 =	sadd.s32 s1, s30  }
0xba: {  	s0 =	sor.u32 s3, s0;
	s1 =	sshll.u32 s1, $0x11  }
0xbb: {  	s0 =	sor.u32 s1, s0  }
0xbc: {  	s0 =	sadd.s32 $0x8F2B, s0  }
0xbd: {  	[sflag:s0] =	ssyncadd.remote.s32 $0x1  }
0xbe: {  	_ =	sfence.sel $0xFFFF  }
0xbf: {  	[dreg:$0x0] =	wrdreg $0xFFFFFFFF;
	(pc) =	sbr.abs _section_cstart, $3  }
0xc0: {  	[dreg:$0x1] =	wrdreg $0xFFFFFFFF  }
0xc1: {  	_ =	task.clear_ibuf [dreg:s6], $0x2FFFF;
	_ =	strace $0x9FFFFFFF  }
0xc2: {  	(tm) =	ssettm $0x7FFFFFFF  }
0xc3: {  	_ =	shalt  }
tec
execute0_lowered:
.L_overlay_start_1:
0x0: {  	(tag) =	ssettag $0x1  }
0x1: {  	s0 =	rddreg [dreg:$0x0]  }
0x2: {  	s1 =	rddreg [dreg:$0x1];
	s2 =	simm.s32 $0x0;
	s3 =	srdreg.scid  }
0x3: {  	s12 =	stileid.u32;
	s28 =	simm.s32 $0x18800;
	s29 =	simm.s32 $0x1AF00  }
0x4: {  	s30 =	simm.s32 $0x18880;
	s31 =	simm.s32 $0x1BF00;
	[smem:$0x7FF] =	sst s2  }
0x5: {  	s4 =	sadd.s32 $0x4000, s0;
	s5 =	sadd.s32 $0x21D600, s0;
	s8 =	smul.u32 $0x61C00, s12  }
0x6: {  	s6 =	sadd.s32 $0x1EC600, s0;
	s3 =	sand.u32 $0x1, s3;
	s19 =	smul.u32 $0xC38, s12  }
0x7: {  	s7 =	sadd.s32 $0x24E600, s0;
	s0 =	sadd.s32 $0x65C00, s0;
	s15 =	smul.u32 $0x18800, s12  }
0x8: {  	p0 =	seq.s32 s12, $0xF;
	_ =	strace $0x8000004A;
	s9 =	ssub.s32 $0x2, s3  }
0x9: {  	s11 =	smul.u32 $0xC350, s3;
	s10 =	sshrl.u32 s9, $0x1;
	s8 =	sshrl.u32 s8, $0x2  }
0xa: {  	s3 =	smul.u32 $0x186A00, s3;
	s9 =	ssub.s32 s9, s10;
	s16 =	sadd.s32 s8, s1  }
0xb: {  	s10 =	sadd.s32 s19, s11;
	s8 =	sadd.s32 $0x4000, s16;
	[dreg:$0x3] =	wrdreg s16  }
0xc: {  	s3 =	sshrl.u32 s3, $0x3;
	s20 =	sadd.s32 $0x8000, s16;
	[dreg:$0x4] =	wrdreg s8  }
0xd: {  	s19 =	simm.s32 $0x18F00;
	s21 =	sadd.s32 $0xC000, s16;
	[dreg:$0x5] =	wrdreg s20  }
0xe: {  	v0 =	vmov s11;
	s11 =	simm.s32 $0x18E80;
	s22 =	sadd.s32 $0x10000, s16;
	[dreg:$0x6] =	wrdreg s21  }
0xf: {  	s23 =	sadd.s32 $0x14000, s16;
	s24 =	sadd.s32 $0x18000, s16;
	[dreg:$0x7] =	wrdreg s22  }
0x10: {  	s10 =	sshll.u32 s10, $0x2;
	s3 =	sadd.s32 s0, s3;
	[dreg:$0x8] =	wrdreg s23  }
0x11: {  	s26 =	smax.u32 s9, $0x1;
	s9 =	simm.s32 $0x18D80;
	[dreg:$0x9] =	wrdreg s24  }
0x12: {  	s0 =	sadd.s32 s0, s10;
	s25 =	sadd.s32 $0x2DD20, s3;
	[dreg:$0xc] =	wrdreg s26  }
0x13: {  	s20 =	simm.s32 $0x2;
	s21 =	simm.s32 $0x18700;
	s22 =	simm.s32 $0x18900  }
0x14: {  	s23 =	simm.s32 $0x18B00;
	s24 =	simm.s32 $0x80;
	s26 =	simm.s32 $0x19F00  }
0x15: {  	s3 =	simm.s32 $0x18D00;
	s10 =	simm.s32 $0x18E00;
	[dreg:$0xa] =	wrdreg s0  }
0x16: {  	v1 =	vimm.f32 $0.0e+00;
	[dreg:$0xb] =	wrdreg s25;
	s25 =	simm.s32 $0x18780;
	s0 =	simm.s32 $0x1  }
.LBB2_1:
0x17: {  	s12 =	simm.s32 $0x80;
	s13 =	simm.s32 $0x0  }
.LBB2_2:
0x18: {  	p1 =	sne.s32 s12, $0xFF80;
	[tilespmem:s13+$0x18F00] =	vst v1;
	s14 =	smov.u32 s12;
	s12 =	sadd.s32 $0x80, s12  }
.Ltmp0:
0x19: {  	[tilespmem:s13+$0x18F10] =	vst v1;
	(pc) =	sbr.rel @p1 .LBB2_2-.Ltmp0, $2  }
0x1a: {  	_ =	sdelay $0x2  }
0x1b: {  	s13 =	sshra.s32 s14, $0x2  }
0x1c: {  	[tilespmem:s13+$0x18F00] =	vst v1  }
0x1d: {  	[tilespmem:s13+$0x18F10] =	vst v1  }
0x1e: {  	[spmem:s16] =	stream.linear.scatter [tilespmem:s19], [sflag:$0x2], $0x4000, $0x38;
	[tilespmem:$0x1CF00] =	vst v63  }
0x1f: {  	_ =	swait.ge [sflag:s20], $0x4000  }
0x20: {  	[sflag:s20] =	ssyncset.done $0x0  }
0x21: {  	s8 =	rddreg [dreg:$0x4];
	[sflag:s20] =	ssyncadd.s32 $0xFFFFC000  }
0x22: {  	[spmem:s8] =	stream.linear.scatter [tilespmem:s19], [sflag:$0x2], $0x4000, $0x38;
	[tilespmem:$0x1CF00] =	vst v63  }
0x23: {  	_ =	swait.ge [sflag:s20], $0x4000  }
0x24: {  	[sflag:s20] =	ssyncset.done $0x0  }
0x25: {  	s13 =	rddreg [dreg:$0x5];
	[sflag:s20] =	ssyncadd.s32 $0xFFFFC000  }
0x26: {  	[spmem:s13] =	stream.linear.scatter [tilespmem:s19], [sflag:$0x2], $0x4000, $0x38;
	[tilespmem:$0x1CF00] =	vst v63  }
0x27: {  	_ =	swait.ge [sflag:s20], $0x4000  }
0x28: {  	[sflag:s20] =	ssyncset.done $0x0  }
0x29: {  	s14 =	rddreg [dreg:$0x6];
	[sflag:s20] =	ssyncadd.s32 $0xFFFFC000  }
0x2a: {  	[spmem:s14] =	stream.linear.scatter [tilespmem:s19], [sflag:$0x2], $0x4000, $0x38;
	[tilespmem:$0x1CF00] =	vst v63  }
0x2b: {  	_ =	swait.ge [sflag:s20], $0x4000  }
0x2c: {  	[sflag:s20] =	ssyncset.done $0x0  }
0x2d: {  	s16 =	rddreg [dreg:$0x7];
	[sflag:s20] =	ssyncadd.s32 $0xFFFFC000  }
0x2e: {  	[spmem:s16] =	stream.linear.scatter [tilespmem:s19], [sflag:$0x2], $0x4000, $0x38;
	[tilespmem:$0x1CF00] =	vst v63  }
0x2f: {  	_ =	swait.ge [sflag:s20], $0x4000  }
0x30: {  	[sflag:s20] =	ssyncset.done $0x0  }
0x31: {  	s17 =	rddreg [dreg:$0x8];
	[sflag:s20] =	ssyncadd.s32 $0xFFFFC000  }
0x32: {  	[spmem:s17] =	stream.linear.scatter [tilespmem:s19], [sflag:$0x2], $0x4000, $0x38;
	[tilespmem:$0x1CF00] =	vst v63  }
0x33: {  	_ =	swait.ge [sflag:s20], $0x4000  }
0x34: {  	[sflag:s20] =	ssyncset.done $0x0  }
0x35: {  	s18 =	rddreg [dreg:$0x9];
	[sflag:s20] =	ssyncadd.s32 $0xFFFFC000  }
0x36: {  	[spmem:s18] =	stream.linear.scatter [tilespmem:s19], [sflag:$0x2], $0x700, $0x38;
	[tilespmem:$0x1CF00] =	vst v63  }
0x37: {  	_ =	swait.ge [sflag:s20], $0x700  }
0x38: {  	[sflag:s20] =	ssyncset.done $0x0  }
0x39: {  	[sflag:s20] =	ssyncadd.s32 $0xFFFFF900  }
0x3a: {  	s12 =	simm.s32 $0x0;
	s13 =	simm.s32 $0x0;
	[bflag:$0x0] =	sbarrier.arrive $0xFFFF  }
.LBB2_4:
0x3b: {  	s14 =	sshll.u32 s13, $0x9  }
0x3c: {  	s14 =	sadd.s32 s15, s14  }
0x3d: {  	s14 =	sshrl.u32 s14, $0x3  }
0x3e: {  	s16 =	sadd.s32 s5, s14  }
0x3f: {  	[tilespmem:s21], [sflag:$0x2] =	stream.linear.gather [hbm4b:s16+s12], $0x200, $0x38;
	[tilespmem:$0x1CF00] =	vst v63  }
0x40: {  	_ =	swait.ge [sflag:s20], $0x200  }
0x41: {  	[sflag:s20] =	ssyncset.done $0x0  }
0x42: {  	s18 =	sadd.s32 s6, s14;
	[sflag:s20] =	ssyncadd.s32 $0xFFFFFE00  }
0x43: {  	[tilespmem:s22], [sflag:$0x2] =	stream.linear.gather [hbm4b:s18+s12], $0x200, $0x38;
	[tilespmem:$0x1CF00] =	vst v63  }
0x44: {  	_ =	swait.ge [sflag:s20], $0x200  }
0x45: {  	[sflag:s20] =	ssyncset.done $0x0  }
0x46: {  	s14 =	sadd.s32 s7, s14;
	[sflag:s20] =	ssyncadd.s32 $0xFFFFFE00  }
0x47: {  	[tilespmem:s23], [sflag:$0x2] =	stream.linear.gather [hbm4b:s14+s12], $0x200, $0x38;
	[tilespmem:$0x1CF00] =	vst v63  }
0x48: {  	_ =	swait.ge [sflag:s20], $0x200  }
0x49: {  	[sflag:s20] =	ssyncset.done $0x0  }
0x4a: {  	[sflag:s20] =	ssyncadd.s32 $0xFFFFFE00  }
0x4b: {  	[tilespmem:s19], [sflag:$0x1] =	stream.indirect.gather [hbm4b:s4+s24], $0x20, s21, s24, $0xb8;
	[tilespmem:$0x1CF00] =	vst v63  }
0x4c: {  	_ = 	snop  }
0x4d: {  	[tilespmem:s26], [sflag:$0x1] =	stream.indirect.gather [hbm4b:s4+s24], $0x20, s25, s24, $0xb8;
	[tilespmem:$0x1CF00] =	vst v63  }
0x4e: {  	s17 =	simm.s32 $0x10  }
0x4f: {  	[tilespmem:s29], [sflag:$0x1] =	stream.indirect.gather [hbm4b:s4+s24], $0x20, s28, s24, $0xb8;
	[tilespmem:$0x1CF00] =	vst v63  }
0x50: {  	s16 =	simm.s32 $0x0;
	s18 =	simm.s32 $0x0;
	s14 =	simm.s32 $0x0  }
0x51: {  	[tilespmem:s31], [sflag:$0x1] =	stream.indirect.gather [hbm4b:s4+s24], $0x20, s30, s24, $0xb8;
	[tilespmem:$0x1CF00] =	vst v63  }
.LBB2_5:
0x52: {  	p1 =	sne.s32 s17, $0x1F0;
	v2 =	vld [tilespmem:s18+$0x18900];
	_ =	sdelay $0x2  }
.Ltmp1:
0x53: {  	(pc) =	sbr.rel @p1 .LBB2_5-.Ltmp1, $4  }
0x54: {  	s18 =	sand.u32 $0x600, s14  }
0x55: {  	s8 =	sand.u32 $0x70, s16;
	s16 =	smov.u32 s17;
	s18 =	sshrl.u32 s18, $0x2;
	v2 =	vsub.s32 v2, v0  }
0x56: {  	s14 =	sadd.s32 $0x40, s14;
	s8 =	sor.u32 s8, s18;
	v2 =	vmin.u32 v2, $0xC350  }
0x57: {  	s17 =	sadd.s32 $0x10, s17;
	s18 =	sshra.s32 s14, $0x2;
	[tilespmem:s8+$0x18D00] =	vst v2  }
0x58: {  	v2 =	vld [tilespmem:s18+$0x18900];
	_ =	sdelay $0x3  }
0x59: {  	s8 =	sand.u32 $0x600, s14  }
0x5a: {  	s17 =	sand.u32 $0x70, s16;
	s8 =	sshrl.u32 s8, $0x2;
	v2 =	vsub.s32 v2, v0  }
0x5b: {  	s8 =	sor.u32 s17, s8;
	v2 =	vmin.u32 v2, $0xC350  }
0x5c: {  	[tilespmem:s8+$0x18D00] =	vst v2  }
0x5d: {  	_ =	swait.ge [sflag:s0], $0x1000  }
0x5e: {  	[sflag:s0] =	ssyncset.done $0x0  }
0x5f: {  	[sflag:s0] =	ssyncadd.s32 $0xFFFFF000  }
0x60: {  	_ =	swait.ge [sflag:s0], $0x1000  }
0x61: {  	[sflag:s0] =	ssyncset.done $0x0  }
0x62: {  	[sflag:s0] =	ssyncadd.s32 $0xFFFFF000  }
0x63: {  	_ =	swait.ge [sflag:s0], $0x1000  }
0x64: {  	[sflag:s0] =	ssyncset.done $0x0  }
0x65: {  	[sflag:s0] =	ssyncadd.s32 $0xFFFFF000  }
0x66: {  	_ =	swait.ge [sflag:s0], $0x1000  }
0x67: {  	[sflag:s0] =	ssyncset.done $0x0  }
0x68: {  	s14 =	simm.s32 $0x19000;
	[sflag:s0] =	ssyncadd.s32 $0xFFFFF000  }
0x69: {  	v7 =	vld [tilespmem:s14+$0xFFFFFFA0]  }
0x6a: {  	v5 =	vld [tilespmem:s14+$0xFFFFFFF0]  }
0x6b: {  	v2 =	vld [tilespmem:s14+$0xFFFFFF60]  }
0x6c: {  	v8 =	vld [tilespmem:s14+$0xFFFFFFD0]  }
0x6d: {  	v9 =	vld [tilespmem:s14+$0x80]  }
0x6e: {  	v12 =	vld [tilespmem:s14+$0xFFFFFF10]  }
0x6f: {  	v16 =	vld [tilespmem:s14+$0xE0]  }
0x70: {  	v11 =	vld [tilespmem:s14+$0xFFFFFF40]  }
0x71: {  	s18 =	simm.s32 $0x0;
	v3 =	vld [tilespmem:s14+$0xFFFFFF90]  }
0x72: {  	v4 =	vld [tilespmem:s18+$0x18B00]  }
0x73: {  	v10 =	vld [tilespmem:s14+$0xFFFFFFC0]  }
0x74: {  	v13 =	vld [tilespmem:s14+$0xFFFFFF00]  }
0x75: {  	v14 =	vld [tilespmem:s14+$0xD0]  }
0x76: {  	v23 =	vld [tilespmem:s14+$0xC0]  }
0x77: {  	v21 =	vld [tilespmem:s14+$0x90];
	v19 =	vbroadcast v4, $0x0;
	v6 =	vbroadcast v4, $0xF  }
0x78: {  	v22 =	vld [tilespmem:s14+$0xFFFFFF50];
	v20 =	vbroadcast v4, $0x2;
	v18 =	vbroadcast v4, $0xE  }
0x79: {  	v17 =	vld [tilespmem:s14+$0xB0];
	v15 =	vbroadcast v4, $0xC;
	v25 =	vmul.f32 v19, v13  }
0x7a: {  	s16 =	simm.s32 $0x40;
	s17 =	simm.s32 $0x19000;
	v13 =	vbroadcast v4, $0xD;
	v24 =	vmul.f32 v11, v20;
	v11 =	vld [tilespmem:s14+$0x60]  }
.LBB2_7:
0x7b: {  	p1 =	sne.s32 s16, $0x7C0  }
0x7c: {  	[tilespmem:s14+$0xFFFFFF00] =	vst v25;
	v25 =	vld [tilespmem:s14+$0xFFFFFFB0];
	v23 =	vmul.f32 v23, v18;
	v16 =	vmul.f32 v16, v6;
	s17 =	sadd.s32 $0x200, s17;
	s18 =	smov.u32 s16;
	s16 =	sadd.s32 $0x40, s16  }
0x7d: {  	[tilespmem:s14+$0xFFFFFF40] =	vst v24;
	v24 =	vbroadcast v4, $0xA;
	v21 =	vmul.f32 v21, v15;
	v26 =	vld [tilespmem:s14+$0xA0]  }
0x7e: {  	v12 =	vmul.f32 v12, v19;
	v19 =	vmul.f32 v22, v20;
	v20 =	vld [tilespmem:s14+$0x70];
	[tilespmem:s14+$0xE0] =	vst v16  }
0x7f: {  	v16 =	vbroadcast v4, $0x5;
	v22 =	vld [tilespmem:s14+$0xFFFFFFE0];
	v17 =	vmul.f32 v17, v13;
	[tilespmem:s14+$0xC0] =	vst v23  }
0x80: {  	v14 =	vmul.f32 v14, v18;
	[tilespmem:s14+$0xFFFFFF10] =	vst v12;
	v12 =	vbroadcast v4, $0x6;
	v23 =	vld [tilespmem:s14+$0x40]  }
0x81: {  	v27 =	vbroadcast v4, $0xB;
	v7 =	vmul.f32 v7, v16;
	v18 =	vld [tilespmem:s14+$0xFFFFFF20];
	[tilespmem:s14+$0x90] =	vst v21  }
0x82: {  	v21 =	vbroadcast v4, $0x9;
	[tilespmem:s14+$0xFFFFFF50] =	vst v19;
	v19 =	vld [tilespmem:s14+$0x20];
	v13 =	vmul.f32 v26, v13  }
0x83: {  	v16 =	vmul.f32 v25, v16;
	v25 =	vld [tilespmem:s14+$0x50];
	v20 =	vmul.f32 v20, v27;
	[tilespmem:s14+$0xD0] =	vst v14  }
0x84: {  	v9 =	vmul.f32 v9, v15;
	v14 =	vbroadcast v4, $0x7;
	v26 =	vld [tilespmem:s14+$0x30];
	[tilespmem:s14+$0xA0] =	vst v13  }
0x85: {  	v10 =	vmul.f32 v10, v12;
	v13 =	vbroadcast v4, $0x3;
	v15 =	vld [tilespmem:s14+$0x0];
	[tilespmem:s14+$0x70] =	vst v20  }
0x86: {  	v11 =	vmul.f32 v11, v27;
	v8 =	vmul.f32 v8, v12;
	v12 =	vld [tilespmem:s14+$0x10];
	[tilespmem:s14+$0x80] =	vst v9  }
0x87: {  	v20 =	vbroadcast v4, $0x8;
	v23 =	vmul.f32 v23, v24;
	v9 =	vld [tilespmem:s14+$0xFFFFFF30];
	[tilespmem:s14+$0xB0] =	vst v17  }
0x88: {  	v17 =	vbroadcast v4, $0x1;
	v27 =	vld [tilespmem:s14+$0xFFFFFF70];
	[tilespmem:s14+$0xFFFFFFD0] =	vst v8;
	v24 =	vmul.f32 v25, v24  }
0x89: {  	v5 =	vmul.f32 v5, v14;
	v8 =	vmul.f32 v22, v14;
	[tilespmem:s14+$0xFFFFFFC0] =	vst v10;
	v10 =	vld [tilespmem:s14+$0xF0]  }
0x8a: {  	v22 =	vmul.f32 v26, v21;
	v14 =	vld [tilespmem:s14+$0xFFFFFF80];
	[tilespmem:s14+$0xFFFFFFA0] =	vst v7;
	v15 =	vmul.f32 v15, v20  }
0x8b: {  	v7 =	vld [tilespmem:s17+$0xFFFFFFA0];
	[tilespmem:s14+$0xFFFFFFF0] =	vst v5;
	v20 =	vmul.f32 v12, v20;
	v12 =	vmul.f32 v19, v21  }
0x8c: {  	v5 =	vmul.f32 v18, v17;
	v17 =	vmul.f32 v9, v17;
	[tilespmem:s14+$0x60] =	vst v11  }
0x8d: {  	v2 =	vmul.f32 v2, v13;
	v9 =	vmul.f32 v27, v13;
	[tilespmem:s14+$0xFFFFFFB0] =	vst v16  }
0x8e: {  	v4 =	vbroadcast v4, $0x4;
	[tilespmem:s14+$0xFFFFFF20] =	vst v5;
	v5 =	vmul.f32 v10, v6  }
0x8f: {  	[tilespmem:s14+$0xFFFFFF60] =	vst v2  }
0x90: {  	v6 =	vmul.f32 v14, v4;
	v2 =	vmul.f32 v3, v4;
	[tilespmem:s14+$0x40] =	vst v23  }
0x91: {  	[tilespmem:s14+$0xFFFFFFE0] =	vst v8  }
0x92: {  	[tilespmem:s14+$0xF0] =	vst v5  }
0x93: {  	[tilespmem:s14+$0xFFFFFF90] =	vst v2  }
0x94: {  	v5 =	vld [tilespmem:s17+$0xFFFFFFF0];
	[tilespmem:s14+$0xFFFFFF70] =	vst v9  }
0x95: {  	v2 =	vld [tilespmem:s17+$0xFFFFFF60];
	[tilespmem:s14+$0x20] =	vst v12  }
0x96: {  	v8 =	vld [tilespmem:s17+$0xFFFFFFD0];
	[tilespmem:s14+$0x30] =	vst v22  }
0x97: {  	v9 =	vld [tilespmem:s17+$0x80];
	[tilespmem:s14+$0xFFFFFF80] =	vst v6  }
0x98: {  	v12 =	vld [tilespmem:s17+$0xFFFFFF10];
	[tilespmem:s14+$0x50] =	vst v24  }
0x99: {  	v16 =	vld [tilespmem:s17+$0xE0];
	[tilespmem:s14+$0x0] =	vst v15  }
0x9a: {  	v11 =	vld [tilespmem:s17+$0xFFFFFF40];
	[tilespmem:s14+$0xFFFFFF30] =	vst v17  }
0x9b: {  	s8 =	sshra.s32 s18, $0x2;
	v3 =	vld [tilespmem:s17+$0xFFFFFF90];
	[tilespmem:s14+$0x10] =	vst v20;
	s14 =	smov.u32 s17  }
0x9c: {  	v4 =	vld [tilespmem:s8+$0x18B00]  }
0x9d: {  	v10 =	vld [tilespmem:s17+$0xFFFFFFC0]  }
0x9e: {  	v13 =	vld [tilespmem:s17+$0xFFFFFF00]  }
0x9f: {  	v14 =	vld [tilespmem:s17+$0xD0]  }
.Ltmp2:
0xa0: {  	v23 =	vld [tilespmem:s17+$0xC0];
	(pc) =	sbr.rel @p1 .LBB2_7-.Ltmp2, $4  }
0xa1: {  	v19 =	vbroadcast v4, $0x0;
	v21 =	vld [tilespmem:s17+$0x90];
	v6 =	vbroadcast v4, $0xF  }
0xa2: {  	v20 =	vbroadcast v4, $0x2;
	v18 =	vbroadcast v4, $0xE;
	v22 =	vld [tilespmem:s17+$0xFFFFFF50]  }
0xa3: {  	v25 =	vmul.f32 v19, v13;
	v13 =	vbroadcast v4, $0xD;
	v17 =	vld [tilespmem:s17+$0xB0]  }
0xa4: {  	v15 =	vbroadcast v4, $0xC;
	v24 =	vmul.f32 v11, v20;
	v11 =	vld [tilespmem:s17+$0x60]  }
0xa5: {  	[tilespmem:s14+$0xFFFFFF00] =	vst v25;
	v16 =	vmul.f32 v16, v6  }
0xa6: {  	v23 =	vmul.f32 v23, v18;
	[tilespmem:s14+$0xFFFFFF40] =	vst v24  }
0xa7: {  	v12 =	vmul.f32 v12, v19;
	[tilespmem:s14+$0xE0] =	vst v16  }
0xa8: {  	v34 =	vmul.f32 v14, v18;
	[tilespmem:s14+$0xC0] =	vst v23  }
0xa9: {  	v32 =	vmul.f32 v21, v15;
	[tilespmem:s14+$0xFFFFFF10] =	vst v12  }
0xaa: {  	v40 =	vbroadcast v4, $0x6;
	v9 =	vmul.f32 v9, v15;
	[tilespmem:s14+$0xD0] =	vst v34  }
0xab: {  	v20 =	vmul.f32 v22, v20;
	[tilespmem:s14+$0x90] =	vst v32  }
0xac: {  	v44 =	vbroadcast v4, $0x5;
	v8 =	vmul.f32 v8, v40;
	[tilespmem:s14+$0x80] =	vst v9  }
0xad: {  	v46 =	vbroadcast v4, $0x7;
	v10 =	vmul.f32 v10, v40;
	[tilespmem:s14+$0xFFFFFF50] =	vst v20  }
0xae: {  	v53 =	vbroadcast v4, $0x3;
	v7 =	vmul.f32 v7, v44;
	[tilespmem:s14+$0xFFFFFFD0] =	vst v8  }
0xaf: {  	v30 =	vld [tilespmem:s14+$0xA0];
	v58 =	vbroadcast v4, $0x4;
	v5 =	vmul.f32 v5, v46;
	[tilespmem:s14+$0xFFFFFFC0] =	vst v10  }
0xb0: {  	v31 =	vld [tilespmem:s14+$0x70];
	v2 =	vmul.f32 v2, v53;
	[tilespmem:s14+$0xFFFFFFA0] =	vst v7  }
0xb1: {  	v33 =	vld [tilespmem:s14+$0xFFFFFFB0];
	v36 =	vbroadcast v4, $0xB;
	v3 =	vmul.f32 v3, v58;
	[tilespmem:s14+$0xFFFFFFF0] =	vst v5  }
0xb2: {  	v35 =	vld [tilespmem:s14+$0xFFFFFF20];
	v42 =	vmul.f32 v17, v13;
	[tilespmem:s14+$0xFFFFFF60] =	vst v2  }
0xb3: {  	v39 =	vld [tilespmem:s14+$0x40];
	v11 =	vmul.f32 v11, v36;
	[tilespmem:s14+$0xFFFFFF90] =	vst v3  }
0xb4: {  	v37 =	vld [tilespmem:s14+$0xFFFFFFE0];
	v38 =	vmul.f32 v30, v13;
	[tilespmem:s14+$0xB0] =	vst v42  }
0xb5: {  	v51 =	vbroadcast v4, $0x1;
	v54 =	vld [tilespmem:s14+$0xF0];
	v19 =	vmul.f32 v31, v36;
	[tilespmem:s14+$0x60] =	vst v11  }
0xb6: {  	v48 =	vld [tilespmem:s14+$0xFFFFFF70];
	v55 =	vbroadcast v4, $0xA;
	v52 =	vmul.f32 v33, v44;
	[tilespmem:s14+$0xA0] =	vst v38  }
0xb7: {  	v45 =	vld [tilespmem:s14+$0x30];
	v14 =	vmul.f32 v35, v51;
	[tilespmem:s14+$0x70] =	vst v19  }
0xb8: {  	v49 =	vld [tilespmem:s14+$0xFFFFFF80];
	v57 =	vmul.f32 v39, v55;
	[tilespmem:s14+$0xFFFFFFB0] =	vst v52  }
0xb9: {  	v43 =	vld [tilespmem:s14+$0x20];
	v9 =	vmul.f32 v37, v46;
	[tilespmem:s14+$0xFFFFFF20] =	vst v14  }
0xba: {  	v56 =	vld [tilespmem:s14+$0xFFFFFF30];
	v59 =	vbroadcast v4, $0x9;
	v2 =	vmul.f32 v54, v6;
	[tilespmem:s14+$0x40] =	vst v57  }
0xbb: {  	v41 =	vld [tilespmem:s14+$0x50];
	v60 =	vmul.f32 v48, v53;
	[tilespmem:s14+$0xFFFFFFE0] =	vst v9  }
0xbc: {  	v47 =	vld [tilespmem:s14+$0x0];
	v3 =	vmul.f32 v45, v59;
	[tilespmem:s14+$0xF0] =	vst v2  }
0xbd: {  	v50 =	vld [tilespmem:s14+$0x10];
	v62 =	vmul.f32 v49, v58;
	[tilespmem:s14+$0xFFFFFF70] =	vst v60  }
0xbe: {  	v2 =	vmul.f32 v43, v59;
	[tilespmem:s14+$0x30] =	vst v3  }
0xbf: {  	v61 =	vbroadcast v4, $0x8;
	v63 =	vmul.f32 v56, v51;
	[tilespmem:s14+$0xFFFFFF80] =	vst v62  }
0xc0: {  	[tilespmem:s14+$0x20] =	vst v2;
	v2 =	vmul.f32 v41, v55  }
0xc1: {  	v3 =	vmul.f32 v47, v61;
	[tilespmem:s14+$0xFFFFFF30] =	vst v63  }
0xc2: {  	[tilespmem:s14+$0x50] =	vst v2;
	v2 =	vmul.f32 v50, v61  }
0xc3: {  	[tilespmem:s14+$0x0] =	vst v3  }
0xc4: {  	[tilespmem:s14+$0x10] =	vst v2  }
0xc5: {  	[spmem:s1] =	stream.indirect.scatter.add.f32 [tilespmem:s19], [sflag:$0x1], $0x20, s3, s24, $0xb8;
	[tilespmem:$0x1CF00] =	vst v63  }
0xc6: {  	_ = 	snop  }
0xc7: {  	[spmem:s1] =	stream.indirect.scatter.add.f32 [tilespmem:s26], [sflag:$0x1], $0x20, s9, s24, $0xb8;
	[tilespmem:$0x1CF00] =	vst v63  }
0xc8: {  	_ = 	snop  }
0xc9: {  	[spmem:s1] =	stream.indirect.scatter.add.f32 [tilespmem:s29], [sflag:$0x1], $0x20, s10, s24, $0xb8;
	[tilespmem:$0x1CF00] =	vst v63  }
0xca: {  	_ = 	snop  }
0xcb: {  	[spmem:s1] =	stream.indirect.scatter.add.f32 [tilespmem:s31], [sflag:$0x1], $0x20, s11, s24, $0xb8;
	[tilespmem:$0x1CF00] =	vst v63  }
0xcc: {  	_ =	swait.ge [sflag:s0], $0x1000  }
0xcd: {  	[sflag:s0] =	ssyncset.done $0x0  }
0xce: {  	[sflag:s0] =	ssyncadd.s32 $0xFFFFF000  }
0xcf: {  	_ =	swait.ge [sflag:s0], $0x1000  }
0xd0: {  	[sflag:s0] =	ssyncset.done $0x0  }
0xd1: {  	s13 =	sadd.s32 $0x1, s13;
	[sflag:s0] =	ssyncadd.s32 $0xFFFFF000  }
0xd2: {  	p1 =	sne.s32 s13, $0xC4;
	_ =	swait.ge [sflag:s0], $0x1000  }
.Ltmp3:
0xd3: {  	[sflag:s0] =	ssyncset.done $0x0;
	(pc) =	sbr.rel @p1 .LBB2_4-.Ltmp3, $4  }
0xd4: {  	[sflag:s0] =	ssyncadd.s32 $0xFFFFF000  }
0xd5: {  	_ =	swait.ge [sflag:s0], $0x1000  }
0xd6: {  	[sflag:s0] =	ssyncset.done $0x0  }
0xd7: {  	[sflag:s0] =	ssyncadd.s32 $0xFFFFF000  }
0xd8: {  	[bflag:$0x0] =	sbarrier.arrive $0xFFFF  }
0xd9: {  	s16 =	rddreg [dreg:$0x3]  }
0xda: {  	s12 =	simm.s32 @p0 $0x1FC2;
	s13 =	rddreg [dreg:$0xb];
	s8 =	sshrl.u32 @p0 s16, $0x3  }
0xdb: {  	[hbm:s13], [sflag:s12] =	dma.local @p0 [spmem:s8], $0x3020  }
0xdc: {  	s8 =	simm.s32 @p0 $0x2  }
0xdd: {  	s12 =	stileid.u32;
	_ =	swait.ge @p0 [sflag:s8], $0x3020  }
0xde: {  	s12 =	sshll.u32 @!p0 s12, $0x6;
	[sflag:s8] =	ssyncset.done @p0 $0x0;
	s13 =	rddreg [dreg:$0xa]  }
0xdf: {  	[sflag:s8] =	ssyncadd.s32 @p0 $0xFFFFCFE0;
	s8 =	sor.u32 @!p0 $0x1C02, s12;
	s12 =	sshrl.u32 @!p0 s16, $0x3  }
0xe0: {  	[hbm:s13], [sflag:s8] =	dma.local @!p0 [spmem:s12], $0x30E0  }
0xe1: {  	s8 =	simm.s32 @!p0 $0x2  }
0xe2: {  	_ =	swait.ge @!p0 [sflag:s8], $0x30E0  }
0xe3: {  	s2 =	sadd.s32 $0x1, s2;
	s18 =	rddreg [dreg:$0xc]  }
0xe4: {  	p1 =	sne.s32 s2, s18  }
.Ltmp4:
0xe5: {  	_ = 	snop;
	(pc) =	sbr.rel @p1 .LBB2_1-.Ltmp4, $3  }
0xe6: {  	_ =	sdelay $0x1  }
0xe7: {  	[sflag:s8] =	ssyncset.done @!p0 $0x0  }
0xe8: {  	[sflag:s8] =	ssyncadd.s32 @!p0 $0xFFFFCF20  }
0xe9: {  	_ =	sfence.sel $0x180000  }
0xea: {  	[bflag:$0x0] =	sbarrier.arrive $0xFFFF  }
0xeb: {  	_ =	strace $0x9000004A  }
0xec: {  	s0 =	stileid.u32;
	[bflag:$0x2] =	sbarrier.arrive $0xFFFF  }
0xed: {  	p0 =	sne.s32 s0, $0x0;
	s0 =	rddreg [dreg:$0x2]  }
0xee: {  	s0 =	sadd.s32 @!p0 $0x100000, s0  }
0xef: {  	[sflag:s0] =	ssyncadd.tile.s32 @!p0 $0x1;
	_ =	shalt  }
.Lfunc_end2:
_tile_overlayer_lowered:
.L_overlay_start_2:
0xf0: {  	(tag) =	ssettag $0x2  }
0xf1: {  	s0 =	rddreg [dreg:$0x0];
	s2 =	stileid.u32  }
0xf2: {  	s1 =	rddreg [dreg:$0x1];
	p0 =	sne.s32 s2, $0x0  }
0xf3: {  	s3 =	rddreg [dreg:$0x2];
	[bflag:$0x3] =	sbarrier.arrive $0xFFFF;
	s2 =	simm.s32 @!p0 $0x1C02  }
0xf4: {  	[timem:s3], [sflag:s2] =	dma.local @!p0 [hbm:s0], s1  }
0xf5: {  	s0 =	simm.s32 @!p0 $0x2  }
0xf6: {  	_ =	swait.ge @!p0 [sflag:s0], s1  }
0xf7: {  	s1 =	ssub.s32 @!p0 $0x0, s1;
	[sflag:s0] =	ssyncset.done @!p0 $0x0  }
0xf8: {  	[sflag:s0] =	ssyncadd.s32 @!p0 s1  }
0xf9: {  	[bflag:$0x3] =	sbarrier.arrive $0xFFFF  }
0xfa: {  	_ =	shalt  }

// kernel: kernel.13.cloned.1.call-start
scs
__scs_entry_jumppad:
0x0: {  	(pc) =	sbr.rel $0x88, $3  }
0x1: {  	(tag) =	ssettag $0x0;
	lr =	simm.s32 $0x1  }
0x2: {  	[smem:$0x3F91] =	sst lr;
	_ =	strace $0xD0000000  }
0x3: {  	_ = 	snop  }
0x4: {  	_ = 	snop  }
0x5: {  	_ = 	snop  }
0x6: {  	_ = 	snop  }
0x7: {  	_ = 	snop  }
__scs_overlays_trampoline_lowered:
0x8: {  	[smem:$0x3FA0] =	sst s0  }
0x9: {  	[smem:$0x3FA1] =	sst s1  }
0xa: {  	[smem:$0x3FA2] =	sst s2  }
0xb: {  	[smem:$0x3FA3] =	sst s3  }
0xc: {  	[smem:$0x3FA4] =	sst s4  }
0xd: {  	[smem:$0x3FA5] =	sst s5  }
0xe: {  	[smem:$0x3FA6] =	sst s6  }
0xf: {  	[smem:$0x3FA7] =	sst s7  }
0x10: {  	[smem:$0x3FA8] =	sst s8  }
0x11: {  	[smem:$0x3FA9] =	sst s9;
	s0 =	simm.s32 @!p0 $0x0  }
0x12: {  	s1 =	sld [smem:$0x3F8F];
	s0 =	simm.s32 @p0 $0x1  }
0x13: {  	[smem:$0x3FAA] =	sst s0;
	s0 =	simm.s32 @!p1 $0x0  }
0x14: {  	s2 =	sld [smem:$0x3F8E];
	s0 =	simm.s32 @p1 $0x1  }
0x15: {  	[smem:$0x3FAB] =	sst s0;
	s0 =	simm.s32 @!p2 $0x0  }
0x16: {  	s3 =	sld [smem:$0x3FDB];
	s0 =	simm.s32 @p2 $0x1  }
0x17: {  	s4 =	simm.s32 $0x1BF5;
	[smem:$0x3FAD] =	sst s0  }
0x18: {  	s0 =	sld [smem:$0x3F90];
	_ =	swait.ge [sflag:s4], $0x0  }
0x19: {  	s7 =	sld [smem:$0x3F91]  }
0x1a: {  	s8 =	sadd.s32 $0xFFFFE003, lr  }
0x1b: {  	s9 =	sadd.s32 $0xFFFFFEF7, lr;
	s5 =	simm.s32 $0xFFFFFFFF;
	p2 =	slt.u32 s8, $0xFFFFF086  }
0x1c: {  	p1 =	slt.u32 s9, $0xF7A;
	s5 =	simm.s32 @!p2 $0x0  }
0x1d: {  	s5 =	simm.s32 @p1 $0x1;
	p0 =	seq.s32 s7, s2  }
0x1e: {  	s7 =	smul.u32 @!p0 $0xF7A, s2;
	p2 =	seq.s32 @!p0 s5, $0x0  }
0x1f: {  	s9 =	smul.u32 $0xF7A, s1;
	s8 =	simm.s32 @!p0 $0x1BF5;
	p2 =	por !p2, p0  }
0x20: {  	[sflag:s8] =	ssyncset.s32 @!p0 $0xFFFFF086;
	s6 =	sadd.s32 @!p0 s3, s7;
	s7 =	simm.s32 @!p0 $0x108  }
0x21: {  	s3 =	sadd.s32 s3, s9;
	s6 =	sadd.s32 @!p0 $0x88, s6;
	s7 =	simm.s32 @p2 $0x1082  }
0x22: {  	[simem:s7], [sflag:s8] =	dma.local @!p0 [hbm:s6], $0xF7A  }
0x23: {  	s9 =	sor.u32 $0xD0000000, s2;
	s6 =	simm.s32 $0x108;
	_ =	swait.ge @!p0 [sflag:s8], $0x0  }
0x24: {  	s3 =	sadd.s32 $0x88, s3;
	s6 =	simm.s32 @!p1 $0x1082;
	[sflag:s4] =	ssyncset.s32 $0xFFFFF086  }
0x25: {  	[simem:s6], [sflag:s4] =	dma.local [hbm:s3], $0xF7A  }
0x26: {  	[smem:$0x3F91] =	sst s1;
	(tag) =	ssettag s2;
	_ =	strace s9  }
0x27: {  	s1 =	sld [smem:$0x3FA1]  }
0x28: {  	s2 =	sld [smem:$0x3FA2]  }
0x29: {  	s4 =	sld [smem:$0x3FA4]  }
0x2a: {  	p0 =	seq.s32 s5, $0x0;
	s5 =	sld [smem:$0x3FA5]  }
0x2b: {  	s6 =	sld [smem:$0x3FA6]  }
0x2c: {  	s7 =	sld [smem:$0x3FA7]  }
0x2d: {  	s3 =	simm.s32 $0x108;
	s8 =	sld [smem:$0x3FA8]  }
0x2e: {  	s3 =	simm.s32 @!p0 $0x1082;
	s9 =	sld [smem:$0x3FA9]  }
0x2f: {  	lr =	sadd.s32 s0, s3;
	s0 =	sld [smem:$0x3FA0]  }
0x30: {  	s3 =	sld [smem:$0x3FA3]  }
0x31: {  	[smem:$0x3FAC] =	sst s10  }
0x32: {  	s10 =	sld [smem:$0x3FAA];
	_ =	sdelay $0x3  }
0x33: {  	p0 =	seq.s32 s10, $0x1;
	s10 =	sld [smem:$0x3FAC];
	_ =	sdelay $0x3  }
0x34: {  	[smem:$0x3FAC] =	sst s10  }
0x35: {  	s10 =	sld [smem:$0x3FAB];
	_ =	sdelay $0x3  }
0x36: {  	p1 =	seq.s32 s10, $0x1;
	s10 =	sld [smem:$0x3FAC];
	_ =	sdelay $0x3  }
0x37: {  	[smem:$0x3FAC] =	sst s10  }
0x38: {  	s10 =	sld [smem:$0x3FAD]  }
0x39: {  	_ = 	snop;
	(pc) =	sbr.ind lr, $3  }
0x3a: {  	_ = 	snop  }
0x3b: {  	_ = 	snop  }
0x3c: {  	p2 =	seq.s32 s10, $0x1;
	s10 =	sld [smem:$0x3FAC]  }
0x3d: {  	_ =	shalt  }
0x3e: {  	_ =	shalt  }
0x3f: {  	_ =	shalt  }
0x40: {  	_ =	shalt  }
0x41: {  	_ =	shalt  }
0x42: {  	_ =	shalt  }
0x43: {  	_ =	shalt  }
0x44: {  	_ =	shalt  }
0x45: {  	_ =	shalt  }
0x46: {  	_ =	shalt  }
0x47: {  	_ =	shalt  }
0x48: {  	_ =	shalt  }
0x49: {  	_ =	shalt  }
0x4a: {  	_ =	shalt  }
0x4b: {  	_ =	shalt  }
0x4c: {  	_ =	shalt  }
0x4d: {  	_ =	shalt  }
0x4e: {  	_ =	shalt  }
0x4f: {  	_ =	shalt  }
0x50: {  	_ =	shalt  }
0x51: {  	_ =	shalt  }
0x52: {  	_ =	shalt  }
0x53: {  	_ =	shalt  }
0x54: {  	_ =	shalt  }
0x55: {  	_ =	shalt  }
0x56: {  	_ =	shalt  }
0x57: {  	_ =	shalt  }
0x58: {  	_ =	shalt  }
0x59: {  	_ =	shalt  }
0x5a: {  	_ =	shalt  }
0x5b: {  	_ =	shalt  }
0x5c: {  	_ =	shalt  }
0x5d: {  	_ =	shalt  }
0x5e: {  	_ =	shalt  }
0x5f: {  	_ =	shalt  }
0x60: {  	_ =	shalt  }
0x61: {  	_ =	shalt  }
0x62: {  	_ =	shalt  }
0x63: {  	_ =	shalt  }
0x64: {  	_ =	shalt  }
0x65: {  	_ =	shalt  }
0x66: {  	_ =	shalt  }
0x67: {  	_ =	shalt  }
0x68: {  	_ =	shalt  }
0x69: {  	_ =	shalt  }
0x6a: {  	_ =	shalt  }
0x6b: {  	_ =	shalt  }
0x6c: {  	_ =	shalt  }
0x6d: {  	_ =	shalt  }
0x6e: {  	_ =	shalt  }
0x6f: {  	_ =	shalt  }
0x70: {  	_ =	shalt  }
0x71: {  	_ =	shalt  }
0x72: {  	_ =	shalt  }
0x73: {  	_ =	shalt  }
0x74: {  	_ =	shalt  }
0x75: {  	_ =	shalt  }
0x76: {  	_ =	shalt  }
0x77: {  	_ =	shalt  }
0x78: {  	_ =	shalt  }
0x79: {  	_ =	shalt  }
0x7a: {  	_ =	shalt  }
0x7b: {  	_ =	shalt  }
0x7c: {  	_ =	shalt  }
0x7d: {  	_ =	shalt  }
0x7e: {  	_ =	shalt  }
0x7f: {  	_ =	shalt  }
0x80: {  	_ =	shalt  }
0x81: {  	_ =	shalt  }
0x82: {  	_ =	shalt  }
0x83: {  	_ =	shalt  }
0x84: {  	_ =	shalt  }
0x85: {  	_ =	shalt  }
0x86: {  	_ =	shalt  }
0x87: {  	_ =	shalt  }
.Lfunc_end0:
.L_simem_size_0:
called_computation.2_lowered:
.L_overlay_start_0:
0x88: {  	s2 =	sld [smem:$0x3FD9]  }
0x89: {  	s3 =	sld [smem:$0x3FFE];
	_ =	sdelay $0x1  }
0x8a: {  	s1 =	srdreg.scid  }
0x8b: {  	s0 =	sand.u32 $0x1, s1  }
0x8c: {  	s14 =	sshll.u32 s0, $0xA;
	s2 =	sadd.s32 s3, s2  }
0x8d: {  	s2 =	sadd.s32 s2, s14  }
0x8e: {  	[smem:$0x3FB8] =	sst s2  }
0x8f: {  	_ = 	snop  }
0x90: {  	s2 =	sld [smem:$0x3FD0]  }
0x91: {  	s15 =	sld [smem:$0x3FC9]  }
0x92: {  	s4 =	sld [smem:$0x3FC8]  }
0x93: {  	s6 =	simm.s32 $0xA;
	s7 =	simm.s32 $0x10;
	s5 =	sld [smem:$0x3FC7]  }
0x94: {  	[smem:s7], [sflag:s6] =	dma.local [hbm:s2], $0x1  }
0x95: {  	_ =	swait.eq [sflag:s6], $0x1  }
0x96: {  	[sflag:s6] =	ssyncset.done $0x0  }
0x97: {  	s16 =	sld [smem:$0x11];
	[sflag:s6] =	ssyncadd.s32 $0xFFFFFFFF  }
0x98: {  	s17 =	sld [smem:$0x12];
	(tm) =	ssettm $0x1  }
0x99: {  	s18 =	sld [smem:$0x3FFB];
	_ =	sdelay $0x3  }
0x9a: {  	_ =	strace s18  }
0x9b: {  	s7 =	sld [smem:$0x3FFC];
	_ =	sdelay $0x3  }
0x9c: {  	_ =	strace s7  }
0x9d: {  	s7 =	sld [smem:$0x3FFD];
	_ =	sdelay $0x3  }
0x9e: {  	_ =	strace s7  }
0x9f: {  	_ =	strace $0x8FFFFFFF  }
0xa0: {  	s19 =	sld [smem:$0x3FDB];
	_ =	sdelay $0x1  }
0xa1: {  	s8 =	simm.s32 $_scs_section_size  }
0xa2: {  	s9 =	simm.s32 $_size__tile_overlayer_lowered;
	s10 =	simm.s32 $_tile_overlayer_lowered  }
0xa3: {  	s22 =	simm.s32 $0x1BFF;
	s21 =	sshll.u32 s10, $0x1;
	s7 =	sadd.s32 s8, s19  }
0xa4: {  	s11 =	simm.s32 $0x0;
	s20 =	sshll.u32 s9, $0x1;
	s9 =	sadd.s32 s21, s7  }
0xa5: {  	[timem:s11], [sflag:s22] =	dma.local [hbm:s9], s20  }
0xa6: {  	_ =	swait.ge [sflag:s22], s20  }
0xa7: {  	s8 =	ssub.s32 $0x0, s20;
	[sflag:s22] =	ssyncset.done $0x0  }
0xa8: {  	[sflag:s22] =	ssyncadd.s32 s8;
	_ =	sdelay $0x1  }
0xa9: {  	s23 =	simm.s32 $0x1B8B  }
0xaa: {  	_ =	swait.ge [sflag:s23], $0x1  }
0xab: {  	[sflag:s23] =	ssyncset.done $0x0  }
0xac: {  	s25 =	simm.s32 $0x1B8E;
	s24 =	sld [smem:$0x3FFE];
	[sflag:s23] =	ssyncadd.s32 $0xFFFFFFFF  }
0xad: {  	s26 =	simm.s32 $execute0_lowered;
	[smem:$0x3FD2] =	sst s25  }
0xae: {  	s9 =	sshll.u32 s26, $0x1;
	_ =	strace $0x8000004C;
	[dreg:$0x1] =	wrdreg $0xFFFFFFFF  }
0xaf: {  	s28 =	simm.s32 $_size_execute0_lowered;
	s7 =	sadd.s32 s7, s9;
	[dreg:$0x0] =	wrdreg $0x0  }
0xb0: {  	s9 =	sshll.u32 s28, $0x1;
	[dreg:$0x2] =	wrdreg s7  }
0xb1: {  	[dreg:$0x3] =	wrdreg s9  }
0xb2: {  	[dreg:$0x4] =	wrdreg $0xC0  }
0xb3: {  	_ =	task [dreg:s11], $0x5FFFF  }
0xb4: {  	[dreg:$0x1] =	wrdreg $0xFFFFFFFF  }
0xb5: {  	[dreg:$0x0] =	wrdreg $0x60  }
0xb6: {  	[dreg:$0x2] =	wrdreg s24  }
0xb7: {  	[dreg:$0x3] =	wrdreg s15  }
0xb8: {  	[dreg:$0x4] =	wrdreg s4  }
0xb9: {  	[dreg:$0x5] =	wrdreg s5  }
0xba: {  	[dreg:$0x6] =	wrdreg s17  }
0xbb: {  	[dreg:$0x7] =	wrdreg s16  }
0xbc: {  	[dreg:$0x8] =	wrdreg $0x9  }
0xbd: {  	_ =	task.clear_ibuf [dreg:s11], $0x9FFFF;
	_ =	strace $0x9000004C  }
0xbe: {  	s29 =	simm.s32 $0x9;
	_ =	strace $0x8000004E  }
0xbf: {  	_ =	swait.ge [sflag:s29], $0x1  }
0xc0: {  	[sflag:s29] =	ssyncadd.s32 $0xFFFFFFFF  }
0xc1: {  	_ =	strace $0x9000004E  }
0xc2: {  	_ =	sfence  }
0xc3: {  	s30 =	sld [smem:$0x0];
	_ =	sdelay $0x2  }
0xc4: {  	s31 =	sshll.u32 s1, $0xD;
	s1 =	sshrl.u32 s1, $0x2  }
0xc5: {  	s3 =	sand.u32 $0x4000, s31;
	s1 =	sadd.s32 s1, s30  }
0xc6: {  	s0 =	sor.u32 s3, s0;
	s1 =	sshll.u32 s1, $0x11  }
0xc7: {  	s0 =	sor.u32 s1, s0  }
0xc8: {  	s0 =	sadd.s32 $0x8F2B, s0  }
0xc9: {  	[sflag:s0] =	ssyncadd.remote.s32 $0x1  }
0xca: {  	_ =	sfence.sel $0xFFFF  }
0xcb: {  	[dreg:$0x0] =	wrdreg $0xFFFFFFFF;
	(pc) =	sbr.abs _section_cstart, $3  }
0xcc: {  	[dreg:$0x1] =	wrdreg $0xFFFFFFFF  }
0xcd: {  	_ =	task.clear_ibuf [dreg:s11], $0x2FFFF;
	_ =	strace $0x9FFFFFFF  }
0xce: {  	(tm) =	ssettm $0x7FFFFFFF  }
0xcf: {  	_ =	shalt  }
tec
execute0_lowered:
.L_overlay_start_1:
0x0: {  	(tag) =	ssettag $0x1  }
0x1: {  	s6 =	rddreg [dreg:$0x0]  }
0x2: {  	s7 =	rddreg [dreg:$0x1]  }
0x3: {  	s8 =	rddreg [dreg:$0x2]  }
0x4: {  	s10 =	rddreg [dreg:$0x3]  }
0x5: {  	s9 =	rddreg [dreg:$0x4]  }
0x6: {  	s11 =	rddreg [dreg:$0x5]  }
0x7: {  	s0 =	rddreg [dreg:$0x6]  }
0x8: {  	s3 =	srdreg.scid;
	s2 =	simm.s32 $0x0;
	s1 =	stileid.u32  }
0x9: {  	s17 =	simm.s32 $0x0;
	s4 =	sand.u32 $0x1, s3;
	[smem:$0x7FF] =	sst s2  }
0xa: {  	s31 =	sshll.u32 s1, $0x8;
	s3 =	sadd.s32 $0x18AA00, s6;
	s5 =	sshll.u32 s4, $0x7  }
0xb: {  	_ =	strace $0x8000004D;
	s14 =	ssub.s32 $0x2, s4;
	s4 =	sadd.s32 $0xC7800, s6  }
0xc: {  	s12 =	sor.u32 s5, s31;
	s5 =	sadd.s32 $0x4000, s6;
	s15 =	sshrl.u32 s14, $0x1  }
0xd: {  	s13 =	smul.u32 $0xC, s12;
	s14 =	ssub.s32 s14, s15;
	s12 =	sshrl.u32 s12, $0x3  }
0xe: {  	s15 =	simm.s32 $0x1;
	s8 =	sadd.s32 s8, s12;
	s10 =	sadd.s32 s10, s12  }
0xf: {  	s16 =	sadd.s32 s13, s6;
	s6 =	sadd.s32 s7, s12;
	s7 =	sadd.s32 s9, s13  }
0x10: {  	s9 =	sadd.s32 s11, s13;
	s12 =	smax.u32 s14, $0x1;
	s13 =	simm.s32 $0x2  }
0x11: {  	s14 =	simm.s32 $0x80;
	s11 =	sadd.s32 $0x129400, s16;
	s16 =	simm.s32 $0x1080  }
.LBB2_1:
0x12: {  	[tilespmem:s2], [sflag:$0x2] =	stream.linear.gather [hbm4b:s6+s2], $0x80, $0x38;
	[tilespmem:$0x4080] =	vst v63  }
0x13: {  	_ =	swait.ge [sflag:s13], $0x80  }
0x14: {  	[sflag:s13] =	ssyncset.done $0x0  }
0x15: {  	[sflag:s13] =	ssyncadd.s32 $0xFFFFFF80  }
0x16: {  	[tilespmem:s14], [sflag:$0x1] =	stream.indirect.gather [hbm4b:s3+s14], $0x20, s2, s14, $0xb8;
	[tilespmem:$0x4080] =	vst v63  }
0x17: {  	_ =	swait.ge [sflag:s15], $0x1000  }
0x18: {  	[sflag:s15] =	ssyncset.done $0x0  }
0x19: {  	s19 =	simm.s32 $0x0;
	[sflag:s15] =	ssyncadd.s32 $0xFFFFF000  }
0x1a: {  	v0 =	vld [tilespmem:s19+$0x80];
	_ =	sdelay $0x3  }
0x1b: {  	s18 =	simm.s32 $0x1090  }
0x1c: {  	[tilespmem:s18+$0xFFFFFFF0] =	vst v0  }
0x1d: {  	v0 =	vld [tilespmem:s19+$0x90];
	_ =	sdelay $0x4  }
0x1e: {  	s20 =	simm.s32 $0x20;
	s19 =	simm.s32 $0x100;
	[tilespmem:s18+$0x0] =	vst v0  }
.LBB2_2:
0x1f: {  	p0 =	sne.s32 s19, $0x3F80;
	v0 =	vld [tilespmem:s20+$0x80];
	_ =	sdelay $0x3  }
0x20: {  	s18 =	sadd.s32 $0x60, s18  }
0x21: {  	[tilespmem:s18+$0xFFFFFFF0] =	vst v0  }
0x22: {  	v0 =	vld [tilespmem:s20+$0x90]  }
.Ltmp0:
0x23: {  	(pc) =	sbr.rel @p0 .LBB2_2-.Ltmp0, $2  }
0x24: {  	_ =	sdelay $0x2  }
0x25: {  	s20 =	sshra.s32 s19, $0x2;
	s19 =	sadd.s32 $0x80, s19;
	[tilespmem:s18+$0x0] =	vst v0  }
0x26: {  	v0 =	vld [tilespmem:s20+$0x80];
	_ =	sdelay $0x3  }
0x27: {  	s18 =	sadd.s32 $0x60, s18  }
0x28: {  	[tilespmem:s18+$0xFFFFFFF0] =	vst v0  }
0x29: {  	v0 =	vld [tilespmem:s20+$0x90];
	_ =	sdelay $0x4  }
0x2a: {  	s31 =	simm.s32 $0x0;
	[tilespmem:s18+$0x0] =	vst v0  }
0x2b: {  	[tilespmem:s14], [sflag:$0x1] =	stream.indirect.gather [hbm4b:s4+s14], $0x20, s31, s14, $0xb8;
	[tilespmem:$0x4080] =	vst v63  }
0x2c: {  	_ =	swait.ge [sflag:s15], $0x1000  }
0x2d: {  	[sflag:s15] =	ssyncset.done $0x0  }
0x2e: {  	s19 =	simm.s32 $0x0;
	[sflag:s15] =	ssyncadd.s32 $0xFFFFF000  }
0x2f: {  	v63 =	vld [tilespmem:s19+$0x80];
	_ =	sdelay $0x3  }
0x30: {  	s18 =	simm.s32 $0x10B0  }
0x31: {  	[tilespmem:s18+$0xFFFFFFF0] =	vst v63  }
0x32: {  	v0 =	vld [tilespmem:s19+$0x90];
	_ =	sdelay $0x4  }
0x33: {  	s20 =	simm.s32 $0x20;
	s19 =	simm.s32 $0x100;
	[tilespmem:s18+$0x0] =	vst v0  }
.LBB2_4:
0x34: {  	p0 =	sne.s32 s19, $0x3F80;
	v0 =	vld [tilespmem:s20+$0x80];
	_ =	sdelay $0x3  }
0x35: {  	s18 =	sadd.s32 $0x60, s18  }
0x36: {  	[tilespmem:s18+$0xFFFFFFF0] =	vst v0  }
0x37: {  	v0 =	vld [tilespmem:s20+$0x90]  }
.Ltmp1:
0x38: {  	(pc) =	sbr.rel @p0 .LBB2_4-.Ltmp1, $2  }
0x39: {  	_ =	sdelay $0x2  }
0x3a: {  	s20 =	sshra.s32 s19, $0x2;
	s19 =	sadd.s32 $0x80, s19;
	[tilespmem:s18+$0x0] =	vst v0  }
0x3b: {  	v0 =	vld [tilespmem:s20+$0x80];
	_ =	sdelay $0x3  }
0x3c: {  	s18 =	sadd.s32 $0x60, s18  }
0x3d: {  	[tilespmem:s18+$0xFFFFFFF0] =	vst v0  }
0x3e: {  	v0 =	vld [tilespmem:s20+$0x90];
	_ =	sdelay $0x4  }
0x3f: {  	s31 =	simm.s32 $0x0;
	[tilespmem:s18+$0x0] =	vst v0  }
0x40: {  	[tilespmem:s14], [sflag:$0x1] =	stream.indirect.gather [hbm4b:s5+s14], $0x20, s31, s14, $0xb8;
	[tilespmem:$0x4080] =	vst v63  }
0x41: {  	_ =	swait.ge [sflag:s15], $0x1000  }
0x42: {  	[sflag:s15] =	ssyncset.done $0x0  }
0x43: {  	s19 =	simm.s32 $0x0;
	[sflag:s15] =	ssyncadd.s32 $0xFFFFF000  }
0x44: {  	v63 =	vld [tilespmem:s19+$0x80];
	_ =	sdelay $0x3  }
0x45: {  	s18 =	simm.s32 $0x10D0  }
0x46: {  	[tilespmem:s18+$0xFFFFFFF0] =	vst v63  }
0x47: {  	v0 =	vld [tilespmem:s19+$0x90];
	_ =	sdelay $0x4  }
0x48: {  	s20 =	simm.s32 $0x20;
	s19 =	simm.s32 $0x100;
	[tilespmem:s18+$0x0] =	vst v0  }
.LBB2_6:
0x49: {  	p0 =	sne.s32 s19, $0x3F80;
	v0 =	vld [tilespmem:s20+$0x80];
	_ =	sdelay $0x3  }
0x4a: {  	s18 =	sadd.s32 $0x60, s18  }
0x4b: {  	[tilespmem:s18+$0xFFFFFFF0] =	vst v0  }
0x4c: {  	v0 =	vld [tilespmem:s20+$0x90]  }
.Ltmp2:
0x4d: {  	(pc) =	sbr.rel @p0 .LBB2_6-.Ltmp2, $2  }
0x4e: {  	_ =	sdelay $0x2  }
0x4f: {  	s20 =	sshra.s32 s19, $0x2;
	s19 =	sadd.s32 $0x80, s19;
	[tilespmem:s18+$0x0] =	vst v0  }
0x50: {  	v0 =	vld [tilespmem:s20+$0x80];
	_ =	sdelay $0x3  }
0x51: {  	s18 =	sadd.s32 $0x60, s18  }
0x52: {  	[tilespmem:s18+$0xFFFFFFF0] =	vst v0  }
0x53: {  	v0 =	vld [tilespmem:s20+$0x90];
	_ =	sdelay $0x4  }
0x54: {  	s31 =	simm.s32 $0x0;
	[tilespmem:s18+$0x0] =	vst v0  }
0x55: {  	[hbm4b:s7+s31] =	stream.linear.scatter [tilespmem:s16], [sflag:$0x2], $0x3000, $0x38;
	[tilespmem:$0x4080] =	vst v63  }
0x56: {  	_ =	swait.ge [sflag:s13], $0x3000  }
0x57: {  	[sflag:s13] =	ssyncset.done $0x0  }
0x58: {  	[sflag:s13] =	ssyncadd.s32 $0xFFFFD000  }
0x59: {  	[tilespmem:s31], [sflag:$0x2] =	stream.linear.gather [hbm4b:s8+s31], $0x80, $0x38;
	[tilespmem:$0x4080] =	vst v63  }
0x5a: {  	_ =	swait.ge [sflag:s13], $0x80  }
0x5b: {  	[sflag:s13] =	ssyncset.done $0x0  }
0x5c: {  	[sflag:s13] =	ssyncadd.s32 $0xFFFFFF80  }
0x5d: {  	v53 =	vld [tilespmem:$0x0]  }
0x5e: {  	v1 =	vld [tilespmem:$0x10]  }
0x5f: {  	v2 =	vld [tilespmem:$0x20]  }
0x60: {  	v3 =	vld [tilespmem:$0x30]  }
0x61: {  	v4 =	vld [tilespmem:$0x40]  }
0x62: {  	v5 =	vld [tilespmem:$0x50];
	v0 =	vadd.s32 $0xC350, v53  }
0x63: {  	v55 =	vld [tilespmem:$0x60];
	v54 =	vadd.s32 $0xC350, v1;
	[tilespmem:$0x0] =	vst v0  }
0x64: {  	v57 =	vld [tilespmem:$0x70];
	v56 =	vadd.s32 $0xC350, v2;
	[tilespmem:$0x10] =	vst v54  }
0x65: {  	v58 =	vadd.s32 $0xC350, v3;
	[tilespmem:$0x20] =	vst v56  }
0x66: {  	v59 =	vadd.s32 $0xC350, v4;
	[tilespmem:$0x30] =	vst v58  }
0x67: {  	v60 =	vadd.s32 $0xC350, v5;
	[tilespmem:$0x40] =	vst v59  }
0x68: {  	v61 =	vadd.s32 $0xC350, v55;
	[tilespmem:$0x50] =	vst v60  }
0x69: {  	v62 =	vadd.s32 $0xC350, v57;
	[tilespmem:$0x60] =	vst v61  }
0x6a: {  	[tilespmem:$0x70] =	vst v62  }
0x6b: {  	[tilespmem:s14], [sflag:$0x1] =	stream.indirect.gather [hbm4b:s3+s14], $0x20, s31, s14, $0xb8;
	[tilespmem:$0x4080] =	vst v63  }
0x6c: {  	_ =	swait.ge [sflag:s15], $0x1000  }
0x6d: {  	[sflag:s15] =	ssyncset.done $0x0  }
0x6e: {  	s19 =	simm.s32 $0x0;
	[sflag:s15] =	ssyncadd.s32 $0xFFFFF000  }
0x6f: {  	v63 =	vld [tilespmem:s19+$0x80];
	_ =	sdelay $0x3  }
0x70: {  	s18 =	simm.s32 $0x1090  }
0x71: {  	[tilespmem:s18+$0xFFFFFFF0] =	vst v63  }
0x72: {  	v0 =	vld [tilespmem:s19+$0x90];
	_ =	sdelay $0x4  }
0x73: {  	s20 =	simm.s32 $0x20;
	s19 =	simm.s32 $0x100;
	[tilespmem:s18+$0x0] =	vst v0  }
.LBB2_8:
0x74: {  	p0 =	sne.s32 s19, $0x3F80;
	v0 =	vld [tilespmem:s20+$0x80];
	_ =	sdelay $0x3  }
0x75: {  	s18 =	sadd.s32 $0x60, s18  }
0x76: {  	[tilespmem:s18+$0xFFFFFFF0] =	vst v0  }
0x77: {  	v0 =	vld [tilespmem:s20+$0x90]  }
.Ltmp3:
0x78: {  	(pc) =	sbr.rel @p0 .LBB2_8-.Ltmp3, $2  }
0x79: {  	_ =	sdelay $0x2  }
0x7a: {  	s20 =	sshra.s32 s19, $0x2;
	s19 =	sadd.s32 $0x80, s19;
	[tilespmem:s18+$0x0] =	vst v0  }
0x7b: {  	v0 =	vld [tilespmem:s20+$0x80];
	_ =	sdelay $0x3  }
0x7c: {  	s18 =	sadd.s32 $0x60, s18  }
0x7d: {  	[tilespmem:s18+$0xFFFFFFF0] =	vst v0  }
0x7e: {  	v0 =	vld [tilespmem:s20+$0x90];
	_ =	sdelay $0x4  }
0x7f: {  	s31 =	simm.s32 $0x0;
	[tilespmem:s18+$0x0] =	vst v0  }
0x80: {  	[tilespmem:s14], [sflag:$0x1] =	stream.indirect.gather [hbm4b:s4+s14], $0x20, s31, s14, $0xb8;
	[tilespmem:$0x4080] =	vst v63  }
0x81: {  	_ =	swait.ge [sflag:s15], $0x1000  }
0x82: {  	[sflag:s15] =	ssyncset.done $0x0  }
0x83: {  	s19 =	simm.s32 $0x0;
	[sflag:s15] =	ssyncadd.s32 $0xFFFFF000  }
0x84: {  	v63 =	vld [tilespmem:s19+$0x80];
	_ =	sdelay $0x3  }
0x85: {  	s18 =	simm.s32 $0x10B0  }
0x86: {  	[tilespmem:s18+$0xFFFFFFF0] =	vst v63  }
0x87: {  	v0 =	vld [tilespmem:s19+$0x90];
	_ =	sdelay $0x4  }
0x88: {  	s20 =	simm.s32 $0x20;
	s19 =	simm.s32 $0x100;
	[tilespmem:s18+$0x0] =	vst v0  }
.LBB2_10:
0x89: {  	p0 =	sne.s32 s19, $0x3F80;
	v0 =	vld [tilespmem:s20+$0x80];
	_ =	sdelay $0x3  }
0x8a: {  	s18 =	sadd.s32 $0x60, s18  }
0x8b: {  	[tilespmem:s18+$0xFFFFFFF0] =	vst v0  }
0x8c: {  	v0 =	vld [tilespmem:s20+$0x90]  }
.Ltmp4:
0x8d: {  	(pc) =	sbr.rel @p0 .LBB2_10-.Ltmp4, $2  }
0x8e: {  	_ =	sdelay $0x2  }
0x8f: {  	s20 =	sshra.s32 s19, $0x2;
	s19 =	sadd.s32 $0x80, s19;
	[tilespmem:s18+$0x0] =	vst v0  }
0x90: {  	v0 =	vld [tilespmem:s20+$0x80];
	_ =	sdelay $0x3  }
0x91: {  	s18 =	sadd.s32 $0x60, s18  }
0x92: {  	[tilespmem:s18+$0xFFFFFFF0] =	vst v0  }
0x93: {  	v0 =	vld [tilespmem:s20+$0x90];
	_ =	sdelay $0x4  }
0x94: {  	s31 =	simm.s32 $0x0;
	[tilespmem:s18+$0x0] =	vst v0  }
0x95: {  	[tilespmem:s14], [sflag:$0x1] =	stream.indirect.gather [hbm4b:s5+s14], $0x20, s31, s14, $0xb8;
	[tilespmem:$0x4080] =	vst v63  }
0x96: {  	_ =	swait.ge [sflag:s15], $0x1000  }
0x97: {  	[sflag:s15] =	ssyncset.done $0x0  }
0x98: {  	s19 =	simm.s32 $0x0;
	[sflag:s15] =	ssyncadd.s32 $0xFFFFF000  }
0x99: {  	v63 =	vld [tilespmem:s19+$0x80];
	_ =	sdelay $0x3  }
0x9a: {  	s18 =	simm.s32 $0x10D0  }
0x9b: {  	[tilespmem:s18+$0xFFFFFFF0] =	vst v63  }
0x9c: {  	v0 =	vld [tilespmem:s19+$0x90];
	_ =	sdelay $0x4  }
0x9d: {  	s20 =	simm.s32 $0x20;
	s19 =	simm.s32 $0x100;
	[tilespmem:s18+$0x0] =	vst v0  }
.LBB2_12:
0x9e: {  	p0 =	sne.s32 s19, $0x3F80;
	v0 =	vld [tilespmem:s20+$0x80];
	_ =	sdelay $0x3  }
0x9f: {  	s18 =	sadd.s32 $0x60, s18  }
0xa0: {  	[tilespmem:s18+$0xFFFFFFF0] =	vst v0  }
0xa1: {  	v0 =	vld [tilespmem:s20+$0x90]  }
.Ltmp5:
0xa2: {  	(pc) =	sbr.rel @p0 .LBB2_12-.Ltmp5, $2  }
0xa3: {  	_ =	sdelay $0x2  }
0xa4: {  	s20 =	sshra.s32 s19, $0x2;
	s19 =	sadd.s32 $0x80, s19;
	[tilespmem:s18+$0x0] =	vst v0  }
0xa5: {  	v0 =	vld [tilespmem:s20+$0x80];
	_ =	sdelay $0x3  }
0xa6: {  	s18 =	sadd.s32 $0x60, s18  }
0xa7: {  	[tilespmem:s18+$0xFFFFFFF0] =	vst v0  }
0xa8: {  	v0 =	vld [tilespmem:s20+$0x90];
	_ =	sdelay $0x4  }
0xa9: {  	s31 =	simm.s32 $0x0;
	[tilespmem:s18+$0x0] =	vst v0  }
0xaa: {  	[hbm4b:s9+s31] =	stream.linear.scatter [tilespmem:s16], [sflag:$0x2], $0x3000, $0x38;
	[tilespmem:$0x4080] =	vst v63  }
0xab: {  	_ =	swait.ge [sflag:s13], $0x3000  }
0xac: {  	[sflag:s13] =	ssyncset.done $0x0  }
0xad: {  	[sflag:s13] =	ssyncadd.s32 $0xFFFFD000  }
0xae: {  	[tilespmem:s31], [sflag:$0x2] =	stream.linear.gather [hbm4b:s10+s31], $0x80, $0x38;
	[tilespmem:$0x4080] =	vst v63  }
0xaf: {  	_ =	swait.ge [sflag:s13], $0x80  }
0xb0: {  	[sflag:s13] =	ssyncset.done $0x0  }
0xb1: {  	[sflag:s13] =	ssyncadd.s32 $0xFFFFFF80  }
0xb2: {  	v53 =	vld [tilespmem:$0x0]  }
0xb3: {  	v1 =	vld [tilespmem:$0x10]  }
0xb4: {  	v2 =	vld [tilespmem:$0x20]  }
0xb5: {  	v3 =	vld [tilespmem:$0x30]  }
0xb6: {  	v4 =	vld [tilespmem:$0x40]  }
0xb7: {  	v5 =	vld [tilespmem:$0x50];
	v0 =	vadd.s32 $0xC350, v53  }
0xb8: {  	v55 =	vld [tilespmem:$0x60];
	v54 =	vadd.s32 $0xC350, v1;
	[tilespmem:$0x0] =	vst v0  }
0xb9: {  	v57 =	vld [tilespmem:$0x70];
	v56 =	vadd.s32 $0xC350, v2;
	[tilespmem:$0x10] =	vst v54  }
0xba: {  	v58 =	vadd.s32 $0xC350, v3;
	[tilespmem:$0x20] =	vst v56  }
0xbb: {  	v59 =	vadd.s32 $0xC350, v4;
	[tilespmem:$0x30] =	vst v58  }
0xbc: {  	v60 =	vadd.s32 $0xC350, v5;
	[tilespmem:$0x40] =	vst v59  }
0xbd: {  	v61 =	vadd.s32 $0xC350, v55;
	[tilespmem:$0x50] =	vst v60  }
0xbe: {  	v62 =	vadd.s32 $0xC350, v57;
	[tilespmem:$0x60] =	vst v61  }
0xbf: {  	[tilespmem:$0x70] =	vst v62  }
0xc0: {  	[tilespmem:s14], [sflag:$0x1] =	stream.indirect.gather [hbm4b:s3+s14], $0x20, s31, s14, $0xb8;
	[tilespmem:$0x4080] =	vst v63  }
0xc1: {  	_ =	swait.ge [sflag:s15], $0x1000  }
0xc2: {  	[sflag:s15] =	ssyncset.done $0x0  }
0xc3: {  	s19 =	simm.s32 $0x0;
	[sflag:s15] =	ssyncadd.s32 $0xFFFFF000  }
0xc4: {  	v63 =	vld [tilespmem:s19+$0x80];
	_ =	sdelay $0x3  }
0xc5: {  	s18 =	simm.s32 $0x1090  }
0xc6: {  	[tilespmem:s18+$0xFFFFFFF0] =	vst v63  }
0xc7: {  	v0 =	vld [tilespmem:s19+$0x90];
	_ =	sdelay $0x4  }
0xc8: {  	s20 =	simm.s32 $0x20;
	s19 =	simm.s32 $0x100;
	[tilespmem:s18+$0x0] =	vst v0  }
.LBB2_14:
0xc9: {  	p0 =	sne.s32 s19, $0x3F80;
	v0 =	vld [tilespmem:s20+$0x80];
	_ =	sdelay $0x3  }
0xca: {  	s18 =	sadd.s32 $0x60, s18  }
0xcb: {  	[tilespmem:s18+$0xFFFFFFF0] =	vst v0  }
0xcc: {  	v0 =	vld [tilespmem:s20+$0x90]  }
.Ltmp6:
0xcd: {  	(pc) =	sbr.rel @p0 .LBB2_14-.Ltmp6, $2  }
0xce: {  	_ =	sdelay $0x2  }
0xcf: {  	s20 =	sshra.s32 s19, $0x2;
	s19 =	sadd.s32 $0x80, s19;
	[tilespmem:s18+$0x0] =	vst v0  }
0xd0: {  	v0 =	vld [tilespmem:s20+$0x80];
	_ =	sdelay $0x3  }
0xd1: {  	s18 =	sadd.s32 $0x60, s18  }
0xd2: {  	[tilespmem:s18+$0xFFFFFFF0] =	vst v0  }
0xd3: {  	v0 =	vld [tilespmem:s20+$0x90];
	_ =	sdelay $0x4  }
0xd4: {  	s31 =	simm.s32 $0x0;
	[tilespmem:s18+$0x0] =	vst v0  }
0xd5: {  	[tilespmem:s14], [sflag:$0x1] =	stream.indirect.gather [hbm4b:s4+s14], $0x20, s31, s14, $0xb8;
	[tilespmem:$0x4080] =	vst v63  }
0xd6: {  	_ =	swait.ge [sflag:s15], $0x1000  }
0xd7: {  	[sflag:s15] =	ssyncset.done $0x0  }
0xd8: {  	s19 =	simm.s32 $0x0;
	[sflag:s15] =	ssyncadd.s32 $0xFFFFF000  }
0xd9: {  	v63 =	vld [tilespmem:s19+$0x80];
	_ =	sdelay $0x3  }
0xda: {  	s18 =	simm.s32 $0x10B0  }
0xdb: {  	[tilespmem:s18+$0xFFFFFFF0] =	vst v63  }
0xdc: {  	v0 =	vld [tilespmem:s19+$0x90];
	_ =	sdelay $0x4  }
0xdd: {  	s20 =	simm.s32 $0x20;
	s19 =	simm.s32 $0x100;
	[tilespmem:s18+$0x0] =	vst v0  }
.LBB2_16:
0xde: {  	p0 =	sne.s32 s19, $0x3F80;
	v0 =	vld [tilespmem:s20+$0x80];
	_ =	sdelay $0x3  }
0xdf: {  	s18 =	sadd.s32 $0x60, s18  }
0xe0: {  	[tilespmem:s18+$0xFFFFFFF0] =	vst v0  }
0xe1: {  	v0 =	vld [tilespmem:s20+$0x90]  }
.Ltmp7:
0xe2: {  	(pc) =	sbr.rel @p0 .LBB2_16-.Ltmp7, $2  }
0xe3: {  	_ =	sdelay $0x2  }
0xe4: {  	s20 =	sshra.s32 s19, $0x2;
	s19 =	sadd.s32 $0x80, s19;
	[tilespmem:s18+$0x0] =	vst v0  }
0xe5: {  	v0 =	vld [tilespmem:s20+$0x80];
	_ =	sdelay $0x3  }
0xe6: {  	s18 =	sadd.s32 $0x60, s18  }
0xe7: {  	[tilespmem:s18+$0xFFFFFFF0] =	vst v0  }
0xe8: {  	v0 =	vld [tilespmem:s20+$0x90];
	_ =	sdelay $0x4  }
0xe9: {  	s31 =	simm.s32 $0x0;
	[tilespmem:s18+$0x0] =	vst v0  }
0xea: {  	[tilespmem:s14], [sflag:$0x1] =	stream.indirect.gather [hbm4b:s5+s14], $0x20, s31, s14, $0xb8;
	[tilespmem:$0x4080] =	vst v63  }
0xeb: {  	_ =	swait.ge [sflag:s15], $0x1000  }
0xec: {  	[sflag:s15] =	ssyncset.done $0x0  }
0xed: {  	s19 =	simm.s32 $0x0;
	[sflag:s15] =	ssyncadd.s32 $0xFFFFF000  }
0xee: {  	v63 =	vld [tilespmem:s19+$0x80];
	_ =	sdelay $0x3  }
0xef: {  	s18 =	simm.s32 $0x10D0  }
0xf0: {  	[tilespmem:s18+$0xFFFFFFF0] =	vst v63  }
0xf1: {  	v0 =	vld [tilespmem:s19+$0x90];
	_ =	sdelay $0x4  }
0xf2: {  	s20 =	simm.s32 $0x20;
	s19 =	simm.s32 $0x100;
	[tilespmem:s18+$0x0] =	vst v0  }
.LBB2_18:
0xf3: {  	p0 =	sne.s32 s19, $0x3F80;
	v0 =	vld [tilespmem:s20+$0x80];
	_ =	sdelay $0x3  }
0xf4: {  	s18 =	sadd.s32 $0x60, s18  }
0xf5: {  	[tilespmem:s18+$0xFFFFFFF0] =	vst v0  }
0xf6: {  	v0 =	vld [tilespmem:s20+$0x90]  }
.Ltmp8:
0xf7: {  	(pc) =	sbr.rel @p0 .LBB2_18-.Ltmp8, $2  }
0xf8: {  	_ =	sdelay $0x2  }
0xf9: {  	s20 =	sshra.s32 s19, $0x2;
	s19 =	sadd.s32 $0x80, s19;
	[tilespmem:s18+$0x0] =	vst v0  }
0xfa: {  	v0 =	vld [tilespmem:s20+$0x80];
	_ =	sdelay $0x3  }
0xfb: {  	s18 =	sadd.s32 $0x60, s18  }
0xfc: {  	[tilespmem:s18+$0xFFFFFFF0] =	vst v0  }
0xfd: {  	v0 =	vld [tilespmem:s20+$0x90];
	_ =	sdelay $0x2  }
0xfe: {  	s17 =	sadd.s32 $0x1, s17  }
0xff: {  	p0 =	sne.s32 s17, s12  }
.Ltmp9:
0x100: {  	[tilespmem:s18+$0x0] =	vst v0;
	(pc) =	sbr.rel @p0 .LBB2_1-.Ltmp9, $4  }
0x101: {  	[hbm4b:s11+s2] =	stream.linear.scatter [tilespmem:s16], [sflag:$0x2], $0x3000, $0x38;
	[tilespmem:$0x4080] =	vst v63  }
0x102: {  	_ =	swait.ge [sflag:s13], $0x3000  }
0x103: {  	[sflag:s13] =	ssyncset.done $0x0  }
0x104: {  	[sflag:s13] =	ssyncadd.s32 $0xFFFFD000  }
0x105: {  	_ =	sfence.sel $0x180000  }
0x106: {  	[bflag:$0x0] =	sbarrier.arrive $0xFFFF  }
0x107: {  	p0 =	sne.s32 s1, $0x0;
	_ =	strace $0x9000004D  }
0x108: {  	s0 =	sadd.s32 @!p0 $0x100000, s0;
	[bflag:$0x2] =	sbarrier.arrive $0xFFFF  }
0x109: {  	[sflag:s0] =	ssyncadd.tile.s32 @!p0 $0x1;
	_ =	shalt  }
.Lfunc_end2:
_tile_overlayer_lowered:
.L_overlay_start_2:
0x10a: {  	(tag) =	ssettag $0x2  }
0x10b: {  	s0 =	rddreg [dreg:$0x0];
	s2 =	stileid.u32  }
0x10c: {  	s1 =	rddreg [dreg:$0x1];
	p0 =	sne.s32 s2, $0x0  }
0x10d: {  	s3 =	rddreg [dreg:$0x2];
	[bflag:$0x3] =	sbarrier.arrive $0xFFFF;
	s2 =	simm.s32 @!p0 $0x1C02  }
0x10e: {  	[timem:s3], [sflag:s2] =	dma.local @!p0 [hbm:s0], s1  }
0x10f: {  	s0 =	simm.s32 @!p0 $0x2  }
0x110: {  	_ =	swait.ge @!p0 [sflag:s0], s1  }
0x111: {  	s1 =	ssub.s32 @!p0 $0x0, s1;
	[sflag:s0] =	ssyncset.done @!p0 $0x0  }
0x112: {  	[sflag:s0] =	ssyncadd.s32 @!p0 s1  }
0x113: {  	[bflag:$0x3] =	sbarrier.arrive $0xFFFF  }
0x114: {  	_ =	shalt  }

// kernel: kernel.7.cloned.1.call-start
scs
__scs_entry_jumppad:
0x0: {  	(pc) =	sbr.rel $0x88, $3  }
0x1: {  	(tag) =	ssettag $0x0;
	lr =	simm.s32 $0x1  }
0x2: {  	[smem:$0x3F91] =	sst lr;
	_ =	strace $0xD0000000  }
0x3: {  	_ = 	snop  }
0x4: {  	_ = 	snop  }
0x5: {  	_ = 	snop  }
0x6: {  	_ = 	snop  }
0x7: {  	_ = 	snop  }
__scs_overlays_trampoline_lowered:
0x8: {  	[smem:$0x3FA0] =	sst s0  }
0x9: {  	[smem:$0x3FA1] =	sst s1  }
0xa: {  	[smem:$0x3FA2] =	sst s2  }
0xb: {  	[smem:$0x3FA3] =	sst s3  }
0xc: {  	[smem:$0x3FA4] =	sst s4  }
0xd: {  	[smem:$0x3FA5] =	sst s5  }
0xe: {  	[smem:$0x3FA6] =	sst s6  }
0xf: {  	[smem:$0x3FA7] =	sst s7  }
0x10: {  	[smem:$0x3FA8] =	sst s8  }
0x11: {  	[smem:$0x3FA9] =	sst s9;
	s0 =	simm.s32 @!p0 $0x0  }
0x12: {  	s1 =	sld [smem:$0x3F8F];
	s0 =	simm.s32 @p0 $0x1  }
0x13: {  	[smem:$0x3FAA] =	sst s0;
	s0 =	simm.s32 @!p1 $0x0  }
0x14: {  	s2 =	sld [smem:$0x3F8E];
	s0 =	simm.s32 @p1 $0x1  }
0x15: {  	[smem:$0x3FAB] =	sst s0;
	s0 =	simm.s32 @!p2 $0x0  }
0x16: {  	s3 =	sld [smem:$0x3FDB];
	s0 =	simm.s32 @p2 $0x1  }
0x17: {  	s4 =	simm.s32 $0x1BF5;
	[smem:$0x3FAD] =	sst s0  }
0x18: {  	s0 =	sld [smem:$0x3F90];
	_ =	swait.ge [sflag:s4], $0x0  }
0x19: {  	s7 =	sld [smem:$0x3F91]  }
0x1a: {  	s8 =	sadd.s32 $0xFFFFE003, lr  }
0x1b: {  	s9 =	sadd.s32 $0xFFFFFEF7, lr;
	s5 =	simm.s32 $0xFFFFFFFF;
	p2 =	slt.u32 s8, $0xFFFFF086  }
0x1c: {  	p1 =	slt.u32 s9, $0xF7A;
	s5 =	simm.s32 @!p2 $0x0  }
0x1d: {  	s5 =	simm.s32 @p1 $0x1;
	p0 =	seq.s32 s7, s2  }
0x1e: {  	s7 =	smul.u32 @!p0 $0xF7A, s2;
	p2 =	seq.s32 @!p0 s5, $0x0  }
0x1f: {  	s9 =	smul.u32 $0xF7A, s1;
	s8 =	simm.s32 @!p0 $0x1BF5;
	p2 =	por !p2, p0  }
0x20: {  	[sflag:s8] =	ssyncset.s32 @!p0 $0xFFFFF086;
	s6 =	sadd.s32 @!p0 s3, s7;
	s7 =	simm.s32 @!p0 $0x108  }
0x21: {  	s3 =	sadd.s32 s3, s9;
	s6 =	sadd.s32 @!p0 $0x88, s6;
	s7 =	simm.s32 @p2 $0x1082  }
0x22: {  	[simem:s7], [sflag:s8] =	dma.local @!p0 [hbm:s6], $0xF7A  }
0x23: {  	s9 =	sor.u32 $0xD0000000, s2;
	s6 =	simm.s32 $0x108;
	_ =	swait.ge @!p0 [sflag:s8], $0x0  }
0x24: {  	s3 =	sadd.s32 $0x88, s3;
	s6 =	simm.s32 @!p1 $0x1082;
	[sflag:s4] =	ssyncset.s32 $0xFFFFF086  }
0x25: {  	[simem:s6], [sflag:s4] =	dma.local [hbm:s3], $0xF7A  }
0x26: {  	[smem:$0x3F91] =	sst s1;
	(tag) =	ssettag s2;
	_ =	strace s9  }
0x27: {  	s1 =	sld [smem:$0x3FA1]  }
0x28: {  	s2 =	sld [smem:$0x3FA2]  }
0x29: {  	s4 =	sld [smem:$0x3FA4]  }
0x2a: {  	p0 =	seq.s32 s5, $0x0;
	s5 =	sld [smem:$0x3FA5]  }
0x2b: {  	s6 =	sld [smem:$0x3FA6]  }
0x2c: {  	s7 =	sld [smem:$0x3FA7]  }
0x2d: {  	s3 =	simm.s32 $0x108;
	s8 =	sld [smem:$0x3FA8]  }
0x2e: {  	s3 =	simm.s32 @!p0 $0x1082;
	s9 =	sld [smem:$0x3FA9]  }
0x2f: {  	lr =	sadd.s32 s0, s3;
	s0 =	sld [smem:$0x3FA0]  }
0x30: {  	s3 =	sld [smem:$0x3FA3]  }
0x31: {  	[smem:$0x3FAC] =	sst s10  }
0x32: {  	s10 =	sld [smem:$0x3FAA];
	_ =	sdelay $0x3  }
0x33: {  	p0 =	seq.s32 s10, $0x1;
	s10 =	sld [smem:$0x3FAC];
	_ =	sdelay $0x3  }
0x34: {  	[smem:$0x3FAC] =	sst s10  }
0x35: {  	s10 =	sld [smem:$0x3FAB];
	_ =	sdelay $0x3  }
0x36: {  	p1 =	seq.s32 s10, $0x1;
	s10 =	sld [smem:$0x3FAC];
	_ =	sdelay $0x3  }
0x37: {  	[smem:$0x3FAC] =	sst s10  }
0x38: {  	s10 =	sld [smem:$0x3FAD]  }
0x39: {  	_ = 	snop;
	(pc) =	sbr.ind lr, $3  }
0x3a: {  	_ = 	snop  }
0x3b: {  	_ = 	snop  }
0x3c: {  	p2 =	seq.s32 s10, $0x1;
	s10 =	sld [smem:$0x3FAC]  }
0x3d: {  	_ =	shalt  }
0x3e: {  	_ =	shalt  }
0x3f: {  	_ =	shalt  }
0x40: {  	_ =	shalt  }
0x41: {  	_ =	shalt  }
0x42: {  	_ =	shalt  }
0x43: {  	_ =	shalt  }
0x44: {  	_ =	shalt  }
0x45: {  	_ =	shalt  }
0x46: {  	_ =	shalt  }
0x47: {  	_ =	shalt  }
0x48: {  	_ =	shalt  }
0x49: {  	_ =	shalt  }
0x4a: {  	_ =	shalt  }
0x4b: {  	_ =	shalt  }
0x4c: {  	_ =	shalt  }
0x4d: {  	_ =	shalt  }
0x4e: {  	_ =	shalt  }
0x4f: {  	_ =	shalt  }
0x50: {  	_ =	shalt  }
0x51: {  	_ =	shalt  }
0x52: {  	_ =	shalt  }
0x53: {  	_ =	shalt  }
0x54: {  	_ =	shalt  }
0x55: {  	_ =	shalt  }
0x56: {  	_ =	shalt  }
0x57: {  	_ =	shalt  }
0x58: {  	_ =	shalt  }
0x59: {  	_ =	shalt  }
0x5a: {  	_ =	shalt  }
0x5b: {  	_ =	shalt  }
0x5c: {  	_ =	shalt  }
0x5d: {  	_ =	shalt  }
0x5e: {  	_ =	shalt  }
0x5f: {  	_ =	shalt  }
0x60: {  	_ =	shalt  }
0x61: {  	_ =	shalt  }
0x62: {  	_ =	shalt  }
0x63: {  	_ =	shalt  }
0x64: {  	_ =	shalt  }
0x65: {  	_ =	shalt  }
0x66: {  	_ =	shalt  }
0x67: {  	_ =	shalt  }
0x68: {  	_ =	shalt  }
0x69: {  	_ =	shalt  }
0x6a: {  	_ =	shalt  }
0x6b: {  	_ =	shalt  }
0x6c: {  	_ =	shalt  }
0x6d: {  	_ =	shalt  }
0x6e: {  	_ =	shalt  }
0x6f: {  	_ =	shalt  }
0x70: {  	_ =	shalt  }
0x71: {  	_ =	shalt  }
0x72: {  	_ =	shalt  }
0x73: {  	_ =	shalt  }
0x74: {  	_ =	shalt  }
0x75: {  	_ =	shalt  }
0x76: {  	_ =	shalt  }
0x77: {  	_ =	shalt  }
0x78: {  	_ =	shalt  }
0x79: {  	_ =	shalt  }
0x7a: {  	_ =	shalt  }
0x7b: {  	_ =	shalt  }
0x7c: {  	_ =	shalt  }
0x7d: {  	_ =	shalt  }
0x7e: {  	_ =	shalt  }
0x7f: {  	_ =	shalt  }
0x80: {  	_ =	shalt  }
0x81: {  	_ =	shalt  }
0x82: {  	_ =	shalt  }
0x83: {  	_ =	shalt  }
0x84: {  	_ =	shalt  }
0x85: {  	_ =	shalt  }
0x86: {  	_ =	shalt  }
0x87: {  	_ =	shalt  }
.Lfunc_end0:
.L_simem_size_0:
called_computation_lowered:
.L_overlay_start_0:
0x88: {  	s2 =	sld [smem:$0x3FD9]  }
0x89: {  	s3 =	sld [smem:$0x3FFE];
	_ =	sdelay $0x1  }
0x8a: {  	s1 =	srdreg.scid  }
0x8b: {  	s0 =	sand.u32 $0x1, s1  }
0x8c: {  	s16 =	sshll.u32 s0, $0xA;
	s2 =	sadd.s32 s3, s2  }
0x8d: {  	s2 =	sadd.s32 s2, s16  }
0x8e: {  	[smem:$0x3FB8] =	sst s2  }
0x8f: {  	_ = 	snop  }
0x90: {  	(tm) =	ssettm $0x1  }
0x91: {  	s17 =	sld [smem:$0x3FFB];
	_ =	sdelay $0x3  }
0x92: {  	_ =	strace s17  }
0x93: {  	s2 =	sld [smem:$0x3FFC];
	_ =	sdelay $0x3  }
0x94: {  	_ =	strace s2  }
0x95: {  	s2 =	sld [smem:$0x3FFD];
	_ =	sdelay $0x3  }
0x96: {  	_ =	strace s2  }
0x97: {  	_ =	strace $0x8FFFFFFF  }
0x98: {  	s18 =	sld [smem:$0x3FDB];
	_ =	sdelay $0x1  }
0x99: {  	s19 =	simm.s32 $_scs_section_size  }
0x9a: {  	s4 =	simm.s32 $_size__tile_overlayer_lowered;
	s5 =	simm.s32 $_tile_overlayer_lowered  }
0x9b: {  	s22 =	simm.s32 $0x1BFF;
	s21 =	sshll.u32 s5, $0x1;
	s2 =	sadd.s32 s19, s18  }
0x9c: {  	s6 =	simm.s32 $0x0;
	s20 =	sshll.u32 s4, $0x1;
	s4 =	sadd.s32 s21, s2  }
0x9d: {  	[timem:s6], [sflag:s22] =	dma.local [hbm:s4], s20  }
0x9e: {  	_ =	swait.ge [sflag:s22], s20  }
0x9f: {  	s3 =	ssub.s32 $0x0, s20;
	[sflag:s22] =	ssyncset.done $0x0  }
0xa0: {  	[sflag:s22] =	ssyncadd.s32 s3;
	_ =	sdelay $0x1  }
0xa1: {  	s23 =	simm.s32 $0x1B8B  }
0xa2: {  	_ =	swait.ge [sflag:s23], $0x1  }
0xa3: {  	[sflag:s23] =	ssyncset.done $0x0  }
0xa4: {  	s25 =	simm.s32 $0x1B8E;
	s24 =	sld [smem:$0x3FFE];
	[sflag:s23] =	ssyncadd.s32 $0xFFFFFFFF  }
0xa5: {  	s26 =	simm.s32 $execute0_lowered;
	[smem:$0x3FD2] =	sst s25  }
0xa6: {  	s4 =	sshll.u32 s26, $0x1;
	_ =	strace $0x80000046;
	[dreg:$0x1] =	wrdreg $0xFFFFFFFF  }
0xa7: {  	s28 =	simm.s32 $_size_execute0_lowered;
	s2 =	sadd.s32 s2, s4;
	[dreg:$0x0] =	wrdreg $0x0  }
0xa8: {  	s4 =	sshll.u32 s28, $0x1;
	[dreg:$0x2] =	wrdreg s2  }
0xa9: {  	[dreg:$0x3] =	wrdreg s4  }
0xaa: {  	[dreg:$0x4] =	wrdreg $0xC0  }
0xab: {  	_ =	task [dreg:s6], $0x5FFFF  }
0xac: {  	[dreg:$0x1] =	wrdreg $0xFFFFFFFF  }
0xad: {  	[dreg:$0x0] =	wrdreg $0x60  }
0xae: {  	[dreg:$0x2] =	wrdreg s24  }
0xaf: {  	[dreg:$0x3] =	wrdreg $0x0  }
0xb0: {  	[dreg:$0x4] =	wrdreg $0x9  }
0xb1: {  	_ =	task.clear_ibuf [dreg:s6], $0x5FFFF;
	_ =	strace $0x90000046  }
0xb2: {  	s29 =	simm.s32 $0x9;
	_ =	strace $0x80000048  }
0xb3: {  	_ =	swait.ge [sflag:s29], $0x1  }
0xb4: {  	[sflag:s29] =	ssyncadd.s32 $0xFFFFFFFF  }
0xb5: {  	_ =	strace $0x90000048  }
0xb6: {  	_ =	sfence  }
0xb7: {  	s30 =	sld [smem:$0x0];
	_ =	sdelay $0x2  }
0xb8: {  	s31 =	sshll.u32 s1, $0xD;
	s1 =	sshrl.u32 s1, $0x2  }
0xb9: {  	s3 =	sand.u32 $0x4000, s31;
	s1 =	sadd.s32 s1, s30  }
0xba: {  	s0 =	sor.u32 s3, s0;
	s1 =	sshll.u32 s1, $0x11  }
0xbb: {  	s0 =	sor.u32 s1, s0  }
0xbc: {  	s0 =	sadd.s32 $0x8F2B, s0  }
0xbd: {  	[sflag:s0] =	ssyncadd.remote.s32 $0x1  }
0xbe: {  	_ =	sfence.sel $0xFFFF  }
0xbf: {  	[dreg:$0x0] =	wrdreg $0xFFFFFFFF;
	(pc) =	sbr.abs _section_cstart, $3  }
0xc0: {  	[dreg:$0x1] =	wrdreg $0xFFFFFFFF  }
0xc1: {  	_ =	task.clear_ibuf [dreg:s6], $0x2FFFF;
	_ =	strace $0x9FFFFFFF  }
0xc2: {  	(tm) =	ssettm $0x7FFFFFFF  }
0xc3: {  	_ =	shalt  }
tec
execute0_lowered:
.L_overlay_start_1:
0x0: {  	(tag) =	ssettag $0x1  }
0x1: {  	s0 =	rddreg [dreg:$0x0]  }
0x2: {  	s1 =	rddreg [dreg:$0x1];
	s2 =	simm.s32 $0x0;
	s3 =	srdreg.scid  }
0x3: {  	s28 =	simm.s32 $0x18800;
	s29 =	simm.s32 $0x1AF00;
	s30 =	simm.s32 $0x18880  }
0x4: {  	s12 =	stileid.u32;
	s4 =	sadd.s32 $0x18AA00, s0;
	s5 =	sadd.s32 $0x21D600, s0  }
0x5: {  	s31 =	simm.s32 $0x1BF00;
	s6 =	sadd.s32 $0x1EC600, s0;
	s8 =	smul.u32 $0x61C00, s12  }
0x6: {  	[smem:$0x7FF] =	sst s2;
	s7 =	sadd.s32 $0x24E600, s0;
	s19 =	smul.u32 $0xC38, s12  }
0x7: {  	s3 =	sand.u32 $0x1, s3;
	s0 =	sadd.s32 $0x27F600, s0;
	s15 =	smul.u32 $0x18800, s12  }
0x8: {  	p0 =	seq.s32 s12, $0xF;
	_ =	strace $0x80000047;
	s9 =	ssub.s32 $0x2, s3  }
0x9: {  	s11 =	smul.u32 $0xC350, s3;
	s10 =	sshrl.u32 s9, $0x1;
	s8 =	sshrl.u32 s8, $0x2  }
0xa: {  	s3 =	smul.u32 $0x186A00, s3;
	s9 =	ssub.s32 s9, s10;
	s16 =	sadd.s32 s8, s1  }
0xb: {  	s10 =	sadd.s32 s19, s11;
	s8 =	sadd.s32 $0x4000, s16;
	[dreg:$0x3] =	wrdreg s16  }
0xc: {  	s3 =	sshrl.u32 s3, $0x3;
	s20 =	sadd.s32 $0x8000, s16;
	[dreg:$0x4] =	wrdreg s8  }
0xd: {  	s19 =	simm.s32 $0x18F00;
	s21 =	sadd.s32 $0xC000, s16;
	[dreg:$0x5] =	wrdreg s20  }
0xe: {  	v0 =	vmov s11;
	s11 =	simm.s32 $0x18E80;
	s22 =	sadd.s32 $0x10000, s16;
	[dreg:$0x6] =	wrdreg s21  }
0xf: {  	s23 =	sadd.s32 $0x14000, s16;
	s24 =	sadd.s32 $0x18000, s16;
	[dreg:$0x7] =	wrdreg s22  }
0x10: {  	s10 =	sshll.u32 s10, $0x2;
	s3 =	sadd.s32 s0, s3;
	[dreg:$0x8] =	wrdreg s23  }
0x11: {  	s26 =	smax.u32 s9, $0x1;
	s9 =	simm.s32 $0x18D80;
	[dreg:$0x9] =	wrdreg s24  }
0x12: {  	s0 =	sadd.s32 s0, s10;
	s25 =	sadd.s32 $0x2DD20, s3;
	[dreg:$0xc] =	wrdreg s26  }
0x13: {  	s20 =	simm.s32 $0x2;
	s21 =	simm.s32 $0x18700;
	s22 =	simm.s32 $0x18900  }
0x14: {  	s23 =	simm.s32 $0x18B00;
	s24 =	simm.s32 $0x80;
	s26 =	simm.s32 $0x19F00  }
0x15: {  	s3 =	simm.s32 $0x18D00;
	s10 =	simm.s32 $0x18E00;
	[dreg:$0xa] =	wrdreg s0  }
0x16: {  	v1 =	vimm.f32 $0.0e+00;
	[dreg:$0xb] =	wrdreg s25;
	s25 =	simm.s32 $0x18780;
	s0 =	simm.s32 $0x1  }
.LBB2_1:
0x17: {  	s12 =	simm.s32 $0x80;
	s13 =	simm.s32 $0x0  }
.LBB2_2:
0x18: {  	p1 =	sne.s32 s12, $0xFF80;
	[tilespmem:s13+$0x18F00] =	vst v1;
	s14 =	smov.u32 s12;
	s12 =	sadd.s32 $0x80, s12  }
.Ltmp0:
0x19: {  	[tilespmem:s13+$0x18F10] =	vst v1;
	(pc) =	sbr.rel @p1 .LBB2_2-.Ltmp0, $2  }
0x1a: {  	_ =	sdelay $0x2  }
0x1b: {  	s13 =	sshra.s32 s14, $0x2  }
0x1c: {  	[tilespmem:s13+$0x18F00] =	vst v1  }
0x1d: {  	[tilespmem:s13+$0x18F10] =	vst v1  }
0x1e: {  	[spmem:s16] =	stream.linear.scatter [tilespmem:s19], [sflag:$0x2], $0x4000, $0x38;
	[tilespmem:$0x1CF00] =	vst v63  }
0x1f: {  	_ =	swait.ge [sflag:s20], $0x4000  }
0x20: {  	[sflag:s20] =	ssyncset.done $0x0  }
0x21: {  	s8 =	rddreg [dreg:$0x4];
	[sflag:s20] =	ssyncadd.s32 $0xFFFFC000  }
0x22: {  	[spmem:s8] =	stream.linear.scatter [tilespmem:s19], [sflag:$0x2], $0x4000, $0x38;
	[tilespmem:$0x1CF00] =	vst v63  }
0x23: {  	_ =	swait.ge [sflag:s20], $0x4000  }
0x24: {  	[sflag:s20] =	ssyncset.done $0x0  }
0x25: {  	s13 =	rddreg [dreg:$0x5];
	[sflag:s20] =	ssyncadd.s32 $0xFFFFC000  }
0x26: {  	[spmem:s13] =	stream.linear.scatter [tilespmem:s19], [sflag:$0x2], $0x4000, $0x38;
	[tilespmem:$0x1CF00] =	vst v63  }
0x27: {  	_ =	swait.ge [sflag:s20], $0x4000  }
0x28: {  	[sflag:s20] =	ssyncset.done $0x0  }
0x29: {  	s14 =	rddreg [dreg:$0x6];
	[sflag:s20] =	ssyncadd.s32 $0xFFFFC000  }
0x2a: {  	[spmem:s14] =	stream.linear.scatter [tilespmem:s19], [sflag:$0x2], $0x4000, $0x38;
	[tilespmem:$0x1CF00] =	vst v63  }
0x2b: {  	_ =	swait.ge [sflag:s20], $0x4000  }
0x2c: {  	[sflag:s20] =	ssyncset.done $0x0  }
0x2d: {  	s16 =	rddreg [dreg:$0x7];
	[sflag:s20] =	ssyncadd.s32 $0xFFFFC000  }
0x2e: {  	[spmem:s16] =	stream.linear.scatter [tilespmem:s19], [sflag:$0x2], $0x4000, $0x38;
	[tilespmem:$0x1CF00] =	vst v63  }
0x2f: {  	_ =	swait.ge [sflag:s20], $0x4000  }
0x30: {  	[sflag:s20] =	ssyncset.done $0x0  }
0x31: {  	s17 =	rddreg [dreg:$0x8];
	[sflag:s20] =	ssyncadd.s32 $0xFFFFC000  }
0x32: {  	[spmem:s17] =	stream.linear.scatter [tilespmem:s19], [sflag:$0x2], $0x4000, $0x38;
	[tilespmem:$0x1CF00] =	vst v63  }
0x33: {  	_ =	swait.ge [sflag:s20], $0x4000  }
0x34: {  	[sflag:s20] =	ssyncset.done $0x0  }
0x35: {  	s18 =	rddreg [dreg:$0x9];
	[sflag:s20] =	ssyncadd.s32 $0xFFFFC000  }
0x36: {  	[spmem:s18] =	stream.linear.scatter [tilespmem:s19], [sflag:$0x2], $0x700, $0x38;
	[tilespmem:$0x1CF00] =	vst v63  }
0x37: {  	_ =	swait.ge [sflag:s20], $0x700  }
0x38: {  	[sflag:s20] =	ssyncset.done $0x0  }
0x39: {  	[sflag:s20] =	ssyncadd.s32 $0xFFFFF900  }
0x3a: {  	s12 =	simm.s32 $0x0;
	s13 =	simm.s32 $0x0;
	[bflag:$0x0] =	sbarrier.arrive $0xFFFF  }
.LBB2_4:
0x3b: {  	s14 =	sshll.u32 s13, $0x9  }
0x3c: {  	s14 =	sadd.s32 s15, s14  }
0x3d: {  	s14 =	sshrl.u32 s14, $0x3  }
0x3e: {  	s16 =	sadd.s32 s5, s14  }
0x3f: {  	[tilespmem:s21], [sflag:$0x2] =	stream.linear.gather [hbm4b:s16+s12], $0x200, $0x38;
	[tilespmem:$0x1CF00] =	vst v63  }
0x40: {  	_ =	swait.ge [sflag:s20], $0x200  }
0x41: {  	[sflag:s20] =	ssyncset.done $0x0  }
0x42: {  	s18 =	sadd.s32 s6, s14;
	[sflag:s20] =	ssyncadd.s32 $0xFFFFFE00  }
0x43: {  	[tilespmem:s22], [sflag:$0x2] =	stream.linear.gather [hbm4b:s18+s12], $0x200, $0x38;
	[tilespmem:$0x1CF00] =	vst v63  }
0x44: {  	_ =	swait.ge [sflag:s20], $0x200  }
0x45: {  	[sflag:s20] =	ssyncset.done $0x0  }
0x46: {  	s14 =	sadd.s32 s7, s14;
	[sflag:s20] =	ssyncadd.s32 $0xFFFFFE00  }
0x47: {  	[tilespmem:s23], [sflag:$0x2] =	stream.linear.gather [hbm4b:s14+s12], $0x200, $0x38;
	[tilespmem:$0x1CF00] =	vst v63  }
0x48: {  	_ =	swait.ge [sflag:s20], $0x200  }
0x49: {  	[sflag:s20] =	ssyncset.done $0x0  }
0x4a: {  	[sflag:s20] =	ssyncadd.s32 $0xFFFFFE00  }
0x4b: {  	[tilespmem:s19], [sflag:$0x1] =	stream.indirect.gather [hbm4b:s4+s24], $0x20, s21, s24, $0xb8;
	[tilespmem:$0x1CF00] =	vst v63  }
0x4c: {  	_ = 	snop  }
0x4d: {  	[tilespmem:s26], [sflag:$0x1] =	stream.indirect.gather [hbm4b:s4+s24], $0x20, s25, s24, $0xb8;
	[tilespmem:$0x1CF00] =	vst v63  }
0x4e: {  	s17 =	simm.s32 $0x10  }
0x4f: {  	[tilespmem:s29], [sflag:$0x1] =	stream.indirect.gather [hbm4b:s4+s24], $0x20, s28, s24, $0xb8;
	[tilespmem:$0x1CF00] =	vst v63  }
0x50: {  	s16 =	simm.s32 $0x0;
	s18 =	simm.s32 $0x0;
	s14 =	simm.s32 $0x0  }
0x51: {  	[tilespmem:s31], [sflag:$0x1] =	stream.indirect.gather [hbm4b:s4+s24], $0x20, s30, s24, $0xb8;
	[tilespmem:$0x1CF00] =	vst v63  }
.LBB2_5:
0x52: {  	p1 =	sne.s32 s17, $0x1F0;
	v2 =	vld [tilespmem:s18+$0x18900];
	_ =	sdelay $0x2  }
.Ltmp1:
0x53: {  	(pc) =	sbr.rel @p1 .LBB2_5-.Ltmp1, $4  }
0x54: {  	s18 =	sand.u32 $0x600, s14  }
0x55: {  	s8 =	sand.u32 $0x70, s16;
	s16 =	smov.u32 s17;
	s18 =	sshrl.u32 s18, $0x2;
	v2 =	vsub.s32 v2, v0  }
0x56: {  	s14 =	sadd.s32 $0x40, s14;
	s8 =	sor.u32 s8, s18;
	v2 =	vmin.u32 v2, $0xC350  }
0x57: {  	s17 =	sadd.s32 $0x10, s17;
	s18 =	sshra.s32 s14, $0x2;
	[tilespmem:s8+$0x18D00] =	vst v2  }
0x58: {  	v2 =	vld [tilespmem:s18+$0x18900];
	_ =	sdelay $0x3  }
0x59: {  	s8 =	sand.u32 $0x600, s14  }
0x5a: {  	s17 =	sand.u32 $0x70, s16;
	s8 =	sshrl.u32 s8, $0x2;
	v2 =	vsub.s32 v2, v0  }
0x5b: {  	s8 =	sor.u32 s17, s8;
	v2 =	vmin.u32 v2, $0xC350  }
0x5c: {  	[tilespmem:s8+$0x18D00] =	vst v2  }
0x5d: {  	_ =	swait.ge [sflag:s0], $0x1000  }
0x5e: {  	[sflag:s0] =	ssyncset.done $0x0  }
0x5f: {  	[sflag:s0] =	ssyncadd.s32 $0xFFFFF000  }
0x60: {  	_ =	swait.ge [sflag:s0], $0x1000  }
0x61: {  	[sflag:s0] =	ssyncset.done $0x0  }
0x62: {  	[sflag:s0] =	ssyncadd.s32 $0xFFFFF000  }
0x63: {  	_ =	swait.ge [sflag:s0], $0x1000  }
0x64: {  	[sflag:s0] =	ssyncset.done $0x0  }
0x65: {  	[sflag:s0] =	ssyncadd.s32 $0xFFFFF000  }
0x66: {  	_ =	swait.ge [sflag:s0], $0x1000  }
0x67: {  	[sflag:s0] =	ssyncset.done $0x0  }
0x68: {  	s14 =	simm.s32 $0x19000;
	[sflag:s0] =	ssyncadd.s32 $0xFFFFF000  }
0x69: {  	v7 =	vld [tilespmem:s14+$0xFFFFFFA0]  }
0x6a: {  	v5 =	vld [tilespmem:s14+$0xFFFFFFF0]  }
0x6b: {  	v2 =	vld [tilespmem:s14+$0xFFFFFF60]  }
0x6c: {  	v8 =	vld [tilespmem:s14+$0xFFFFFFD0]  }
0x6d: {  	v9 =	vld [tilespmem:s14+$0x80]  }
0x6e: {  	v12 =	vld [tilespmem:s14+$0xFFFFFF10]  }
0x6f: {  	v16 =	vld [tilespmem:s14+$0xE0]  }
0x70: {  	v11 =	vld [tilespmem:s14+$0xFFFFFF40]  }
0x71: {  	s18 =	simm.s32 $0x0;
	v3 =	vld [tilespmem:s14+$0xFFFFFF90]  }
0x72: {  	v4 =	vld [tilespmem:s18+$0x18B00]  }
0x73: {  	v10 =	vld [tilespmem:s14+$0xFFFFFFC0]  }
0x74: {  	v13 =	vld [tilespmem:s14+$0xFFFFFF00]  }
0x75: {  	v14 =	vld [tilespmem:s14+$0xD0]  }
0x76: {  	v23 =	vld [tilespmem:s14+$0xC0]  }
0x77: {  	v21 =	vld [tilespmem:s14+$0x90];
	v19 =	vbroadcast v4, $0x0;
	v6 =	vbroadcast v4, $0xF  }
0x78: {  	v22 =	vld [tilespmem:s14+$0xFFFFFF50];
	v20 =	vbroadcast v4, $0x2;
	v18 =	vbroadcast v4, $0xE  }
0x79: {  	v17 =	vld [tilespmem:s14+$0xB0];
	v15 =	vbroadcast v4, $0xC;
	v25 =	vmul.f32 v19, v13  }
0x7a: {  	s16 =	simm.s32 $0x40;
	s17 =	simm.s32 $0x19000;
	v13 =	vbroadcast v4, $0xD;
	v24 =	vmul.f32 v11, v20;
	v11 =	vld [tilespmem:s14+$0x60]  }
.LBB2_7:
0x7b: {  	p1 =	sne.s32 s16, $0x7C0  }
0x7c: {  	[tilespmem:s14+$0xFFFFFF00] =	vst v25;
	v25 =	vld [tilespmem:s14+$0xFFFFFFB0];
	v23 =	vmul.f32 v23, v18;
	v16 =	vmul.f32 v16, v6;
	s17 =	sadd.s32 $0x200, s17;
	s18 =	smov.u32 s16;
	s16 =	sadd.s32 $0x40, s16  }
0x7d: {  	[tilespmem:s14+$0xFFFFFF40] =	vst v24;
	v24 =	vbroadcast v4, $0xA;
	v21 =	vmul.f32 v21, v15;
	v26 =	vld [tilespmem:s14+$0xA0]  }
0x7e: {  	v12 =	vmul.f32 v12, v19;
	v19 =	vmul.f32 v22, v20;
	v20 =	vld [tilespmem:s14+$0x70];
	[tilespmem:s14+$0xE0] =	vst v16  }
0x7f: {  	v16 =	vbroadcast v4, $0x5;
	v22 =	vld [tilespmem:s14+$0xFFFFFFE0];
	v17 =	vmul.f32 v17, v13;
	[tilespmem:s14+$0xC0] =	vst v23  }
0x80: {  	v14 =	vmul.f32 v14, v18;
	[tilespmem:s14+$0xFFFFFF10] =	vst v12;
	v12 =	vbroadcast v4, $0x6;
	v23 =	vld [tilespmem:s14+$0x40]  }
0x81: {  	v27 =	vbroadcast v4, $0xB;
	v7 =	vmul.f32 v7, v16;
	v18 =	vld [tilespmem:s14+$0xFFFFFF20];
	[tilespmem:s14+$0x90] =	vst v21  }
0x82: {  	v21 =	vbroadcast v4, $0x9;
	[tilespmem:s14+$0xFFFFFF50] =	vst v19;
	v19 =	vld [tilespmem:s14+$0x20];
	v13 =	vmul.f32 v26, v13  }
0x83: {  	v16 =	vmul.f32 v25, v16;
	v25 =	vld [tilespmem:s14+$0x50];
	v20 =	vmul.f32 v20, v27;
	[tilespmem:s14+$0xD0] =	vst v14  }
0x84: {  	v9 =	vmul.f32 v9, v15;
	v14 =	vbroadcast v4, $0x7;
	v26 =	vld [tilespmem:s14+$0x30];
	[tilespmem:s14+$0xA0] =	vst v13  }
0x85: {  	v10 =	vmul.f32 v10, v12;
	v13 =	vbroadcast v4, $0x3;
	v15 =	vld [tilespmem:s14+$0x0];
	[tilespmem:s14+$0x70] =	vst v20  }
0x86: {  	v11 =	vmul.f32 v11, v27;
	v8 =	vmul.f32 v8, v12;
	v12 =	vld [tilespmem:s14+$0x10];
	[tilespmem:s14+$0x80] =	vst v9  }
0x87: {  	v20 =	vbroadcast v4, $0x8;
	v23 =	vmul.f32 v23, v24;
	v9 =	vld [tilespmem:s14+$0xFFFFFF30];
	[tilespmem:s14+$0xB0] =	vst v17  }
0x88: {  	v17 =	vbroadcast v4, $0x1;
	v27 =	vld [tilespmem:s14+$0xFFFFFF70];
	[tilespmem:s14+$0xFFFFFFD0] =	vst v8;
	v24 =	vmul.f32 v25, v24  }
0x89: {  	v5 =	vmul.f32 v5, v14;
	v8 =	vmul.f32 v22, v14;
	[tilespmem:s14+$0xFFFFFFC0] =	vst v10;
	v10 =	vld [tilespmem:s14+$0xF0]  }
0x8a: {  	v22 =	vmul.f32 v26, v21;
	v14 =	vld [tilespmem:s14+$0xFFFFFF80];
	[tilespmem:s14+$0xFFFFFFA0] =	vst v7;
	v15 =	vmul.f32 v15, v20  }
0x8b: {  	v7 =	vld [tilespmem:s17+$0xFFFFFFA0];
	[tilespmem:s14+$0xFFFFFFF0] =	vst v5;
	v20 =	vmul.f32 v12, v20;
	v12 =	vmul.f32 v19, v21  }
0x8c: {  	v5 =	vmul.f32 v18, v17;
	v17 =	vmul.f32 v9, v17;
	[tilespmem:s14+$0x60] =	vst v11  }
0x8d: {  	v2 =	vmul.f32 v2, v13;
	v9 =	vmul.f32 v27, v13;
	[tilespmem:s14+$0xFFFFFFB0] =	vst v16  }
0x8e: {  	v4 =	vbroadcast v4, $0x4;
	[tilespmem:s14+$0xFFFFFF20] =	vst v5;
	v5 =	vmul.f32 v10, v6  }
0x8f: {  	[tilespmem:s14+$0xFFFFFF60] =	vst v2  }
0x90: {  	v6 =	vmul.f32 v14, v4;
	v2 =	vmul.f32 v3, v4;
	[tilespmem:s14+$0x40] =	vst v23  }
0x91: {  	[tilespmem:s14+$0xFFFFFFE0] =	vst v8  }
0x92: {  	[tilespmem:s14+$0xF0] =	vst v5  }
0x93: {  	[tilespmem:s14+$0xFFFFFF90] =	vst v2  }
0x94: {  	v5 =	vld [tilespmem:s17+$0xFFFFFFF0];
	[tilespmem:s14+$0xFFFFFF70] =	vst v9  }
0x95: {  	v2 =	vld [tilespmem:s17+$0xFFFFFF60];
	[tilespmem:s14+$0x20] =	vst v12  }
0x96: {  	v8 =	vld [tilespmem:s17+$0xFFFFFFD0];
	[tilespmem:s14+$0x30] =	vst v22  }
0x97: {  	v9 =	vld [tilespmem:s17+$0x80];
	[tilespmem:s14+$0xFFFFFF80] =	vst v6  }
0x98: {  	v12 =	vld [tilespmem:s17+$0xFFFFFF10];
	[tilespmem:s14+$0x50] =	vst v24  }
0x99: {  	v16 =	vld [tilespmem:s17+$0xE0];
	[tilespmem:s14+$0x0] =	vst v15  }
0x9a: {  	v11 =	vld [tilespmem:s17+$0xFFFFFF40];
	[tilespmem:s14+$0xFFFFFF30] =	vst v17  }
0x9b: {  	s8 =	sshra.s32 s18, $0x2;
	v3 =	vld [tilespmem:s17+$0xFFFFFF90];
	[tilespmem:s14+$0x10] =	vst v20;
	s14 =	smov.u32 s17  }
0x9c: {  	v4 =	vld [tilespmem:s8+$0x18B00]  }
0x9d: {  	v10 =	vld [tilespmem:s17+$0xFFFFFFC0]  }
0x9e: {  	v13 =	vld [tilespmem:s17+$0xFFFFFF00]  }
0x9f: {  	v14 =	vld [tilespmem:s17+$0xD0]  }
.Ltmp2:
0xa0: {  	v23 =	vld [tilespmem:s17+$0xC0];
	(pc) =	sbr.rel @p1 .LBB2_7-.Ltmp2, $4  }
0xa1: {  	v19 =	vbroadcast v4, $0x0;
	v21 =	vld [tilespmem:s17+$0x90];
	v6 =	vbroadcast v4, $0xF  }
0xa2: {  	v20 =	vbroadcast v4, $0x2;
	v18 =	vbroadcast v4, $0xE;
	v22 =	vld [tilespmem:s17+$0xFFFFFF50]  }
0xa3: {  	v25 =	vmul.f32 v19, v13;
	v13 =	vbroadcast v4, $0xD;
	v17 =	vld [tilespmem:s17+$0xB0]  }
0xa4: {  	v15 =	vbroadcast v4, $0xC;
	v24 =	vmul.f32 v11, v20;
	v11 =	vld [tilespmem:s17+$0x60]  }
0xa5: {  	[tilespmem:s14+$0xFFFFFF00] =	vst v25;
	v16 =	vmul.f32 v16, v6  }
0xa6: {  	v23 =	vmul.f32 v23, v18;
	[tilespmem:s14+$0xFFFFFF40] =	vst v24  }
0xa7: {  	v12 =	vmul.f32 v12, v19;
	[tilespmem:s14+$0xE0] =	vst v16  }
0xa8: {  	v34 =	vmul.f32 v14, v18;
	[tilespmem:s14+$0xC0] =	vst v23  }
0xa9: {  	v32 =	vmul.f32 v21, v15;
	[tilespmem:s14+$0xFFFFFF10] =	vst v12  }
0xaa: {  	v40 =	vbroadcast v4, $0x6;
	v9 =	vmul.f32 v9, v15;
	[tilespmem:s14+$0xD0] =	vst v34  }
0xab: {  	v20 =	vmul.f32 v22, v20;
	[tilespmem:s14+$0x90] =	vst v32  }
0xac: {  	v44 =	vbroadcast v4, $0x5;
	v8 =	vmul.f32 v8, v40;
	[tilespmem:s14+$0x80] =	vst v9  }
0xad: {  	v46 =	vbroadcast v4, $0x7;
	v10 =	vmul.f32 v10, v40;
	[tilespmem:s14+$0xFFFFFF50] =	vst v20  }
0xae: {  	v53 =	vbroadcast v4, $0x3;
	v7 =	vmul.f32 v7, v44;
	[tilespmem:s14+$0xFFFFFFD0] =	vst v8  }
0xaf: {  	v30 =	vld [tilespmem:s14+$0xA0];
	v58 =	vbroadcast v4, $0x4;
	v5 =	vmul.f32 v5, v46;
	[tilespmem:s14+$0xFFFFFFC0] =	vst v10  }
0xb0: {  	v31 =	vld [tilespmem:s14+$0x70];
	v2 =	vmul.f32 v2, v53;
	[tilespmem:s14+$0xFFFFFFA0] =	vst v7  }
0xb1: {  	v33 =	vld [tilespmem:s14+$0xFFFFFFB0];
	v36 =	vbroadcast v4, $0xB;
	v3 =	vmul.f32 v3, v58;
	[tilespmem:s14+$0xFFFFFFF0] =	vst v5  }
0xb2: {  	v35 =	vld [tilespmem:s14+$0xFFFFFF20];
	v42 =	vmul.f32 v17, v13;
	[tilespmem:s14+$0xFFFFFF60] =	vst v2  }
0xb3: {  	v39 =	vld [tilespmem:s14+$0x40];
	v11 =	vmul.f32 v11, v36;
	[tilespmem:s14+$0xFFFFFF90] =	vst v3  }
0xb4: {  	v37 =	vld [tilespmem:s14+$0xFFFFFFE0];
	v38 =	vmul.f32 v30, v13;
	[tilespmem:s14+$0xB0] =	vst v42  }
0xb5: {  	v51 =	vbroadcast v4, $0x1;
	v54 =	vld [tilespmem:s14+$0xF0];
	v19 =	vmul.f32 v31, v36;
	[tilespmem:s14+$0x60] =	vst v11  }
0xb6: {  	v48 =	vld [tilespmem:s14+$0xFFFFFF70];
	v55 =	vbroadcast v4, $0xA;
	v52 =	vmul.f32 v33, v44;
	[tilespmem:s14+$0xA0] =	vst v38  }
0xb7: {  	v45 =	vld [tilespmem:s14+$0x30];
	v14 =	vmul.f32 v35, v51;
	[tilespmem:s14+$0x70] =	vst v19  }
0xb8: {  	v49 =	vld [tilespmem:s14+$0xFFFFFF80];
	v57 =	vmul.f32 v39, v55;
	[tilespmem:s14+$0xFFFFFFB0] =	vst v52  }
0xb9: {  	v43 =	vld [tilespmem:s14+$0x20];
	v9 =	vmul.f32 v37, v46;
	[tilespmem:s14+$0xFFFFFF20] =	vst v14  }
0xba: {  	v56 =	vld [tilespmem:s14+$0xFFFFFF30];
	v59 =	vbroadcast v4, $0x9;
	v2 =	vmul.f32 v54, v6;
	[tilespmem:s14+$0x40] =	vst v57  }
0xbb: {  	v41 =	vld [tilespmem:s14+$0x50];
	v60 =	vmul.f32 v48, v53;
	[tilespmem:s14+$0xFFFFFFE0] =	vst v9  }
0xbc: {  	v47 =	vld [tilespmem:s14+$0x0];
	v3 =	vmul.f32 v45, v59;
	[tilespmem:s14+$0xF0] =	vst v2  }
0xbd: {  	v50 =	vld [tilespmem:s14+$0x10];
	v62 =	vmul.f32 v49, v58;
	[tilespmem:s14+$0xFFFFFF70] =	vst v60  }
0xbe: {  	v2 =	vmul.f32 v43, v59;
	[tilespmem:s14+$0x30] =	vst v3  }
0xbf: {  	v61 =	vbroadcast v4, $0x8;
	v63 =	vmul.f32 v56, v51;
	[tilespmem:s14+$0xFFFFFF80] =	vst v62  }
0xc0: {  	[tilespmem:s14+$0x20] =	vst v2;
	v2 =	vmul.f32 v41, v55  }
0xc1: {  	v3 =	vmul.f32 v47, v61;
	[tilespmem:s14+$0xFFFFFF30] =	vst v63  }
0xc2: {  	[tilespmem:s14+$0x50] =	vst v2;
	v2 =	vmul.f32 v50, v61  }
0xc3: {  	[tilespmem:s14+$0x0] =	vst v3  }
0xc4: {  	[tilespmem:s14+$0x10] =	vst v2  }
0xc5: {  	[spmem:s1] =	stream.indirect.scatter.add.f32 [tilespmem:s19], [sflag:$0x1], $0x20, s3, s24, $0xb8;
	[tilespmem:$0x1CF00] =	vst v63  }
0xc6: {  	_ = 	snop  }
0xc7: {  	[spmem:s1] =	stream.indirect.scatter.add.f32 [tilespmem:s26], [sflag:$0x1], $0x20, s9, s24, $0xb8;
	[tilespmem:$0x1CF00] =	vst v63  }
0xc8: {  	_ = 	snop  }
0xc9: {  	[spmem:s1] =	stream.indirect.scatter.add.f32 [tilespmem:s29], [sflag:$0x1], $0x20, s10, s24, $0xb8;
	[tilespmem:$0x1CF00] =	vst v63  }
0xca: {  	_ = 	snop  }
0xcb: {  	[spmem:s1] =	stream.indirect.scatter.add.f32 [tilespmem:s31], [sflag:$0x1], $0x20, s11, s24, $0xb8;
	[tilespmem:$0x1CF00] =	vst v63  }
0xcc: {  	_ =	swait.ge [sflag:s0], $0x1000  }
0xcd: {  	[sflag:s0] =	ssyncset.done $0x0  }
0xce: {  	[sflag:s0] =	ssyncadd.s32 $0xFFFFF000  }
0xcf: {  	_ =	swait.ge [sflag:s0], $0x1000  }
0xd0: {  	[sflag:s0] =	ssyncset.done $0x0  }
0xd1: {  	s13 =	sadd.s32 $0x1, s13;
	[sflag:s0] =	ssyncadd.s32 $0xFFFFF000  }
0xd2: {  	p1 =	sne.s32 s13, $0xC4;
	_ =	swait.ge [sflag:s0], $0x1000  }
.Ltmp3:
0xd3: {  	[sflag:s0] =	ssyncset.done $0x0;
	(pc) =	sbr.rel @p1 .LBB2_4-.Ltmp3, $4  }
0xd4: {  	[sflag:s0] =	ssyncadd.s32 $0xFFFFF000  }
0xd5: {  	_ =	swait.ge [sflag:s0], $0x1000  }
0xd6: {  	[sflag:s0] =	ssyncset.done $0x0  }
0xd7: {  	[sflag:s0] =	ssyncadd.s32 $0xFFFFF000  }
0xd8: {  	[bflag:$0x0] =	sbarrier.arrive $0xFFFF  }
0xd9: {  	s16 =	rddreg [dreg:$0x3]  }
0xda: {  	s12 =	simm.s32 @p0 $0x1FC2;
	s13 =	rddreg [dreg:$0xb];
	s8 =	sshrl.u32 @p0 s16, $0x3  }
0xdb: {  	[hbm:s13], [sflag:s12] =	dma.local @p0 [spmem:s8], $0x3020  }
0xdc: {  	s8 =	simm.s32 @p0 $0x2  }
0xdd: {  	s12 =	stileid.u32;
	_ =	swait.ge @p0 [sflag:s8], $0x3020  }
0xde: {  	s12 =	sshll.u32 @!p0 s12, $0x6;
	[sflag:s8] =	ssyncset.done @p0 $0x0;
	s13 =	rddreg [dreg:$0xa]  }
0xdf: {  	[sflag:s8] =	ssyncadd.s32 @p0 $0xFFFFCFE0;
	s8 =	sor.u32 @!p0 $0x1C02, s12;
	s12 =	sshrl.u32 @!p0 s16, $0x3  }
0xe0: {  	[hbm:s13], [sflag:s8] =	dma.local @!p0 [spmem:s12], $0x30E0  }
0xe1: {  	s8 =	simm.s32 @!p0 $0x2  }
0xe2: {  	_ =	swait.ge @!p0 [sflag:s8], $0x30E0  }
0xe3: {  	s2 =	sadd.s32 $0x1, s2;
	s18 =	rddreg [dreg:$0xc]  }
0xe4: {  	p1 =	sne.s32 s2, s18  }
.Ltmp4:
0xe5: {  	_ = 	snop;
	(pc) =	sbr.rel @p1 .LBB2_1-.Ltmp4, $3  }
0xe6: {  	_ =	sdelay $0x1  }
0xe7: {  	[sflag:s8] =	ssyncset.done @!p0 $0x0  }
0xe8: {  	[sflag:s8] =	ssyncadd.s32 @!p0 $0xFFFFCF20  }
0xe9: {  	_ =	sfence.sel $0x180000  }
0xea: {  	[bflag:$0x0] =	sbarrier.arrive $0xFFFF  }
0xeb: {  	_ =	strace $0x90000047  }
0xec: {  	s0 =	stileid.u32;
	[bflag:$0x2] =	sbarrier.arrive $0xFFFF  }
0xed: {  	p0 =	sne.s32 s0, $0x0;
	s0 =	rddreg [dreg:$0x2]  }
0xee: {  	s0 =	sadd.s32 @!p0 $0x100000, s0  }
0xef: {  	[sflag:s0] =	ssyncadd.tile.s32 @!p0 $0x1;
	_ =	shalt  }
.Lfunc_end2:
_tile_overlayer_lowered:
.L_overlay_start_2:
0xf0: {  	(tag) =	ssettag $0x2  }
0xf1: {  	s0 =	rddreg [dreg:$0x0];
	s2 =	stileid.u32  }
0xf2: {  	s1 =	rddreg [dreg:$0x1];
	p0 =	sne.s32 s2, $0x0  }
0xf3: {  	s3 =	rddreg [dreg:$0x2];
	[bflag:$0x3] =	sbarrier.arrive $0xFFFF;
	s2 =	simm.s32 @!p0 $0x1C02  }
0xf4: {  	[timem:s3], [sflag:s2] =	dma.local @!p0 [hbm:s0], s1  }
0xf5: {  	s0 =	simm.s32 @!p0 $0x2  }
0xf6: {  	_ =	swait.ge @!p0 [sflag:s0], s1  }
0xf7: {  	s1 =	ssub.s32 @!p0 $0x0, s1;
	[sflag:s0] =	ssyncset.done @!p0 $0x0  }
0xf8: {  	[sflag:s0] =	ssyncadd.s32 @!p0 s1  }
0xf9: {  	[bflag:$0x3] =	sbarrier.arrive $0xFFFF  }
0xfa: {  	_ =	shalt  }

</sc_bundles>
